<compile_context>
chip_gen: v7x
topology: tpu7x:2x2x1
jax: 0.10.2.dev20260603
libtpu: 0.0.44.dev20260713+nightly
codegen_flags: <defaults>
</compile_context>

<pallas_src>
import jax
import jax.numpy as jnp
from jax import lax
from jax.experimental import pallas as pl
from jax.experimental.pallas import tpu as pltpu
from jax.experimental.pallas import tpu_sc as plsc

NC = 2
NS = 16
LANES = 16
NUM_GRAPHS = 10

F32 = jnp.float32


def _round_up(v, m):
    return (v + m - 1) // m * m


def _sc_segsum(dst5, n, e, w, ch, kb, table=None, src5=None, ea=None):
    gather = table is not None
    npad = _round_up(n, NS * 128)
    rpt = npad // NS
    ept = e // NS if gather else e // (NC * NS)
    nch = ept // ch
    nblk = nch // kb
    assert ept % ch == 0 and nch % kb == 0 and kb % 2 == 0 and rpt % ch == 0
    mesh = plsc.VectorSubcoreMesh(core_axis_name="c", subcore_axis_name="s")

    def body(*refs):
        if gather:
            (tab_hbm, src_hbm, dst_hbm, out_hbm, acc,
             srcv, dstv, b0, b1, g0, g1) = refs
        else:
            (ea_hbm, dst_hbm, out_hbm, acc,
             dstv, b0, b1, g0, g1) = refs
        bufs = (b0, b1)
        gsem = (g0, g1)
        c = lax.axis_index("c")
        s = lax.axis_index("s")
        zero = jnp.zeros((LANES,), F32)

        def _zb(i, carry):
            for j in range(w // LANES):
                b0[i, pl.ds(j * LANES, LANES)] = zero
            return carry

        lax.fori_loop(0, ch, _zb, 0)
        for k in range(rpt // ch):
            pltpu.sync_copy(b0, acc.at[pl.ds(s * rpt + k * ch, ch)])
        plsc.subcore_barrier()

        ooff = c * npad
        if gather:
            dummy = tab_hbm.at[pl.ds(0, ch)]
            tbase = None
        else:
            dummy = ea_hbm.at[pl.ds(0, ch)]
            tbase = (c * NS + s) * ept

        def _fire(bb, j, buf, sem):
            if gather:
                pltpu.async_copy(tab_hbm.at[srcv.at[j]], buf, sem)
            else:
                base = pl.multiple_of(tbase + (bb * kb + j) * ch, 8)
                pltpu.async_copy(ea_hbm.at[pl.ds(base, ch)], buf, sem)

        def _wait(buf, sem):
            pltpu.make_async_copy(dummy, buf, sem).wait()

        def _blk(bb, carry):
            if gather:
                pltpu.sync_copy(src_hbm.at[c, s, bb], srcv)
                pltpu.sync_copy(dst_hbm.at[s, bb], dstv)
            else:
                pltpu.sync_copy(dst_hbm.at[c, s, bb], dstv)
            _fire(bb, 0, bufs[0], gsem[0])

            def _pair(j2, inner):
                j = 2 * j2
                _fire(bb, j + 1, bufs[1], gsem[1])
                _wait(bufs[0], gsem[0])
                pltpu.sync_copy(bufs[0], acc.at[dstv.at[j]], add=True)
                _fire(bb, j + 2, bufs[0], gsem[0])
                _wait(bufs[1], gsem[1])
                pltpu.sync_copy(bufs[1], acc.at[dstv.at[j + 1]], add=True)
                return inner

            lax.fori_loop(0, kb // 2 - 1, _pair, 0)
            j = kb - 2
            _fire(bb, j + 1, bufs[1], gsem[1])
            _wait(bufs[0], gsem[0])
            pltpu.sync_copy(bufs[0], acc.at[dstv.at[j]], add=True)
            _wait(bufs[1], gsem[1])
            pltpu.sync_copy(bufs[1], acc.at[dstv.at[j + 1]], add=True)
            return carry

        lax.fori_loop(0, nblk, _blk, 0)
        plsc.subcore_barrier()
        pltpu.sync_copy(acc.at[pl.ds(s * rpt, rpt)],
                        out_hbm.at[pl.ds(ooff + s * rpt, rpt)])

    scratch = [pltpu.VMEM_SHARED((npad, w), F32)]
    if gather:
        scratch.append(pltpu.VMEM((kb, ch), jnp.int32))
    scratch.append(pltpu.VMEM((kb, ch), jnp.int32))
    scratch += [pltpu.VMEM((ch, w), F32)] * 2
    scratch += [pltpu.SemaphoreType.DMA] * 2
    call = pl.kernel(
        body,
        out_type=jax.ShapeDtypeStruct((2 * npad, w), F32),
        mesh=mesh,
        scratch_types=scratch,
    )
    if gather:
        return call(table, src5, dst5)
    return call(ea, dst5)


def _tc_encode(x, w, b, n, d_in, d, r=1000):
    h = d // 2

    def body(x_ref, w_ref, b_ref, o_ref):
        o_ref[0] = (jnp.dot(x_ref[...], w_ref[...], preferred_element_type=F32,
                    precision=jax.lax.Precision.HIGHEST)
                    + b_ref[...])

    return pl.pallas_call(
        body,
        grid=(2, n // r),
        in_specs=[
            pl.BlockSpec((r, d_in), lambda i, j: (j, 0)),
            pl.BlockSpec((d_in, h), lambda i, j: (0, i)),
            pl.BlockSpec((1, h), lambda i, j: (0, i)),
        ],
        out_specs=pl.BlockSpec((1, r, h), lambda i, j: (i, j, 0)),
        out_shape=jax.ShapeDtypeStruct((2, n, h), F32),
    )(x, w, b)


def _tc_cagg(raw2, w_edge, b_edge, n, d_e, d, r=1000):
    h = d // 2
    wa = raw2.shape[-1]

    def body(r0, r1, w_ref, b_ref, o_ref):
        ea = r0[0, :, :d_e] + r1[0, :, :d_e]
        deg = r0[0, :, d_e:d_e + 1] + r1[0, :, d_e:d_e + 1]
        o_ref[...] = (jnp.dot(ea, w_ref[...], preferred_element_type=F32,
                    precision=jax.lax.Precision.HIGHEST)
                      + deg * b_ref[...])

    return pl.pallas_call(
        body,
        grid=(2, n // r),
        in_specs=[
            pl.BlockSpec((1, r, wa), lambda i, j: (0, j, 0)),
            pl.BlockSpec((1, r, wa), lambda i, j: (1, j, 0)),
            pl.BlockSpec((d_e, h), lambda i, j: (0, i)),
            pl.BlockSpec((1, h), lambda i, j: (0, i)),
        ],
        out_specs=pl.BlockSpec((r, h), lambda i, j: (j, i)),
        out_shape=jax.ShapeDtypeStruct((n, d), F32),
    )(raw2, raw2, w_edge, b_edge)


def _tc_update(s2, cagg, nf2, w, b, n, d, r=1000, wdec=None, bdec=None):
    h = d // 2
    fuse = wdec is not None

    def body(slo, shi, cg, nf_ref, w_ref, b_ref, *rest):
        full = jnp.concatenate([slo[0], shi[0]], axis=-1) + cg[...]
        z = jnp.dot(full, w_ref[...], preferred_element_type=F32,
                    precision=jax.lax.Precision.HIGHEST) + b_ref[...]
        nfnew = jnp.maximum(z, 0.0) + nf_ref[0]
        if fuse:
            wd_ref, bd_ref, o_ref, o2_ref = rest
            o_ref[0] = nfnew
            i = pl.program_id(1)
            p = jnp.sum(nfnew * wd_ref[...], axis=1, keepdims=True)

            @pl.when(i == 0)
            def _init():
                o2_ref[...] = p + bd_ref[...]

            @pl.when(i == 1)
            def _acc():
                o2_ref[...] = o2_ref[...] + p
        else:
            (o_ref,) = rest
            o_ref[0] = nfnew

    in_specs = [
        pl.BlockSpec((1, r, h), lambda j, i: (0, j, 0)),
        pl.BlockSpec((1, r, h), lambda j, i: (1, j, 0)),
        pl.BlockSpec((r, d), lambda j, i: (j, 0)),
        pl.BlockSpec((1, r, h), lambda j, i: (i, j, 0)),
        pl.BlockSpec((d, h), lambda j, i: (0, i)),
        pl.BlockSpec((1, h), lambda j, i: (0, i)),
    ]
    out_specs = pl.BlockSpec((1, r, h), lambda j, i: (i, j, 0))
    out_shape = jax.ShapeDtypeStruct((2, n, h), F32)
    args = (s2, s2, cagg, nf2, w, b)
    if fuse:
        in_specs += [
            pl.BlockSpec((1, h), lambda j, i: (0, i)),
            pl.BlockSpec((1, 1), lambda j, i: (0, 0)),
        ]
        out_specs = [out_specs, pl.BlockSpec((r, 1), lambda j, i: (j, 0))]
        out_shape = [out_shape, jax.ShapeDtypeStruct((n, 1), F32)]
        args += (wdec, bdec)
    return pl.pallas_call(
        body,
        grid=(n // r, 2),
        in_specs=in_specs,
        out_specs=out_specs,
        out_shape=out_shape,
    )(*args)


def kernel(x, edge_index, edge_attr, W_node, b_node, W_edge, b_edge,
           W_layers, b_layers, W_dec, b_dec):
    n, d_in = x.shape
    e = edge_index.shape[1]
    d = W_node.shape[1]
    d_e = W_edge.shape[0]
    num_layers = W_layers.shape[0]
    h = d // 2

    src = edge_index[0]
    dst = edge_index[1]

    ea_aug = jnp.concatenate(
        [edge_attr,
         jnp.ones((e, 1), F32),
         jnp.zeros((e, 128 - d_e - 1), F32)], axis=1)
    npad = _round_up(n, NS * 128)

    che, kbe = 40, 250
    nche = e // (NC * NS) // che
    dst5e = dst.reshape(NC, NS, nche // kbe, kbe, che)
    raw = _sc_segsum(dst5e, n, e, 128, che, kbe, ea=ea_aug)
    cagg = _tc_cagg(raw.reshape(2, npad, 128), W_edge, b_edge.reshape(1, d),
                    n, d_e, d)

    ch, kb = 80, 50
    nch = e // NS // ch
    src5 = jnp.stack([src, src + n]).reshape(2, NS, nch // kb, kb, ch)
    dst4 = dst.reshape(NS, nch // kb, kb, ch)

    nf2 = _tc_encode(x, W_node, b_node.reshape(1, d), n, d_in, d)
    for l in range(num_layers):
        s = _sc_segsum(dst4, n, e, h, ch, kb,
                       table=nf2.reshape(2 * n, h), src5=src5)
        if l < num_layers - 1:
            nf2 = _tc_update(s.reshape(2, npad, h), cagg, nf2,
                             W_layers[l], b_layers[l].reshape(1, d), n, d)
        else:
            _, out = _tc_update(s.reshape(2, npad, h), cagg, nf2,
                                W_layers[l], b_layers[l].reshape(1, d), n, d,
                                wdec=W_dec.reshape(1, d),
                                bdec=b_dec.reshape(1, 1))
    return out.reshape(NUM_GRAPHS, -1, 1)

# --- scband reference (transcript-rebuilt; emitter-appended) ---
"""Pipeline reference for scband-mpnn-33011118637719 (READ-ONLY COPY).

The authoritative reference and input builder live on the scoring server;
editing this copy changes nothing except your own understanding.
"""

import jax, jax.numpy as jnp
import numpy as np

N = 10000      # nodes
E = 320000     # edges
D_IN = 128     # n_enc_dim
D_E = 16       # e_enc_dim
D = 256        # model_dim
L = 3          # num_layers
B = 10         # num_graphs (N divisible by B)


def setup_inputs(seed: int = 0) -> dict:
    key = jax.random.key(seed)
    ks = jax.random.split(key, 12)
    inp = {}
    inp["x"] = jax.random.normal(ks[0], (N, D_IN), dtype=jnp.float32)
    inp["edge_index"] = jax.random.randint(ks[1], (2, E), 0, N, dtype=jnp.int32)
    inp["edge_attr"] = jax.random.normal(ks[2], (E, D_E), dtype=jnp.float32)
    # learned parameters
    inp["W_node"] = jax.random.normal(ks[3], (D_IN, D), dtype=jnp.float32) / np.sqrt(D_IN)
    inp["b_node"] = jnp.zeros((D,), dtype=jnp.float32)
    inp["W_edge"] = jax.random.normal(ks[4], (D_E, D), dtype=jnp.float32) / np.sqrt(D_E)
    inp["b_edge"] = jnp.zeros((D,), dtype=jnp.float32)
    inp["W_layers"] = jax.random.normal(ks[5], (L, D, D), dtype=jnp.float32) / np.sqrt(D)
    inp["b_layers"] = jnp.zeros((L, D), dtype=jnp.float32)
    inp["W_dec"] = jax.random.normal(ks[6], (D, 1), dtype=jnp.float32) / np.sqrt(D)
    inp["b_dec"] = jnp.zeros((1,), dtype=jnp.float32)
    return inp


def reference(x, edge_index, edge_attr, W_node, b_node, W_edge, b_edge, W_layers, b_layers, W_dec, b_dec):
    src = edge_index[0]
    dst = edge_index[1]
    # encoders
    nf = x @ W_node + b_node
    ef = edge_attr @ W_edge + b_edge
    # MPLayer stack: message = nf[src] + ef; sum-aggregate at dst; relu(linear) + residual
    for l in range(L):
        msg = jnp.take(nf, src, axis=0) + ef
        aggr = jax.ops.segment_sum(msg, dst, num_segments=N)
        nf = jax.nn.relu(aggr @ W_layers[l] + b_layers[l]) + nf
    out = nf @ W_dec + b_dec
    return out.reshape(B, -1, 1)

if __name__ == "__main__":
    import jax
    _d = setup_inputs()
    print(jax.jit(kernel)(*tuple(_d.values())))

</pallas_src>

<mosaic_0001>
#map = affine_map<(d0, d1) -> (0, 0)>
#map1 = affine_map<(d0, d1) -> (0, 0, 0, 0, 0)>
module attributes {stable_mosaic.version = 14 : i64} {
  func.func @body(%arg0: i32, %arg1: i32, %arg2: memref<320000x128xf32, #tpu.memory_space<hbm>>, %arg3: memref<2x16x1x250x40xi32, #tpu.memory_space<hbm>>, %arg4: memref<20480x128xf32, #tpu.memory_space<hbm>>, %arg5: memref<10240x128xf32, #tpu.memory_space<vmem_shared>>, %arg6: memref<250x40xi32, #tpu.memory_space<vmem>>, %arg7: memref<40x128xf32, #tpu.memory_space<vmem>>, %arg8: memref<40x128xf32, #tpu.memory_space<vmem>>, %arg9: memref<!tpu.dma_semaphore, #tpu.memory_space<semaphore_mem>>, %arg10: memref<!tpu.dma_semaphore, #tpu.memory_space<semaphore_mem>>) attributes {dimension_semantics = [#tpu.dimension_semantics<core_parallel>, #tpu.dimension_semantics<subcore_parallel>], iteration_bounds = array<i64: 2, 16>, scalar_prefetch = 0 : i64, scratch_operands = 6 : i64, tpu.core_type = #tpu.core_type<sc_vector_subcore>, window_params = [{transform_indices = #map}, {transform_indices = #map1}, {transform_indices = #map}]} {
    %broadcast_in_dim3A = arith.constant 0.000000e+00 : f32
    %broadcast_in_dim3A_0 = vector.broadcast %broadcast_in_dim3A : f32 to vector<16xf32>
    %scan3A = arith.constant 0 : i32
    %scan3A_1 = arith.constant 0 : i32
    %scan3A_2 = arith.constant 40 : i32
    %scan3A_3 = arith.addi %scan3A_1, %scan3A_2 : i32
    %scan3A_4 = arith.constant 1 : i32
    scf.for %scan3A_124 = %scan3A_1 to %scan3A_3 step %scan3A_4  : i32 {
      %swap3A = arith.index_cast %scan3A_124 : i32 to index
      %swap3A_125 = arith.constant 0 : index
      %swap3A_126 = tpu.vector_load %arg7[%swap3A, %swap3A_125] {strides = array<i32>} : memref<40x128xf32, #tpu.memory_space<vmem>>, vector<1x16xf32>,
      %swap3A_127 = vector.shape_cast %swap3A_126 : vector<1x16xf32> to vector<16xf32>
      %swap3A_128 = vector.shape_cast %broadcast_in_dim3A_0 : vector<16xf32> to vector<1x16xf32>
      tpu.vector_store %arg7[%swap3A, %swap3A_125], %swap3A_128 {strides = array<i32>} : memref<40x128xf32, #tpu.memory_space<vmem>>, vector<1x16xf32>,
      %swap3A_129 = arith.index_cast %scan3A_124 : i32 to index
      %swap3A_130 = arith.constant 16 : index
      %swap3A_131 = tpu.vector_load %arg7[%swap3A_129, %swap3A_130] {strides = array<i32>} : memref<40x128xf32, #tpu.memory_space<vmem>>, vector<1x16xf32>,
      %swap3A_132 = vector.shape_cast %swap3A_131 : vector<1x16xf32> to vector<16xf32>
      %swap3A_133 = vector.shape_cast %broadcast_in_dim3A_0 : vector<16xf32> to vector<1x16xf32>
      tpu.vector_store %arg7[%swap3A_129, %swap3A_130], %swap3A_133 {strides = array<i32>} : memref<40x128xf32, #tpu.memory_space<vmem>>, vector<1x16xf32>,
      %swap3A_134 = arith.index_cast %scan3A_124 : i32 to index
      %swap3A_135 = arith.constant 32 : index
      %swap3A_136 = tpu.vector_load %arg7[%swap3A_134, %swap3A_135] {strides = array<i32>} : memref<40x128xf32, #tpu.memory_space<vmem>>, vector<1x16xf32>,
      %swap3A_137 = vector.shape_cast %swap3A_136 : vector<1x16xf32> to vector<16xf32>
      %swap3A_138 = vector.shape_cast %broadcast_in_dim3A_0 : vector<16xf32> to vector<1x16xf32>
      tpu.vector_store %arg7[%swap3A_134, %swap3A_135], %swap3A_138 {strides = array<i32>} : memref<40x128xf32, #tpu.memory_space<vmem>>, vector<1x16xf32>,
      %swap3A_139 = arith.index_cast %scan3A_124 : i32 to index
      %swap3A_140 = arith.constant 48 : index
      %swap3A_141 = tpu.vector_load %arg7[%swap3A_139, %swap3A_140] {strides = array<i32>} : memref<40x128xf32, #tpu.memory_space<vmem>>, vector<1x16xf32>,
      %swap3A_142 = vector.shape_cast %swap3A_141 : vector<1x16xf32> to vector<16xf32>
      %swap3A_143 = vector.shape_cast %broadcast_in_dim3A_0 : vector<16xf32> to vector<1x16xf32>
      tpu.vector_store %arg7[%swap3A_139, %swap3A_140], %swap3A_143 {strides = array<i32>} : memref<40x128xf32, #tpu.memory_space<vmem>>, vector<1x16xf32>,
      %swap3A_144 = arith.index_cast %scan3A_124 : i32 to index
      %swap3A_145 = arith.constant 64 : index
      %swap3A_146 = tpu.vector_load %arg7[%swap3A_144, %swap3A_145] {strides = array<i32>} : memref<40x128xf32, #tpu.memory_space<vmem>>, vector<1x16xf32>,
      %swap3A_147 = vector.shape_cast %swap3A_146 : vector<1x16xf32> to vector<16xf32>
      %swap3A_148 = vector.shape_cast %broadcast_in_dim3A_0 : vector<16xf32> to vector<1x16xf32>
      tpu.vector_store %arg7[%swap3A_144, %swap3A_145], %swap3A_148 {strides = array<i32>} : memref<40x128xf32, #tpu.memory_space<vmem>>, vector<1x16xf32>,
      %swap3A_149 = arith.index_cast %scan3A_124 : i32 to index
      %swap3A_150 = arith.constant 80 : index
      %swap3A_151 = tpu.vector_load %arg7[%swap3A_149, %swap3A_150] {strides = array<i32>} : memref<40x128xf32, #tpu.memory_space<vmem>>, vector<1x16xf32>,
      %swap3A_152 = vector.shape_cast %swap3A_151 : vector<1x16xf32> to vector<16xf32>
      %swap3A_153 = vector.shape_cast %broadcast_in_dim3A_0 : vector<16xf32> to vector<1x16xf32>
      tpu.vector_store %arg7[%swap3A_149, %swap3A_150], %swap3A_153 {strides = array<i32>} : memref<40x128xf32, #tpu.memory_space<vmem>>, vector<1x16xf32>,
      %swap3A_154 = arith.index_cast %scan3A_124 : i32 to index
      %swap3A_155 = arith.constant 96 : index
      %swap3A_156 = tpu.vector_load %arg7[%swap3A_154, %swap3A_155] {strides = array<i32>} : memref<40x128xf32, #tpu.memory_space<vmem>>, vector<1x16xf32>,
      %swap3A_157 = vector.shape_cast %swap3A_156 : vector<1x16xf32> to vector<16xf32>
      %swap3A_158 = vector.shape_cast %broadcast_in_dim3A_0 : vector<16xf32> to vector<1x16xf32>
      tpu.vector_store %arg7[%swap3A_154, %swap3A_155], %swap3A_158 {strides = array<i32>} : memref<40x128xf32, #tpu.memory_space<vmem>>, vector<1x16xf32>,
      %swap3A_159 = arith.index_cast %scan3A_124 : i32 to index
      %swap3A_160 = arith.constant 112 : index
      %swap3A_161 = tpu.vector_load %arg7[%swap3A_159, %swap3A_160] {strides = array<i32>} : memref<40x128xf32, #tpu.memory_space<vmem>>, vector<1x16xf32>,
      %swap3A_162 = vector.shape_cast %swap3A_161 : vector<1x16xf32> to vector<16xf32>
      %swap3A_163 = vector.shape_cast %broadcast_in_dim3A_0 : vector<16xf32> to vector<1x16xf32>
      tpu.vector_store %arg7[%swap3A_159, %swap3A_160], %swap3A_163 {strides = array<i32>} : memref<40x128xf32, #tpu.memory_space<vmem>>, vector<1x16xf32>,
    }
    %scan3A_5 = arith.constant 40 : i32
    %mul3A = arith.constant 640 : i32
    %mul3A_6 = arith.muli %arg1, %mul3A : i32
    %add3A = arith.constant 0 : i32
    %add3A_7 = arith.addi %mul3A_6, %add3A : i32
    "tpu.region"() ({
      %run_scoped3A_124 = tpu.sem_alloc : memref<!tpu.dma_semaphore, #tpu.memory_space<semaphore_mem>>
      %dma_start3A_125 = arith.constant 0 : i32
      %dma_start3A_126 = tpu.memref_slice %arg5[%add3A_7, %dma_start3A_125] : memref<10240x128xf32, #tpu.memory_space<vmem_shared>> -> memref<40x128xf32, #tpu.memory_space<vmem_shared>>
      %dma_start3A_127 = arith.constant 0 : i32
      %dma_start3A_128 = tpu.memref_slice %arg5[%add3A_7, %dma_start3A_127] : memref<10240x128xf32, #tpu.memory_space<vmem_shared>> -> memref<40x128xf32, #tpu.memory_space<vmem_shared>>
      tpu.enqueue_dma source(%arg7 : memref<40x128xf32, #tpu.memory_space<vmem>>) target(%dma_start3A_128 : memref<40x128xf32, #tpu.memory_space<vmem_shared>>) target_semaphore(%run_scoped3A_124 : memref<!tpu.dma_semaphore, #tpu.memory_space<semaphore_mem>>)
      %dma_wait3A_129 = arith.constant 0 : i32
      %dma_wait3A_130 = tpu.memref_slice %arg5[%add3A_7, %dma_wait3A_129] : memref<10240x128xf32, #tpu.memory_space<vmem_shared>> -> memref<40x128xf32, #tpu.memory_space<vmem_shared>>
      %dma_wait3A_131 = arith.constant 0 : i32
      %dma_wait3A_132 = tpu.memref_slice %arg5[%add3A_7, %dma_wait3A_131] : memref<10240x128xf32, #tpu.memory_space<vmem_shared>> -> memref<40x128xf32, #tpu.memory_space<vmem_shared>>
      tpu.wait_dma2 semaphore(%run_scoped3A_124 : memref<!tpu.dma_semaphore, #tpu.memory_space<semaphore_mem>>) src(%arg7 : memref<40x128xf32, #tpu.memory_space<vmem>>) dst(%dma_wait3A_132 : memref<40x128xf32, #tpu.memory_space<vmem_shared>>)
      tpu.yield
    }) : () -> ()
    %mul3A_8 = arith.constant 640 : i32
    %mul3A_9 = arith.muli %arg1, %mul3A_8 : i32
    %add3A_10 = arith.constant 40 : i32
    %add3A_11 = arith.addi %mul3A_9, %add3A_10 : i32
    "tpu.region"() ({
      %run_scoped3A_124 = tpu.sem_alloc : memref<!tpu.dma_semaphore, #tpu.memory_space<semaphore_mem>>
      %dma_start3A_125 = arith.constant 0 : i32
      %dma_start3A_126 = tpu.memref_slice %arg5[%add3A_11, %dma_start3A_125] : memref<10240x128xf32, #tpu.memory_space<vmem_shared>> -> memref<40x128xf32, #tpu.memory_space<vmem_shared>>
      %dma_start3A_127 = arith.constant 0 : i32
      %dma_start3A_128 = tpu.memref_slice %arg5[%add3A_11, %dma_start3A_127] : memref<10240x128xf32, #tpu.memory_space<vmem_shared>> -> memref<40x128xf32, #tpu.memory_space<vmem_shared>>
      tpu.enqueue_dma source(%arg7 : memref<40x128xf32, #tpu.memory_space<vmem>>) target(%dma_start3A_128 : memref<40x128xf32, #tpu.memory_space<vmem_shared>>) target_semaphore(%run_scoped3A_124 : memref<!tpu.dma_semaphore, #tpu.memory_space<semaphore_mem>>)
      %dma_wait3A_129 = arith.constant 0 : i32
      %dma_wait3A_130 = tpu.memref_slice %arg5[%add3A_11, %dma_wait3A_129] : memref<10240x128xf32, #tpu.memory_space<vmem_shared>> -> memref<40x128xf32, #tpu.memory_space<vmem_shared>>
      %dma_wait3A_131 = arith.constant 0 : i32
      %dma_wait3A_132 = tpu.memref_slice %arg5[%add3A_11, %dma_wait3A_131] : memref<10240x128xf32, #tpu.memory_space<vmem_shared>> -> memref<40x128xf32, #tpu.memory_space<vmem_shared>>
      tpu.wait_dma2 semaphore(%run_scoped3A_124 : memref<!tpu.dma_semaphore, #tpu.memory_space<semaphore_mem>>) src(%arg7 : memref<40x128xf32, #tpu.memory_space<vmem>>) dst(%dma_wait3A_132 : memref<40x128xf32, #tpu.memory_space<vmem_shared>>)
      tpu.yield
    }) : () -> ()
    %mul3A_12 = arith.constant 640 : i32
    %mul3A_13 = arith.muli %arg1, %mul3A_12 : i32
    %add3A_14 = arith.constant 80 : i32
    %add3A_15 = arith.addi %mul3A_13, %add3A_14 : i32
    "tpu.region"() ({
      %run_scoped3A_124 = tpu.sem_alloc : memref<!tpu.dma_semaphore, #tpu.memory_space<semaphore_mem>>
      %dma_start3A_125 = arith.constant 0 : i32
      %dma_start3A_126 = tpu.memref_slice %arg5[%add3A_15, %dma_start3A_125] : memref<10240x128xf32, #tpu.memory_space<vmem_shared>> -> memref<40x128xf32, #tpu.memory_space<vmem_shared>>
      %dma_start3A_127 = arith.constant 0 : i32
      %dma_start3A_128 = tpu.memref_slice %arg5[%add3A_15, %dma_start3A_127] : memref<10240x128xf32, #tpu.memory_space<vmem_shared>> -> memref<40x128xf32, #tpu.memory_space<vmem_shared>>
      tpu.enqueue_dma source(%arg7 : memref<40x128xf32, #tpu.memory_space<vmem>>) target(%dma_start3A_128 : memref<40x128xf32, #tpu.memory_space<vmem_shared>>) target_semaphore(%run_scoped3A_124 : memref<!tpu.dma_semaphore, #tpu.memory_space<semaphore_mem>>)
      %dma_wait3A_129 = arith.constant 0 : i32
      %dma_wait3A_130 = tpu.memref_slice %arg5[%add3A_15, %dma_wait3A_129] : memref<10240x128xf32, #tpu.memory_space<vmem_shared>> -> memref<40x128xf32, #tpu.memory_space<vmem_shared>>
      %dma_wait3A_131 = arith.constant 0 : i32
      %dma_wait3A_132 = tpu.memref_slice %arg5[%add3A_15, %dma_wait3A_131] : memref<10240x128xf32, #tpu.memory_space<vmem_shared>> -> memref<40x128xf32, #tpu.memory_space<vmem_shared>>
      tpu.wait_dma2 semaphore(%run_scoped3A_124 : memref<!tpu.dma_semaphore, #tpu.memory_space<semaphore_mem>>) src(%arg7 : memref<40x128xf32, #tpu.memory_space<vmem>>) dst(%dma_wait3A_132 : memref<40x128xf32, #tpu.memory_space<vmem_shared>>)
      tpu.yield
    }) : () -> ()
    %mul3A_16 = arith.constant 640 : i32
    %mul3A_17 = arith.muli %arg1, %mul3A_16 : i32
    %add3A_18 = arith.constant 120 : i32
    %add3A_19 = arith.addi %mul3A_17, %add3A_18 : i32
    "tpu.region"() ({
      %run_scoped3A_124 = tpu.sem_alloc : memref<!tpu.dma_semaphore, #tpu.memory_space<semaphore_mem>>
      %dma_start3A_125 = arith.constant 0 : i32
      %dma_start3A_126 = tpu.memref_slice %arg5[%add3A_19, %dma_start3A_125] : memref<10240x128xf32, #tpu.memory_space<vmem_shared>> -> memref<40x128xf32, #tpu.memory_space<vmem_shared>>
      %dma_start3A_127 = arith.constant 0 : i32
      %dma_start3A_128 = tpu.memref_slice %arg5[%add3A_19, %dma_start3A_127] : memref<10240x128xf32, #tpu.memory_space<vmem_shared>> -> memref<40x128xf32, #tpu.memory_space<vmem_shared>>
      tpu.enqueue_dma source(%arg7 : memref<40x128xf32, #tpu.memory_space<vmem>>) target(%dma_start3A_128 : memref<40x128xf32, #tpu.memory_space<vmem_shared>>) target_semaphore(%run_scoped3A_124 : memref<!tpu.dma_semaphore, #tpu.memory_space<semaphore_mem>>)
      %dma_wait3A_129 = arith.constant 0 : i32
      %dma_wait3A_130 = tpu.memref_slice %arg5[%add3A_19, %dma_wait3A_129] : memref<10240x128xf32, #tpu.memory_space<vmem_shared>> -> memref<40x128xf32, #tpu.memory_space<vmem_shared>>
      %dma_wait3A_131 = arith.constant 0 : i32
      %dma_wait3A_132 = tpu.memref_slice %arg5[%add3A_19, %dma_wait3A_131] : memref<10240x128xf32, #tpu.memory_space<vmem_shared>> -> memref<40x128xf32, #tpu.memory_space<vmem_shared>>
      tpu.wait_dma2 semaphore(%run_scoped3A_124 : memref<!tpu.dma_semaphore, #tpu.memory_space<semaphore_mem>>) src(%arg7 : memref<40x128xf32, #tpu.memory_space<vmem>>) dst(%dma_wait3A_132 : memref<40x128xf32, #tpu.memory_space<vmem_shared>>)
      tpu.yield
    }) : () -> ()
    %mul3A_20 = arith.constant 640 : i32
    %mul3A_21 = arith.muli %arg1, %mul3A_20 : i32
    %add3A_22 = arith.constant 160 : i32
    %add3A_23 = arith.addi %mul3A_21, %add3A_22 : i32
    "tpu.region"() ({
      %run_scoped3A_124 = tpu.sem_alloc : memref<!tpu.dma_semaphore, #tpu.memory_space<semaphore_mem>>
      %dma_start3A_125 = arith.constant 0 : i32
      %dma_start3A_126 = tpu.memref_slice %arg5[%add3A_23, %dma_start3A_125] : memref<10240x128xf32, #tpu.memory_space<vmem_shared>> -> memref<40x128xf32, #tpu.memory_space<vmem_shared>>
      %dma_start3A_127 = arith.constant 0 : i32
      %dma_start3A_128 = tpu.memref_slice %arg5[%add3A_23, %dma_start3A_127] : memref<10240x128xf32, #tpu.memory_space<vmem_shared>> -> memref<40x128xf32, #tpu.memory_space<vmem_shared>>
      tpu.enqueue_dma source(%arg7 : memref<40x128xf32, #tpu.memory_space<vmem>>) target(%dma_start3A_128 : memref<40x128xf32, #tpu.memory_space<vmem_shared>>) target_semaphore(%run_scoped3A_124 : memref<!tpu.dma_semaphore, #tpu.memory_space<semaphore_mem>>)
      %dma_wait3A_129 = arith.constant 0 : i32
      %dma_wait3A_130 = tpu.memref_slice %arg5[%add3A_23, %dma_wait3A_129] : memref<10240x128xf32, #tpu.memory_space<vmem_shared>> -> memref<40x128xf32, #tpu.memory_space<vmem_shared>>
      %dma_wait3A_131 = arith.constant 0 : i32
      %dma_wait3A_132 = tpu.memref_slice %arg5[%add3A_23, %dma_wait3A_131] : memref<10240x128xf32, #tpu.memory_space<vmem_shared>> -> memref<40x128xf32, #tpu.memory_space<vmem_shared>>
      tpu.wait_dma2 semaphore(%run_scoped3A_124 : memref<!tpu.dma_semaphore, #tpu.memory_space<semaphore_mem>>) src(%arg7 : memref<40x128xf32, #tpu.memory_space<vmem>>) dst(%dma_wait3A_132 : memref<40x128xf32, #tpu.memory_space<vmem_shared>>)
      tpu.yield
    }) : () -> ()
    %mul3A_24 = arith.constant 640 : i32
    %mul3A_25 = arith.muli %arg1, %mul3A_24 : i32
    %add3A_26 = arith.constant 200 : i32
    %add3A_27 = arith.addi %mul3A_25, %add3A_26 : i32
    "tpu.region"() ({
      %run_scoped3A_124 = tpu.sem_alloc : memref<!tpu.dma_semaphore, #tpu.memory_space<semaphore_mem>>
      %dma_start3A_125 = arith.constant 0 : i32
      %dma_start3A_126 = tpu.memref_slice %arg5[%add3A_27, %dma_start3A_125] : memref<10240x128xf32, #tpu.memory_space<vmem_shared>> -> memref<40x128xf32, #tpu.memory_space<vmem_shared>>
      %dma_start3A_127 = arith.constant 0 : i32
      %dma_start3A_128 = tpu.memref_slice %arg5[%add3A_27, %dma_start3A_127] : memref<10240x128xf32, #tpu.memory_space<vmem_shared>> -> memref<40x128xf32, #tpu.memory_space<vmem_shared>>
      tpu.enqueue_dma source(%arg7 : memref<40x128xf32, #tpu.memory_space<vmem>>) target(%dma_start3A_128 : memref<40x128xf32, #tpu.memory_space<vmem_shared>>) target_semaphore(%run_scoped3A_124 : memref<!tpu.dma_semaphore, #tpu.memory_space<semaphore_mem>>)
      %dma_wait3A_129 = arith.constant 0 : i32
      %dma_wait3A_130 = tpu.memref_slice %arg5[%add3A_27, %dma_wait3A_129] : memref<10240x128xf32, #tpu.memory_space<vmem_shared>> -> memref<40x128xf32, #tpu.memory_space<vmem_shared>>
      %dma_wait3A_131 = arith.constant 0 : i32
      %dma_wait3A_132 = tpu.memref_slice %arg5[%add3A_27, %dma_wait3A_131] : memref<10240x128xf32, #tpu.memory_space<vmem_shared>> -> memref<40x128xf32, #tpu.memory_space<vmem_shared>>
      tpu.wait_dma2 semaphore(%run_scoped3A_124 : memref<!tpu.dma_semaphore, #tpu.memory_space<semaphore_mem>>) src(%arg7 : memref<40x128xf32, #tpu.memory_space<vmem>>) dst(%dma_wait3A_132 : memref<40x128xf32, #tpu.memory_space<vmem_shared>>)
      tpu.yield
    }) : () -> ()
    %mul3A_28 = arith.constant 640 : i32
    %mul3A_29 = arith.muli %arg1, %mul3A_28 : i32
    %add3A_30 = arith.constant 240 : i32
    %add3A_31 = arith.addi %mul3A_29, %add3A_30 : i32
    "tpu.region"() ({
      %run_scoped3A_124 = tpu.sem_alloc : memref<!tpu.dma_semaphore, #tpu.memory_space<semaphore_mem>>
      %dma_start3A_125 = arith.constant 0 : i32
      %dma_start3A_126 = tpu.memref_slice %arg5[%add3A_31, %dma_start3A_125] : memref<10240x128xf32, #tpu.memory_space<vmem_shared>> -> memref<40x128xf32, #tpu.memory_space<vmem_shared>>
      %dma_start3A_127 = arith.constant 0 : i32
      %dma_start3A_128 = tpu.memref_slice %arg5[%add3A_31, %dma_start3A_127] : memref<10240x128xf32, #tpu.memory_space<vmem_shared>> -> memref<40x128xf32, #tpu.memory_space<vmem_shared>>
      tpu.enqueue_dma source(%arg7 : memref<40x128xf32, #tpu.memory_space<vmem>>) target(%dma_start3A_128 : memref<40x128xf32, #tpu.memory_space<vmem_shared>>) target_semaphore(%run_scoped3A_124 : memref<!tpu.dma_semaphore, #tpu.memory_space<semaphore_mem>>)
      %dma_wait3A_129 = arith.constant 0 : i32
      %dma_wait3A_130 = tpu.memref_slice %arg5[%add3A_31, %dma_wait3A_129] : memref<10240x128xf32, #tpu.memory_space<vmem_shared>> -> memref<40x128xf32, #tpu.memory_space<vmem_shared>>
      %dma_wait3A_131 = arith.constant 0 : i32
      %dma_wait3A_132 = tpu.memref_slice %arg5[%add3A_31, %dma_wait3A_131] : memref<10240x128xf32, #tpu.memory_space<vmem_shared>> -> memref<40x128xf32, #tpu.memory_space<vmem_shared>>
      tpu.wait_dma2 semaphore(%run_scoped3A_124 : memref<!tpu.dma_semaphore, #tpu.memory_space<semaphore_mem>>) src(%arg7 : memref<40x128xf32, #tpu.memory_space<vmem>>) dst(%dma_wait3A_132 : memref<40x128xf32, #tpu.memory_space<vmem_shared>>)
      tpu.yield
    }) : () -> ()
    %mul3A_32 = arith.constant 640 : i32
    %mul3A_33 = arith.muli %arg1, %mul3A_32 : i32
    %add3A_34 = arith.constant 280 : i32
    %add3A_35 = arith.addi %mul3A_33, %add3A_34 : i32
    "tpu.region"() ({
      %run_scoped3A_124 = tpu.sem_alloc : memref<!tpu.dma_semaphore, #tpu.memory_space<semaphore_mem>>
      %dma_start3A_125 = arith.constant 0 : i32
      %dma_start3A_126 = tpu.memref_slice %arg5[%add3A_35, %dma_start3A_125] : memref<10240x128xf32, #tpu.memory_space<vmem_shared>> -> memref<40x128xf32, #tpu.memory_space<vmem_shared>>
      %dma_start3A_127 = arith.constant 0 : i32
      %dma_start3A_128 = tpu.memref_slice %arg5[%add3A_35, %dma_start3A_127] : memref<10240x128xf32, #tpu.memory_space<vmem_shared>> -> memref<40x128xf32, #tpu.memory_space<vmem_shared>>
      tpu.enqueue_dma source(%arg7 : memref<40x128xf32, #tpu.memory_space<vmem>>) target(%dma_start3A_128 : memref<40x128xf32, #tpu.memory_space<vmem_shared>>) target_semaphore(%run_scoped3A_124 : memref<!tpu.dma_semaphore, #tpu.memory_space<semaphore_mem>>)
      %dma_wait3A_129 = arith.constant 0 : i32
      %dma_wait3A_130 = tpu.memref_slice %arg5[%add3A_35, %dma_wait3A_129] : memref<10240x128xf32, #tpu.memory_space<vmem_shared>> -> memref<40x128xf32, #tpu.memory_space<vmem_shared>>
      %dma_wait3A_131 = arith.constant 0 : i32
      %dma_wait3A_132 = tpu.memref_slice %arg5[%add3A_35, %dma_wait3A_131] : memref<10240x128xf32, #tpu.memory_space<vmem_shared>> -> memref<40x128xf32, #tpu.memory_space<vmem_shared>>
      tpu.wait_dma2 semaphore(%run_scoped3A_124 : memref<!tpu.dma_semaphore, #tpu.memory_space<semaphore_mem>>) src(%arg7 : memref<40x128xf32, #tpu.memory_space<vmem>>) dst(%dma_wait3A_132 : memref<40x128xf32, #tpu.memory_space<vmem_shared>>)
      tpu.yield
    }) : () -> ()
    %mul3A_36 = arith.constant 640 : i32
    %mul3A_37 = arith.muli %arg1, %mul3A_36 : i32
    %add3A_38 = arith.constant 320 : i32
    %add3A_39 = arith.addi %mul3A_37, %add3A_38 : i32
    "tpu.region"() ({
      %run_scoped3A_124 = tpu.sem_alloc : memref<!tpu.dma_semaphore, #tpu.memory_space<semaphore_mem>>
      %dma_start3A_125 = arith.constant 0 : i32
      %dma_start3A_126 = tpu.memref_slice %arg5[%add3A_39, %dma_start3A_125] : memref<10240x128xf32, #tpu.memory_space<vmem_shared>> -> memref<40x128xf32, #tpu.memory_space<vmem_shared>>
      %dma_start3A_127 = arith.constant 0 : i32
      %dma_start3A_128 = tpu.memref_slice %arg5[%add3A_39, %dma_start3A_127] : memref<10240x128xf32, #tpu.memory_space<vmem_shared>> -> memref<40x128xf32, #tpu.memory_space<vmem_shared>>
      tpu.enqueue_dma source(%arg7 : memref<40x128xf32, #tpu.memory_space<vmem>>) target(%dma_start3A_128 : memref<40x128xf32, #tpu.memory_space<vmem_shared>>) target_semaphore(%run_scoped3A_124 : memref<!tpu.dma_semaphore, #tpu.memory_space<semaphore_mem>>)
      %dma_wait3A_129 = arith.constant 0 : i32
      %dma_wait3A_130 = tpu.memref_slice %arg5[%add3A_39, %dma_wait3A_129] : memref<10240x128xf32, #tpu.memory_space<vmem_shared>> -> memref<40x128xf32, #tpu.memory_space<vmem_shared>>
      %dma_wait3A_131 = arith.constant 0 : i32
      %dma_wait3A_132 = tpu.memref_slice %arg5[%add3A_39, %dma_wait3A_131] : memref<10240x128xf32, #tpu.memory_space<vmem_shared>> -> memref<40x128xf32, #tpu.memory_space<vmem_shared>>
      tpu.wait_dma2 semaphore(%run_scoped3A_124 : memref<!tpu.dma_semaphore, #tpu.memory_space<semaphore_mem>>) src(%arg7 : memref<40x128xf32, #tpu.memory_space<vmem>>) dst(%dma_wait3A_132 : memref<40x128xf32, #tpu.memory_space<vmem_shared>>)
      tpu.yield
    }) : () -> ()
    %mul3A_40 = arith.constant 640 : i32
    %mul3A_41 = arith.muli %arg1, %mul3A_40 : i32
    %add3A_42 = arith.constant 360 : i32
    %add3A_43 = arith.addi %mul3A_41, %add3A_42 : i32
    "tpu.region"() ({
      %run_scoped3A_124 = tpu.sem_alloc : memref<!tpu.dma_semaphore, #tpu.memory_space<semaphore_mem>>
      %dma_start3A_125 = arith.constant 0 : i32
      %dma_start3A_126 = tpu.memref_slice %arg5[%add3A_43, %dma_start3A_125] : memref<10240x128xf32, #tpu.memory_space<vmem_shared>> -> memref<40x128xf32, #tpu.memory_space<vmem_shared>>
      %dma_start3A_127 = arith.constant 0 : i32
      %dma_start3A_128 = tpu.memref_slice %arg5[%add3A_43, %dma_start3A_127] : memref<10240x128xf32, #tpu.memory_space<vmem_shared>> -> memref<40x128xf32, #tpu.memory_space<vmem_shared>>
      tpu.enqueue_dma source(%arg7 : memref<40x128xf32, #tpu.memory_space<vmem>>) target(%dma_start3A_128 : memref<40x128xf32, #tpu.memory_space<vmem_shared>>) target_semaphore(%run_scoped3A_124 : memref<!tpu.dma_semaphore, #tpu.memory_space<semaphore_mem>>)
      %dma_wait3A_129 = arith.constant 0 : i32
      %dma_wait3A_130 = tpu.memref_slice %arg5[%add3A_43, %dma_wait3A_129] : memref<10240x128xf32, #tpu.memory_space<vmem_shared>> -> memref<40x128xf32, #tpu.memory_space<vmem_shared>>
      %dma_wait3A_131 = arith.constant 0 : i32
      %dma_wait3A_132 = tpu.memref_slice %arg5[%add3A_43, %dma_wait3A_131] : memref<10240x128xf32, #tpu.memory_space<vmem_shared>> -> memref<40x128xf32, #tpu.memory_space<vmem_shared>>
      tpu.wait_dma2 semaphore(%run_scoped3A_124 : memref<!tpu.dma_semaphore, #tpu.memory_space<semaphore_mem>>) src(%arg7 : memref<40x128xf32, #tpu.memory_space<vmem>>) dst(%dma_wait3A_132 : memref<40x128xf32, #tpu.memory_space<vmem_shared>>)
      tpu.yield
    }) : () -> ()
    %mul3A_44 = arith.constant 640 : i32
    %mul3A_45 = arith.muli %arg1, %mul3A_44 : i32
    %add3A_46 = arith.constant 400 : i32
    %add3A_47 = arith.addi %mul3A_45, %add3A_46 : i32
    "tpu.region"() ({
      %run_scoped3A_124 = tpu.sem_alloc : memref<!tpu.dma_semaphore, #tpu.memory_space<semaphore_mem>>
      %dma_start3A_125 = arith.constant 0 : i32
      %dma_start3A_126 = tpu.memref_slice %arg5[%add3A_47, %dma_start3A_125] : memref<10240x128xf32, #tpu.memory_space<vmem_shared>> -> memref<40x128xf32, #tpu.memory_space<vmem_shared>>
      %dma_start3A_127 = arith.constant 0 : i32
      %dma_start3A_128 = tpu.memref_slice %arg5[%add3A_47, %dma_start3A_127] : memref<10240x128xf32, #tpu.memory_space<vmem_shared>> -> memref<40x128xf32, #tpu.memory_space<vmem_shared>>
      tpu.enqueue_dma source(%arg7 : memref<40x128xf32, #tpu.memory_space<vmem>>) target(%dma_start3A_128 : memref<40x128xf32, #tpu.memory_space<vmem_shared>>) target_semaphore(%run_scoped3A_124 : memref<!tpu.dma_semaphore, #tpu.memory_space<semaphore_mem>>)
      %dma_wait3A_129 = arith.constant 0 : i32
      %dma_wait3A_130 = tpu.memref_slice %arg5[%add3A_47, %dma_wait3A_129] : memref<10240x128xf32, #tpu.memory_space<vmem_shared>> -> memref<40x128xf32, #tpu.memory_space<vmem_shared>>
      %dma_wait3A_131 = arith.constant 0 : i32
      %dma_wait3A_132 = tpu.memref_slice %arg5[%add3A_47, %dma_wait3A_131] : memref<10240x128xf32, #tpu.memory_space<vmem_shared>> -> memref<40x128xf32, #tpu.memory_space<vmem_shared>>
      tpu.wait_dma2 semaphore(%run_scoped3A_124 : memref<!tpu.dma_semaphore, #tpu.memory_space<semaphore_mem>>) src(%arg7 : memref<40x128xf32, #tpu.memory_space<vmem>>) dst(%dma_wait3A_132 : memref<40x128xf32, #tpu.memory_space<vmem_shared>>)
      tpu.yield
    }) : () -> ()
    %mul3A_48 = arith.constant 640 : i32
    %mul3A_49 = arith.muli %arg1, %mul3A_48 : i32
    %add3A_50 = arith.constant 440 : i32
    %add3A_51 = arith.addi %mul3A_49, %add3A_50 : i32
    "tpu.region"() ({
      %run_scoped3A_124 = tpu.sem_alloc : memref<!tpu.dma_semaphore, #tpu.memory_space<semaphore_mem>>
      %dma_start3A_125 = arith.constant 0 : i32
      %dma_start3A_126 = tpu.memref_slice %arg5[%add3A_51, %dma_start3A_125] : memref<10240x128xf32, #tpu.memory_space<vmem_shared>> -> memref<40x128xf32, #tpu.memory_space<vmem_shared>>
      %dma_start3A_127 = arith.constant 0 : i32
      %dma_start3A_128 = tpu.memref_slice %arg5[%add3A_51, %dma_start3A_127] : memref<10240x128xf32, #tpu.memory_space<vmem_shared>> -> memref<40x128xf32, #tpu.memory_space<vmem_shared>>
      tpu.enqueue_dma source(%arg7 : memref<40x128xf32, #tpu.memory_space<vmem>>) target(%dma_start3A_128 : memref<40x128xf32, #tpu.memory_space<vmem_shared>>) target_semaphore(%run_scoped3A_124 : memref<!tpu.dma_semaphore, #tpu.memory_space<semaphore_mem>>)
      %dma_wait3A_129 = arith.constant 0 : i32
      %dma_wait3A_130 = tpu.memref_slice %arg5[%add3A_51, %dma_wait3A_129] : memref<10240x128xf32, #tpu.memory_space<vmem_shared>> -> memref<40x128xf32, #tpu.memory_space<vmem_shared>>
      %dma_wait3A_131 = arith.constant 0 : i32
      %dma_wait3A_132 = tpu.memref_slice %arg5[%add3A_51, %dma_wait3A_131] : memref<10240x128xf32, #tpu.memory_space<vmem_shared>> -> memref<40x128xf32, #tpu.memory_space<vmem_shared>>
      tpu.wait_dma2 semaphore(%run_scoped3A_124 : memref<!tpu.dma_semaphore, #tpu.memory_space<semaphore_mem>>) src(%arg7 : memref<40x128xf32, #tpu.memory_space<vmem>>) dst(%dma_wait3A_132 : memref<40x128xf32, #tpu.memory_space<vmem_shared>>)
      tpu.yield
    }) : () -> ()
    %mul3A_52 = arith.constant 640 : i32
    %mul3A_53 = arith.muli %arg1, %mul3A_52 : i32
    %add3A_54 = arith.constant 480 : i32
    %add3A_55 = arith.addi %mul3A_53, %add3A_54 : i32
    "tpu.region"() ({
      %run_scoped3A_124 = tpu.sem_alloc : memref<!tpu.dma_semaphore, #tpu.memory_space<semaphore_mem>>
      %dma_start3A_125 = arith.constant 0 : i32
      %dma_start3A_126 = tpu.memref_slice %arg5[%add3A_55, %dma_start3A_125] : memref<10240x128xf32, #tpu.memory_space<vmem_shared>> -> memref<40x128xf32, #tpu.memory_space<vmem_shared>>
      %dma_start3A_127 = arith.constant 0 : i32
      %dma_start3A_128 = tpu.memref_slice %arg5[%add3A_55, %dma_start3A_127] : memref<10240x128xf32, #tpu.memory_space<vmem_shared>> -> memref<40x128xf32, #tpu.memory_space<vmem_shared>>
      tpu.enqueue_dma source(%arg7 : memref<40x128xf32, #tpu.memory_space<vmem>>) target(%dma_start3A_128 : memref<40x128xf32, #tpu.memory_space<vmem_shared>>) target_semaphore(%run_scoped3A_124 : memref<!tpu.dma_semaphore, #tpu.memory_space<semaphore_mem>>)
      %dma_wait3A_129 = arith.constant 0 : i32
      %dma_wait3A_130 = tpu.memref_slice %arg5[%add3A_55, %dma_wait3A_129] : memref<10240x128xf32, #tpu.memory_space<vmem_shared>> -> memref<40x128xf32, #tpu.memory_space<vmem_shared>>
      %dma_wait3A_131 = arith.constant 0 : i32
      %dma_wait3A_132 = tpu.memref_slice %arg5[%add3A_55, %dma_wait3A_131] : memref<10240x128xf32, #tpu.memory_space<vmem_shared>> -> memref<40x128xf32, #tpu.memory_space<vmem_shared>>
      tpu.wait_dma2 semaphore(%run_scoped3A_124 : memref<!tpu.dma_semaphore, #tpu.memory_space<semaphore_mem>>) src(%arg7 : memref<40x128xf32, #tpu.memory_space<vmem>>) dst(%dma_wait3A_132 : memref<40x128xf32, #tpu.memory_space<vmem_shared>>)
      tpu.yield
    }) : () -> ()
    %mul3A_56 = arith.constant 640 : i32
    %mul3A_57 = arith.muli %arg1, %mul3A_56 : i32
    %add3A_58 = arith.constant 520 : i32
    %add3A_59 = arith.addi %mul3A_57, %add3A_58 : i32
    "tpu.region"() ({
      %run_scoped3A_124 = tpu.sem_alloc : memref<!tpu.dma_semaphore, #tpu.memory_space<semaphore_mem>>
      %dma_start3A_125 = arith.constant 0 : i32
      %dma_start3A_126 = tpu.memref_slice %arg5[%add3A_59, %dma_start3A_125] : memref<10240x128xf32, #tpu.memory_space<vmem_shared>> -> memref<40x128xf32, #tpu.memory_space<vmem_shared>>
      %dma_start3A_127 = arith.constant 0 : i32
      %dma_start3A_128 = tpu.memref_slice %arg5[%add3A_59, %dma_start3A_127] : memref<10240x128xf32, #tpu.memory_space<vmem_shared>> -> memref<40x128xf32, #tpu.memory_space<vmem_shared>>
      tpu.enqueue_dma source(%arg7 : memref<40x128xf32, #tpu.memory_space<vmem>>) target(%dma_start3A_128 : memref<40x128xf32, #tpu.memory_space<vmem_shared>>) target_semaphore(%run_scoped3A_124 : memref<!tpu.dma_semaphore, #tpu.memory_space<semaphore_mem>>)
      %dma_wait3A_129 = arith.constant 0 : i32
      %dma_wait3A_130 = tpu.memref_slice %arg5[%add3A_59, %dma_wait3A_129] : memref<10240x128xf32, #tpu.memory_space<vmem_shared>> -> memref<40x128xf32, #tpu.memory_space<vmem_shared>>
      %dma_wait3A_131 = arith.constant 0 : i32
      %dma_wait3A_132 = tpu.memref_slice %arg5[%add3A_59, %dma_wait3A_131] : memref<10240x128xf32, #tpu.memory_space<vmem_shared>> -> memref<40x128xf32, #tpu.memory_space<vmem_shared>>
      tpu.wait_dma2 semaphore(%run_scoped3A_124 : memref<!tpu.dma_semaphore, #tpu.memory_space<semaphore_mem>>) src(%arg7 : memref<40x128xf32, #tpu.memory_space<vmem>>) dst(%dma_wait3A_132 : memref<40x128xf32, #tpu.memory_space<vmem_shared>>)
      tpu.yield
    }) : () -> ()
    %mul3A_60 = arith.constant 640 : i32
    %mul3A_61 = arith.muli %arg1, %mul3A_60 : i32
    %add3A_62 = arith.constant 560 : i32
    %add3A_63 = arith.addi %mul3A_61, %add3A_62 : i32
    "tpu.region"() ({
      %run_scoped3A_124 = tpu.sem_alloc : memref<!tpu.dma_semaphore, #tpu.memory_space<semaphore_mem>>
      %dma_start3A_125 = arith.constant 0 : i32
      %dma_start3A_126 = tpu.memref_slice %arg5[%add3A_63, %dma_start3A_125] : memref<10240x128xf32, #tpu.memory_space<vmem_shared>> -> memref<40x128xf32, #tpu.memory_space<vmem_shared>>
      %dma_start3A_127 = arith.constant 0 : i32
      %dma_start3A_128 = tpu.memref_slice %arg5[%add3A_63, %dma_start3A_127] : memref<10240x128xf32, #tpu.memory_space<vmem_shared>> -> memref<40x128xf32, #tpu.memory_space<vmem_shared>>
      tpu.enqueue_dma source(%arg7 : memref<40x128xf32, #tpu.memory_space<vmem>>) target(%dma_start3A_128 : memref<40x128xf32, #tpu.memory_space<vmem_shared>>) target_semaphore(%run_scoped3A_124 : memref<!tpu.dma_semaphore, #tpu.memory_space<semaphore_mem>>)
      %dma_wait3A_129 = arith.constant 0 : i32
      %dma_wait3A_130 = tpu.memref_slice %arg5[%add3A_63, %dma_wait3A_129] : memref<10240x128xf32, #tpu.memory_space<vmem_shared>> -> memref<40x128xf32, #tpu.memory_space<vmem_shared>>
      %dma_wait3A_131 = arith.constant 0 : i32
      %dma_wait3A_132 = tpu.memref_slice %arg5[%add3A_63, %dma_wait3A_131] : memref<10240x128xf32, #tpu.memory_space<vmem_shared>> -> memref<40x128xf32, #tpu.memory_space<vmem_shared>>
      tpu.wait_dma2 semaphore(%run_scoped3A_124 : memref<!tpu.dma_semaphore, #tpu.memory_space<semaphore_mem>>) src(%arg7 : memref<40x128xf32, #tpu.memory_space<vmem>>) dst(%dma_wait3A_132 : memref<40x128xf32, #tpu.memory_space<vmem_shared>>)
      tpu.yield
    }) : () -> ()
    %mul3A_64 = arith.constant 640 : i32
    %mul3A_65 = arith.muli %arg1, %mul3A_64 : i32
    %add3A_66 = arith.constant 600 : i32
    %add3A_67 = arith.addi %mul3A_65, %add3A_66 : i32
    "tpu.region"() ({
      %run_scoped3A_124 = tpu.sem_alloc : memref<!tpu.dma_semaphore, #tpu.memory_space<semaphore_mem>>
      %dma_start3A_125 = arith.constant 0 : i32
      %dma_start3A_126 = tpu.memref_slice %arg5[%add3A_67, %dma_start3A_125] : memref<10240x128xf32, #tpu.memory_space<vmem_shared>> -> memref<40x128xf32, #tpu.memory_space<vmem_shared>>
      %dma_start3A_127 = arith.constant 0 : i32
      %dma_start3A_128 = tpu.memref_slice %arg5[%add3A_67, %dma_start3A_127] : memref<10240x128xf32, #tpu.memory_space<vmem_shared>> -> memref<40x128xf32, #tpu.memory_space<vmem_shared>>
      tpu.enqueue_dma source(%arg7 : memref<40x128xf32, #tpu.memory_space<vmem>>) target(%dma_start3A_128 : memref<40x128xf32, #tpu.memory_space<vmem_shared>>) target_semaphore(%run_scoped3A_124 : memref<!tpu.dma_semaphore, #tpu.memory_space<semaphore_mem>>)
      %dma_wait3A_129 = arith.constant 0 : i32
      %dma_wait3A_130 = tpu.memref_slice %arg5[%add3A_67, %dma_wait3A_129] : memref<10240x128xf32, #tpu.memory_space<vmem_shared>> -> memref<40x128xf32, #tpu.memory_space<vmem_shared>>
      %dma_wait3A_131 = arith.constant 0 : i32
      %dma_wait3A_132 = tpu.memref_slice %arg5[%add3A_67, %dma_wait3A_131] : memref<10240x128xf32, #tpu.memory_space<vmem_shared>> -> memref<40x128xf32, #tpu.memory_space<vmem_shared>>
      tpu.wait_dma2 semaphore(%run_scoped3A_124 : memref<!tpu.dma_semaphore, #tpu.memory_space<semaphore_mem>>) src(%arg7 : memref<40x128xf32, #tpu.memory_space<vmem>>) dst(%dma_wait3A_132 : memref<40x128xf32, #tpu.memory_space<vmem_shared>>)
      tpu.yield
    }) : () -> ()
    %barrier3A = arith.constant 0 : index
    tpu.barrier barrier_id(%barrier3A)
    %mul3A_68 = arith.constant 10240 : i32
    %mul3A_69 = arith.muli %arg0, %mul3A_68 : i32
    %mul3A_70 = arith.constant 16 : i32
    %mul3A_71 = arith.muli %arg0, %mul3A_70 : i32
    %add3A_72 = arith.addi %mul3A_71, %arg1 : i32
    %mul3A_73 = arith.constant 10000 : i32
    %mul3A_74 = arith.muli %add3A_72, %mul3A_73 : i32
    %scan3A_75 = arith.constant 0 : i32
    %scan3A_76 = arith.constant 0 : i32
    "tpu.region"() ({
      %run_scoped3A_124 = tpu.sem_alloc : memref<!tpu.dma_semaphore, #tpu.memory_space<semaphore_mem>>
      %dma_start3A_125 = arith.constant 0 : i32
      %dma_start3A_126 = arith.constant 0 : i32
      %dma_start3A_127 = tpu.memref_slice %arg3[%arg0, %arg1, %scan3A_76, %dma_start3A_125, %dma_start3A_126] : memref<2x16x1x250x40xi32, #tpu.memory_space<hbm>> -> memref<1x1x1x250x40xi32, #tpu.memory_space<hbm>>
      %dma_start3A_128 = tpu.memref_squeeze %dma_start3A_127 : memref<1x1x1x250x40xi32, #tpu.memory_space<hbm>> -> memref<250x40xi32, #tpu.memory_space<hbm>>
      %dma_start3A_129 = arith.constant 0 : i32
      %dma_start3A_130 = arith.constant 0 : i32
      %dma_start3A_131 = tpu.memref_slice %arg3[%arg0, %arg1, %scan3A_76, %dma_start3A_129, %dma_start3A_130] : memref<2x16x1x250x40xi32, #tpu.memory_space<hbm>> -> memref<1x1x1x250x40xi32, #tpu.memory_space<hbm>>
      %dma_start3A_132 = tpu.memref_squeeze %dma_start3A_131 : memref<1x1x1x250x40xi32, #tpu.memory_space<hbm>> -> memref<250x40xi32, #tpu.memory_space<hbm>>
      tpu.enqueue_dma source(%dma_start3A_132 : memref<250x40xi32, #tpu.memory_space<hbm>>) target(%arg6 : memref<250x40xi32, #tpu.memory_space<vmem>>) target_semaphore(%run_scoped3A_124 : memref<!tpu.dma_semaphore, #tpu.memory_space<semaphore_mem>>)
      %dma_wait3A_133 = arith.constant 0 : i32
      %dma_wait3A_134 = arith.constant 0 : i32
      %dma_wait3A_135 = tpu.memref_slice %arg3[%arg0, %arg1, %scan3A_76, %dma_wait3A_133, %dma_wait3A_134] : memref<2x16x1x250x40xi32, #tpu.memory_space<hbm>> -> memref<1x1x1x250x40xi32, #tpu.memory_space<hbm>>
      %dma_wait3A_136 = tpu.memref_squeeze %dma_wait3A_135 : memref<1x1x1x250x40xi32, #tpu.memory_space<hbm>> -> memref<250x40xi32, #tpu.memory_space<hbm>>
      %dma_wait3A_137 = arith.constant 0 : i32
      %dma_wait3A_138 = arith.constant 0 : i32
      %dma_wait3A_139 = tpu.memref_slice %arg3[%arg0, %arg1, %scan3A_76, %dma_wait3A_137, %dma_wait3A_138] : memref<2x16x1x250x40xi32, #tpu.memory_space<hbm>> -> memref<1x1x1x250x40xi32, #tpu.memory_space<hbm>>
      %dma_wait3A_140 = tpu.memref_squeeze %dma_wait3A_139 : memref<1x1x1x250x40xi32, #tpu.memory_space<hbm>> -> memref<250x40xi32, #tpu.memory_space<hbm>>
      tpu.wait_dma2 semaphore(%run_scoped3A_124 : memref<!tpu.dma_semaphore, #tpu.memory_space<semaphore_mem>>) src(%dma_wait3A_140 : memref<250x40xi32, #tpu.memory_space<hbm>>) dst(%arg6 : memref<250x40xi32, #tpu.memory_space<vmem>>)
      tpu.yield
    }) : () -> ()
    %mul3A_77 = arith.constant 250 : i32
    %mul3A_78 = arith.muli %scan3A_76, %mul3A_77 : i32
    %add3A_79 = arith.constant 0 : i32
    %add3A_80 = arith.addi %mul3A_78, %add3A_79 : i32
    %mul3A_81 = arith.constant 40 : i32
    %mul3A_82 = arith.muli %add3A_80, %mul3A_81 : i32
    %add3A_83 = arith.addi %mul3A_74, %mul3A_82 : i32
    %multiple_of3A = tpu.assume_multiple %add3A_83, 8 : i32
    %dma_start3A = arith.constant 0 : i32
    %dma_start3A_84 = tpu.memref_slice %arg2[%multiple_of3A, %dma_start3A] : memref<320000x128xf32, #tpu.memory_space<hbm>> -> memref<40x128xf32, #tpu.memory_space<hbm>>
    %dma_start3A_85 = arith.constant 0 : i32
    %dma_start3A_86 = tpu.memref_slice %arg2[%multiple_of3A, %dma_start3A_85] : memref<320000x128xf32, #tpu.memory_space<hbm>> -> memref<40x128xf32, #tpu.memory_space<hbm>>
    tpu.enqueue_dma source(%dma_start3A_86 : memref<40x128xf32, #tpu.memory_space<hbm>>) target(%arg7 : memref<40x128xf32, #tpu.memory_space<vmem>>) target_semaphore(%arg9 : memref<!tpu.dma_semaphore, #tpu.memory_space<semaphore_mem>>)
    %scan3A_87 = arith.constant 0 : i32
    %scan3A_88 = arith.constant 0 : i32
    %scan3A_89 = arith.constant 124 : i32
    %scan3A_90 = arith.addi %scan3A_88, %scan3A_89 : i32
    %scan3A_91 = arith.constant 1 : i32
    scf.for %scan3A_124 = %scan3A_88 to %scan3A_90 step %scan3A_91  : i32 {
      %mul3A_125 = arith.constant 2 : i32
      %mul3A_126 = arith.muli %mul3A_125, %scan3A_124 : i32
      %add3A_127 = arith.constant 1 : i32
      %add3A_128 = arith.addi %mul3A_126, %add3A_127 : i32
      %mul3A_129 = arith.constant 250 : i32
      %mul3A_130 = arith.muli %scan3A_76, %mul3A_129 : i32
      %add3A_131 = arith.addi %mul3A_130, %add3A_128 : i32
      %mul3A_132 = arith.constant 40 : i32
      %mul3A_133 = arith.muli %add3A_131, %mul3A_132 : i32
      %add3A_134 = arith.addi %mul3A_74, %mul3A_133 : i32
      %multiple_of3A_135 = tpu.assume_multiple %add3A_134, 8 : i32
      %dma_start3A_136 = arith.constant 0 : i32
      %dma_start3A_137 = tpu.memref_slice %arg2[%multiple_of3A_135, %dma_start3A_136] : memref<320000x128xf32, #tpu.memory_space<hbm>> -> memref<40x128xf32, #tpu.memory_space<hbm>>
      %dma_start3A_138 = arith.constant 0 : i32
      %dma_start3A_139 = tpu.memref_slice %arg2[%multiple_of3A_135, %dma_start3A_138] : memref<320000x128xf32, #tpu.memory_space<hbm>> -> memref<40x128xf32, #tpu.memory_space<hbm>>
      tpu.enqueue_dma source(%dma_start3A_139 : memref<40x128xf32, #tpu.memory_space<hbm>>) target(%arg8 : memref<40x128xf32, #tpu.memory_space<vmem>>) target_semaphore(%arg10 : memref<!tpu.dma_semaphore, #tpu.memory_space<semaphore_mem>>)
      %dma_wait3A_140 = arith.constant 0 : i32
      %dma_wait3A_141 = arith.constant 0 : i32
      %dma_wait3A_142 = tpu.memref_slice %arg2[%dma_wait3A_140, %dma_wait3A_141] : memref<320000x128xf32, #tpu.memory_space<hbm>> -> memref<40x128xf32, #tpu.memory_space<hbm>>
      %dma_wait3A_143 = arith.constant 0 : i32
      %dma_wait3A_144 = arith.constant 0 : i32
      %dma_wait3A_145 = tpu.memref_slice %arg2[%dma_wait3A_143, %dma_wait3A_144] : memref<320000x128xf32, #tpu.memory_space<hbm>> -> memref<40x128xf32, #tpu.memory_space<hbm>>
      tpu.wait_dma2 semaphore(%arg9 : memref<!tpu.dma_semaphore, #tpu.memory_space<semaphore_mem>>) src(%dma_wait3A_145 : memref<40x128xf32, #tpu.memory_space<hbm>>) dst(%arg7 : memref<40x128xf32, #tpu.memory_space<vmem>>)
      "tpu.region"() ({
        %run_scoped3A_167 = tpu.sem_alloc : memref<!tpu.dma_semaphore, #tpu.memory_space<semaphore_mem>>
        %dma_start3A_168 = arith.constant 0 : i32
        %dma_start3A_169 = tpu.memref_slice %arg6[%mul3A_126, %dma_start3A_168] : memref<250x40xi32, #tpu.memory_space<vmem>> -> memref<1x40xi32, #tpu.memory_space<vmem>>
        %dma_start3A_170 = tpu.memref_squeeze %dma_start3A_169 : memref<1x40xi32, #tpu.memory_space<vmem>> -> memref<40xi32, #tpu.memory_space<vmem>>
        %dma_start3A_171 = arith.constant 0 : i32
        %dma_start3A_172 = arith.constant 0 : i32
        %dma_start3A_173 = tpu.memref_slice %arg5[%dma_start3A_171, %dma_start3A_172] : memref<10240x128xf32, #tpu.memory_space<vmem_shared>> -> memref<10240x128xf32, #tpu.memory_space<vmem_shared>>
        tpu.enqueue_indirect_dma source(%arg7 : memref<40x128xf32, #tpu.memory_space<vmem>>) target(%dma_start3A_173 : memref<10240x128xf32, #tpu.memory_space<vmem_shared>>) offsets(%dma_start3A_170 : memref<40xi32, #tpu.memory_space<vmem>>) semaphore(%run_scoped3A_167 : memref<!tpu.dma_semaphore, #tpu.memory_space<semaphore_mem>>) {add = true}
        %dma_wait3A_174 = arith.constant 0 : i32
        %dma_wait3A_175 = tpu.memref_slice %arg6[%mul3A_126, %dma_wait3A_174] : memref<250x40xi32, #tpu.memory_space<vmem>> -> memref<1x40xi32, #tpu.memory_space<vmem>>
        %dma_wait3A_176 = tpu.memref_squeeze %dma_wait3A_175 : memref<1x40xi32, #tpu.memory_space<vmem>> -> memref<40xi32, #tpu.memory_space<vmem>>
        %dma_wait3A_177 = arith.constant 0 : i32
        %dma_wait3A_178 = arith.constant 0 : i32
        %dma_wait3A_179 = tpu.memref_slice %arg5[%dma_wait3A_177, %dma_wait3A_178] : memref<10240x128xf32, #tpu.memory_space<vmem_shared>> -> memref<10240x128xf32, #tpu.memory_space<vmem_shared>>
        tpu.wait_indirect_dma semaphore(%run_scoped3A_167 : memref<!tpu.dma_semaphore, #tpu.memory_space<semaphore_mem>>) src(%arg7 : memref<40x128xf32, #tpu.memory_space<vmem>>) dst(%dma_wait3A_179 : memref<10240x128xf32, #tpu.memory_space<vmem_shared>>)
        tpu.yield
      }) : () -> ()
      %add3A_146 = arith.constant 2 : i32
      %add3A_147 = arith.addi %mul3A_126, %add3A_146 : i32
      %mul3A_148 = arith.constant 250 : i32
      %mul3A_149 = arith.muli %scan3A_76, %mul3A_148 : i32
      %add3A_150 = arith.addi %mul3A_149, %add3A_147 : i32
      %mul3A_151 = arith.constant 40 : i32
      %mul3A_152 = arith.muli %add3A_150, %mul3A_151 : i32
      %add3A_153 = arith.addi %mul3A_74, %mul3A_152 : i32
      %multiple_of3A_154 = tpu.assume_multiple %add3A_153, 8 : i32
      %dma_start3A_155 = arith.constant 0 : i32
      %dma_start3A_156 = tpu.memref_slice %arg2[%multiple_of3A_154, %dma_start3A_155] : memref<320000x128xf32, #tpu.memory_space<hbm>> -> memref<40x128xf32, #tpu.memory_space<hbm>>
      %dma_start3A_157 = arith.constant 0 : i32
      %dma_start3A_158 = tpu.memref_slice %arg2[%multiple_of3A_154, %dma_start3A_157] : memref<320000x128xf32, #tpu.memory_space<hbm>> -> memref<40x128xf32, #tpu.memory_space<hbm>>
      tpu.enqueue_dma source(%dma_start3A_158 : memref<40x128xf32, #tpu.memory_space<hbm>>) target(%arg7 : memref<40x128xf32, #tpu.memory_space<vmem>>) target_semaphore(%arg9 : memref<!tpu.dma_semaphore, #tpu.memory_space<semaphore_mem>>)
      %dma_wait3A_159 = arith.constant 0 : i32
      %dma_wait3A_160 = arith.constant 0 : i32
      %dma_wait3A_161 = tpu.memref_slice %arg2[%dma_wait3A_159, %dma_wait3A_160] : memref<320000x128xf32, #tpu.memory_space<hbm>> -> memref<40x128xf32, #tpu.memory_space<hbm>>
      %dma_wait3A_162 = arith.constant 0 : i32
      %dma_wait3A_163 = arith.constant 0 : i32
      %dma_wait3A_164 = tpu.memref_slice %arg2[%dma_wait3A_162, %dma_wait3A_163] : memref<320000x128xf32, #tpu.memory_space<hbm>> -> memref<40x128xf32, #tpu.memory_space<hbm>>
      tpu.wait_dma2 semaphore(%arg10 : memref<!tpu.dma_semaphore, #tpu.memory_space<semaphore_mem>>) src(%dma_wait3A_164 : memref<40x128xf32, #tpu.memory_space<hbm>>) dst(%arg8 : memref<40x128xf32, #tpu.memory_space<vmem>>)
      %add3A_165 = arith.constant 1 : i32
      %add3A_166 = arith.addi %mul3A_126, %add3A_165 : i32
      "tpu.region"() ({
        %run_scoped3A_167 = tpu.sem_alloc : memref<!tpu.dma_semaphore, #tpu.memory_space<semaphore_mem>>
        %dma_start3A_168 = arith.constant 0 : i32
        %dma_start3A_169 = tpu.memref_slice %arg6[%add3A_166, %dma_start3A_168] : memref<250x40xi32, #tpu.memory_space<vmem>> -> memref<1x40xi32, #tpu.memory_space<vmem>>
        %dma_start3A_170 = tpu.memref_squeeze %dma_start3A_169 : memref<1x40xi32, #tpu.memory_space<vmem>> -> memref<40xi32, #tpu.memory_space<vmem>>
        %dma_start3A_171 = arith.constant 0 : i32
        %dma_start3A_172 = arith.constant 0 : i32
        %dma_start3A_173 = tpu.memref_slice %arg5[%dma_start3A_171, %dma_start3A_172] : memref<10240x128xf32, #tpu.memory_space<vmem_shared>> -> memref<10240x128xf32, #tpu.memory_space<vmem_shared>>
        tpu.enqueue_indirect_dma source(%arg8 : memref<40x128xf32, #tpu.memory_space<vmem>>) target(%dma_start3A_173 : memref<10240x128xf32, #tpu.memory_space<vmem_shared>>) offsets(%dma_start3A_170 : memref<40xi32, #tpu.memory_space<vmem>>) semaphore(%run_scoped3A_167 : memref<!tpu.dma_semaphore, #tpu.memory_space<semaphore_mem>>) {add = true}
        %dma_wait3A_174 = arith.constant 0 : i32
        %dma_wait3A_175 = tpu.memref_slice %arg6[%add3A_166, %dma_wait3A_174] : memref<250x40xi32, #tpu.memory_space<vmem>> -> memref<1x40xi32, #tpu.memory_space<vmem>>
        %dma_wait3A_176 = tpu.memref_squeeze %dma_wait3A_175 : memref<1x40xi32, #tpu.memory_space<vmem>> -> memref<40xi32, #tpu.memory_space<vmem>>
        %dma_wait3A_177 = arith.constant 0 : i32
        %dma_wait3A_178 = arith.constant 0 : i32
        %dma_wait3A_179 = tpu.memref_slice %arg5[%dma_wait3A_177, %dma_wait3A_178] : memref<10240x128xf32, #tpu.memory_space<vmem_shared>> -> memref<10240x128xf32, #tpu.memory_space<vmem_shared>>
        tpu.wait_indirect_dma semaphore(%run_scoped3A_167 : memref<!tpu.dma_semaphore, #tpu.memory_space<semaphore_mem>>) src(%arg8 : memref<40x128xf32, #tpu.memory_space<vmem>>) dst(%dma_wait3A_179 : memref<10240x128xf32, #tpu.memory_space<vmem_shared>>)
        tpu.yield
      }) : () -> ()
    }
    %scan3A_92 = arith.constant 124 : i32
    %mul3A_93 = arith.constant 250 : i32
    %mul3A_94 = arith.muli %scan3A_76, %mul3A_93 : i32
    %add3A_95 = arith.constant 249 : i32
    %add3A_96 = arith.addi %mul3A_94, %add3A_95 : i32
    %mul3A_97 = arith.constant 40 : i32
    %mul3A_98 = arith.muli %add3A_96, %mul3A_97 : i32
    %add3A_99 = arith.addi %mul3A_74, %mul3A_98 : i32
    %multiple_of3A_100 = tpu.assume_multiple %add3A_99, 8 : i32
    %dma_start3A_101 = arith.constant 0 : i32
    %dma_start3A_102 = tpu.memref_slice %arg2[%multiple_of3A_100, %dma_start3A_101] : memref<320000x128xf32, #tpu.memory_space<hbm>> -> memref<40x128xf32, #tpu.memory_space<hbm>>
    %dma_start3A_103 = arith.constant 0 : i32
    %dma_start3A_104 = tpu.memref_slice %arg2[%multiple_of3A_100, %dma_start3A_103] : memref<320000x128xf32, #tpu.memory_space<hbm>> -> memref<40x128xf32, #tpu.memory_space<hbm>>
    tpu.enqueue_dma source(%dma_start3A_104 : memref<40x128xf32, #tpu.memory_space<hbm>>) target(%arg8 : memref<40x128xf32, #tpu.memory_space<vmem>>) target_semaphore(%arg10 : memref<!tpu.dma_semaphore, #tpu.memory_space<semaphore_mem>>)
    %dma_wait3A = arith.constant 0 : i32
    %dma_wait3A_105 = arith.constant 0 : i32
    %dma_wait3A_106 = tpu.memref_slice %arg2[%dma_wait3A, %dma_wait3A_105] : memref<320000x128xf32, #tpu.memory_space<hbm>> -> memref<40x128xf32, #tpu.memory_space<hbm>>
    %dma_wait3A_107 = arith.constant 0 : i32
    %dma_wait3A_108 = arith.constant 0 : i32
    %dma_wait3A_109 = tpu.memref_slice %arg2[%dma_wait3A_107, %dma_wait3A_108] : memref<320000x128xf32, #tpu.memory_space<hbm>> -> memref<40x128xf32, #tpu.memory_space<hbm>>
    tpu.wait_dma2 semaphore(%arg9 : memref<!tpu.dma_semaphore, #tpu.memory_space<semaphore_mem>>) src(%dma_wait3A_109 : memref<40x128xf32, #tpu.memory_space<hbm>>) dst(%arg7 : memref<40x128xf32, #tpu.memory_space<vmem>>)
    %run_scoped3A = arith.constant 248 : i32
    "tpu.region"() ({
      %run_scoped3A_124 = tpu.sem_alloc : memref<!tpu.dma_semaphore, #tpu.memory_space<semaphore_mem>>
      %dma_start3A_125 = arith.constant 0 : i32
      %dma_start3A_126 = tpu.memref_slice %arg6[%run_scoped3A, %dma_start3A_125] : memref<250x40xi32, #tpu.memory_space<vmem>> -> memref<1x40xi32, #tpu.memory_space<vmem>>
      %dma_start3A_127 = tpu.memref_squeeze %dma_start3A_126 : memref<1x40xi32, #tpu.memory_space<vmem>> -> memref<40xi32, #tpu.memory_space<vmem>>
      %dma_start3A_128 = arith.constant 0 : i32
      %dma_start3A_129 = arith.constant 0 : i32
      %dma_start3A_130 = tpu.memref_slice %arg5[%dma_start3A_128, %dma_start3A_129] : memref<10240x128xf32, #tpu.memory_space<vmem_shared>> -> memref<10240x128xf32, #tpu.memory_space<vmem_shared>>
      tpu.enqueue_indirect_dma source(%arg7 : memref<40x128xf32, #tpu.memory_space<vmem>>) target(%dma_start3A_130 : memref<10240x128xf32, #tpu.memory_space<vmem_shared>>) offsets(%dma_start3A_127 : memref<40xi32, #tpu.memory_space<vmem>>) semaphore(%run_scoped3A_124 : memref<!tpu.dma_semaphore, #tpu.memory_space<semaphore_mem>>) {add = true}
      %dma_wait3A_131 = arith.constant 0 : i32
      %dma_wait3A_132 = tpu.memref_slice %arg6[%run_scoped3A, %dma_wait3A_131] : memref<250x40xi32, #tpu.memory_space<vmem>> -> memref<1x40xi32, #tpu.memory_space<vmem>>
      %dma_wait3A_133 = tpu.memref_squeeze %dma_wait3A_132 : memref<1x40xi32, #tpu.memory_space<vmem>> -> memref<40xi32, #tpu.memory_space<vmem>>
      %dma_wait3A_134 = arith.constant 0 : i32
      %dma_wait3A_135 = arith.constant 0 : i32
      %dma_wait3A_136 = tpu.memref_slice %arg5[%dma_wait3A_134, %dma_wait3A_135] : memref<10240x128xf32, #tpu.memory_space<vmem_shared>> -> memref<10240x128xf32, #tpu.memory_space<vmem_shared>>
      tpu.wait_indirect_dma semaphore(%run_scoped3A_124 : memref<!tpu.dma_semaphore, #tpu.memory_space<semaphore_mem>>) src(%arg7 : memref<40x128xf32, #tpu.memory_space<vmem>>) dst(%dma_wait3A_136 : memref<10240x128xf32, #tpu.memory_space<vmem_shared>>)
      tpu.yield
    }) : () -> ()
    %dma_wait3A_110 = arith.constant 0 : i32
    %dma_wait3A_111 = arith.constant 0 : i32
    %dma_wait3A_112 = tpu.memref_slice %arg2[%dma_wait3A_110, %dma_wait3A_111] : memref<320000x128xf32, #tpu.memory_space<hbm>> -> memref<40x128xf32, #tpu.memory_space<hbm>>
    %dma_wait3A_113 = arith.constant 0 : i32
    %dma_wait3A_114 = arith.constant 0 : i32
    %dma_wait3A_115 = tpu.memref_slice %arg2[%dma_wait3A_113, %dma_wait3A_114] : memref<320000x128xf32, #tpu.memory_space<hbm>> -> memref<40x128xf32, #tpu.memory_space<hbm>>
    tpu.wait_dma2 semaphore(%arg10 : memref<!tpu.dma_semaphore, #tpu.memory_space<semaphore_mem>>) src(%dma_wait3A_115 : memref<40x128xf32, #tpu.memory_space<hbm>>) dst(%arg8 : memref<40x128xf32, #tpu.memory_space<vmem>>)
    %run_scoped3A_116 = arith.constant 249 : i32
    "tpu.region"() ({
      %run_scoped3A_124 = tpu.sem_alloc : memref<!tpu.dma_semaphore, #tpu.memory_space<semaphore_mem>>
      %dma_start3A_125 = arith.constant 0 : i32
      %dma_start3A_126 = tpu.memref_slice %arg6[%run_scoped3A_116, %dma_start3A_125] : memref<250x40xi32, #tpu.memory_space<vmem>> -> memref<1x40xi32, #tpu.memory_space<vmem>>
      %dma_start3A_127 = tpu.memref_squeeze %dma_start3A_126 : memref<1x40xi32, #tpu.memory_space<vmem>> -> memref<40xi32, #tpu.memory_space<vmem>>
      %dma_start3A_128 = arith.constant 0 : i32
      %dma_start3A_129 = arith.constant 0 : i32
      %dma_start3A_130 = tpu.memref_slice %arg5[%dma_start3A_128, %dma_start3A_129] : memref<10240x128xf32, #tpu.memory_space<vmem_shared>> -> memref<10240x128xf32, #tpu.memory_space<vmem_shared>>
      tpu.enqueue_indirect_dma source(%arg8 : memref<40x128xf32, #tpu.memory_space<vmem>>) target(%dma_start3A_130 : memref<10240x128xf32, #tpu.memory_space<vmem_shared>>) offsets(%dma_start3A_127 : memref<40xi32, #tpu.memory_space<vmem>>) semaphore(%run_scoped3A_124 : memref<!tpu.dma_semaphore, #tpu.memory_space<semaphore_mem>>) {add = true}
      %dma_wait3A_131 = arith.constant 0 : i32
      %dma_wait3A_132 = tpu.memref_slice %arg6[%run_scoped3A_116, %dma_wait3A_131] : memref<250x40xi32, #tpu.memory_space<vmem>> -> memref<1x40xi32, #tpu.memory_space<vmem>>
      %dma_wait3A_133 = tpu.memref_squeeze %dma_wait3A_132 : memref<1x40xi32, #tpu.memory_space<vmem>> -> memref<40xi32, #tpu.memory_space<vmem>>
      %dma_wait3A_134 = arith.constant 0 : i32
      %dma_wait3A_135 = arith.constant 0 : i32
      %dma_wait3A_136 = tpu.memref_slice %arg5[%dma_wait3A_134, %dma_wait3A_135] : memref<10240x128xf32, #tpu.memory_space<vmem_shared>> -> memref<10240x128xf32, #tpu.memory_space<vmem_shared>>
      tpu.wait_indirect_dma semaphore(%run_scoped3A_124 : memref<!tpu.dma_semaphore, #tpu.memory_space<semaphore_mem>>) src(%arg8 : memref<40x128xf32, #tpu.memory_space<vmem>>) dst(%dma_wait3A_136 : memref<10240x128xf32, #tpu.memory_space<vmem_shared>>)
      tpu.yield
    }) : () -> ()
    %scan3A_117 = arith.constant 1 : i32
    %barrier3A_118 = arith.constant 0 : index
    tpu.barrier barrier_id(%barrier3A_118)
    %mul3A_119 = arith.constant 640 : i32
    %mul3A_120 = arith.muli %arg1, %mul3A_119 : i32
    %mul3A_121 = arith.constant 640 : i32
    %mul3A_122 = arith.muli %arg1, %mul3A_121 : i32
    %add3A_123 = arith.addi %mul3A_69, %mul3A_122 : i32
    "tpu.region"() ({
      %run_scoped3A_124 = tpu.sem_alloc : memref<!tpu.dma_semaphore, #tpu.memory_space<semaphore_mem>>
      %dma_start3A_125 = arith.constant 0 : i32
      %dma_start3A_126 = tpu.memref_slice %arg4[%add3A_123, %dma_start3A_125] : memref<20480x128xf32, #tpu.memory_space<hbm>> -> memref<640x128xf32, #tpu.memory_space<hbm>>
      %dma_start3A_127 = arith.constant 0 : i32
      %dma_start3A_128 = tpu.memref_slice %arg5[%mul3A_120, %dma_start3A_127] : memref<10240x128xf32, #tpu.memory_space<vmem_shared>> -> memref<640x128xf32, #tpu.memory_space<vmem_shared>>
      tpu.enqueue_dma source(%dma_start3A_128 : memref<640x128xf32, #tpu.memory_space<vmem_shared>>) target(%dma_start3A_126 : memref<640x128xf32, #tpu.memory_space<hbm>>) target_semaphore(%run_scoped3A_124 : memref<!tpu.dma_semaphore, #tpu.memory_space<semaphore_mem>>)
      %dma_wait3A_129 = arith.constant 0 : i32
      %dma_wait3A_130 = tpu.memref_slice %arg4[%add3A_123, %dma_wait3A_129] : memref<20480x128xf32, #tpu.memory_space<hbm>> -> memref<640x128xf32, #tpu.memory_space<hbm>>
      %dma_wait3A_131 = arith.constant 0 : i32
      %dma_wait3A_132 = tpu.memref_slice %arg5[%mul3A_120, %dma_wait3A_131] : memref<10240x128xf32, #tpu.memory_space<vmem_shared>> -> memref<640x128xf32, #tpu.memory_space<vmem_shared>>
      tpu.wait_dma2 semaphore(%run_scoped3A_124 : memref<!tpu.dma_semaphore, #tpu.memory_space<semaphore_mem>>) src(%dma_wait3A_132 : memref<640x128xf32, #tpu.memory_space<vmem_shared>>) dst(%dma_wait3A_130 : memref<640x128xf32, #tpu.memory_space<hbm>>)
      tpu.yield
    }) : () -> ()
    return
  }
}

#map = affine_map<(d0, d1) -> (0, 0)>
#map1 = affine_map<(d0, d1) -> (0, 0, 0, 0, 0)>
#map2 = affine_map<(d0, d1) -> (0, 0, 0, 0)>
module attributes {stable_mosaic.version = 14 : i64} {
  func.func @body(%arg0: i32, %arg1: i32, %arg2: memref<20000x128xf32, #tpu.memory_space<hbm>>, %arg3: memref<2x16x5x50x80xi32, #tpu.memory_space<hbm>>, %arg4: memref<16x5x50x80xi32, #tpu.memory_space<hbm>>, %arg5: memref<20480x128xf32, #tpu.memory_space<hbm>>, %arg6: memref<10240x128xf32, #tpu.memory_space<vmem_shared>>, %arg7: memref<50x80xi32, #tpu.memory_space<vmem>>, %arg8: memref<50x80xi32, #tpu.memory_space<vmem>>, %arg9: memref<80x128xf32, #tpu.memory_space<vmem>>, %arg10: memref<80x128xf32, #tpu.memory_space<vmem>>, %arg11: memref<!tpu.dma_semaphore, #tpu.memory_space<semaphore_mem>>, %arg12: memref<!tpu.dma_semaphore, #tpu.memory_space<semaphore_mem>>) attributes {dimension_semantics = [#tpu.dimension_semantics<core_parallel>, #tpu.dimension_semantics<subcore_parallel>], iteration_bounds = array<i64: 2, 16>, scalar_prefetch = 0 : i64, scratch_operands = 7 : i64, tpu.core_type = #tpu.core_type<sc_vector_subcore>, window_params = [{transform_indices = #map}, {transform_indices = #map1}, {transform_indices = #map2}, {transform_indices = #map}]} {
    %broadcast_in_dim3A = arith.constant 0.000000e+00 : f32
    %broadcast_in_dim3A_0 = vector.broadcast %broadcast_in_dim3A : f32 to vector<16xf32>
    %scan3A = arith.constant 0 : i32
    %scan3A_1 = arith.constant 0 : i32
    %scan3A_2 = arith.constant 80 : i32
    %scan3A_3 = arith.addi %scan3A_1, %scan3A_2 : i32
    %scan3A_4 = arith.constant 1 : i32
    scf.for %scan3A_50 = %scan3A_1 to %scan3A_3 step %scan3A_4  : i32 {
      %swap3A = arith.index_cast %scan3A_50 : i32 to index
      %swap3A_51 = arith.constant 0 : index
      %swap3A_52 = tpu.vector_load %arg9[%swap3A, %swap3A_51] {strides = array<i32>} : memref<80x128xf32, #tpu.memory_space<vmem>>, vector<1x16xf32>,
      %swap3A_53 = vector.shape_cast %swap3A_52 : vector<1x16xf32> to vector<16xf32>
      %swap3A_54 = vector.shape_cast %broadcast_in_dim3A_0 : vector<16xf32> to vector<1x16xf32>
      tpu.vector_store %arg9[%swap3A, %swap3A_51], %swap3A_54 {strides = array<i32>} : memref<80x128xf32, #tpu.memory_space<vmem>>, vector<1x16xf32>,
      %swap3A_55 = arith.index_cast %scan3A_50 : i32 to index
      %swap3A_56 = arith.constant 16 : index
      %swap3A_57 = tpu.vector_load %arg9[%swap3A_55, %swap3A_56] {strides = array<i32>} : memref<80x128xf32, #tpu.memory_space<vmem>>, vector<1x16xf32>,
      %swap3A_58 = vector.shape_cast %swap3A_57 : vector<1x16xf32> to vector<16xf32>
      %swap3A_59 = vector.shape_cast %broadcast_in_dim3A_0 : vector<16xf32> to vector<1x16xf32>
      tpu.vector_store %arg9[%swap3A_55, %swap3A_56], %swap3A_59 {strides = array<i32>} : memref<80x128xf32, #tpu.memory_space<vmem>>, vector<1x16xf32>,
      %swap3A_60 = arith.index_cast %scan3A_50 : i32 to index
      %swap3A_61 = arith.constant 32 : index
      %swap3A_62 = tpu.vector_load %arg9[%swap3A_60, %swap3A_61] {strides = array<i32>} : memref<80x128xf32, #tpu.memory_space<vmem>>, vector<1x16xf32>,
      %swap3A_63 = vector.shape_cast %swap3A_62 : vector<1x16xf32> to vector<16xf32>
      %swap3A_64 = vector.shape_cast %broadcast_in_dim3A_0 : vector<16xf32> to vector<1x16xf32>
      tpu.vector_store %arg9[%swap3A_60, %swap3A_61], %swap3A_64 {strides = array<i32>} : memref<80x128xf32, #tpu.memory_space<vmem>>, vector<1x16xf32>,
      %swap3A_65 = arith.index_cast %scan3A_50 : i32 to index
      %swap3A_66 = arith.constant 48 : index
      %swap3A_67 = tpu.vector_load %arg9[%swap3A_65, %swap3A_66] {strides = array<i32>} : memref<80x128xf32, #tpu.memory_space<vmem>>, vector<1x16xf32>,
      %swap3A_68 = vector.shape_cast %swap3A_67 : vector<1x16xf32> to vector<16xf32>
      %swap3A_69 = vector.shape_cast %broadcast_in_dim3A_0 : vector<16xf32> to vector<1x16xf32>
      tpu.vector_store %arg9[%swap3A_65, %swap3A_66], %swap3A_69 {strides = array<i32>} : memref<80x128xf32, #tpu.memory_space<vmem>>, vector<1x16xf32>,
      %swap3A_70 = arith.index_cast %scan3A_50 : i32 to index
      %swap3A_71 = arith.constant 64 : index
      %swap3A_72 = tpu.vector_load %arg9[%swap3A_70, %swap3A_71] {strides = array<i32>} : memref<80x128xf32, #tpu.memory_space<vmem>>, vector<1x16xf32>,
      %swap3A_73 = vector.shape_cast %swap3A_72 : vector<1x16xf32> to vector<16xf32>
      %swap3A_74 = vector.shape_cast %broadcast_in_dim3A_0 : vector<16xf32> to vector<1x16xf32>
      tpu.vector_store %arg9[%swap3A_70, %swap3A_71], %swap3A_74 {strides = array<i32>} : memref<80x128xf32, #tpu.memory_space<vmem>>, vector<1x16xf32>,
      %swap3A_75 = arith.index_cast %scan3A_50 : i32 to index
      %swap3A_76 = arith.constant 80 : index
      %swap3A_77 = tpu.vector_load %arg9[%swap3A_75, %swap3A_76] {strides = array<i32>} : memref<80x128xf32, #tpu.memory_space<vmem>>, vector<1x16xf32>,
      %swap3A_78 = vector.shape_cast %swap3A_77 : vector<1x16xf32> to vector<16xf32>
      %swap3A_79 = vector.shape_cast %broadcast_in_dim3A_0 : vector<16xf32> to vector<1x16xf32>
      tpu.vector_store %arg9[%swap3A_75, %swap3A_76], %swap3A_79 {strides = array<i32>} : memref<80x128xf32, #tpu.memory_space<vmem>>, vector<1x16xf32>,
      %swap3A_80 = arith.index_cast %scan3A_50 : i32 to index
      %swap3A_81 = arith.constant 96 : index
      %swap3A_82 = tpu.vector_load %arg9[%swap3A_80, %swap3A_81] {strides = array<i32>} : memref<80x128xf32, #tpu.memory_space<vmem>>, vector<1x16xf32>,
      %swap3A_83 = vector.shape_cast %swap3A_82 : vector<1x16xf32> to vector<16xf32>
      %swap3A_84 = vector.shape_cast %broadcast_in_dim3A_0 : vector<16xf32> to vector<1x16xf32>
      tpu.vector_store %arg9[%swap3A_80, %swap3A_81], %swap3A_84 {strides = array<i32>} : memref<80x128xf32, #tpu.memory_space<vmem>>, vector<1x16xf32>,
      %swap3A_85 = arith.index_cast %scan3A_50 : i32 to index
      %swap3A_86 = arith.constant 112 : index
      %swap3A_87 = tpu.vector_load %arg9[%swap3A_85, %swap3A_86] {strides = array<i32>} : memref<80x128xf32, #tpu.memory_space<vmem>>, vector<1x16xf32>,
      %swap3A_88 = vector.shape_cast %swap3A_87 : vector<1x16xf32> to vector<16xf32>
      %swap3A_89 = vector.shape_cast %broadcast_in_dim3A_0 : vector<16xf32> to vector<1x16xf32>
      tpu.vector_store %arg9[%swap3A_85, %swap3A_86], %swap3A_89 {strides = array<i32>} : memref<80x128xf32, #tpu.memory_space<vmem>>, vector<1x16xf32>,
    }
    %scan3A_5 = arith.constant 80 : i32
    %mul3A = arith.constant 640 : i32
    %mul3A_6 = arith.muli %arg1, %mul3A : i32
    %add3A = arith.constant 0 : i32
    %add3A_7 = arith.addi %mul3A_6, %add3A : i32
    "tpu.region"() ({
      %run_scoped3A = tpu.sem_alloc : memref<!tpu.dma_semaphore, #tpu.memory_space<semaphore_mem>>
      %dma_start3A = arith.constant 0 : i32
      %dma_start3A_50 = tpu.memref_slice %arg6[%add3A_7, %dma_start3A] : memref<10240x128xf32, #tpu.memory_space<vmem_shared>> -> memref<80x128xf32, #tpu.memory_space<vmem_shared>>
      %dma_start3A_51 = arith.constant 0 : i32
      %dma_start3A_52 = tpu.memref_slice %arg6[%add3A_7, %dma_start3A_51] : memref<10240x128xf32, #tpu.memory_space<vmem_shared>> -> memref<80x128xf32, #tpu.memory_space<vmem_shared>>
      tpu.enqueue_dma source(%arg9 : memref<80x128xf32, #tpu.memory_space<vmem>>) target(%dma_start3A_52 : memref<80x128xf32, #tpu.memory_space<vmem_shared>>) target_semaphore(%run_scoped3A : memref<!tpu.dma_semaphore, #tpu.memory_space<semaphore_mem>>)
      %dma_wait3A = arith.constant 0 : i32
      %dma_wait3A_53 = tpu.memref_slice %arg6[%add3A_7, %dma_wait3A] : memref<10240x128xf32, #tpu.memory_space<vmem_shared>> -> memref<80x128xf32, #tpu.memory_space<vmem_shared>>
      %dma_wait3A_54 = arith.constant 0 : i32
      %dma_wait3A_55 = tpu.memref_slice %arg6[%add3A_7, %dma_wait3A_54] : memref<10240x128xf32, #tpu.memory_space<vmem_shared>> -> memref<80x128xf32, #tpu.memory_space<vmem_shared>>
      tpu.wait_dma2 semaphore(%run_scoped3A : memref<!tpu.dma_semaphore, #tpu.memory_space<semaphore_mem>>) src(%arg9 : memref<80x128xf32, #tpu.memory_space<vmem>>) dst(%dma_wait3A_55 : memref<80x128xf32, #tpu.memory_space<vmem_shared>>)
      tpu.yield
    }) : () -> ()
    %mul3A_8 = arith.constant 640 : i32
    %mul3A_9 = arith.muli %arg1, %mul3A_8 : i32
    %add3A_10 = arith.constant 80 : i32
    %add3A_11 = arith.addi %mul3A_9, %add3A_10 : i32
    "tpu.region"() ({
      %run_scoped3A = tpu.sem_alloc : memref<!tpu.dma_semaphore, #tpu.memory_space<semaphore_mem>>
      %dma_start3A = arith.constant 0 : i32
      %dma_start3A_50 = tpu.memref_slice %arg6[%add3A_11, %dma_start3A] : memref<10240x128xf32, #tpu.memory_space<vmem_shared>> -> memref<80x128xf32, #tpu.memory_space<vmem_shared>>
      %dma_start3A_51 = arith.constant 0 : i32
      %dma_start3A_52 = tpu.memref_slice %arg6[%add3A_11, %dma_start3A_51] : memref<10240x128xf32, #tpu.memory_space<vmem_shared>> -> memref<80x128xf32, #tpu.memory_space<vmem_shared>>
      tpu.enqueue_dma source(%arg9 : memref<80x128xf32, #tpu.memory_space<vmem>>) target(%dma_start3A_52 : memref<80x128xf32, #tpu.memory_space<vmem_shared>>) target_semaphore(%run_scoped3A : memref<!tpu.dma_semaphore, #tpu.memory_space<semaphore_mem>>)
      %dma_wait3A = arith.constant 0 : i32
      %dma_wait3A_53 = tpu.memref_slice %arg6[%add3A_11, %dma_wait3A] : memref<10240x128xf32, #tpu.memory_space<vmem_shared>> -> memref<80x128xf32, #tpu.memory_space<vmem_shared>>
      %dma_wait3A_54 = arith.constant 0 : i32
      %dma_wait3A_55 = tpu.memref_slice %arg6[%add3A_11, %dma_wait3A_54] : memref<10240x128xf32, #tpu.memory_space<vmem_shared>> -> memref<80x128xf32, #tpu.memory_space<vmem_shared>>
      tpu.wait_dma2 semaphore(%run_scoped3A : memref<!tpu.dma_semaphore, #tpu.memory_space<semaphore_mem>>) src(%arg9 : memref<80x128xf32, #tpu.memory_space<vmem>>) dst(%dma_wait3A_55 : memref<80x128xf32, #tpu.memory_space<vmem_shared>>)
      tpu.yield
    }) : () -> ()
    %mul3A_12 = arith.constant 640 : i32
    %mul3A_13 = arith.muli %arg1, %mul3A_12 : i32
    %add3A_14 = arith.constant 160 : i32
    %add3A_15 = arith.addi %mul3A_13, %add3A_14 : i32
    "tpu.region"() ({
      %run_scoped3A = tpu.sem_alloc : memref<!tpu.dma_semaphore, #tpu.memory_space<semaphore_mem>>
      %dma_start3A = arith.constant 0 : i32
      %dma_start3A_50 = tpu.memref_slice %arg6[%add3A_15, %dma_start3A] : memref<10240x128xf32, #tpu.memory_space<vmem_shared>> -> memref<80x128xf32, #tpu.memory_space<vmem_shared>>
      %dma_start3A_51 = arith.constant 0 : i32
      %dma_start3A_52 = tpu.memref_slice %arg6[%add3A_15, %dma_start3A_51] : memref<10240x128xf32, #tpu.memory_space<vmem_shared>> -> memref<80x128xf32, #tpu.memory_space<vmem_shared>>
      tpu.enqueue_dma source(%arg9 : memref<80x128xf32, #tpu.memory_space<vmem>>) target(%dma_start3A_52 : memref<80x128xf32, #tpu.memory_space<vmem_shared>>) target_semaphore(%run_scoped3A : memref<!tpu.dma_semaphore, #tpu.memory_space<semaphore_mem>>)
      %dma_wait3A = arith.constant 0 : i32
      %dma_wait3A_53 = tpu.memref_slice %arg6[%add3A_15, %dma_wait3A] : memref<10240x128xf32, #tpu.memory_space<vmem_shared>> -> memref<80x128xf32, #tpu.memory_space<vmem_shared>>
      %dma_wait3A_54 = arith.constant 0 : i32
      %dma_wait3A_55 = tpu.memref_slice %arg6[%add3A_15, %dma_wait3A_54] : memref<10240x128xf32, #tpu.memory_space<vmem_shared>> -> memref<80x128xf32, #tpu.memory_space<vmem_shared>>
      tpu.wait_dma2 semaphore(%run_scoped3A : memref<!tpu.dma_semaphore, #tpu.memory_space<semaphore_mem>>) src(%arg9 : memref<80x128xf32, #tpu.memory_space<vmem>>) dst(%dma_wait3A_55 : memref<80x128xf32, #tpu.memory_space<vmem_shared>>)
      tpu.yield
    }) : () -> ()
    %mul3A_16 = arith.constant 640 : i32
    %mul3A_17 = arith.muli %arg1, %mul3A_16 : i32
    %add3A_18 = arith.constant 240 : i32
    %add3A_19 = arith.addi %mul3A_17, %add3A_18 : i32
    "tpu.region"() ({
      %run_scoped3A = tpu.sem_alloc : memref<!tpu.dma_semaphore, #tpu.memory_space<semaphore_mem>>
      %dma_start3A = arith.constant 0 : i32
      %dma_start3A_50 = tpu.memref_slice %arg6[%add3A_19, %dma_start3A] : memref<10240x128xf32, #tpu.memory_space<vmem_shared>> -> memref<80x128xf32, #tpu.memory_space<vmem_shared>>
      %dma_start3A_51 = arith.constant 0 : i32
      %dma_start3A_52 = tpu.memref_slice %arg6[%add3A_19, %dma_start3A_51] : memref<10240x128xf32, #tpu.memory_space<vmem_shared>> -> memref<80x128xf32, #tpu.memory_space<vmem_shared>>
      tpu.enqueue_dma source(%arg9 : memref<80x128xf32, #tpu.memory_space<vmem>>) target(%dma_start3A_52 : memref<80x128xf32, #tpu.memory_space<vmem_shared>>) target_semaphore(%run_scoped3A : memref<!tpu.dma_semaphore, #tpu.memory_space<semaphore_mem>>)
      %dma_wait3A = arith.constant 0 : i32
      %dma_wait3A_53 = tpu.memref_slice %arg6[%add3A_19, %dma_wait3A] : memref<10240x128xf32, #tpu.memory_space<vmem_shared>> -> memref<80x128xf32, #tpu.memory_space<vmem_shared>>
      %dma_wait3A_54 = arith.constant 0 : i32
      %dma_wait3A_55 = tpu.memref_slice %arg6[%add3A_19, %dma_wait3A_54] : memref<10240x128xf32, #tpu.memory_space<vmem_shared>> -> memref<80x128xf32, #tpu.memory_space<vmem_shared>>
      tpu.wait_dma2 semaphore(%run_scoped3A : memref<!tpu.dma_semaphore, #tpu.memory_space<semaphore_mem>>) src(%arg9 : memref<80x128xf32, #tpu.memory_space<vmem>>) dst(%dma_wait3A_55 : memref<80x128xf32, #tpu.memory_space<vmem_shared>>)
      tpu.yield
    }) : () -> ()
    %mul3A_20 = arith.constant 640 : i32
    %mul3A_21 = arith.muli %arg1, %mul3A_20 : i32
    %add3A_22 = arith.constant 320 : i32
    %add3A_23 = arith.addi %mul3A_21, %add3A_22 : i32
    "tpu.region"() ({
      %run_scoped3A = tpu.sem_alloc : memref<!tpu.dma_semaphore, #tpu.memory_space<semaphore_mem>>
      %dma_start3A = arith.constant 0 : i32
      %dma_start3A_50 = tpu.memref_slice %arg6[%add3A_23, %dma_start3A] : memref<10240x128xf32, #tpu.memory_space<vmem_shared>> -> memref<80x128xf32, #tpu.memory_space<vmem_shared>>
      %dma_start3A_51 = arith.constant 0 : i32
      %dma_start3A_52 = tpu.memref_slice %arg6[%add3A_23, %dma_start3A_51] : memref<10240x128xf32, #tpu.memory_space<vmem_shared>> -> memref<80x128xf32, #tpu.memory_space<vmem_shared>>
      tpu.enqueue_dma source(%arg9 : memref<80x128xf32, #tpu.memory_space<vmem>>) target(%dma_start3A_52 : memref<80x128xf32, #tpu.memory_space<vmem_shared>>) target_semaphore(%run_scoped3A : memref<!tpu.dma_semaphore, #tpu.memory_space<semaphore_mem>>)
      %dma_wait3A = arith.constant 0 : i32
      %dma_wait3A_53 = tpu.memref_slice %arg6[%add3A_23, %dma_wait3A] : memref<10240x128xf32, #tpu.memory_space<vmem_shared>> -> memref<80x128xf32, #tpu.memory_space<vmem_shared>>
      %dma_wait3A_54 = arith.constant 0 : i32
      %dma_wait3A_55 = tpu.memref_slice %arg6[%add3A_23, %dma_wait3A_54] : memref<10240x128xf32, #tpu.memory_space<vmem_shared>> -> memref<80x128xf32, #tpu.memory_space<vmem_shared>>
      tpu.wait_dma2 semaphore(%run_scoped3A : memref<!tpu.dma_semaphore, #tpu.memory_space<semaphore_mem>>) src(%arg9 : memref<80x128xf32, #tpu.memory_space<vmem>>) dst(%dma_wait3A_55 : memref<80x128xf32, #tpu.memory_space<vmem_shared>>)
      tpu.yield
    }) : () -> ()
    %mul3A_24 = arith.constant 640 : i32
    %mul3A_25 = arith.muli %arg1, %mul3A_24 : i32
    %add3A_26 = arith.constant 400 : i32
    %add3A_27 = arith.addi %mul3A_25, %add3A_26 : i32
    "tpu.region"() ({
      %run_scoped3A = tpu.sem_alloc : memref<!tpu.dma_semaphore, #tpu.memory_space<semaphore_mem>>
      %dma_start3A = arith.constant 0 : i32
      %dma_start3A_50 = tpu.memref_slice %arg6[%add3A_27, %dma_start3A] : memref<10240x128xf32, #tpu.memory_space<vmem_shared>> -> memref<80x128xf32, #tpu.memory_space<vmem_shared>>
      %dma_start3A_51 = arith.constant 0 : i32
      %dma_start3A_52 = tpu.memref_slice %arg6[%add3A_27, %dma_start3A_51] : memref<10240x128xf32, #tpu.memory_space<vmem_shared>> -> memref<80x128xf32, #tpu.memory_space<vmem_shared>>
      tpu.enqueue_dma source(%arg9 : memref<80x128xf32, #tpu.memory_space<vmem>>) target(%dma_start3A_52 : memref<80x128xf32, #tpu.memory_space<vmem_shared>>) target_semaphore(%run_scoped3A : memref<!tpu.dma_semaphore, #tpu.memory_space<semaphore_mem>>)
      %dma_wait3A = arith.constant 0 : i32
      %dma_wait3A_53 = tpu.memref_slice %arg6[%add3A_27, %dma_wait3A] : memref<10240x128xf32, #tpu.memory_space<vmem_shared>> -> memref<80x128xf32, #tpu.memory_space<vmem_shared>>
      %dma_wait3A_54 = arith.constant 0 : i32
      %dma_wait3A_55 = tpu.memref_slice %arg6[%add3A_27, %dma_wait3A_54] : memref<10240x128xf32, #tpu.memory_space<vmem_shared>> -> memref<80x128xf32, #tpu.memory_space<vmem_shared>>
      tpu.wait_dma2 semaphore(%run_scoped3A : memref<!tpu.dma_semaphore, #tpu.memory_space<semaphore_mem>>) src(%arg9 : memref<80x128xf32, #tpu.memory_space<vmem>>) dst(%dma_wait3A_55 : memref<80x128xf32, #tpu.memory_space<vmem_shared>>)
      tpu.yield
    }) : () -> ()
    %mul3A_28 = arith.constant 640 : i32
    %mul3A_29 = arith.muli %arg1, %mul3A_28 : i32
    %add3A_30 = arith.constant 480 : i32
    %add3A_31 = arith.addi %mul3A_29, %add3A_30 : i32
    "tpu.region"() ({
      %run_scoped3A = tpu.sem_alloc : memref<!tpu.dma_semaphore, #tpu.memory_space<semaphore_mem>>
      %dma_start3A = arith.constant 0 : i32
      %dma_start3A_50 = tpu.memref_slice %arg6[%add3A_31, %dma_start3A] : memref<10240x128xf32, #tpu.memory_space<vmem_shared>> -> memref<80x128xf32, #tpu.memory_space<vmem_shared>>
      %dma_start3A_51 = arith.constant 0 : i32
      %dma_start3A_52 = tpu.memref_slice %arg6[%add3A_31, %dma_start3A_51] : memref<10240x128xf32, #tpu.memory_space<vmem_shared>> -> memref<80x128xf32, #tpu.memory_space<vmem_shared>>
      tpu.enqueue_dma source(%arg9 : memref<80x128xf32, #tpu.memory_space<vmem>>) target(%dma_start3A_52 : memref<80x128xf32, #tpu.memory_space<vmem_shared>>) target_semaphore(%run_scoped3A : memref<!tpu.dma_semaphore, #tpu.memory_space<semaphore_mem>>)
      %dma_wait3A = arith.constant 0 : i32
      %dma_wait3A_53 = tpu.memref_slice %arg6[%add3A_31, %dma_wait3A] : memref<10240x128xf32, #tpu.memory_space<vmem_shared>> -> memref<80x128xf32, #tpu.memory_space<vmem_shared>>
      %dma_wait3A_54 = arith.constant 0 : i32
      %dma_wait3A_55 = tpu.memref_slice %arg6[%add3A_31, %dma_wait3A_54] : memref<10240x128xf32, #tpu.memory_space<vmem_shared>> -> memref<80x128xf32, #tpu.memory_space<vmem_shared>>
      tpu.wait_dma2 semaphore(%run_scoped3A : memref<!tpu.dma_semaphore, #tpu.memory_space<semaphore_mem>>) src(%arg9 : memref<80x128xf32, #tpu.memory_space<vmem>>) dst(%dma_wait3A_55 : memref<80x128xf32, #tpu.memory_space<vmem_shared>>)
      tpu.yield
    }) : () -> ()
    %mul3A_32 = arith.constant 640 : i32
    %mul3A_33 = arith.muli %arg1, %mul3A_32 : i32
    %add3A_34 = arith.constant 560 : i32
    %add3A_35 = arith.addi %mul3A_33, %add3A_34 : i32
    "tpu.region"() ({
      %run_scoped3A = tpu.sem_alloc : memref<!tpu.dma_semaphore, #tpu.memory_space<semaphore_mem>>
      %dma_start3A = arith.constant 0 : i32
      %dma_start3A_50 = tpu.memref_slice %arg6[%add3A_35, %dma_start3A] : memref<10240x128xf32, #tpu.memory_space<vmem_shared>> -> memref<80x128xf32, #tpu.memory_space<vmem_shared>>
      %dma_start3A_51 = arith.constant 0 : i32
      %dma_start3A_52 = tpu.memref_slice %arg6[%add3A_35, %dma_start3A_51] : memref<10240x128xf32, #tpu.memory_space<vmem_shared>> -> memref<80x128xf32, #tpu.memory_space<vmem_shared>>
      tpu.enqueue_dma source(%arg9 : memref<80x128xf32, #tpu.memory_space<vmem>>) target(%dma_start3A_52 : memref<80x128xf32, #tpu.memory_space<vmem_shared>>) target_semaphore(%run_scoped3A : memref<!tpu.dma_semaphore, #tpu.memory_space<semaphore_mem>>)
      %dma_wait3A = arith.constant 0 : i32
      %dma_wait3A_53 = tpu.memref_slice %arg6[%add3A_35, %dma_wait3A] : memref<10240x128xf32, #tpu.memory_space<vmem_shared>> -> memref<80x128xf32, #tpu.memory_space<vmem_shared>>
      %dma_wait3A_54 = arith.constant 0 : i32
      %dma_wait3A_55 = tpu.memref_slice %arg6[%add3A_35, %dma_wait3A_54] : memref<10240x128xf32, #tpu.memory_space<vmem_shared>> -> memref<80x128xf32, #tpu.memory_space<vmem_shared>>
      tpu.wait_dma2 semaphore(%run_scoped3A : memref<!tpu.dma_semaphore, #tpu.memory_space<semaphore_mem>>) src(%arg9 : memref<80x128xf32, #tpu.memory_space<vmem>>) dst(%dma_wait3A_55 : memref<80x128xf32, #tpu.memory_space<vmem_shared>>)
      tpu.yield
    }) : () -> ()
    %barrier3A = arith.constant 0 : index
    tpu.barrier barrier_id(%barrier3A)
    %mul3A_36 = arith.constant 10240 : i32
    %mul3A_37 = arith.muli %arg0, %mul3A_36 : i32
    %scan3A_38 = arith.constant 0 : i32
    %scan3A_39 = arith.constant 0 : i32
    %scan3A_40 = arith.constant 5 : i32
    %scan3A_41 = arith.addi %scan3A_39, %scan3A_40 : i32
    %scan3A_42 = arith.constant 1 : i32
    scf.for %scan3A_50 = %scan3A_39 to %scan3A_41 step %scan3A_42  : i32 {
      "tpu.region"() ({
        %run_scoped3A_82 = tpu.sem_alloc : memref<!tpu.dma_semaphore, #tpu.memory_space<semaphore_mem>>
        %dma_start3A_83 = arith.constant 0 : i32
        %dma_start3A_84 = arith.constant 0 : i32
        %dma_start3A_85 = tpu.memref_slice %arg3[%arg0, %arg1, %scan3A_50, %dma_start3A_83, %dma_start3A_84] : memref<2x16x5x50x80xi32, #tpu.memory_space<hbm>> -> memref<1x1x1x50x80xi32, #tpu.memory_space<hbm>>
        %dma_start3A_86 = tpu.memref_squeeze %dma_start3A_85 : memref<1x1x1x50x80xi32, #tpu.memory_space<hbm>> -> memref<50x80xi32, #tpu.memory_space<hbm>>
        %dma_start3A_87 = arith.constant 0 : i32
        %dma_start3A_88 = arith.constant 0 : i32
        %dma_start3A_89 = tpu.memref_slice %arg3[%arg0, %arg1, %scan3A_50, %dma_start3A_87, %dma_start3A_88] : memref<2x16x5x50x80xi32, #tpu.memory_space<hbm>> -> memref<1x1x1x50x80xi32, #tpu.memory_space<hbm>>
        %dma_start3A_90 = tpu.memref_squeeze %dma_start3A_89 : memref<1x1x1x50x80xi32, #tpu.memory_space<hbm>> -> memref<50x80xi32, #tpu.memory_space<hbm>>
        tpu.enqueue_dma source(%dma_start3A_90 : memref<50x80xi32, #tpu.memory_space<hbm>>) target(%arg7 : memref<50x80xi32, #tpu.memory_space<vmem>>) target_semaphore(%run_scoped3A_82 : memref<!tpu.dma_semaphore, #tpu.memory_space<semaphore_mem>>)
        %dma_wait3A_91 = arith.constant 0 : i32
        %dma_wait3A_92 = arith.constant 0 : i32
        %dma_wait3A_93 = tpu.memref_slice %arg3[%arg0, %arg1, %scan3A_50, %dma_wait3A_91, %dma_wait3A_92] : memref<2x16x5x50x80xi32, #tpu.memory_space<hbm>> -> memref<1x1x1x50x80xi32, #tpu.memory_space<hbm>>
        %dma_wait3A_94 = tpu.memref_squeeze %dma_wait3A_93 : memref<1x1x1x50x80xi32, #tpu.memory_space<hbm>> -> memref<50x80xi32, #tpu.memory_space<hbm>>
        %dma_wait3A_95 = arith.constant 0 : i32
        %dma_wait3A_96 = arith.constant 0 : i32
        %dma_wait3A_97 = tpu.memref_slice %arg3[%arg0, %arg1, %scan3A_50, %dma_wait3A_95, %dma_wait3A_96] : memref<2x16x5x50x80xi32, #tpu.memory_space<hbm>> -> memref<1x1x1x50x80xi32, #tpu.memory_space<hbm>>
        %dma_wait3A_98 = tpu.memref_squeeze %dma_wait3A_97 : memref<1x1x1x50x80xi32, #tpu.memory_space<hbm>> -> memref<50x80xi32, #tpu.memory_space<hbm>>
        tpu.wait_dma2 semaphore(%run_scoped3A_82 : memref<!tpu.dma_semaphore, #tpu.memory_space<semaphore_mem>>) src(%dma_wait3A_98 : memref<50x80xi32, #tpu.memory_space<hbm>>) dst(%arg7 : memref<50x80xi32, #tpu.memory_space<vmem>>)
        tpu.yield
      }) : () -> ()
      "tpu.region"() ({
        %run_scoped3A_82 = tpu.sem_alloc : memref<!tpu.dma_semaphore, #tpu.memory_space<semaphore_mem>>
        %dma_start3A_83 = arith.constant 0 : i32
        %dma_start3A_84 = arith.constant 0 : i32
        %dma_start3A_85 = tpu.memref_slice %arg4[%arg1, %scan3A_50, %dma_start3A_83, %dma_start3A_84] : memref<16x5x50x80xi32, #tpu.memory_space<hbm>> -> memref<1x1x50x80xi32, #tpu.memory_space<hbm>>
        %dma_start3A_86 = tpu.memref_squeeze %dma_start3A_85 : memref<1x1x50x80xi32, #tpu.memory_space<hbm>> -> memref<50x80xi32, #tpu.memory_space<hbm>>
        %dma_start3A_87 = arith.constant 0 : i32
        %dma_start3A_88 = arith.constant 0 : i32
        %dma_start3A_89 = tpu.memref_slice %arg4[%arg1, %scan3A_50, %dma_start3A_87, %dma_start3A_88] : memref<16x5x50x80xi32, #tpu.memory_space<hbm>> -> memref<1x1x50x80xi32, #tpu.memory_space<hbm>>
        %dma_start3A_90 = tpu.memref_squeeze %dma_start3A_89 : memref<1x1x50x80xi32, #tpu.memory_space<hbm>> -> memref<50x80xi32, #tpu.memory_space<hbm>>
        tpu.enqueue_dma source(%dma_start3A_90 : memref<50x80xi32, #tpu.memory_space<hbm>>) target(%arg8 : memref<50x80xi32, #tpu.memory_space<vmem>>) target_semaphore(%run_scoped3A_82 : memref<!tpu.dma_semaphore, #tpu.memory_space<semaphore_mem>>)
        %dma_wait3A_91 = arith.constant 0 : i32
        %dma_wait3A_92 = arith.constant 0 : i32
        %dma_wait3A_93 = tpu.memref_slice %arg4[%arg1, %scan3A_50, %dma_wait3A_91, %dma_wait3A_92] : memref<16x5x50x80xi32, #tpu.memory_space<hbm>> -> memref<1x1x50x80xi32, #tpu.memory_space<hbm>>
        %dma_wait3A_94 = tpu.memref_squeeze %dma_wait3A_93 : memref<1x1x50x80xi32, #tpu.memory_space<hbm>> -> memref<50x80xi32, #tpu.memory_space<hbm>>
        %dma_wait3A_95 = arith.constant 0 : i32
        %dma_wait3A_96 = arith.constant 0 : i32
        %dma_wait3A_97 = tpu.memref_slice %arg4[%arg1, %scan3A_50, %dma_wait3A_95, %dma_wait3A_96] : memref<16x5x50x80xi32, #tpu.memory_space<hbm>> -> memref<1x1x50x80xi32, #tpu.memory_space<hbm>>
        %dma_wait3A_98 = tpu.memref_squeeze %dma_wait3A_97 : memref<1x1x50x80xi32, #tpu.memory_space<hbm>> -> memref<50x80xi32, #tpu.memory_space<hbm>>
        tpu.wait_dma2 semaphore(%run_scoped3A_82 : memref<!tpu.dma_semaphore, #tpu.memory_space<semaphore_mem>>) src(%dma_wait3A_98 : memref<50x80xi32, #tpu.memory_space<hbm>>) dst(%arg8 : memref<50x80xi32, #tpu.memory_space<vmem>>)
        tpu.yield
      }) : () -> ()
      %dma_start3A = arith.constant 0 : i32
      %dma_start3A_51 = arith.constant 0 : i32
      %dma_start3A_52 = tpu.memref_slice %arg7[%dma_start3A, %dma_start3A_51] : memref<50x80xi32, #tpu.memory_space<vmem>> -> memref<1x80xi32, #tpu.memory_space<vmem>>
      %dma_start3A_53 = tpu.memref_squeeze %dma_start3A_52 : memref<1x80xi32, #tpu.memory_space<vmem>> -> memref<80xi32, #tpu.memory_space<vmem>>
      %dma_start3A_54 = arith.constant 0 : i32
      %dma_start3A_55 = arith.constant 0 : i32
      %dma_start3A_56 = tpu.memref_slice %arg2[%dma_start3A_54, %dma_start3A_55] : memref<20000x128xf32, #tpu.memory_space<hbm>> -> memref<20000x128xf32, #tpu.memory_space<hbm>>
      tpu.enqueue_indirect_dma source(%dma_start3A_56 : memref<20000x128xf32, #tpu.memory_space<hbm>>) target(%arg9 : memref<80x128xf32, #tpu.memory_space<vmem>>) offsets(%dma_start3A_53 : memref<80xi32, #tpu.memory_space<vmem>>) semaphore(%arg11 : memref<!tpu.dma_semaphore, #tpu.memory_space<semaphore_mem>>)
      %scan3A_57 = arith.constant 0 : i32
      %scan3A_58 = arith.constant 0 : i32
      %scan3A_59 = arith.constant 24 : i32
      %scan3A_60 = arith.addi %scan3A_58, %scan3A_59 : i32
      %scan3A_61 = arith.constant 1 : i32
      scf.for %scan3A_82 = %scan3A_58 to %scan3A_60 step %scan3A_61  : i32 {
        %mul3A_83 = arith.constant 2 : i32
        %mul3A_84 = arith.muli %mul3A_83, %scan3A_82 : i32
        %add3A_85 = arith.constant 1 : i32
        %add3A_86 = arith.addi %mul3A_84, %add3A_85 : i32
        %dma_start3A_87 = arith.constant 0 : i32
        %dma_start3A_88 = tpu.memref_slice %arg7[%add3A_86, %dma_start3A_87] : memref<50x80xi32, #tpu.memory_space<vmem>> -> memref<1x80xi32, #tpu.memory_space<vmem>>
        %dma_start3A_89 = tpu.memref_squeeze %dma_start3A_88 : memref<1x80xi32, #tpu.memory_space<vmem>> -> memref<80xi32, #tpu.memory_space<vmem>>
        %dma_start3A_90 = arith.constant 0 : i32
        %dma_start3A_91 = arith.constant 0 : i32
        %dma_start3A_92 = tpu.memref_slice %arg2[%dma_start3A_90, %dma_start3A_91] : memref<20000x128xf32, #tpu.memory_space<hbm>> -> memref<20000x128xf32, #tpu.memory_space<hbm>>
        tpu.enqueue_indirect_dma source(%dma_start3A_92 : memref<20000x128xf32, #tpu.memory_space<hbm>>) target(%arg10 : memref<80x128xf32, #tpu.memory_space<vmem>>) offsets(%dma_start3A_89 : memref<80xi32, #tpu.memory_space<vmem>>) semaphore(%arg12 : memref<!tpu.dma_semaphore, #tpu.memory_space<semaphore_mem>>)
        %dma_wait3A_93 = arith.constant 0 : i32
        %dma_wait3A_94 = arith.constant 0 : i32
        %dma_wait3A_95 = tpu.memref_slice %arg2[%dma_wait3A_93, %dma_wait3A_94] : memref<20000x128xf32, #tpu.memory_space<hbm>> -> memref<80x128xf32, #tpu.memory_space<hbm>>
        %dma_wait3A_96 = arith.constant 0 : i32
        %dma_wait3A_97 = arith.constant 0 : i32
        %dma_wait3A_98 = tpu.memref_slice %arg2[%dma_wait3A_96, %dma_wait3A_97] : memref<20000x128xf32, #tpu.memory_space<hbm>> -> memref<80x128xf32, #tpu.memory_space<hbm>>
        tpu.wait_dma2 semaphore(%arg11 : memref<!tpu.dma_semaphore, #tpu.memory_space<semaphore_mem>>) src(%dma_wait3A_98 : memref<80x128xf32, #tpu.memory_space<hbm>>) dst(%arg9 : memref<80x128xf32, #tpu.memory_space<vmem>>)
        "tpu.region"() ({
          %run_scoped3A_115 = tpu.sem_alloc : memref<!tpu.dma_semaphore, #tpu.memory_space<semaphore_mem>>
          %dma_start3A_116 = arith.constant 0 : i32
          %dma_start3A_117 = tpu.memref_slice %arg8[%mul3A_84, %dma_start3A_116] : memref<50x80xi32, #tpu.memory_space<vmem>> -> memref<1x80xi32, #tpu.memory_space<vmem>>
          %dma_start3A_118 = tpu.memref_squeeze %dma_start3A_117 : memref<1x80xi32, #tpu.memory_space<vmem>> -> memref<80xi32, #tpu.memory_space<vmem>>
          %dma_start3A_119 = arith.constant 0 : i32
          %dma_start3A_120 = arith.constant 0 : i32
          %dma_start3A_121 = tpu.memref_slice %arg6[%dma_start3A_119, %dma_start3A_120] : memref<10240x128xf32, #tpu.memory_space<vmem_shared>> -> memref<10240x128xf32, #tpu.memory_space<vmem_shared>>
          tpu.enqueue_indirect_dma source(%arg9 : memref<80x128xf32, #tpu.memory_space<vmem>>) target(%dma_start3A_121 : memref<10240x128xf32, #tpu.memory_space<vmem_shared>>) offsets(%dma_start3A_118 : memref<80xi32, #tpu.memory_space<vmem>>) semaphore(%run_scoped3A_115 : memref<!tpu.dma_semaphore, #tpu.memory_space<semaphore_mem>>) {add = true}
          %dma_wait3A_122 = arith.constant 0 : i32
          %dma_wait3A_123 = tpu.memref_slice %arg8[%mul3A_84, %dma_wait3A_122] : memref<50x80xi32, #tpu.memory_space<vmem>> -> memref<1x80xi32, #tpu.memory_space<vmem>>
          %dma_wait3A_124 = tpu.memref_squeeze %dma_wait3A_123 : memref<1x80xi32, #tpu.memory_space<vmem>> -> memref<80xi32, #tpu.memory_space<vmem>>
          %dma_wait3A_125 = arith.constant 0 : i32
          %dma_wait3A_126 = arith.constant 0 : i32
          %dma_wait3A_127 = tpu.memref_slice %arg6[%dma_wait3A_125, %dma_wait3A_126] : memref<10240x128xf32, #tpu.memory_space<vmem_shared>> -> memref<10240x128xf32, #tpu.memory_space<vmem_shared>>
          tpu.wait_indirect_dma semaphore(%run_scoped3A_115 : memref<!tpu.dma_semaphore, #tpu.memory_space<semaphore_mem>>) src(%arg9 : memref<80x128xf32, #tpu.memory_space<vmem>>) dst(%dma_wait3A_127 : memref<10240x128xf32, #tpu.memory_space<vmem_shared>>)
          tpu.yield
        }) : () -> ()
        %add3A_99 = arith.constant 2 : i32
        %add3A_100 = arith.addi %mul3A_84, %add3A_99 : i32
        %dma_start3A_101 = arith.constant 0 : i32
        %dma_start3A_102 = tpu.memref_slice %arg7[%add3A_100, %dma_start3A_101] : memref<50x80xi32, #tpu.memory_space<vmem>> -> memref<1x80xi32, #tpu.memory_space<vmem>>
        %dma_start3A_103 = tpu.memref_squeeze %dma_start3A_102 : memref<1x80xi32, #tpu.memory_space<vmem>> -> memref<80xi32, #tpu.memory_space<vmem>>
        %dma_start3A_104 = arith.constant 0 : i32
        %dma_start3A_105 = arith.constant 0 : i32
        %dma_start3A_106 = tpu.memref_slice %arg2[%dma_start3A_104, %dma_start3A_105] : memref<20000x128xf32, #tpu.memory_space<hbm>> -> memref<20000x128xf32, #tpu.memory_space<hbm>>
        tpu.enqueue_indirect_dma source(%dma_start3A_106 : memref<20000x128xf32, #tpu.memory_space<hbm>>) target(%arg9 : memref<80x128xf32, #tpu.memory_space<vmem>>) offsets(%dma_start3A_103 : memref<80xi32, #tpu.memory_space<vmem>>) semaphore(%arg11 : memref<!tpu.dma_semaphore, #tpu.memory_space<semaphore_mem>>)
        %dma_wait3A_107 = arith.constant 0 : i32
        %dma_wait3A_108 = arith.constant 0 : i32
        %dma_wait3A_109 = tpu.memref_slice %arg2[%dma_wait3A_107, %dma_wait3A_108] : memref<20000x128xf32, #tpu.memory_space<hbm>> -> memref<80x128xf32, #tpu.memory_space<hbm>>
        %dma_wait3A_110 = arith.constant 0 : i32
        %dma_wait3A_111 = arith.constant 0 : i32
        %dma_wait3A_112 = tpu.memref_slice %arg2[%dma_wait3A_110, %dma_wait3A_111] : memref<20000x128xf32, #tpu.memory_space<hbm>> -> memref<80x128xf32, #tpu.memory_space<hbm>>
        tpu.wait_dma2 semaphore(%arg12 : memref<!tpu.dma_semaphore, #tpu.memory_space<semaphore_mem>>) src(%dma_wait3A_112 : memref<80x128xf32, #tpu.memory_space<hbm>>) dst(%arg10 : memref<80x128xf32, #tpu.memory_space<vmem>>)
        %add3A_113 = arith.constant 1 : i32
        %add3A_114 = arith.addi %mul3A_84, %add3A_113 : i32
        "tpu.region"() ({
          %run_scoped3A_115 = tpu.sem_alloc : memref<!tpu.dma_semaphore, #tpu.memory_space<semaphore_mem>>
          %dma_start3A_116 = arith.constant 0 : i32
          %dma_start3A_117 = tpu.memref_slice %arg8[%add3A_114, %dma_start3A_116] : memref<50x80xi32, #tpu.memory_space<vmem>> -> memref<1x80xi32, #tpu.memory_space<vmem>>
          %dma_start3A_118 = tpu.memref_squeeze %dma_start3A_117 : memref<1x80xi32, #tpu.memory_space<vmem>> -> memref<80xi32, #tpu.memory_space<vmem>>
          %dma_start3A_119 = arith.constant 0 : i32
          %dma_start3A_120 = arith.constant 0 : i32
          %dma_start3A_121 = tpu.memref_slice %arg6[%dma_start3A_119, %dma_start3A_120] : memref<10240x128xf32, #tpu.memory_space<vmem_shared>> -> memref<10240x128xf32, #tpu.memory_space<vmem_shared>>
          tpu.enqueue_indirect_dma source(%arg10 : memref<80x128xf32, #tpu.memory_space<vmem>>) target(%dma_start3A_121 : memref<10240x128xf32, #tpu.memory_space<vmem_shared>>) offsets(%dma_start3A_118 : memref<80xi32, #tpu.memory_space<vmem>>) semaphore(%run_scoped3A_115 : memref<!tpu.dma_semaphore, #tpu.memory_space<semaphore_mem>>) {add = true}
          %dma_wait3A_122 = arith.constant 0 : i32
          %dma_wait3A_123 = tpu.memref_slice %arg8[%add3A_114, %dma_wait3A_122] : memref<50x80xi32, #tpu.memory_space<vmem>> -> memref<1x80xi32, #tpu.memory_space<vmem>>
          %dma_wait3A_124 = tpu.memref_squeeze %dma_wait3A_123 : memref<1x80xi32, #tpu.memory_space<vmem>> -> memref<80xi32, #tpu.memory_space<vmem>>
          %dma_wait3A_125 = arith.constant 0 : i32
          %dma_wait3A_126 = arith.constant 0 : i32
          %dma_wait3A_127 = tpu.memref_slice %arg6[%dma_wait3A_125, %dma_wait3A_126] : memref<10240x128xf32, #tpu.memory_space<vmem_shared>> -> memref<10240x128xf32, #tpu.memory_space<vmem_shared>>
          tpu.wait_indirect_dma semaphore(%run_scoped3A_115 : memref<!tpu.dma_semaphore, #tpu.memory_space<semaphore_mem>>) src(%arg10 : memref<80x128xf32, #tpu.memory_space<vmem>>) dst(%dma_wait3A_127 : memref<10240x128xf32, #tpu.memory_space<vmem_shared>>)
          tpu.yield
        }) : () -> ()
      }
      %scan3A_62 = arith.constant 24 : i32
      %dma_start3A_63 = arith.constant 49 : i32
      %dma_start3A_64 = arith.constant 0 : i32
      %dma_start3A_65 = tpu.memref_slice %arg7[%dma_start3A_63, %dma_start3A_64] : memref<50x80xi32, #tpu.memory_space<vmem>> -> memref<1x80xi32, #tpu.memory_space<vmem>>
      %dma_start3A_66 = tpu.memref_squeeze %dma_start3A_65 : memref<1x80xi32, #tpu.memory_space<vmem>> -> memref<80xi32, #tpu.memory_space<vmem>>
      %dma_start3A_67 = arith.constant 0 : i32
      %dma_start3A_68 = arith.constant 0 : i32
      %dma_start3A_69 = tpu.memref_slice %arg2[%dma_start3A_67, %dma_start3A_68] : memref<20000x128xf32, #tpu.memory_space<hbm>> -> memref<20000x128xf32, #tpu.memory_space<hbm>>
      tpu.enqueue_indirect_dma source(%dma_start3A_69 : memref<20000x128xf32, #tpu.memory_space<hbm>>) target(%arg10 : memref<80x128xf32, #tpu.memory_space<vmem>>) offsets(%dma_start3A_66 : memref<80xi32, #tpu.memory_space<vmem>>) semaphore(%arg12 : memref<!tpu.dma_semaphore, #tpu.memory_space<semaphore_mem>>)
      %dma_wait3A = arith.constant 0 : i32
      %dma_wait3A_70 = arith.constant 0 : i32
      %dma_wait3A_71 = tpu.memref_slice %arg2[%dma_wait3A, %dma_wait3A_70] : memref<20000x128xf32, #tpu.memory_space<hbm>> -> memref<80x128xf32, #tpu.memory_space<hbm>>
      %dma_wait3A_72 = arith.constant 0 : i32
      %dma_wait3A_73 = arith.constant 0 : i32
      %dma_wait3A_74 = tpu.memref_slice %arg2[%dma_wait3A_72, %dma_wait3A_73] : memref<20000x128xf32, #tpu.memory_space<hbm>> -> memref<80x128xf32, #tpu.memory_space<hbm>>
      tpu.wait_dma2 semaphore(%arg11 : memref<!tpu.dma_semaphore, #tpu.memory_space<semaphore_mem>>) src(%dma_wait3A_74 : memref<80x128xf32, #tpu.memory_space<hbm>>) dst(%arg9 : memref<80x128xf32, #tpu.memory_space<vmem>>)
      %run_scoped3A = arith.constant 48 : i32
      "tpu.region"() ({
        %run_scoped3A_82 = tpu.sem_alloc : memref<!tpu.dma_semaphore, #tpu.memory_space<semaphore_mem>>
        %dma_start3A_83 = arith.constant 0 : i32
        %dma_start3A_84 = tpu.memref_slice %arg8[%run_scoped3A, %dma_start3A_83] : memref<50x80xi32, #tpu.memory_space<vmem>> -> memref<1x80xi32, #tpu.memory_space<vmem>>
        %dma_start3A_85 = tpu.memref_squeeze %dma_start3A_84 : memref<1x80xi32, #tpu.memory_space<vmem>> -> memref<80xi32, #tpu.memory_space<vmem>>
        %dma_start3A_86 = arith.constant 0 : i32
        %dma_start3A_87 = arith.constant 0 : i32
        %dma_start3A_88 = tpu.memref_slice %arg6[%dma_start3A_86, %dma_start3A_87] : memref<10240x128xf32, #tpu.memory_space<vmem_shared>> -> memref<10240x128xf32, #tpu.memory_space<vmem_shared>>
        tpu.enqueue_indirect_dma source(%arg9 : memref<80x128xf32, #tpu.memory_space<vmem>>) target(%dma_start3A_88 : memref<10240x128xf32, #tpu.memory_space<vmem_shared>>) offsets(%dma_start3A_85 : memref<80xi32, #tpu.memory_space<vmem>>) semaphore(%run_scoped3A_82 : memref<!tpu.dma_semaphore, #tpu.memory_space<semaphore_mem>>) {add = true}
        %dma_wait3A_89 = arith.constant 0 : i32
        %dma_wait3A_90 = tpu.memref_slice %arg8[%run_scoped3A, %dma_wait3A_89] : memref<50x80xi32, #tpu.memory_space<vmem>> -> memref<1x80xi32, #tpu.memory_space<vmem>>
        %dma_wait3A_91 = tpu.memref_squeeze %dma_wait3A_90 : memref<1x80xi32, #tpu.memory_space<vmem>> -> memref<80xi32, #tpu.memory_space<vmem>>
        %dma_wait3A_92 = arith.constant 0 : i32
        %dma_wait3A_93 = arith.constant 0 : i32
        %dma_wait3A_94 = tpu.memref_slice %arg6[%dma_wait3A_92, %dma_wait3A_93] : memref<10240x128xf32, #tpu.memory_space<vmem_shared>> -> memref<10240x128xf32, #tpu.memory_space<vmem_shared>>
        tpu.wait_indirect_dma semaphore(%run_scoped3A_82 : memref<!tpu.dma_semaphore, #tpu.memory_space<semaphore_mem>>) src(%arg9 : memref<80x128xf32, #tpu.memory_space<vmem>>) dst(%dma_wait3A_94 : memref<10240x128xf32, #tpu.memory_space<vmem_shared>>)
        tpu.yield
      }) : () -> ()
      %dma_wait3A_75 = arith.constant 0 : i32
      %dma_wait3A_76 = arith.constant 0 : i32
      %dma_wait3A_77 = tpu.memref_slice %arg2[%dma_wait3A_75, %dma_wait3A_76] : memref<20000x128xf32, #tpu.memory_space<hbm>> -> memref<80x128xf32, #tpu.memory_space<hbm>>
      %dma_wait3A_78 = arith.constant 0 : i32
      %dma_wait3A_79 = arith.constant 0 : i32
      %dma_wait3A_80 = tpu.memref_slice %arg2[%dma_wait3A_78, %dma_wait3A_79] : memref<20000x128xf32, #tpu.memory_space<hbm>> -> memref<80x128xf32, #tpu.memory_space<hbm>>
      tpu.wait_dma2 semaphore(%arg12 : memref<!tpu.dma_semaphore, #tpu.memory_space<semaphore_mem>>) src(%dma_wait3A_80 : memref<80x128xf32, #tpu.memory_space<hbm>>) dst(%arg10 : memref<80x128xf32, #tpu.memory_space<vmem>>)
      %run_scoped3A_81 = arith.constant 49 : i32
      "tpu.region"() ({
        %run_scoped3A_82 = tpu.sem_alloc : memref<!tpu.dma_semaphore, #tpu.memory_space<semaphore_mem>>
        %dma_start3A_83 = arith.constant 0 : i32
        %dma_start3A_84 = tpu.memref_slice %arg8[%run_scoped3A_81, %dma_start3A_83] : memref<50x80xi32, #tpu.memory_space<vmem>> -> memref<1x80xi32, #tpu.memory_space<vmem>>
        %dma_start3A_85 = tpu.memref_squeeze %dma_start3A_84 : memref<1x80xi32, #tpu.memory_space<vmem>> -> memref<80xi32, #tpu.memory_space<vmem>>
        %dma_start3A_86 = arith.constant 0 : i32
        %dma_start3A_87 = arith.constant 0 : i32
        %dma_start3A_88 = tpu.memref_slice %arg6[%dma_start3A_86, %dma_start3A_87] : memref<10240x128xf32, #tpu.memory_space<vmem_shared>> -> memref<10240x128xf32, #tpu.memory_space<vmem_shared>>
        tpu.enqueue_indirect_dma source(%arg10 : memref<80x128xf32, #tpu.memory_space<vmem>>) target(%dma_start3A_88 : memref<10240x128xf32, #tpu.memory_space<vmem_shared>>) offsets(%dma_start3A_85 : memref<80xi32, #tpu.memory_space<vmem>>) semaphore(%run_scoped3A_82 : memref<!tpu.dma_semaphore, #tpu.memory_space<semaphore_mem>>) {add = true}
        %dma_wait3A_89 = arith.constant 0 : i32
        %dma_wait3A_90 = tpu.memref_slice %arg8[%run_scoped3A_81, %dma_wait3A_89] : memref<50x80xi32, #tpu.memory_space<vmem>> -> memref<1x80xi32, #tpu.memory_space<vmem>>
        %dma_wait3A_91 = tpu.memref_squeeze %dma_wait3A_90 : memref<1x80xi32, #tpu.memory_space<vmem>> -> memref<80xi32, #tpu.memory_space<vmem>>
        %dma_wait3A_92 = arith.constant 0 : i32
        %dma_wait3A_93 = arith.constant 0 : i32
        %dma_wait3A_94 = tpu.memref_slice %arg6[%dma_wait3A_92, %dma_wait3A_93] : memref<10240x128xf32, #tpu.memory_space<vmem_shared>> -> memref<10240x128xf32, #tpu.memory_space<vmem_shared>>
        tpu.wait_indirect_dma semaphore(%run_scoped3A_82 : memref<!tpu.dma_semaphore, #tpu.memory_space<semaphore_mem>>) src(%arg10 : memref<80x128xf32, #tpu.memory_space<vmem>>) dst(%dma_wait3A_94 : memref<10240x128xf32, #tpu.memory_space<vmem_shared>>)
        tpu.yield
      }) : () -> ()
    }
    %scan3A_43 = arith.constant 5 : i32
    %barrier3A_44 = arith.constant 0 : index
    tpu.barrier barrier_id(%barrier3A_44)
    %mul3A_45 = arith.constant 640 : i32
    %mul3A_46 = arith.muli %arg1, %mul3A_45 : i32
    %mul3A_47 = arith.constant 640 : i32
    %mul3A_48 = arith.muli %arg1, %mul3A_47 : i32
    %add3A_49 = arith.addi %mul3A_37, %mul3A_48 : i32
    "tpu.region"() ({
      %run_scoped3A = tpu.sem_alloc : memref<!tpu.dma_semaphore, #tpu.memory_space<semaphore_mem>>
      %dma_start3A = arith.constant 0 : i32
      %dma_start3A_50 = tpu.memref_slice %arg5[%add3A_49, %dma_start3A] : memref<20480x128xf32, #tpu.memory_space<hbm>> -> memref<640x128xf32, #tpu.memory_space<hbm>>
      %dma_start3A_51 = arith.constant 0 : i32
      %dma_start3A_52 = tpu.memref_slice %arg6[%mul3A_46, %dma_start3A_51] : memref<10240x128xf32, #tpu.memory_space<vmem_shared>> -> memref<640x128xf32, #tpu.memory_space<vmem_shared>>
      tpu.enqueue_dma source(%dma_start3A_52 : memref<640x128xf32, #tpu.memory_space<vmem_shared>>) target(%dma_start3A_50 : memref<640x128xf32, #tpu.memory_space<hbm>>) target_semaphore(%run_scoped3A : memref<!tpu.dma_semaphore, #tpu.memory_space<semaphore_mem>>)
      %dma_wait3A = arith.constant 0 : i32
      %dma_wait3A_53 = tpu.memref_slice %arg5[%add3A_49, %dma_wait3A] : memref<20480x128xf32, #tpu.memory_space<hbm>> -> memref<640x128xf32, #tpu.memory_space<hbm>>
      %dma_wait3A_54 = arith.constant 0 : i32
      %dma_wait3A_55 = tpu.memref_slice %arg6[%mul3A_46, %dma_wait3A_54] : memref<10240x128xf32, #tpu.memory_space<vmem_shared>> -> memref<640x128xf32, #tpu.memory_space<vmem_shared>>
      tpu.wait_dma2 semaphore(%run_scoped3A : memref<!tpu.dma_semaphore, #tpu.memory_space<semaphore_mem>>) src(%dma_wait3A_55 : memref<640x128xf32, #tpu.memory_space<vmem_shared>>) dst(%dma_wait3A_53 : memref<640x128xf32, #tpu.memory_space<hbm>>)
      tpu.yield
    }) : () -> ()
    return
  }
}

#map = affine_map<(d0, d1) -> (0, 0)>
#map1 = affine_map<(d0, d1) -> (0, 0, 0, 0, 0)>
#map2 = affine_map<(d0, d1) -> (0, 0, 0, 0)>
module attributes {stable_mosaic.version = 14 : i64} {
  func.func @body(%arg0: i32, %arg1: i32, %arg2: memref<20000x128xf32, #tpu.memory_space<hbm>>, %arg3: memref<2x16x5x50x80xi32, #tpu.memory_space<hbm>>, %arg4: memref<16x5x50x80xi32, #tpu.memory_space<hbm>>, %arg5: memref<20480x128xf32, #tpu.memory_space<hbm>>, %arg6: memref<10240x128xf32, #tpu.memory_space<vmem_shared>>, %arg7: memref<50x80xi32, #tpu.memory_space<vmem>>, %arg8: memref<50x80xi32, #tpu.memory_space<vmem>>, %arg9: memref<80x128xf32, #tpu.memory_space<vmem>>, %arg10: memref<80x128xf32, #tpu.memory_space<vmem>>, %arg11: memref<!tpu.dma_semaphore, #tpu.memory_space<semaphore_mem>>, %arg12: memref<!tpu.dma_semaphore, #tpu.memory_space<semaphore_mem>>) attributes {dimension_semantics = [#tpu.dimension_semantics<core_parallel>, #tpu.dimension_semantics<subcore_parallel>], iteration_bounds = array<i64: 2, 16>, scalar_prefetch = 0 : i64, scratch_operands = 7 : i64, tpu.core_type = #tpu.core_type<sc_vector_subcore>, window_params = [{transform_indices = #map}, {transform_indices = #map1}, {transform_indices = #map2}, {transform_indices = #map}]} {
    %broadcast_in_dim3A = arith.constant 0.000000e+00 : f32
    %broadcast_in_dim3A_0 = vector.broadcast %broadcast_in_dim3A : f32 to vector<16xf32>
    %scan3A = arith.constant 0 : i32
    %scan3A_1 = arith.constant 0 : i32
    %scan3A_2 = arith.constant 80 : i32
    %scan3A_3 = arith.addi %scan3A_1, %scan3A_2 : i32
    %scan3A_4 = arith.constant 1 : i32
    scf.for %scan3A_50 = %scan3A_1 to %scan3A_3 step %scan3A_4  : i32 {
      %swap3A = arith.index_cast %scan3A_50 : i32 to index
      %swap3A_51 = arith.constant 0 : index
      %swap3A_52 = tpu.vector_load %arg9[%swap3A, %swap3A_51] {strides = array<i32>} : memref<80x128xf32, #tpu.memory_space<vmem>>, vector<1x16xf32>,
      %swap3A_53 = vector.shape_cast %swap3A_52 : vector<1x16xf32> to vector<16xf32>
      %swap3A_54 = vector.shape_cast %broadcast_in_dim3A_0 : vector<16xf32> to vector<1x16xf32>
      tpu.vector_store %arg9[%swap3A, %swap3A_51], %swap3A_54 {strides = array<i32>} : memref<80x128xf32, #tpu.memory_space<vmem>>, vector<1x16xf32>,
      %swap3A_55 = arith.index_cast %scan3A_50 : i32 to index
      %swap3A_56 = arith.constant 16 : index
      %swap3A_57 = tpu.vector_load %arg9[%swap3A_55, %swap3A_56] {strides = array<i32>} : memref<80x128xf32, #tpu.memory_space<vmem>>, vector<1x16xf32>,
      %swap3A_58 = vector.shape_cast %swap3A_57 : vector<1x16xf32> to vector<16xf32>
      %swap3A_59 = vector.shape_cast %broadcast_in_dim3A_0 : vector<16xf32> to vector<1x16xf32>
      tpu.vector_store %arg9[%swap3A_55, %swap3A_56], %swap3A_59 {strides = array<i32>} : memref<80x128xf32, #tpu.memory_space<vmem>>, vector<1x16xf32>,
      %swap3A_60 = arith.index_cast %scan3A_50 : i32 to index
      %swap3A_61 = arith.constant 32 : index
      %swap3A_62 = tpu.vector_load %arg9[%swap3A_60, %swap3A_61] {strides = array<i32>} : memref<80x128xf32, #tpu.memory_space<vmem>>, vector<1x16xf32>,
      %swap3A_63 = vector.shape_cast %swap3A_62 : vector<1x16xf32> to vector<16xf32>
      %swap3A_64 = vector.shape_cast %broadcast_in_dim3A_0 : vector<16xf32> to vector<1x16xf32>
      tpu.vector_store %arg9[%swap3A_60, %swap3A_61], %swap3A_64 {strides = array<i32>} : memref<80x128xf32, #tpu.memory_space<vmem>>, vector<1x16xf32>,
      %swap3A_65 = arith.index_cast %scan3A_50 : i32 to index
      %swap3A_66 = arith.constant 48 : index
      %swap3A_67 = tpu.vector_load %arg9[%swap3A_65, %swap3A_66] {strides = array<i32>} : memref<80x128xf32, #tpu.memory_space<vmem>>, vector<1x16xf32>,
      %swap3A_68 = vector.shape_cast %swap3A_67 : vector<1x16xf32> to vector<16xf32>
      %swap3A_69 = vector.shape_cast %broadcast_in_dim3A_0 : vector<16xf32> to vector<1x16xf32>
      tpu.vector_store %arg9[%swap3A_65, %swap3A_66], %swap3A_69 {strides = array<i32>} : memref<80x128xf32, #tpu.memory_space<vmem>>, vector<1x16xf32>,
      %swap3A_70 = arith.index_cast %scan3A_50 : i32 to index
      %swap3A_71 = arith.constant 64 : index
      %swap3A_72 = tpu.vector_load %arg9[%swap3A_70, %swap3A_71] {strides = array<i32>} : memref<80x128xf32, #tpu.memory_space<vmem>>, vector<1x16xf32>,
      %swap3A_73 = vector.shape_cast %swap3A_72 : vector<1x16xf32> to vector<16xf32>
      %swap3A_74 = vector.shape_cast %broadcast_in_dim3A_0 : vector<16xf32> to vector<1x16xf32>
      tpu.vector_store %arg9[%swap3A_70, %swap3A_71], %swap3A_74 {strides = array<i32>} : memref<80x128xf32, #tpu.memory_space<vmem>>, vector<1x16xf32>,
      %swap3A_75 = arith.index_cast %scan3A_50 : i32 to index
      %swap3A_76 = arith.constant 80 : index
      %swap3A_77 = tpu.vector_load %arg9[%swap3A_75, %swap3A_76] {strides = array<i32>} : memref<80x128xf32, #tpu.memory_space<vmem>>, vector<1x16xf32>,
      %swap3A_78 = vector.shape_cast %swap3A_77 : vector<1x16xf32> to vector<16xf32>
      %swap3A_79 = vector.shape_cast %broadcast_in_dim3A_0 : vector<16xf32> to vector<1x16xf32>
      tpu.vector_store %arg9[%swap3A_75, %swap3A_76], %swap3A_79 {strides = array<i32>} : memref<80x128xf32, #tpu.memory_space<vmem>>, vector<1x16xf32>,
      %swap3A_80 = arith.index_cast %scan3A_50 : i32 to index
      %swap3A_81 = arith.constant 96 : index
      %swap3A_82 = tpu.vector_load %arg9[%swap3A_80, %swap3A_81] {strides = array<i32>} : memref<80x128xf32, #tpu.memory_space<vmem>>, vector<1x16xf32>,
      %swap3A_83 = vector.shape_cast %swap3A_82 : vector<1x16xf32> to vector<16xf32>
      %swap3A_84 = vector.shape_cast %broadcast_in_dim3A_0 : vector<16xf32> to vector<1x16xf32>
      tpu.vector_store %arg9[%swap3A_80, %swap3A_81], %swap3A_84 {strides = array<i32>} : memref<80x128xf32, #tpu.memory_space<vmem>>, vector<1x16xf32>,
      %swap3A_85 = arith.index_cast %scan3A_50 : i32 to index
      %swap3A_86 = arith.constant 112 : index
      %swap3A_87 = tpu.vector_load %arg9[%swap3A_85, %swap3A_86] {strides = array<i32>} : memref<80x128xf32, #tpu.memory_space<vmem>>, vector<1x16xf32>,
      %swap3A_88 = vector.shape_cast %swap3A_87 : vector<1x16xf32> to vector<16xf32>
      %swap3A_89 = vector.shape_cast %broadcast_in_dim3A_0 : vector<16xf32> to vector<1x16xf32>
      tpu.vector_store %arg9[%swap3A_85, %swap3A_86], %swap3A_89 {strides = array<i32>} : memref<80x128xf32, #tpu.memory_space<vmem>>, vector<1x16xf32>,
    }
    %scan3A_5 = arith.constant 80 : i32
    %mul3A = arith.constant 640 : i32
    %mul3A_6 = arith.muli %arg1, %mul3A : i32
    %add3A = arith.constant 0 : i32
    %add3A_7 = arith.addi %mul3A_6, %add3A : i32
    "tpu.region"() ({
      %run_scoped3A = tpu.sem_alloc : memref<!tpu.dma_semaphore, #tpu.memory_space<semaphore_mem>>
      %dma_start3A = arith.constant 0 : i32
      %dma_start3A_50 = tpu.memref_slice %arg6[%add3A_7, %dma_start3A] : memref<10240x128xf32, #tpu.memory_space<vmem_shared>> -> memref<80x128xf32, #tpu.memory_space<vmem_shared>>
      %dma_start3A_51 = arith.constant 0 : i32
      %dma_start3A_52 = tpu.memref_slice %arg6[%add3A_7, %dma_start3A_51] : memref<10240x128xf32, #tpu.memory_space<vmem_shared>> -> memref<80x128xf32, #tpu.memory_space<vmem_shared>>
      tpu.enqueue_dma source(%arg9 : memref<80x128xf32, #tpu.memory_space<vmem>>) target(%dma_start3A_52 : memref<80x128xf32, #tpu.memory_space<vmem_shared>>) target_semaphore(%run_scoped3A : memref<!tpu.dma_semaphore, #tpu.memory_space<semaphore_mem>>)
      %dma_wait3A = arith.constant 0 : i32
      %dma_wait3A_53 = tpu.memref_slice %arg6[%add3A_7, %dma_wait3A] : memref<10240x128xf32, #tpu.memory_space<vmem_shared>> -> memref<80x128xf32, #tpu.memory_space<vmem_shared>>
      %dma_wait3A_54 = arith.constant 0 : i32
      %dma_wait3A_55 = tpu.memref_slice %arg6[%add3A_7, %dma_wait3A_54] : memref<10240x128xf32, #tpu.memory_space<vmem_shared>> -> memref<80x128xf32, #tpu.memory_space<vmem_shared>>
      tpu.wait_dma2 semaphore(%run_scoped3A : memref<!tpu.dma_semaphore, #tpu.memory_space<semaphore_mem>>) src(%arg9 : memref<80x128xf32, #tpu.memory_space<vmem>>) dst(%dma_wait3A_55 : memref<80x128xf32, #tpu.memory_space<vmem_shared>>)
      tpu.yield
    }) : () -> ()
    %mul3A_8 = arith.constant 640 : i32
    %mul3A_9 = arith.muli %arg1, %mul3A_8 : i32
    %add3A_10 = arith.constant 80 : i32
    %add3A_11 = arith.addi %mul3A_9, %add3A_10 : i32
    "tpu.region"() ({
      %run_scoped3A = tpu.sem_alloc : memref<!tpu.dma_semaphore, #tpu.memory_space<semaphore_mem>>
      %dma_start3A = arith.constant 0 : i32
      %dma_start3A_50 = tpu.memref_slice %arg6[%add3A_11, %dma_start3A] : memref<10240x128xf32, #tpu.memory_space<vmem_shared>> -> memref<80x128xf32, #tpu.memory_space<vmem_shared>>
      %dma_start3A_51 = arith.constant 0 : i32
      %dma_start3A_52 = tpu.memref_slice %arg6[%add3A_11, %dma_start3A_51] : memref<10240x128xf32, #tpu.memory_space<vmem_shared>> -> memref<80x128xf32, #tpu.memory_space<vmem_shared>>
      tpu.enqueue_dma source(%arg9 : memref<80x128xf32, #tpu.memory_space<vmem>>) target(%dma_start3A_52 : memref<80x128xf32, #tpu.memory_space<vmem_shared>>) target_semaphore(%run_scoped3A : memref<!tpu.dma_semaphore, #tpu.memory_space<semaphore_mem>>)
      %dma_wait3A = arith.constant 0 : i32
      %dma_wait3A_53 = tpu.memref_slice %arg6[%add3A_11, %dma_wait3A] : memref<10240x128xf32, #tpu.memory_space<vmem_shared>> -> memref<80x128xf32, #tpu.memory_space<vmem_shared>>
      %dma_wait3A_54 = arith.constant 0 : i32
      %dma_wait3A_55 = tpu.memref_slice %arg6[%add3A_11, %dma_wait3A_54] : memref<10240x128xf32, #tpu.memory_space<vmem_shared>> -> memref<80x128xf32, #tpu.memory_space<vmem_shared>>
      tpu.wait_dma2 semaphore(%run_scoped3A : memref<!tpu.dma_semaphore, #tpu.memory_space<semaphore_mem>>) src(%arg9 : memref<80x128xf32, #tpu.memory_space<vmem>>) dst(%dma_wait3A_55 : memref<80x128xf32, #tpu.memory_space<vmem_shared>>)
      tpu.yield
    }) : () -> ()
    %mul3A_12 = arith.constant 640 : i32
    %mul3A_13 = arith.muli %arg1, %mul3A_12 : i32
    %add3A_14 = arith.constant 160 : i32
    %add3A_15 = arith.addi %mul3A_13, %add3A_14 : i32
    "tpu.region"() ({
      %run_scoped3A = tpu.sem_alloc : memref<!tpu.dma_semaphore, #tpu.memory_space<semaphore_mem>>
      %dma_start3A = arith.constant 0 : i32
      %dma_start3A_50 = tpu.memref_slice %arg6[%add3A_15, %dma_start3A] : memref<10240x128xf32, #tpu.memory_space<vmem_shared>> -> memref<80x128xf32, #tpu.memory_space<vmem_shared>>
      %dma_start3A_51 = arith.constant 0 : i32
      %dma_start3A_52 = tpu.memref_slice %arg6[%add3A_15, %dma_start3A_51] : memref<10240x128xf32, #tpu.memory_space<vmem_shared>> -> memref<80x128xf32, #tpu.memory_space<vmem_shared>>
      tpu.enqueue_dma source(%arg9 : memref<80x128xf32, #tpu.memory_space<vmem>>) target(%dma_start3A_52 : memref<80x128xf32, #tpu.memory_space<vmem_shared>>) target_semaphore(%run_scoped3A : memref<!tpu.dma_semaphore, #tpu.memory_space<semaphore_mem>>)
      %dma_wait3A = arith.constant 0 : i32
      %dma_wait3A_53 = tpu.memref_slice %arg6[%add3A_15, %dma_wait3A] : memref<10240x128xf32, #tpu.memory_space<vmem_shared>> -> memref<80x128xf32, #tpu.memory_space<vmem_shared>>
      %dma_wait3A_54 = arith.constant 0 : i32
      %dma_wait3A_55 = tpu.memref_slice %arg6[%add3A_15, %dma_wait3A_54] : memref<10240x128xf32, #tpu.memory_space<vmem_shared>> -> memref<80x128xf32, #tpu.memory_space<vmem_shared>>
      tpu.wait_dma2 semaphore(%run_scoped3A : memref<!tpu.dma_semaphore, #tpu.memory_space<semaphore_mem>>) src(%arg9 : memref<80x128xf32, #tpu.memory_space<vmem>>) dst(%dma_wait3A_55 : memref<80x128xf32, #tpu.memory_space<vmem_shared>>)
      tpu.yield
    }) : () -> ()
    %mul3A_16 = arith.constant 640 : i32
    %mul3A_17 = arith.muli %arg1, %mul3A_16 : i32
    %add3A_18 = arith.constant 240 : i32
    %add3A_19 = arith.addi %mul3A_17, %add3A_18 : i32
    "tpu.region"() ({
      %run_scoped3A = tpu.sem_alloc : memref<!tpu.dma_semaphore, #tpu.memory_space<semaphore_mem>>
      %dma_start3A = arith.constant 0 : i32
      %dma_start3A_50 = tpu.memref_slice %arg6[%add3A_19, %dma_start3A] : memref<10240x128xf32, #tpu.memory_space<vmem_shared>> -> memref<80x128xf32, #tpu.memory_space<vmem_shared>>
      %dma_start3A_51 = arith.constant 0 : i32
      %dma_start3A_52 = tpu.memref_slice %arg6[%add3A_19, %dma_start3A_51] : memref<10240x128xf32, #tpu.memory_space<vmem_shared>> -> memref<80x128xf32, #tpu.memory_space<vmem_shared>>
      tpu.enqueue_dma source(%arg9 : memref<80x128xf32, #tpu.memory_space<vmem>>) target(%dma_start3A_52 : memref<80x128xf32, #tpu.memory_space<vmem_shared>>) target_semaphore(%run_scoped3A : memref<!tpu.dma_semaphore, #tpu.memory_space<semaphore_mem>>)
      %dma_wait3A = arith.constant 0 : i32
      %dma_wait3A_53 = tpu.memref_slice %arg6[%add3A_19, %dma_wait3A] : memref<10240x128xf32, #tpu.memory_space<vmem_shared>> -> memref<80x128xf32, #tpu.memory_space<vmem_shared>>
      %dma_wait3A_54 = arith.constant 0 : i32
      %dma_wait3A_55 = tpu.memref_slice %arg6[%add3A_19, %dma_wait3A_54] : memref<10240x128xf32, #tpu.memory_space<vmem_shared>> -> memref<80x128xf32, #tpu.memory_space<vmem_shared>>
      tpu.wait_dma2 semaphore(%run_scoped3A : memref<!tpu.dma_semaphore, #tpu.memory_space<semaphore_mem>>) src(%arg9 : memref<80x128xf32, #tpu.memory_space<vmem>>) dst(%dma_wait3A_55 : memref<80x128xf32, #tpu.memory_space<vmem_shared>>)
      tpu.yield
    }) : () -> ()
    %mul3A_20 = arith.constant 640 : i32
    %mul3A_21 = arith.muli %arg1, %mul3A_20 : i32
    %add3A_22 = arith.constant 320 : i32
    %add3A_23 = arith.addi %mul3A_21, %add3A_22 : i32
    "tpu.region"() ({
      %run_scoped3A = tpu.sem_alloc : memref<!tpu.dma_semaphore, #tpu.memory_space<semaphore_mem>>
      %dma_start3A = arith.constant 0 : i32
      %dma_start3A_50 = tpu.memref_slice %arg6[%add3A_23, %dma_start3A] : memref<10240x128xf32, #tpu.memory_space<vmem_shared>> -> memref<80x128xf32, #tpu.memory_space<vmem_shared>>
      %dma_start3A_51 = arith.constant 0 : i32
      %dma_start3A_52 = tpu.memref_slice %arg6[%add3A_23, %dma_start3A_51] : memref<10240x128xf32, #tpu.memory_space<vmem_shared>> -> memref<80x128xf32, #tpu.memory_space<vmem_shared>>
      tpu.enqueue_dma source(%arg9 : memref<80x128xf32, #tpu.memory_space<vmem>>) target(%dma_start3A_52 : memref<80x128xf32, #tpu.memory_space<vmem_shared>>) target_semaphore(%run_scoped3A : memref<!tpu.dma_semaphore, #tpu.memory_space<semaphore_mem>>)
      %dma_wait3A = arith.constant 0 : i32
      %dma_wait3A_53 = tpu.memref_slice %arg6[%add3A_23, %dma_wait3A] : memref<10240x128xf32, #tpu.memory_space<vmem_shared>> -> memref<80x128xf32, #tpu.memory_space<vmem_shared>>
      %dma_wait3A_54 = arith.constant 0 : i32
      %dma_wait3A_55 = tpu.memref_slice %arg6[%add3A_23, %dma_wait3A_54] : memref<10240x128xf32, #tpu.memory_space<vmem_shared>> -> memref<80x128xf32, #tpu.memory_space<vmem_shared>>
      tpu.wait_dma2 semaphore(%run_scoped3A : memref<!tpu.dma_semaphore, #tpu.memory_space<semaphore_mem>>) src(%arg9 : memref<80x128xf32, #tpu.memory_space<vmem>>) dst(%dma_wait3A_55 : memref<80x128xf32, #tpu.memory_space<vmem_shared>>)
      tpu.yield
    }) : () -> ()
    %mul3A_24 = arith.constant 640 : i32
    %mul3A_25 = arith.muli %arg1, %mul3A_24 : i32
    %add3A_26 = arith.constant 400 : i32
    %add3A_27 = arith.addi %mul3A_25, %add3A_26 : i32
    "tpu.region"() ({
      %run_scoped3A = tpu.sem_alloc : memref<!tpu.dma_semaphore, #tpu.memory_space<semaphore_mem>>
      %dma_start3A = arith.constant 0 : i32
      %dma_start3A_50 = tpu.memref_slice %arg6[%add3A_27, %dma_start3A] : memref<10240x128xf32, #tpu.memory_space<vmem_shared>> -> memref<80x128xf32, #tpu.memory_space<vmem_shared>>
      %dma_start3A_51 = arith.constant 0 : i32
      %dma_start3A_52 = tpu.memref_slice %arg6[%add3A_27, %dma_start3A_51] : memref<10240x128xf32, #tpu.memory_space<vmem_shared>> -> memref<80x128xf32, #tpu.memory_space<vmem_shared>>
      tpu.enqueue_dma source(%arg9 : memref<80x128xf32, #tpu.memory_space<vmem>>) target(%dma_start3A_52 : memref<80x128xf32, #tpu.memory_space<vmem_shared>>) target_semaphore(%run_scoped3A : memref<!tpu.dma_semaphore, #tpu.memory_space<semaphore_mem>>)
      %dma_wait3A = arith.constant 0 : i32
      %dma_wait3A_53 = tpu.memref_slice %arg6[%add3A_27, %dma_wait3A] : memref<10240x128xf32, #tpu.memory_space<vmem_shared>> -> memref<80x128xf32, #tpu.memory_space<vmem_shared>>
      %dma_wait3A_54 = arith.constant 0 : i32
      %dma_wait3A_55 = tpu.memref_slice %arg6[%add3A_27, %dma_wait3A_54] : memref<10240x128xf32, #tpu.memory_space<vmem_shared>> -> memref<80x128xf32, #tpu.memory_space<vmem_shared>>
      tpu.wait_dma2 semaphore(%run_scoped3A : memref<!tpu.dma_semaphore, #tpu.memory_space<semaphore_mem>>) src(%arg9 : memref<80x128xf32, #tpu.memory_space<vmem>>) dst(%dma_wait3A_55 : memref<80x128xf32, #tpu.memory_space<vmem_shared>>)
      tpu.yield
    }) : () -> ()
    %mul3A_28 = arith.constant 640 : i32
    %mul3A_29 = arith.muli %arg1, %mul3A_28 : i32
    %add3A_30 = arith.constant 480 : i32
    %add3A_31 = arith.addi %mul3A_29, %add3A_30 : i32
    "tpu.region"() ({
      %run_scoped3A = tpu.sem_alloc : memref<!tpu.dma_semaphore, #tpu.memory_space<semaphore_mem>>
      %dma_start3A = arith.constant 0 : i32
      %dma_start3A_50 = tpu.memref_slice %arg6[%add3A_31, %dma_start3A] : memref<10240x128xf32, #tpu.memory_space<vmem_shared>> -> memref<80x128xf32, #tpu.memory_space<vmem_shared>>
      %dma_start3A_51 = arith.constant 0 : i32
      %dma_start3A_52 = tpu.memref_slice %arg6[%add3A_31, %dma_start3A_51] : memref<10240x128xf32, #tpu.memory_space<vmem_shared>> -> memref<80x128xf32, #tpu.memory_space<vmem_shared>>
      tpu.enqueue_dma source(%arg9 : memref<80x128xf32, #tpu.memory_space<vmem>>) target(%dma_start3A_52 : memref<80x128xf32, #tpu.memory_space<vmem_shared>>) target_semaphore(%run_scoped3A : memref<!tpu.dma_semaphore, #tpu.memory_space<semaphore_mem>>)
      %dma_wait3A = arith.constant 0 : i32
      %dma_wait3A_53 = tpu.memref_slice %arg6[%add3A_31, %dma_wait3A] : memref<10240x128xf32, #tpu.memory_space<vmem_shared>> -> memref<80x128xf32, #tpu.memory_space<vmem_shared>>
      %dma_wait3A_54 = arith.constant 0 : i32
      %dma_wait3A_55 = tpu.memref_slice %arg6[%add3A_31, %dma_wait3A_54] : memref<10240x128xf32, #tpu.memory_space<vmem_shared>> -> memref<80x128xf32, #tpu.memory_space<vmem_shared>>
      tpu.wait_dma2 semaphore(%run_scoped3A : memref<!tpu.dma_semaphore, #tpu.memory_space<semaphore_mem>>) src(%arg9 : memref<80x128xf32, #tpu.memory_space<vmem>>) dst(%dma_wait3A_55 : memref<80x128xf32, #tpu.memory_space<vmem_shared>>)
      tpu.yield
    }) : () -> ()
    %mul3A_32 = arith.constant 640 : i32
    %mul3A_33 = arith.muli %arg1, %mul3A_32 : i32
    %add3A_34 = arith.constant 560 : i32
    %add3A_35 = arith.addi %mul3A_33, %add3A_34 : i32
    "tpu.region"() ({
      %run_scoped3A = tpu.sem_alloc : memref<!tpu.dma_semaphore, #tpu.memory_space<semaphore_mem>>
      %dma_start3A = arith.constant 0 : i32
      %dma_start3A_50 = tpu.memref_slice %arg6[%add3A_35, %dma_start3A] : memref<10240x128xf32, #tpu.memory_space<vmem_shared>> -> memref<80x128xf32, #tpu.memory_space<vmem_shared>>
      %dma_start3A_51 = arith.constant 0 : i32
      %dma_start3A_52 = tpu.memref_slice %arg6[%add3A_35, %dma_start3A_51] : memref<10240x128xf32, #tpu.memory_space<vmem_shared>> -> memref<80x128xf32, #tpu.memory_space<vmem_shared>>
      tpu.enqueue_dma source(%arg9 : memref<80x128xf32, #tpu.memory_space<vmem>>) target(%dma_start3A_52 : memref<80x128xf32, #tpu.memory_space<vmem_shared>>) target_semaphore(%run_scoped3A : memref<!tpu.dma_semaphore, #tpu.memory_space<semaphore_mem>>)
      %dma_wait3A = arith.constant 0 : i32
      %dma_wait3A_53 = tpu.memref_slice %arg6[%add3A_35, %dma_wait3A] : memref<10240x128xf32, #tpu.memory_space<vmem_shared>> -> memref<80x128xf32, #tpu.memory_space<vmem_shared>>
      %dma_wait3A_54 = arith.constant 0 : i32
      %dma_wait3A_55 = tpu.memref_slice %arg6[%add3A_35, %dma_wait3A_54] : memref<10240x128xf32, #tpu.memory_space<vmem_shared>> -> memref<80x128xf32, #tpu.memory_space<vmem_shared>>
      tpu.wait_dma2 semaphore(%run_scoped3A : memref<!tpu.dma_semaphore, #tpu.memory_space<semaphore_mem>>) src(%arg9 : memref<80x128xf32, #tpu.memory_space<vmem>>) dst(%dma_wait3A_55 : memref<80x128xf32, #tpu.memory_space<vmem_shared>>)
      tpu.yield
    }) : () -> ()
    %barrier3A = arith.constant 0 : index
    tpu.barrier barrier_id(%barrier3A)
    %mul3A_36 = arith.constant 10240 : i32
    %mul3A_37 = arith.muli %arg0, %mul3A_36 : i32
    %scan3A_38 = arith.constant 0 : i32
    %scan3A_39 = arith.constant 0 : i32
    %scan3A_40 = arith.constant 5 : i32
    %scan3A_41 = arith.addi %scan3A_39, %scan3A_40 : i32
    %scan3A_42 = arith.constant 1 : i32
    scf.for %scan3A_50 = %scan3A_39 to %scan3A_41 step %scan3A_42  : i32 {
      "tpu.region"() ({
        %run_scoped3A_82 = tpu.sem_alloc : memref<!tpu.dma_semaphore, #tpu.memory_space<semaphore_mem>>
        %dma_start3A_83 = arith.constant 0 : i32
        %dma_start3A_84 = arith.constant 0 : i32
        %dma_start3A_85 = tpu.memref_slice %arg3[%arg0, %arg1, %scan3A_50, %dma_start3A_83, %dma_start3A_84] : memref<2x16x5x50x80xi32, #tpu.memory_space<hbm>> -> memref<1x1x1x50x80xi32, #tpu.memory_space<hbm>>
        %dma_start3A_86 = tpu.memref_squeeze %dma_start3A_85 : memref<1x1x1x50x80xi32, #tpu.memory_space<hbm>> -> memref<50x80xi32, #tpu.memory_space<hbm>>
        %dma_start3A_87 = arith.constant 0 : i32
        %dma_start3A_88 = arith.constant 0 : i32
        %dma_start3A_89 = tpu.memref_slice %arg3[%arg0, %arg1, %scan3A_50, %dma_start3A_87, %dma_start3A_88] : memref<2x16x5x50x80xi32, #tpu.memory_space<hbm>> -> memref<1x1x1x50x80xi32, #tpu.memory_space<hbm>>
        %dma_start3A_90 = tpu.memref_squeeze %dma_start3A_89 : memref<1x1x1x50x80xi32, #tpu.memory_space<hbm>> -> memref<50x80xi32, #tpu.memory_space<hbm>>
        tpu.enqueue_dma source(%dma_start3A_90 : memref<50x80xi32, #tpu.memory_space<hbm>>) target(%arg7 : memref<50x80xi32, #tpu.memory_space<vmem>>) target_semaphore(%run_scoped3A_82 : memref<!tpu.dma_semaphore, #tpu.memory_space<semaphore_mem>>)
        %dma_wait3A_91 = arith.constant 0 : i32
        %dma_wait3A_92 = arith.constant 0 : i32
        %dma_wait3A_93 = tpu.memref_slice %arg3[%arg0, %arg1, %scan3A_50, %dma_wait3A_91, %dma_wait3A_92] : memref<2x16x5x50x80xi32, #tpu.memory_space<hbm>> -> memref<1x1x1x50x80xi32, #tpu.memory_space<hbm>>
        %dma_wait3A_94 = tpu.memref_squeeze %dma_wait3A_93 : memref<1x1x1x50x80xi32, #tpu.memory_space<hbm>> -> memref<50x80xi32, #tpu.memory_space<hbm>>
        %dma_wait3A_95 = arith.constant 0 : i32
        %dma_wait3A_96 = arith.constant 0 : i32
        %dma_wait3A_97 = tpu.memref_slice %arg3[%arg0, %arg1, %scan3A_50, %dma_wait3A_95, %dma_wait3A_96] : memref<2x16x5x50x80xi32, #tpu.memory_space<hbm>> -> memref<1x1x1x50x80xi32, #tpu.memory_space<hbm>>
        %dma_wait3A_98 = tpu.memref_squeeze %dma_wait3A_97 : memref<1x1x1x50x80xi32, #tpu.memory_space<hbm>> -> memref<50x80xi32, #tpu.memory_space<hbm>>
        tpu.wait_dma2 semaphore(%run_scoped3A_82 : memref<!tpu.dma_semaphore, #tpu.memory_space<semaphore_mem>>) src(%dma_wait3A_98 : memref<50x80xi32, #tpu.memory_space<hbm>>) dst(%arg7 : memref<50x80xi32, #tpu.memory_space<vmem>>)
        tpu.yield
      }) : () -> ()
      "tpu.region"() ({
        %run_scoped3A_82 = tpu.sem_alloc : memref<!tpu.dma_semaphore, #tpu.memory_space<semaphore_mem>>
        %dma_start3A_83 = arith.constant 0 : i32
        %dma_start3A_84 = arith.constant 0 : i32
        %dma_start3A_85 = tpu.memref_slice %arg4[%arg1, %scan3A_50, %dma_start3A_83, %dma_start3A_84] : memref<16x5x50x80xi32, #tpu.memory_space<hbm>> -> memref<1x1x50x80xi32, #tpu.memory_space<hbm>>
        %dma_start3A_86 = tpu.memref_squeeze %dma_start3A_85 : memref<1x1x50x80xi32, #tpu.memory_space<hbm>> -> memref<50x80xi32, #tpu.memory_space<hbm>>
        %dma_start3A_87 = arith.constant 0 : i32
        %dma_start3A_88 = arith.constant 0 : i32
        %dma_start3A_89 = tpu.memref_slice %arg4[%arg1, %scan3A_50, %dma_start3A_87, %dma_start3A_88] : memref<16x5x50x80xi32, #tpu.memory_space<hbm>> -> memref<1x1x50x80xi32, #tpu.memory_space<hbm>>
        %dma_start3A_90 = tpu.memref_squeeze %dma_start3A_89 : memref<1x1x50x80xi32, #tpu.memory_space<hbm>> -> memref<50x80xi32, #tpu.memory_space<hbm>>
        tpu.enqueue_dma source(%dma_start3A_90 : memref<50x80xi32, #tpu.memory_space<hbm>>) target(%arg8 : memref<50x80xi32, #tpu.memory_space<vmem>>) target_semaphore(%run_scoped3A_82 : memref<!tpu.dma_semaphore, #tpu.memory_space<semaphore_mem>>)
        %dma_wait3A_91 = arith.constant 0 : i32
        %dma_wait3A_92 = arith.constant 0 : i32
        %dma_wait3A_93 = tpu.memref_slice %arg4[%arg1, %scan3A_50, %dma_wait3A_91, %dma_wait3A_92] : memref<16x5x50x80xi32, #tpu.memory_space<hbm>> -> memref<1x1x50x80xi32, #tpu.memory_space<hbm>>
        %dma_wait3A_94 = tpu.memref_squeeze %dma_wait3A_93 : memref<1x1x50x80xi32, #tpu.memory_space<hbm>> -> memref<50x80xi32, #tpu.memory_space<hbm>>
        %dma_wait3A_95 = arith.constant 0 : i32
        %dma_wait3A_96 = arith.constant 0 : i32
        %dma_wait3A_97 = tpu.memref_slice %arg4[%arg1, %scan3A_50, %dma_wait3A_95, %dma_wait3A_96] : memref<16x5x50x80xi32, #tpu.memory_space<hbm>> -> memref<1x1x50x80xi32, #tpu.memory_space<hbm>>
        %dma_wait3A_98 = tpu.memref_squeeze %dma_wait3A_97 : memref<1x1x50x80xi32, #tpu.memory_space<hbm>> -> memref<50x80xi32, #tpu.memory_space<hbm>>
        tpu.wait_dma2 semaphore(%run_scoped3A_82 : memref<!tpu.dma_semaphore, #tpu.memory_space<semaphore_mem>>) src(%dma_wait3A_98 : memref<50x80xi32, #tpu.memory_space<hbm>>) dst(%arg8 : memref<50x80xi32, #tpu.memory_space<vmem>>)
        tpu.yield
      }) : () -> ()
      %dma_start3A = arith.constant 0 : i32
      %dma_start3A_51 = arith.constant 0 : i32
      %dma_start3A_52 = tpu.memref_slice %arg7[%dma_start3A, %dma_start3A_51] : memref<50x80xi32, #tpu.memory_space<vmem>> -> memref<1x80xi32, #tpu.memory_space<vmem>>
      %dma_start3A_53 = tpu.memref_squeeze %dma_start3A_52 : memref<1x80xi32, #tpu.memory_space<vmem>> -> memref<80xi32, #tpu.memory_space<vmem>>
      %dma_start3A_54 = arith.constant 0 : i32
      %dma_start3A_55 = arith.constant 0 : i32
      %dma_start3A_56 = tpu.memref_slice %arg2[%dma_start3A_54, %dma_start3A_55] : memref<20000x128xf32, #tpu.memory_space<hbm>> -> memref<20000x128xf32, #tpu.memory_space<hbm>>
      tpu.enqueue_indirect_dma source(%dma_start3A_56 : memref<20000x128xf32, #tpu.memory_space<hbm>>) target(%arg9 : memref<80x128xf32, #tpu.memory_space<vmem>>) offsets(%dma_start3A_53 : memref<80xi32, #tpu.memory_space<vmem>>) semaphore(%arg11 : memref<!tpu.dma_semaphore, #tpu.memory_space<semaphore_mem>>)
      %scan3A_57 = arith.constant 0 : i32
      %scan3A_58 = arith.constant 0 : i32
      %scan3A_59 = arith.constant 24 : i32
      %scan3A_60 = arith.addi %scan3A_58, %scan3A_59 : i32
      %scan3A_61 = arith.constant 1 : i32
      scf.for %scan3A_82 = %scan3A_58 to %scan3A_60 step %scan3A_61  : i32 {
        %mul3A_83 = arith.constant 2 : i32
        %mul3A_84 = arith.muli %mul3A_83, %scan3A_82 : i32
        %add3A_85 = arith.constant 1 : i32
        %add3A_86 = arith.addi %mul3A_84, %add3A_85 : i32
        %dma_start3A_87 = arith.constant 0 : i32
        %dma_start3A_88 = tpu.memref_slice %arg7[%add3A_86, %dma_start3A_87] : memref<50x80xi32, #tpu.memory_space<vmem>> -> memref<1x80xi32, #tpu.memory_space<vmem>>
        %dma_start3A_89 = tpu.memref_squeeze %dma_start3A_88 : memref<1x80xi32, #tpu.memory_space<vmem>> -> memref<80xi32, #tpu.memory_space<vmem>>
        %dma_start3A_90 = arith.constant 0 : i32
        %dma_start3A_91 = arith.constant 0 : i32
        %dma_start3A_92 = tpu.memref_slice %arg2[%dma_start3A_90, %dma_start3A_91] : memref<20000x128xf32, #tpu.memory_space<hbm>> -> memref<20000x128xf32, #tpu.memory_space<hbm>>
        tpu.enqueue_indirect_dma source(%dma_start3A_92 : memref<20000x128xf32, #tpu.memory_space<hbm>>) target(%arg10 : memref<80x128xf32, #tpu.memory_space<vmem>>) offsets(%dma_start3A_89 : memref<80xi32, #tpu.memory_space<vmem>>) semaphore(%arg12 : memref<!tpu.dma_semaphore, #tpu.memory_space<semaphore_mem>>)
        %dma_wait3A_93 = arith.constant 0 : i32
        %dma_wait3A_94 = arith.constant 0 : i32
        %dma_wait3A_95 = tpu.memref_slice %arg2[%dma_wait3A_93, %dma_wait3A_94] : memref<20000x128xf32, #tpu.memory_space<hbm>> -> memref<80x128xf32, #tpu.memory_space<hbm>>
        %dma_wait3A_96 = arith.constant 0 : i32
        %dma_wait3A_97 = arith.constant 0 : i32
        %dma_wait3A_98 = tpu.memref_slice %arg2[%dma_wait3A_96, %dma_wait3A_97] : memref<20000x128xf32, #tpu.memory_space<hbm>> -> memref<80x128xf32, #tpu.memory_space<hbm>>
        tpu.wait_dma2 semaphore(%arg11 : memref<!tpu.dma_semaphore, #tpu.memory_space<semaphore_mem>>) src(%dma_wait3A_98 : memref<80x128xf32, #tpu.memory_space<hbm>>) dst(%arg9 : memref<80x128xf32, #tpu.memory_space<vmem>>)
        "tpu.region"() ({
          %run_scoped3A_115 = tpu.sem_alloc : memref<!tpu.dma_semaphore, #tpu.memory_space<semaphore_mem>>
          %dma_start3A_116 = arith.constant 0 : i32
          %dma_start3A_117 = tpu.memref_slice %arg8[%mul3A_84, %dma_start3A_116] : memref<50x80xi32, #tpu.memory_space<vmem>> -> memref<1x80xi32, #tpu.memory_space<vmem>>
          %dma_start3A_118 = tpu.memref_squeeze %dma_start3A_117 : memref<1x80xi32, #tpu.memory_space<vmem>> -> memref<80xi32, #tpu.memory_space<vmem>>
          %dma_start3A_119 = arith.constant 0 : i32
          %dma_start3A_120 = arith.constant 0 : i32
          %dma_start3A_121 = tpu.memref_slice %arg6[%dma_start3A_119, %dma_start3A_120] : memref<10240x128xf32, #tpu.memory_space<vmem_shared>> -> memref<10240x128xf32, #tpu.memory_space<vmem_shared>>
          tpu.enqueue_indirect_dma source(%arg9 : memref<80x128xf32, #tpu.memory_space<vmem>>) target(%dma_start3A_121 : memref<10240x128xf32, #tpu.memory_space<vmem_shared>>) offsets(%dma_start3A_118 : memref<80xi32, #tpu.memory_space<vmem>>) semaphore(%run_scoped3A_115 : memref<!tpu.dma_semaphore, #tpu.memory_space<semaphore_mem>>) {add = true}
          %dma_wait3A_122 = arith.constant 0 : i32
          %dma_wait3A_123 = tpu.memref_slice %arg8[%mul3A_84, %dma_wait3A_122] : memref<50x80xi32, #tpu.memory_space<vmem>> -> memref<1x80xi32, #tpu.memory_space<vmem>>
          %dma_wait3A_124 = tpu.memref_squeeze %dma_wait3A_123 : memref<1x80xi32, #tpu.memory_space<vmem>> -> memref<80xi32, #tpu.memory_space<vmem>>
          %dma_wait3A_125 = arith.constant 0 : i32
          %dma_wait3A_126 = arith.constant 0 : i32
          %dma_wait3A_127 = tpu.memref_slice %arg6[%dma_wait3A_125, %dma_wait3A_126] : memref<10240x128xf32, #tpu.memory_space<vmem_shared>> -> memref<10240x128xf32, #tpu.memory_space<vmem_shared>>
          tpu.wait_indirect_dma semaphore(%run_scoped3A_115 : memref<!tpu.dma_semaphore, #tpu.memory_space<semaphore_mem>>) src(%arg9 : memref<80x128xf32, #tpu.memory_space<vmem>>) dst(%dma_wait3A_127 : memref<10240x128xf32, #tpu.memory_space<vmem_shared>>)
          tpu.yield
        }) : () -> ()
        %add3A_99 = arith.constant 2 : i32
        %add3A_100 = arith.addi %mul3A_84, %add3A_99 : i32
        %dma_start3A_101 = arith.constant 0 : i32
        %dma_start3A_102 = tpu.memref_slice %arg7[%add3A_100, %dma_start3A_101] : memref<50x80xi32, #tpu.memory_space<vmem>> -> memref<1x80xi32, #tpu.memory_space<vmem>>
        %dma_start3A_103 = tpu.memref_squeeze %dma_start3A_102 : memref<1x80xi32, #tpu.memory_space<vmem>> -> memref<80xi32, #tpu.memory_space<vmem>>
        %dma_start3A_104 = arith.constant 0 : i32
        %dma_start3A_105 = arith.constant 0 : i32
        %dma_start3A_106 = tpu.memref_slice %arg2[%dma_start3A_104, %dma_start3A_105] : memref<20000x128xf32, #tpu.memory_space<hbm>> -> memref<20000x128xf32, #tpu.memory_space<hbm>>
        tpu.enqueue_indirect_dma source(%dma_start3A_106 : memref<20000x128xf32, #tpu.memory_space<hbm>>) target(%arg9 : memref<80x128xf32, #tpu.memory_space<vmem>>) offsets(%dma_start3A_103 : memref<80xi32, #tpu.memory_space<vmem>>) semaphore(%arg11 : memref<!tpu.dma_semaphore, #tpu.memory_space<semaphore_mem>>)
        %dma_wait3A_107 = arith.constant 0 : i32
        %dma_wait3A_108 = arith.constant 0 : i32
        %dma_wait3A_109 = tpu.memref_slice %arg2[%dma_wait3A_107, %dma_wait3A_108] : memref<20000x128xf32, #tpu.memory_space<hbm>> -> memref<80x128xf32, #tpu.memory_space<hbm>>
        %dma_wait3A_110 = arith.constant 0 : i32
        %dma_wait3A_111 = arith.constant 0 : i32
        %dma_wait3A_112 = tpu.memref_slice %arg2[%dma_wait3A_110, %dma_wait3A_111] : memref<20000x128xf32, #tpu.memory_space<hbm>> -> memref<80x128xf32, #tpu.memory_space<hbm>>
        tpu.wait_dma2 semaphore(%arg12 : memref<!tpu.dma_semaphore, #tpu.memory_space<semaphore_mem>>) src(%dma_wait3A_112 : memref<80x128xf32, #tpu.memory_space<hbm>>) dst(%arg10 : memref<80x128xf32, #tpu.memory_space<vmem>>)
        %add3A_113 = arith.constant 1 : i32
        %add3A_114 = arith.addi %mul3A_84, %add3A_113 : i32
        "tpu.region"() ({
          %run_scoped3A_115 = tpu.sem_alloc : memref<!tpu.dma_semaphore, #tpu.memory_space<semaphore_mem>>
          %dma_start3A_116 = arith.constant 0 : i32
          %dma_start3A_117 = tpu.memref_slice %arg8[%add3A_114, %dma_start3A_116] : memref<50x80xi32, #tpu.memory_space<vmem>> -> memref<1x80xi32, #tpu.memory_space<vmem>>
          %dma_start3A_118 = tpu.memref_squeeze %dma_start3A_117 : memref<1x80xi32, #tpu.memory_space<vmem>> -> memref<80xi32, #tpu.memory_space<vmem>>
          %dma_start3A_119 = arith.constant 0 : i32
          %dma_start3A_120 = arith.constant 0 : i32
          %dma_start3A_121 = tpu.memref_slice %arg6[%dma_start3A_119, %dma_start3A_120] : memref<10240x128xf32, #tpu.memory_space<vmem_shared>> -> memref<10240x128xf32, #tpu.memory_space<vmem_shared>>
          tpu.enqueue_indirect_dma source(%arg10 : memref<80x128xf32, #tpu.memory_space<vmem>>) target(%dma_start3A_121 : memref<10240x128xf32, #tpu.memory_space<vmem_shared>>) offsets(%dma_start3A_118 : memref<80xi32, #tpu.memory_space<vmem>>) semaphore(%run_scoped3A_115 : memref<!tpu.dma_semaphore, #tpu.memory_space<semaphore_mem>>) {add = true}
          %dma_wait3A_122 = arith.constant 0 : i32
          %dma_wait3A_123 = tpu.memref_slice %arg8[%add3A_114, %dma_wait3A_122] : memref<50x80xi32, #tpu.memory_space<vmem>> -> memref<1x80xi32, #tpu.memory_space<vmem>>
          %dma_wait3A_124 = tpu.memref_squeeze %dma_wait3A_123 : memref<1x80xi32, #tpu.memory_space<vmem>> -> memref<80xi32, #tpu.memory_space<vmem>>
          %dma_wait3A_125 = arith.constant 0 : i32
          %dma_wait3A_126 = arith.constant 0 : i32
          %dma_wait3A_127 = tpu.memref_slice %arg6[%dma_wait3A_125, %dma_wait3A_126] : memref<10240x128xf32, #tpu.memory_space<vmem_shared>> -> memref<10240x128xf32, #tpu.memory_space<vmem_shared>>
          tpu.wait_indirect_dma semaphore(%run_scoped3A_115 : memref<!tpu.dma_semaphore, #tpu.memory_space<semaphore_mem>>) src(%arg10 : memref<80x128xf32, #tpu.memory_space<vmem>>) dst(%dma_wait3A_127 : memref<10240x128xf32, #tpu.memory_space<vmem_shared>>)
          tpu.yield
        }) : () -> ()
      }
      %scan3A_62 = arith.constant 24 : i32
      %dma_start3A_63 = arith.constant 49 : i32
      %dma_start3A_64 = arith.constant 0 : i32
      %dma_start3A_65 = tpu.memref_slice %arg7[%dma_start3A_63, %dma_start3A_64] : memref<50x80xi32, #tpu.memory_space<vmem>> -> memref<1x80xi32, #tpu.memory_space<vmem>>
      %dma_start3A_66 = tpu.memref_squeeze %dma_start3A_65 : memref<1x80xi32, #tpu.memory_space<vmem>> -> memref<80xi32, #tpu.memory_space<vmem>>
      %dma_start3A_67 = arith.constant 0 : i32
      %dma_start3A_68 = arith.constant 0 : i32
      %dma_start3A_69 = tpu.memref_slice %arg2[%dma_start3A_67, %dma_start3A_68] : memref<20000x128xf32, #tpu.memory_space<hbm>> -> memref<20000x128xf32, #tpu.memory_space<hbm>>
      tpu.enqueue_indirect_dma source(%dma_start3A_69 : memref<20000x128xf32, #tpu.memory_space<hbm>>) target(%arg10 : memref<80x128xf32, #tpu.memory_space<vmem>>) offsets(%dma_start3A_66 : memref<80xi32, #tpu.memory_space<vmem>>) semaphore(%arg12 : memref<!tpu.dma_semaphore, #tpu.memory_space<semaphore_mem>>)
      %dma_wait3A = arith.constant 0 : i32
      %dma_wait3A_70 = arith.constant 0 : i32
      %dma_wait3A_71 = tpu.memref_slice %arg2[%dma_wait3A, %dma_wait3A_70] : memref<20000x128xf32, #tpu.memory_space<hbm>> -> memref<80x128xf32, #tpu.memory_space<hbm>>
      %dma_wait3A_72 = arith.constant 0 : i32
      %dma_wait3A_73 = arith.constant 0 : i32
      %dma_wait3A_74 = tpu.memref_slice %arg2[%dma_wait3A_72, %dma_wait3A_73] : memref<20000x128xf32, #tpu.memory_space<hbm>> -> memref<80x128xf32, #tpu.memory_space<hbm>>
      tpu.wait_dma2 semaphore(%arg11 : memref<!tpu.dma_semaphore, #tpu.memory_space<semaphore_mem>>) src(%dma_wait3A_74 : memref<80x128xf32, #tpu.memory_space<hbm>>) dst(%arg9 : memref<80x128xf32, #tpu.memory_space<vmem>>)
      %run_scoped3A = arith.constant 48 : i32
      "tpu.region"() ({
        %run_scoped3A_82 = tpu.sem_alloc : memref<!tpu.dma_semaphore, #tpu.memory_space<semaphore_mem>>
        %dma_start3A_83 = arith.constant 0 : i32
        %dma_start3A_84 = tpu.memref_slice %arg8[%run_scoped3A, %dma_start3A_83] : memref<50x80xi32, #tpu.memory_space<vmem>> -> memref<1x80xi32, #tpu.memory_space<vmem>>
        %dma_start3A_85 = tpu.memref_squeeze %dma_start3A_84 : memref<1x80xi32, #tpu.memory_space<vmem>> -> memref<80xi32, #tpu.memory_space<vmem>>
        %dma_start3A_86 = arith.constant 0 : i32
        %dma_start3A_87 = arith.constant 0 : i32
        %dma_start3A_88 = tpu.memref_slice %arg6[%dma_start3A_86, %dma_start3A_87] : memref<10240x128xf32, #tpu.memory_space<vmem_shared>> -> memref<10240x128xf32, #tpu.memory_space<vmem_shared>>
        tpu.enqueue_indirect_dma source(%arg9 : memref<80x128xf32, #tpu.memory_space<vmem>>) target(%dma_start3A_88 : memref<10240x128xf32, #tpu.memory_space<vmem_shared>>) offsets(%dma_start3A_85 : memref<80xi32, #tpu.memory_space<vmem>>) semaphore(%run_scoped3A_82 : memref<!tpu.dma_semaphore, #tpu.memory_space<semaphore_mem>>) {add = true}
        %dma_wait3A_89 = arith.constant 0 : i32
        %dma_wait3A_90 = tpu.memref_slice %arg8[%run_scoped3A, %dma_wait3A_89] : memref<50x80xi32, #tpu.memory_space<vmem>> -> memref<1x80xi32, #tpu.memory_space<vmem>>
        %dma_wait3A_91 = tpu.memref_squeeze %dma_wait3A_90 : memref<1x80xi32, #tpu.memory_space<vmem>> -> memref<80xi32, #tpu.memory_space<vmem>>
        %dma_wait3A_92 = arith.constant 0 : i32
        %dma_wait3A_93 = arith.constant 0 : i32
        %dma_wait3A_94 = tpu.memref_slice %arg6[%dma_wait3A_92, %dma_wait3A_93] : memref<10240x128xf32, #tpu.memory_space<vmem_shared>> -> memref<10240x128xf32, #tpu.memory_space<vmem_shared>>
        tpu.wait_indirect_dma semaphore(%run_scoped3A_82 : memref<!tpu.dma_semaphore, #tpu.memory_space<semaphore_mem>>) src(%arg9 : memref<80x128xf32, #tpu.memory_space<vmem>>) dst(%dma_wait3A_94 : memref<10240x128xf32, #tpu.memory_space<vmem_shared>>)
        tpu.yield
      }) : () -> ()
      %dma_wait3A_75 = arith.constant 0 : i32
      %dma_wait3A_76 = arith.constant 0 : i32
      %dma_wait3A_77 = tpu.memref_slice %arg2[%dma_wait3A_75, %dma_wait3A_76] : memref<20000x128xf32, #tpu.memory_space<hbm>> -> memref<80x128xf32, #tpu.memory_space<hbm>>
      %dma_wait3A_78 = arith.constant 0 : i32
      %dma_wait3A_79 = arith.constant 0 : i32
      %dma_wait3A_80 = tpu.memref_slice %arg2[%dma_wait3A_78, %dma_wait3A_79] : memref<20000x128xf32, #tpu.memory_space<hbm>> -> memref<80x128xf32, #tpu.memory_space<hbm>>
      tpu.wait_dma2 semaphore(%arg12 : memref<!tpu.dma_semaphore, #tpu.memory_space<semaphore_mem>>) src(%dma_wait3A_80 : memref<80x128xf32, #tpu.memory_space<hbm>>) dst(%arg10 : memref<80x128xf32, #tpu.memory_space<vmem>>)
      %run_scoped3A_81 = arith.constant 49 : i32
      "tpu.region"() ({
        %run_scoped3A_82 = tpu.sem_alloc : memref<!tpu.dma_semaphore, #tpu.memory_space<semaphore_mem>>
        %dma_start3A_83 = arith.constant 0 : i32
        %dma_start3A_84 = tpu.memref_slice %arg8[%run_scoped3A_81, %dma_start3A_83] : memref<50x80xi32, #tpu.memory_space<vmem>> -> memref<1x80xi32, #tpu.memory_space<vmem>>
        %dma_start3A_85 = tpu.memref_squeeze %dma_start3A_84 : memref<1x80xi32, #tpu.memory_space<vmem>> -> memref<80xi32, #tpu.memory_space<vmem>>
        %dma_start3A_86 = arith.constant 0 : i32
        %dma_start3A_87 = arith.constant 0 : i32
        %dma_start3A_88 = tpu.memref_slice %arg6[%dma_start3A_86, %dma_start3A_87] : memref<10240x128xf32, #tpu.memory_space<vmem_shared>> -> memref<10240x128xf32, #tpu.memory_space<vmem_shared>>
        tpu.enqueue_indirect_dma source(%arg10 : memref<80x128xf32, #tpu.memory_space<vmem>>) target(%dma_start3A_88 : memref<10240x128xf32, #tpu.memory_space<vmem_shared>>) offsets(%dma_start3A_85 : memref<80xi32, #tpu.memory_space<vmem>>) semaphore(%run_scoped3A_82 : memref<!tpu.dma_semaphore, #tpu.memory_space<semaphore_mem>>) {add = true}
        %dma_wait3A_89 = arith.constant 0 : i32
        %dma_wait3A_90 = tpu.memref_slice %arg8[%run_scoped3A_81, %dma_wait3A_89] : memref<50x80xi32, #tpu.memory_space<vmem>> -> memref<1x80xi32, #tpu.memory_space<vmem>>
        %dma_wait3A_91 = tpu.memref_squeeze %dma_wait3A_90 : memref<1x80xi32, #tpu.memory_space<vmem>> -> memref<80xi32, #tpu.memory_space<vmem>>
        %dma_wait3A_92 = arith.constant 0 : i32
        %dma_wait3A_93 = arith.constant 0 : i32
        %dma_wait3A_94 = tpu.memref_slice %arg6[%dma_wait3A_92, %dma_wait3A_93] : memref<10240x128xf32, #tpu.memory_space<vmem_shared>> -> memref<10240x128xf32, #tpu.memory_space<vmem_shared>>
        tpu.wait_indirect_dma semaphore(%run_scoped3A_82 : memref<!tpu.dma_semaphore, #tpu.memory_space<semaphore_mem>>) src(%arg10 : memref<80x128xf32, #tpu.memory_space<vmem>>) dst(%dma_wait3A_94 : memref<10240x128xf32, #tpu.memory_space<vmem_shared>>)
        tpu.yield
      }) : () -> ()
    }
    %scan3A_43 = arith.constant 5 : i32
    %barrier3A_44 = arith.constant 0 : index
    tpu.barrier barrier_id(%barrier3A_44)
    %mul3A_45 = arith.constant 640 : i32
    %mul3A_46 = arith.muli %arg1, %mul3A_45 : i32
    %mul3A_47 = arith.constant 640 : i32
    %mul3A_48 = arith.muli %arg1, %mul3A_47 : i32
    %add3A_49 = arith.addi %mul3A_37, %mul3A_48 : i32
    "tpu.region"() ({
      %run_scoped3A = tpu.sem_alloc : memref<!tpu.dma_semaphore, #tpu.memory_space<semaphore_mem>>
      %dma_start3A = arith.constant 0 : i32
      %dma_start3A_50 = tpu.memref_slice %arg5[%add3A_49, %dma_start3A] : memref<20480x128xf32, #tpu.memory_space<hbm>> -> memref<640x128xf32, #tpu.memory_space<hbm>>
      %dma_start3A_51 = arith.constant 0 : i32
      %dma_start3A_52 = tpu.memref_slice %arg6[%mul3A_46, %dma_start3A_51] : memref<10240x128xf32, #tpu.memory_space<vmem_shared>> -> memref<640x128xf32, #tpu.memory_space<vmem_shared>>
      tpu.enqueue_dma source(%dma_start3A_52 : memref<640x128xf32, #tpu.memory_space<vmem_shared>>) target(%dma_start3A_50 : memref<640x128xf32, #tpu.memory_space<hbm>>) target_semaphore(%run_scoped3A : memref<!tpu.dma_semaphore, #tpu.memory_space<semaphore_mem>>)
      %dma_wait3A = arith.constant 0 : i32
      %dma_wait3A_53 = tpu.memref_slice %arg5[%add3A_49, %dma_wait3A] : memref<20480x128xf32, #tpu.memory_space<hbm>> -> memref<640x128xf32, #tpu.memory_space<hbm>>
      %dma_wait3A_54 = arith.constant 0 : i32
      %dma_wait3A_55 = tpu.memref_slice %arg6[%mul3A_46, %dma_wait3A_54] : memref<10240x128xf32, #tpu.memory_space<vmem_shared>> -> memref<640x128xf32, #tpu.memory_space<vmem_shared>>
      tpu.wait_dma2 semaphore(%run_scoped3A : memref<!tpu.dma_semaphore, #tpu.memory_space<semaphore_mem>>) src(%dma_wait3A_55 : memref<640x128xf32, #tpu.memory_space<vmem_shared>>) dst(%dma_wait3A_53 : memref<640x128xf32, #tpu.memory_space<hbm>>)
      tpu.yield
    }) : () -> ()
    return
  }
}

#map = affine_map<(d0, d1) -> (0, 0)>
#map1 = affine_map<(d0, d1) -> (0, 0, 0, 0, 0)>
#map2 = affine_map<(d0, d1) -> (0, 0, 0, 0)>
module attributes {stable_mosaic.version = 14 : i64} {
  func.func @body(%arg0: i32, %arg1: i32, %arg2: memref<20000x128xf32, #tpu.memory_space<hbm>>, %arg3: memref<2x16x5x50x80xi32, #tpu.memory_space<hbm>>, %arg4: memref<16x5x50x80xi32, #tpu.memory_space<hbm>>, %arg5: memref<20480x128xf32, #tpu.memory_space<hbm>>, %arg6: memref<10240x128xf32, #tpu.memory_space<vmem_shared>>, %arg7: memref<50x80xi32, #tpu.memory_space<vmem>>, %arg8: memref<50x80xi32, #tpu.memory_space<vmem>>, %arg9: memref<80x128xf32, #tpu.memory_space<vmem>>, %arg10: memref<80x128xf32, #tpu.memory_space<vmem>>, %arg11: memref<!tpu.dma_semaphore, #tpu.memory_space<semaphore_mem>>, %arg12: memref<!tpu.dma_semaphore, #tpu.memory_space<semaphore_mem>>) attributes {dimension_semantics = [#tpu.dimension_semantics<core_parallel>, #tpu.dimension_semantics<subcore_parallel>], iteration_bounds = array<i64: 2, 16>, scalar_prefetch = 0 : i64, scratch_operands = 7 : i64, tpu.core_type = #tpu.core_type<sc_vector_subcore>, window_params = [{transform_indices = #map}, {transform_indices = #map1}, {transform_indices = #map2}, {transform_indices = #map}]} {
    %broadcast_in_dim3A = arith.constant 0.000000e+00 : f32
    %broadcast_in_dim3A_0 = vector.broadcast %broadcast_in_dim3A : f32 to vector<16xf32>
    %scan3A = arith.constant 0 : i32
    %scan3A_1 = arith.constant 0 : i32
    %scan3A_2 = arith.constant 80 : i32
    %scan3A_3 = arith.addi %scan3A_1, %scan3A_2 : i32
    %scan3A_4 = arith.constant 1 : i32
    scf.for %scan3A_50 = %scan3A_1 to %scan3A_3 step %scan3A_4  : i32 {
      %swap3A = arith.index_cast %scan3A_50 : i32 to index
      %swap3A_51 = arith.constant 0 : index
      %swap3A_52 = tpu.vector_load %arg9[%swap3A, %swap3A_51] {strides = array<i32>} : memref<80x128xf32, #tpu.memory_space<vmem>>, vector<1x16xf32>,
      %swap3A_53 = vector.shape_cast %swap3A_52 : vector<1x16xf32> to vector<16xf32>
      %swap3A_54 = vector.shape_cast %broadcast_in_dim3A_0 : vector<16xf32> to vector<1x16xf32>
      tpu.vector_store %arg9[%swap3A, %swap3A_51], %swap3A_54 {strides = array<i32>} : memref<80x128xf32, #tpu.memory_space<vmem>>, vector<1x16xf32>,
      %swap3A_55 = arith.index_cast %scan3A_50 : i32 to index
      %swap3A_56 = arith.constant 16 : index
      %swap3A_57 = tpu.vector_load %arg9[%swap3A_55, %swap3A_56] {strides = array<i32>} : memref<80x128xf32, #tpu.memory_space<vmem>>, vector<1x16xf32>,
      %swap3A_58 = vector.shape_cast %swap3A_57 : vector<1x16xf32> to vector<16xf32>
      %swap3A_59 = vector.shape_cast %broadcast_in_dim3A_0 : vector<16xf32> to vector<1x16xf32>
      tpu.vector_store %arg9[%swap3A_55, %swap3A_56], %swap3A_59 {strides = array<i32>} : memref<80x128xf32, #tpu.memory_space<vmem>>, vector<1x16xf32>,
      %swap3A_60 = arith.index_cast %scan3A_50 : i32 to index
      %swap3A_61 = arith.constant 32 : index
      %swap3A_62 = tpu.vector_load %arg9[%swap3A_60, %swap3A_61] {strides = array<i32>} : memref<80x128xf32, #tpu.memory_space<vmem>>, vector<1x16xf32>,
      %swap3A_63 = vector.shape_cast %swap3A_62 : vector<1x16xf32> to vector<16xf32>
      %swap3A_64 = vector.shape_cast %broadcast_in_dim3A_0 : vector<16xf32> to vector<1x16xf32>
      tpu.vector_store %arg9[%swap3A_60, %swap3A_61], %swap3A_64 {strides = array<i32>} : memref<80x128xf32, #tpu.memory_space<vmem>>, vector<1x16xf32>,
      %swap3A_65 = arith.index_cast %scan3A_50 : i32 to index
      %swap3A_66 = arith.constant 48 : index
      %swap3A_67 = tpu.vector_load %arg9[%swap3A_65, %swap3A_66] {strides = array<i32>} : memref<80x128xf32, #tpu.memory_space<vmem>>, vector<1x16xf32>,
      %swap3A_68 = vector.shape_cast %swap3A_67 : vector<1x16xf32> to vector<16xf32>
      %swap3A_69 = vector.shape_cast %broadcast_in_dim3A_0 : vector<16xf32> to vector<1x16xf32>
      tpu.vector_store %arg9[%swap3A_65, %swap3A_66], %swap3A_69 {strides = array<i32>} : memref<80x128xf32, #tpu.memory_space<vmem>>, vector<1x16xf32>,
      %swap3A_70 = arith.index_cast %scan3A_50 : i32 to index
      %swap3A_71 = arith.constant 64 : index
      %swap3A_72 = tpu.vector_load %arg9[%swap3A_70, %swap3A_71] {strides = array<i32>} : memref<80x128xf32, #tpu.memory_space<vmem>>, vector<1x16xf32>,
      %swap3A_73 = vector.shape_cast %swap3A_72 : vector<1x16xf32> to vector<16xf32>
      %swap3A_74 = vector.shape_cast %broadcast_in_dim3A_0 : vector<16xf32> to vector<1x16xf32>
      tpu.vector_store %arg9[%swap3A_70, %swap3A_71], %swap3A_74 {strides = array<i32>} : memref<80x128xf32, #tpu.memory_space<vmem>>, vector<1x16xf32>,
      %swap3A_75 = arith.index_cast %scan3A_50 : i32 to index
      %swap3A_76 = arith.constant 80 : index
      %swap3A_77 = tpu.vector_load %arg9[%swap3A_75, %swap3A_76] {strides = array<i32>} : memref<80x128xf32, #tpu.memory_space<vmem>>, vector<1x16xf32>,
      %swap3A_78 = vector.shape_cast %swap3A_77 : vector<1x16xf32> to vector<16xf32>
      %swap3A_79 = vector.shape_cast %broadcast_in_dim3A_0 : vector<16xf32> to vector<1x16xf32>
      tpu.vector_store %arg9[%swap3A_75, %swap3A_76], %swap3A_79 {strides = array<i32>} : memref<80x128xf32, #tpu.memory_space<vmem>>, vector<1x16xf32>,
      %swap3A_80 = arith.index_cast %scan3A_50 : i32 to index
      %swap3A_81 = arith.constant 96 : index
      %swap3A_82 = tpu.vector_load %arg9[%swap3A_80, %swap3A_81] {strides = array<i32>} : memref<80x128xf32, #tpu.memory_space<vmem>>, vector<1x16xf32>,
      %swap3A_83 = vector.shape_cast %swap3A_82 : vector<1x16xf32> to vector<16xf32>
      %swap3A_84 = vector.shape_cast %broadcast_in_dim3A_0 : vector<16xf32> to vector<1x16xf32>
      tpu.vector_store %arg9[%swap3A_80, %swap3A_81], %swap3A_84 {strides = array<i32>} : memref<80x128xf32, #tpu.memory_space<vmem>>, vector<1x16xf32>,
      %swap3A_85 = arith.index_cast %scan3A_50 : i32 to index
      %swap3A_86 = arith.constant 112 : index
      %swap3A_87 = tpu.vector_load %arg9[%swap3A_85, %swap3A_86] {strides = array<i32>} : memref<80x128xf32, #tpu.memory_space<vmem>>, vector<1x16xf32>,
      %swap3A_88 = vector.shape_cast %swap3A_87 : vector<1x16xf32> to vector<16xf32>
      %swap3A_89 = vector.shape_cast %broadcast_in_dim3A_0 : vector<16xf32> to vector<1x16xf32>
      tpu.vector_store %arg9[%swap3A_85, %swap3A_86], %swap3A_89 {strides = array<i32>} : memref<80x128xf32, #tpu.memory_space<vmem>>, vector<1x16xf32>,
    }
    %scan3A_5 = arith.constant 80 : i32
    %mul3A = arith.constant 640 : i32
    %mul3A_6 = arith.muli %arg1, %mul3A : i32
    %add3A = arith.constant 0 : i32
    %add3A_7 = arith.addi %mul3A_6, %add3A : i32
    "tpu.region"() ({
      %run_scoped3A = tpu.sem_alloc : memref<!tpu.dma_semaphore, #tpu.memory_space<semaphore_mem>>
      %dma_start3A = arith.constant 0 : i32
      %dma_start3A_50 = tpu.memref_slice %arg6[%add3A_7, %dma_start3A] : memref<10240x128xf32, #tpu.memory_space<vmem_shared>> -> memref<80x128xf32, #tpu.memory_space<vmem_shared>>
      %dma_start3A_51 = arith.constant 0 : i32
      %dma_start3A_52 = tpu.memref_slice %arg6[%add3A_7, %dma_start3A_51] : memref<10240x128xf32, #tpu.memory_space<vmem_shared>> -> memref<80x128xf32, #tpu.memory_space<vmem_shared>>
      tpu.enqueue_dma source(%arg9 : memref<80x128xf32, #tpu.memory_space<vmem>>) target(%dma_start3A_52 : memref<80x128xf32, #tpu.memory_space<vmem_shared>>) target_semaphore(%run_scoped3A : memref<!tpu.dma_semaphore, #tpu.memory_space<semaphore_mem>>)
      %dma_wait3A = arith.constant 0 : i32
      %dma_wait3A_53 = tpu.memref_slice %arg6[%add3A_7, %dma_wait3A] : memref<10240x128xf32, #tpu.memory_space<vmem_shared>> -> memref<80x128xf32, #tpu.memory_space<vmem_shared>>
      %dma_wait3A_54 = arith.constant 0 : i32
      %dma_wait3A_55 = tpu.memref_slice %arg6[%add3A_7, %dma_wait3A_54] : memref<10240x128xf32, #tpu.memory_space<vmem_shared>> -> memref<80x128xf32, #tpu.memory_space<vmem_shared>>
      tpu.wait_dma2 semaphore(%run_scoped3A : memref<!tpu.dma_semaphore, #tpu.memory_space<semaphore_mem>>) src(%arg9 : memref<80x128xf32, #tpu.memory_space<vmem>>) dst(%dma_wait3A_55 : memref<80x128xf32, #tpu.memory_space<vmem_shared>>)
      tpu.yield
    }) : () -> ()
    %mul3A_8 = arith.constant 640 : i32
    %mul3A_9 = arith.muli %arg1, %mul3A_8 : i32
    %add3A_10 = arith.constant 80 : i32
    %add3A_11 = arith.addi %mul3A_9, %add3A_10 : i32
    "tpu.region"() ({
      %run_scoped3A = tpu.sem_alloc : memref<!tpu.dma_semaphore, #tpu.memory_space<semaphore_mem>>
      %dma_start3A = arith.constant 0 : i32
      %dma_start3A_50 = tpu.memref_slice %arg6[%add3A_11, %dma_start3A] : memref<10240x128xf32, #tpu.memory_space<vmem_shared>> -> memref<80x128xf32, #tpu.memory_space<vmem_shared>>
      %dma_start3A_51 = arith.constant 0 : i32
      %dma_start3A_52 = tpu.memref_slice %arg6[%add3A_11, %dma_start3A_51] : memref<10240x128xf32, #tpu.memory_space<vmem_shared>> -> memref<80x128xf32, #tpu.memory_space<vmem_shared>>
      tpu.enqueue_dma source(%arg9 : memref<80x128xf32, #tpu.memory_space<vmem>>) target(%dma_start3A_52 : memref<80x128xf32, #tpu.memory_space<vmem_shared>>) target_semaphore(%run_scoped3A : memref<!tpu.dma_semaphore, #tpu.memory_space<semaphore_mem>>)
      %dma_wait3A = arith.constant 0 : i32
      %dma_wait3A_53 = tpu.memref_slice %arg6[%add3A_11, %dma_wait3A] : memref<10240x128xf32, #tpu.memory_space<vmem_shared>> -> memref<80x128xf32, #tpu.memory_space<vmem_shared>>
      %dma_wait3A_54 = arith.constant 0 : i32
      %dma_wait3A_55 = tpu.memref_slice %arg6[%add3A_11, %dma_wait3A_54] : memref<10240x128xf32, #tpu.memory_space<vmem_shared>> -> memref<80x128xf32, #tpu.memory_space<vmem_shared>>
      tpu.wait_dma2 semaphore(%run_scoped3A : memref<!tpu.dma_semaphore, #tpu.memory_space<semaphore_mem>>) src(%arg9 : memref<80x128xf32, #tpu.memory_space<vmem>>) dst(%dma_wait3A_55 : memref<80x128xf32, #tpu.memory_space<vmem_shared>>)
      tpu.yield
    }) : () -> ()
    %mul3A_12 = arith.constant 640 : i32
    %mul3A_13 = arith.muli %arg1, %mul3A_12 : i32
    %add3A_14 = arith.constant 160 : i32
    %add3A_15 = arith.addi %mul3A_13, %add3A_14 : i32
    "tpu.region"() ({
      %run_scoped3A = tpu.sem_alloc : memref<!tpu.dma_semaphore, #tpu.memory_space<semaphore_mem>>
      %dma_start3A = arith.constant 0 : i32
      %dma_start3A_50 = tpu.memref_slice %arg6[%add3A_15, %dma_start3A] : memref<10240x128xf32, #tpu.memory_space<vmem_shared>> -> memref<80x128xf32, #tpu.memory_space<vmem_shared>>
      %dma_start3A_51 = arith.constant 0 : i32
      %dma_start3A_52 = tpu.memref_slice %arg6[%add3A_15, %dma_start3A_51] : memref<10240x128xf32, #tpu.memory_space<vmem_shared>> -> memref<80x128xf32, #tpu.memory_space<vmem_shared>>
      tpu.enqueue_dma source(%arg9 : memref<80x128xf32, #tpu.memory_space<vmem>>) target(%dma_start3A_52 : memref<80x128xf32, #tpu.memory_space<vmem_shared>>) target_semaphore(%run_scoped3A : memref<!tpu.dma_semaphore, #tpu.memory_space<semaphore_mem>>)
      %dma_wait3A = arith.constant 0 : i32
      %dma_wait3A_53 = tpu.memref_slice %arg6[%add3A_15, %dma_wait3A] : memref<10240x128xf32, #tpu.memory_space<vmem_shared>> -> memref<80x128xf32, #tpu.memory_space<vmem_shared>>
      %dma_wait3A_54 = arith.constant 0 : i32
      %dma_wait3A_55 = tpu.memref_slice %arg6[%add3A_15, %dma_wait3A_54] : memref<10240x128xf32, #tpu.memory_space<vmem_shared>> -> memref<80x128xf32, #tpu.memory_space<vmem_shared>>
      tpu.wait_dma2 semaphore(%run_scoped3A : memref<!tpu.dma_semaphore, #tpu.memory_space<semaphore_mem>>) src(%arg9 : memref<80x128xf32, #tpu.memory_space<vmem>>) dst(%dma_wait3A_55 : memref<80x128xf32, #tpu.memory_space<vmem_shared>>)
      tpu.yield
    }) : () -> ()
    %mul3A_16 = arith.constant 640 : i32
    %mul3A_17 = arith.muli %arg1, %mul3A_16 : i32
    %add3A_18 = arith.constant 240 : i32
    %add3A_19 = arith.addi %mul3A_17, %add3A_18 : i32
    "tpu.region"() ({
      %run_scoped3A = tpu.sem_alloc : memref<!tpu.dma_semaphore, #tpu.memory_space<semaphore_mem>>
      %dma_start3A = arith.constant 0 : i32
      %dma_start3A_50 = tpu.memref_slice %arg6[%add3A_19, %dma_start3A] : memref<10240x128xf32, #tpu.memory_space<vmem_shared>> -> memref<80x128xf32, #tpu.memory_space<vmem_shared>>
      %dma_start3A_51 = arith.constant 0 : i32
      %dma_start3A_52 = tpu.memref_slice %arg6[%add3A_19, %dma_start3A_51] : memref<10240x128xf32, #tpu.memory_space<vmem_shared>> -> memref<80x128xf32, #tpu.memory_space<vmem_shared>>
      tpu.enqueue_dma source(%arg9 : memref<80x128xf32, #tpu.memory_space<vmem>>) target(%dma_start3A_52 : memref<80x128xf32, #tpu.memory_space<vmem_shared>>) target_semaphore(%run_scoped3A : memref<!tpu.dma_semaphore, #tpu.memory_space<semaphore_mem>>)
      %dma_wait3A = arith.constant 0 : i32
      %dma_wait3A_53 = tpu.memref_slice %arg6[%add3A_19, %dma_wait3A] : memref<10240x128xf32, #tpu.memory_space<vmem_shared>> -> memref<80x128xf32, #tpu.memory_space<vmem_shared>>
      %dma_wait3A_54 = arith.constant 0 : i32
      %dma_wait3A_55 = tpu.memref_slice %arg6[%add3A_19, %dma_wait3A_54] : memref<10240x128xf32, #tpu.memory_space<vmem_shared>> -> memref<80x128xf32, #tpu.memory_space<vmem_shared>>
      tpu.wait_dma2 semaphore(%run_scoped3A : memref<!tpu.dma_semaphore, #tpu.memory_space<semaphore_mem>>) src(%arg9 : memref<80x128xf32, #tpu.memory_space<vmem>>) dst(%dma_wait3A_55 : memref<80x128xf32, #tpu.memory_space<vmem_shared>>)
      tpu.yield
    }) : () -> ()
    %mul3A_20 = arith.constant 640 : i32
    %mul3A_21 = arith.muli %arg1, %mul3A_20 : i32
    %add3A_22 = arith.constant 320 : i32
    %add3A_23 = arith.addi %mul3A_21, %add3A_22 : i32
    "tpu.region"() ({
      %run_scoped3A = tpu.sem_alloc : memref<!tpu.dma_semaphore, #tpu.memory_space<semaphore_mem>>
      %dma_start3A = arith.constant 0 : i32
      %dma_start3A_50 = tpu.memref_slice %arg6[%add3A_23, %dma_start3A] : memref<10240x128xf32, #tpu.memory_space<vmem_shared>> -> memref<80x128xf32, #tpu.memory_space<vmem_shared>>
      %dma_start3A_51 = arith.constant 0 : i32
      %dma_start3A_52 = tpu.memref_slice %arg6[%add3A_23, %dma_start3A_51] : memref<10240x128xf32, #tpu.memory_space<vmem_shared>> -> memref<80x128xf32, #tpu.memory_space<vmem_shared>>
      tpu.enqueue_dma source(%arg9 : memref<80x128xf32, #tpu.memory_space<vmem>>) target(%dma_start3A_52 : memref<80x128xf32, #tpu.memory_space<vmem_shared>>) target_semaphore(%run_scoped3A : memref<!tpu.dma_semaphore, #tpu.memory_space<semaphore_mem>>)
      %dma_wait3A = arith.constant 0 : i32
      %dma_wait3A_53 = tpu.memref_slice %arg6[%add3A_23, %dma_wait3A] : memref<10240x128xf32, #tpu.memory_space<vmem_shared>> -> memref<80x128xf32, #tpu.memory_space<vmem_shared>>
      %dma_wait3A_54 = arith.constant 0 : i32
      %dma_wait3A_55 = tpu.memref_slice %arg6[%add3A_23, %dma_wait3A_54] : memref<10240x128xf32, #tpu.memory_space<vmem_shared>> -> memref<80x128xf32, #tpu.memory_space<vmem_shared>>
      tpu.wait_dma2 semaphore(%run_scoped3A : memref<!tpu.dma_semaphore, #tpu.memory_space<semaphore_mem>>) src(%arg9 : memref<80x128xf32, #tpu.memory_space<vmem>>) dst(%dma_wait3A_55 : memref<80x128xf32, #tpu.memory_space<vmem_shared>>)
      tpu.yield
    }) : () -> ()
    %mul3A_24 = arith.constant 640 : i32
    %mul3A_25 = arith.muli %arg1, %mul3A_24 : i32
    %add3A_26 = arith.constant 400 : i32
    %add3A_27 = arith.addi %mul3A_25, %add3A_26 : i32
    "tpu.region"() ({
      %run_scoped3A = tpu.sem_alloc : memref<!tpu.dma_semaphore, #tpu.memory_space<semaphore_mem>>
      %dma_start3A = arith.constant 0 : i32
      %dma_start3A_50 = tpu.memref_slice %arg6[%add3A_27, %dma_start3A] : memref<10240x128xf32, #tpu.memory_space<vmem_shared>> -> memref<80x128xf32, #tpu.memory_space<vmem_shared>>
      %dma_start3A_51 = arith.constant 0 : i32
      %dma_start3A_52 = tpu.memref_slice %arg6[%add3A_27, %dma_start3A_51] : memref<10240x128xf32, #tpu.memory_space<vmem_shared>> -> memref<80x128xf32, #tpu.memory_space<vmem_shared>>
      tpu.enqueue_dma source(%arg9 : memref<80x128xf32, #tpu.memory_space<vmem>>) target(%dma_start3A_52 : memref<80x128xf32, #tpu.memory_space<vmem_shared>>) target_semaphore(%run_scoped3A : memref<!tpu.dma_semaphore, #tpu.memory_space<semaphore_mem>>)
      %dma_wait3A = arith.constant 0 : i32
      %dma_wait3A_53 = tpu.memref_slice %arg6[%add3A_27, %dma_wait3A] : memref<10240x128xf32, #tpu.memory_space<vmem_shared>> -> memref<80x128xf32, #tpu.memory_space<vmem_shared>>
      %dma_wait3A_54 = arith.constant 0 : i32
      %dma_wait3A_55 = tpu.memref_slice %arg6[%add3A_27, %dma_wait3A_54] : memref<10240x128xf32, #tpu.memory_space<vmem_shared>> -> memref<80x128xf32, #tpu.memory_space<vmem_shared>>
      tpu.wait_dma2 semaphore(%run_scoped3A : memref<!tpu.dma_semaphore, #tpu.memory_space<semaphore_mem>>) src(%arg9 : memref<80x128xf32, #tpu.memory_space<vmem>>) dst(%dma_wait3A_55 : memref<80x128xf32, #tpu.memory_space<vmem_shared>>)
      tpu.yield
    }) : () -> ()
    %mul3A_28 = arith.constant 640 : i32
    %mul3A_29 = arith.muli %arg1, %mul3A_28 : i32
    %add3A_30 = arith.constant 480 : i32
    %add3A_31 = arith.addi %mul3A_29, %add3A_30 : i32
    "tpu.region"() ({
      %run_scoped3A = tpu.sem_alloc : memref<!tpu.dma_semaphore, #tpu.memory_space<semaphore_mem>>
      %dma_start3A = arith.constant 0 : i32
      %dma_start3A_50 = tpu.memref_slice %arg6[%add3A_31, %dma_start3A] : memref<10240x128xf32, #tpu.memory_space<vmem_shared>> -> memref<80x128xf32, #tpu.memory_space<vmem_shared>>
      %dma_start3A_51 = arith.constant 0 : i32
      %dma_start3A_52 = tpu.memref_slice %arg6[%add3A_31, %dma_start3A_51] : memref<10240x128xf32, #tpu.memory_space<vmem_shared>> -> memref<80x128xf32, #tpu.memory_space<vmem_shared>>
      tpu.enqueue_dma source(%arg9 : memref<80x128xf32, #tpu.memory_space<vmem>>) target(%dma_start3A_52 : memref<80x128xf32, #tpu.memory_space<vmem_shared>>) target_semaphore(%run_scoped3A : memref<!tpu.dma_semaphore, #tpu.memory_space<semaphore_mem>>)
      %dma_wait3A = arith.constant 0 : i32
      %dma_wait3A_53 = tpu.memref_slice %arg6[%add3A_31, %dma_wait3A] : memref<10240x128xf32, #tpu.memory_space<vmem_shared>> -> memref<80x128xf32, #tpu.memory_space<vmem_shared>>
      %dma_wait3A_54 = arith.constant 0 : i32
      %dma_wait3A_55 = tpu.memref_slice %arg6[%add3A_31, %dma_wait3A_54] : memref<10240x128xf32, #tpu.memory_space<vmem_shared>> -> memref<80x128xf32, #tpu.memory_space<vmem_shared>>
      tpu.wait_dma2 semaphore(%run_scoped3A : memref<!tpu.dma_semaphore, #tpu.memory_space<semaphore_mem>>) src(%arg9 : memref<80x128xf32, #tpu.memory_space<vmem>>) dst(%dma_wait3A_55 : memref<80x128xf32, #tpu.memory_space<vmem_shared>>)
      tpu.yield
    }) : () -> ()
    %mul3A_32 = arith.constant 640 : i32
    %mul3A_33 = arith.muli %arg1, %mul3A_32 : i32
    %add3A_34 = arith.constant 560 : i32
    %add3A_35 = arith.addi %mul3A_33, %add3A_34 : i32
    "tpu.region"() ({
      %run_scoped3A = tpu.sem_alloc : memref<!tpu.dma_semaphore, #tpu.memory_space<semaphore_mem>>
      %dma_start3A = arith.constant 0 : i32
      %dma_start3A_50 = tpu.memref_slice %arg6[%add3A_35, %dma_start3A] : memref<10240x128xf32, #tpu.memory_space<vmem_shared>> -> memref<80x128xf32, #tpu.memory_space<vmem_shared>>
      %dma_start3A_51 = arith.constant 0 : i32
      %dma_start3A_52 = tpu.memref_slice %arg6[%add3A_35, %dma_start3A_51] : memref<10240x128xf32, #tpu.memory_space<vmem_shared>> -> memref<80x128xf32, #tpu.memory_space<vmem_shared>>
      tpu.enqueue_dma source(%arg9 : memref<80x128xf32, #tpu.memory_space<vmem>>) target(%dma_start3A_52 : memref<80x128xf32, #tpu.memory_space<vmem_shared>>) target_semaphore(%run_scoped3A : memref<!tpu.dma_semaphore, #tpu.memory_space<semaphore_mem>>)
      %dma_wait3A = arith.constant 0 : i32
      %dma_wait3A_53 = tpu.memref_slice %arg6[%add3A_35, %dma_wait3A] : memref<10240x128xf32, #tpu.memory_space<vmem_shared>> -> memref<80x128xf32, #tpu.memory_space<vmem_shared>>
      %dma_wait3A_54 = arith.constant 0 : i32
      %dma_wait3A_55 = tpu.memref_slice %arg6[%add3A_35, %dma_wait3A_54] : memref<10240x128xf32, #tpu.memory_space<vmem_shared>> -> memref<80x128xf32, #tpu.memory_space<vmem_shared>>
      tpu.wait_dma2 semaphore(%run_scoped3A : memref<!tpu.dma_semaphore, #tpu.memory_space<semaphore_mem>>) src(%arg9 : memref<80x128xf32, #tpu.memory_space<vmem>>) dst(%dma_wait3A_55 : memref<80x128xf32, #tpu.memory_space<vmem_shared>>)
      tpu.yield
    }) : () -> ()
    %barrier3A = arith.constant 0 : index
    tpu.barrier barrier_id(%barrier3A)
    %mul3A_36 = arith.constant 10240 : i32
    %mul3A_37 = arith.muli %arg0, %mul3A_36 : i32
    %scan3A_38 = arith.constant 0 : i32
    %scan3A_39 = arith.constant 0 : i32
    %scan3A_40 = arith.constant 5 : i32
    %scan3A_41 = arith.addi %scan3A_39, %scan3A_40 : i32
    %scan3A_42 = arith.constant 1 : i32
    scf.for %scan3A_50 = %scan3A_39 to %scan3A_41 step %scan3A_42  : i32 {
      "tpu.region"() ({
        %run_scoped3A_82 = tpu.sem_alloc : memref<!tpu.dma_semaphore, #tpu.memory_space<semaphore_mem>>
        %dma_start3A_83 = arith.constant 0 : i32
        %dma_start3A_84 = arith.constant 0 : i32
        %dma_start3A_85 = tpu.memref_slice %arg3[%arg0, %arg1, %scan3A_50, %dma_start3A_83, %dma_start3A_84] : memref<2x16x5x50x80xi32, #tpu.memory_space<hbm>> -> memref<1x1x1x50x80xi32, #tpu.memory_space<hbm>>
        %dma_start3A_86 = tpu.memref_squeeze %dma_start3A_85 : memref<1x1x1x50x80xi32, #tpu.memory_space<hbm>> -> memref<50x80xi32, #tpu.memory_space<hbm>>
        %dma_start3A_87 = arith.constant 0 : i32
        %dma_start3A_88 = arith.constant 0 : i32
        %dma_start3A_89 = tpu.memref_slice %arg3[%arg0, %arg1, %scan3A_50, %dma_start3A_87, %dma_start3A_88] : memref<2x16x5x50x80xi32, #tpu.memory_space<hbm>> -> memref<1x1x1x50x80xi32, #tpu.memory_space<hbm>>
        %dma_start3A_90 = tpu.memref_squeeze %dma_start3A_89 : memref<1x1x1x50x80xi32, #tpu.memory_space<hbm>> -> memref<50x80xi32, #tpu.memory_space<hbm>>
        tpu.enqueue_dma source(%dma_start3A_90 : memref<50x80xi32, #tpu.memory_space<hbm>>) target(%arg7 : memref<50x80xi32, #tpu.memory_space<vmem>>) target_semaphore(%run_scoped3A_82 : memref<!tpu.dma_semaphore, #tpu.memory_space<semaphore_mem>>)
        %dma_wait3A_91 = arith.constant 0 : i32
        %dma_wait3A_92 = arith.constant 0 : i32
        %dma_wait3A_93 = tpu.memref_slice %arg3[%arg0, %arg1, %scan3A_50, %dma_wait3A_91, %dma_wait3A_92] : memref<2x16x5x50x80xi32, #tpu.memory_space<hbm>> -> memref<1x1x1x50x80xi32, #tpu.memory_space<hbm>>
        %dma_wait3A_94 = tpu.memref_squeeze %dma_wait3A_93 : memref<1x1x1x50x80xi32, #tpu.memory_space<hbm>> -> memref<50x80xi32, #tpu.memory_space<hbm>>
        %dma_wait3A_95 = arith.constant 0 : i32
        %dma_wait3A_96 = arith.constant 0 : i32
        %dma_wait3A_97 = tpu.memref_slice %arg3[%arg0, %arg1, %scan3A_50, %dma_wait3A_95, %dma_wait3A_96] : memref<2x16x5x50x80xi32, #tpu.memory_space<hbm>> -> memref<1x1x1x50x80xi32, #tpu.memory_space<hbm>>
        %dma_wait3A_98 = tpu.memref_squeeze %dma_wait3A_97 : memref<1x1x1x50x80xi32, #tpu.memory_space<hbm>> -> memref<50x80xi32, #tpu.memory_space<hbm>>
        tpu.wait_dma2 semaphore(%run_scoped3A_82 : memref<!tpu.dma_semaphore, #tpu.memory_space<semaphore_mem>>) src(%dma_wait3A_98 : memref<50x80xi32, #tpu.memory_space<hbm>>) dst(%arg7 : memref<50x80xi32, #tpu.memory_space<vmem>>)
        tpu.yield
      }) : () -> ()
      "tpu.region"() ({
        %run_scoped3A_82 = tpu.sem_alloc : memref<!tpu.dma_semaphore, #tpu.memory_space<semaphore_mem>>
        %dma_start3A_83 = arith.constant 0 : i32
        %dma_start3A_84 = arith.constant 0 : i32
        %dma_start3A_85 = tpu.memref_slice %arg4[%arg1, %scan3A_50, %dma_start3A_83, %dma_start3A_84] : memref<16x5x50x80xi32, #tpu.memory_space<hbm>> -> memref<1x1x50x80xi32, #tpu.memory_space<hbm>>
        %dma_start3A_86 = tpu.memref_squeeze %dma_start3A_85 : memref<1x1x50x80xi32, #tpu.memory_space<hbm>> -> memref<50x80xi32, #tpu.memory_space<hbm>>
        %dma_start3A_87 = arith.constant 0 : i32
        %dma_start3A_88 = arith.constant 0 : i32
        %dma_start3A_89 = tpu.memref_slice %arg4[%arg1, %scan3A_50, %dma_start3A_87, %dma_start3A_88] : memref<16x5x50x80xi32, #tpu.memory_space<hbm>> -> memref<1x1x50x80xi32, #tpu.memory_space<hbm>>
        %dma_start3A_90 = tpu.memref_squeeze %dma_start3A_89 : memref<1x1x50x80xi32, #tpu.memory_space<hbm>> -> memref<50x80xi32, #tpu.memory_space<hbm>>
        tpu.enqueue_dma source(%dma_start3A_90 : memref<50x80xi32, #tpu.memory_space<hbm>>) target(%arg8 : memref<50x80xi32, #tpu.memory_space<vmem>>) target_semaphore(%run_scoped3A_82 : memref<!tpu.dma_semaphore, #tpu.memory_space<semaphore_mem>>)
        %dma_wait3A_91 = arith.constant 0 : i32
        %dma_wait3A_92 = arith.constant 0 : i32
        %dma_wait3A_93 = tpu.memref_slice %arg4[%arg1, %scan3A_50, %dma_wait3A_91, %dma_wait3A_92] : memref<16x5x50x80xi32, #tpu.memory_space<hbm>> -> memref<1x1x50x80xi32, #tpu.memory_space<hbm>>
        %dma_wait3A_94 = tpu.memref_squeeze %dma_wait3A_93 : memref<1x1x50x80xi32, #tpu.memory_space<hbm>> -> memref<50x80xi32, #tpu.memory_space<hbm>>
        %dma_wait3A_95 = arith.constant 0 : i32
        %dma_wait3A_96 = arith.constant 0 : i32
        %dma_wait3A_97 = tpu.memref_slice %arg4[%arg1, %scan3A_50, %dma_wait3A_95, %dma_wait3A_96] : memref<16x5x50x80xi32, #tpu.memory_space<hbm>> -> memref<1x1x50x80xi32, #tpu.memory_space<hbm>>
        %dma_wait3A_98 = tpu.memref_squeeze %dma_wait3A_97 : memref<1x1x50x80xi32, #tpu.memory_space<hbm>> -> memref<50x80xi32, #tpu.memory_space<hbm>>
        tpu.wait_dma2 semaphore(%run_scoped3A_82 : memref<!tpu.dma_semaphore, #tpu.memory_space<semaphore_mem>>) src(%dma_wait3A_98 : memref<50x80xi32, #tpu.memory_space<hbm>>) dst(%arg8 : memref<50x80xi32, #tpu.memory_space<vmem>>)
        tpu.yield
      }) : () -> ()
      %dma_start3A = arith.constant 0 : i32
      %dma_start3A_51 = arith.constant 0 : i32
      %dma_start3A_52 = tpu.memref_slice %arg7[%dma_start3A, %dma_start3A_51] : memref<50x80xi32, #tpu.memory_space<vmem>> -> memref<1x80xi32, #tpu.memory_space<vmem>>
      %dma_start3A_53 = tpu.memref_squeeze %dma_start3A_52 : memref<1x80xi32, #tpu.memory_space<vmem>> -> memref<80xi32, #tpu.memory_space<vmem>>
      %dma_start3A_54 = arith.constant 0 : i32
      %dma_start3A_55 = arith.constant 0 : i32
      %dma_start3A_56 = tpu.memref_slice %arg2[%dma_start3A_54, %dma_start3A_55] : memref<20000x128xf32, #tpu.memory_space<hbm>> -> memref<20000x128xf32, #tpu.memory_space<hbm>>
      tpu.enqueue_indirect_dma source(%dma_start3A_56 : memref<20000x128xf32, #tpu.memory_space<hbm>>) target(%arg9 : memref<80x128xf32, #tpu.memory_space<vmem>>) offsets(%dma_start3A_53 : memref<80xi32, #tpu.memory_space<vmem>>) semaphore(%arg11 : memref<!tpu.dma_semaphore, #tpu.memory_space<semaphore_mem>>)
      %scan3A_57 = arith.constant 0 : i32
      %scan3A_58 = arith.constant 0 : i32
      %scan3A_59 = arith.constant 24 : i32
      %scan3A_60 = arith.addi %scan3A_58, %scan3A_59 : i32
      %scan3A_61 = arith.constant 1 : i32
      scf.for %scan3A_82 = %scan3A_58 to %scan3A_60 step %scan3A_61  : i32 {
        %mul3A_83 = arith.constant 2 : i32
        %mul3A_84 = arith.muli %mul3A_83, %scan3A_82 : i32
        %add3A_85 = arith.constant 1 : i32
        %add3A_86 = arith.addi %mul3A_84, %add3A_85 : i32
        %dma_start3A_87 = arith.constant 0 : i32
        %dma_start3A_88 = tpu.memref_slice %arg7[%add3A_86, %dma_start3A_87] : memref<50x80xi32, #tpu.memory_space<vmem>> -> memref<1x80xi32, #tpu.memory_space<vmem>>
        %dma_start3A_89 = tpu.memref_squeeze %dma_start3A_88 : memref<1x80xi32, #tpu.memory_space<vmem>> -> memref<80xi32, #tpu.memory_space<vmem>>
        %dma_start3A_90 = arith.constant 0 : i32
        %dma_start3A_91 = arith.constant 0 : i32
        %dma_start3A_92 = tpu.memref_slice %arg2[%dma_start3A_90, %dma_start3A_91] : memref<20000x128xf32, #tpu.memory_space<hbm>> -> memref<20000x128xf32, #tpu.memory_space<hbm>>
        tpu.enqueue_indirect_dma source(%dma_start3A_92 : memref<20000x128xf32, #tpu.memory_space<hbm>>) target(%arg10 : memref<80x128xf32, #tpu.memory_space<vmem>>) offsets(%dma_start3A_89 : memref<80xi32, #tpu.memory_space<vmem>>) semaphore(%arg12 : memref<!tpu.dma_semaphore, #tpu.memory_space<semaphore_mem>>)
        %dma_wait3A_93 = arith.constant 0 : i32
        %dma_wait3A_94 = arith.constant 0 : i32
        %dma_wait3A_95 = tpu.memref_slice %arg2[%dma_wait3A_93, %dma_wait3A_94] : memref<20000x128xf32, #tpu.memory_space<hbm>> -> memref<80x128xf32, #tpu.memory_space<hbm>>
        %dma_wait3A_96 = arith.constant 0 : i32
        %dma_wait3A_97 = arith.constant 0 : i32
        %dma_wait3A_98 = tpu.memref_slice %arg2[%dma_wait3A_96, %dma_wait3A_97] : memref<20000x128xf32, #tpu.memory_space<hbm>> -> memref<80x128xf32, #tpu.memory_space<hbm>>
        tpu.wait_dma2 semaphore(%arg11 : memref<!tpu.dma_semaphore, #tpu.memory_space<semaphore_mem>>) src(%dma_wait3A_98 : memref<80x128xf32, #tpu.memory_space<hbm>>) dst(%arg9 : memref<80x128xf32, #tpu.memory_space<vmem>>)
        "tpu.region"() ({
          %run_scoped3A_115 = tpu.sem_alloc : memref<!tpu.dma_semaphore, #tpu.memory_space<semaphore_mem>>
          %dma_start3A_116 = arith.constant 0 : i32
          %dma_start3A_117 = tpu.memref_slice %arg8[%mul3A_84, %dma_start3A_116] : memref<50x80xi32, #tpu.memory_space<vmem>> -> memref<1x80xi32, #tpu.memory_space<vmem>>
          %dma_start3A_118 = tpu.memref_squeeze %dma_start3A_117 : memref<1x80xi32, #tpu.memory_space<vmem>> -> memref<80xi32, #tpu.memory_space<vmem>>
          %dma_start3A_119 = arith.constant 0 : i32
          %dma_start3A_120 = arith.constant 0 : i32
          %dma_start3A_121 = tpu.memref_slice %arg6[%dma_start3A_119, %dma_start3A_120] : memref<10240x128xf32, #tpu.memory_space<vmem_shared>> -> memref<10240x128xf32, #tpu.memory_space<vmem_shared>>
          tpu.enqueue_indirect_dma source(%arg9 : memref<80x128xf32, #tpu.memory_space<vmem>>) target(%dma_start3A_121 : memref<10240x128xf32, #tpu.memory_space<vmem_shared>>) offsets(%dma_start3A_118 : memref<80xi32, #tpu.memory_space<vmem>>) semaphore(%run_scoped3A_115 : memref<!tpu.dma_semaphore, #tpu.memory_space<semaphore_mem>>) {add = true}
          %dma_wait3A_122 = arith.constant 0 : i32
          %dma_wait3A_123 = tpu.memref_slice %arg8[%mul3A_84, %dma_wait3A_122] : memref<50x80xi32, #tpu.memory_space<vmem>> -> memref<1x80xi32, #tpu.memory_space<vmem>>
          %dma_wait3A_124 = tpu.memref_squeeze %dma_wait3A_123 : memref<1x80xi32, #tpu.memory_space<vmem>> -> memref<80xi32, #tpu.memory_space<vmem>>
          %dma_wait3A_125 = arith.constant 0 : i32
          %dma_wait3A_126 = arith.constant 0 : i32
          %dma_wait3A_127 = tpu.memref_slice %arg6[%dma_wait3A_125, %dma_wait3A_126] : memref<10240x128xf32, #tpu.memory_space<vmem_shared>> -> memref<10240x128xf32, #tpu.memory_space<vmem_shared>>
          tpu.wait_indirect_dma semaphore(%run_scoped3A_115 : memref<!tpu.dma_semaphore, #tpu.memory_space<semaphore_mem>>) src(%arg9 : memref<80x128xf32, #tpu.memory_space<vmem>>) dst(%dma_wait3A_127 : memref<10240x128xf32, #tpu.memory_space<vmem_shared>>)
          tpu.yield
        }) : () -> ()
        %add3A_99 = arith.constant 2 : i32
        %add3A_100 = arith.addi %mul3A_84, %add3A_99 : i32
        %dma_start3A_101 = arith.constant 0 : i32
        %dma_start3A_102 = tpu.memref_slice %arg7[%add3A_100, %dma_start3A_101] : memref<50x80xi32, #tpu.memory_space<vmem>> -> memref<1x80xi32, #tpu.memory_space<vmem>>
        %dma_start3A_103 = tpu.memref_squeeze %dma_start3A_102 : memref<1x80xi32, #tpu.memory_space<vmem>> -> memref<80xi32, #tpu.memory_space<vmem>>
        %dma_start3A_104 = arith.constant 0 : i32
        %dma_start3A_105 = arith.constant 0 : i32
        %dma_start3A_106 = tpu.memref_slice %arg2[%dma_start3A_104, %dma_start3A_105] : memref<20000x128xf32, #tpu.memory_space<hbm>> -> memref<20000x128xf32, #tpu.memory_space<hbm>>
        tpu.enqueue_indirect_dma source(%dma_start3A_106 : memref<20000x128xf32, #tpu.memory_space<hbm>>) target(%arg9 : memref<80x128xf32, #tpu.memory_space<vmem>>) offsets(%dma_start3A_103 : memref<80xi32, #tpu.memory_space<vmem>>) semaphore(%arg11 : memref<!tpu.dma_semaphore, #tpu.memory_space<semaphore_mem>>)
        %dma_wait3A_107 = arith.constant 0 : i32
        %dma_wait3A_108 = arith.constant 0 : i32
        %dma_wait3A_109 = tpu.memref_slice %arg2[%dma_wait3A_107, %dma_wait3A_108] : memref<20000x128xf32, #tpu.memory_space<hbm>> -> memref<80x128xf32, #tpu.memory_space<hbm>>
        %dma_wait3A_110 = arith.constant 0 : i32
        %dma_wait3A_111 = arith.constant 0 : i32
        %dma_wait3A_112 = tpu.memref_slice %arg2[%dma_wait3A_110, %dma_wait3A_111] : memref<20000x128xf32, #tpu.memory_space<hbm>> -> memref<80x128xf32, #tpu.memory_space<hbm>>
        tpu.wait_dma2 semaphore(%arg12 : memref<!tpu.dma_semaphore, #tpu.memory_space<semaphore_mem>>) src(%dma_wait3A_112 : memref<80x128xf32, #tpu.memory_space<hbm>>) dst(%arg10 : memref<80x128xf32, #tpu.memory_space<vmem>>)
        %add3A_113 = arith.constant 1 : i32
        %add3A_114 = arith.addi %mul3A_84, %add3A_113 : i32
        "tpu.region"() ({
          %run_scoped3A_115 = tpu.sem_alloc : memref<!tpu.dma_semaphore, #tpu.memory_space<semaphore_mem>>
          %dma_start3A_116 = arith.constant 0 : i32
          %dma_start3A_117 = tpu.memref_slice %arg8[%add3A_114, %dma_start3A_116] : memref<50x80xi32, #tpu.memory_space<vmem>> -> memref<1x80xi32, #tpu.memory_space<vmem>>
          %dma_start3A_118 = tpu.memref_squeeze %dma_start3A_117 : memref<1x80xi32, #tpu.memory_space<vmem>> -> memref<80xi32, #tpu.memory_space<vmem>>
          %dma_start3A_119 = arith.constant 0 : i32
          %dma_start3A_120 = arith.constant 0 : i32
          %dma_start3A_121 = tpu.memref_slice %arg6[%dma_start3A_119, %dma_start3A_120] : memref<10240x128xf32, #tpu.memory_space<vmem_shared>> -> memref<10240x128xf32, #tpu.memory_space<vmem_shared>>
          tpu.enqueue_indirect_dma source(%arg10 : memref<80x128xf32, #tpu.memory_space<vmem>>) target(%dma_start3A_121 : memref<10240x128xf32, #tpu.memory_space<vmem_shared>>) offsets(%dma_start3A_118 : memref<80xi32, #tpu.memory_space<vmem>>) semaphore(%run_scoped3A_115 : memref<!tpu.dma_semaphore, #tpu.memory_space<semaphore_mem>>) {add = true}
          %dma_wait3A_122 = arith.constant 0 : i32
          %dma_wait3A_123 = tpu.memref_slice %arg8[%add3A_114, %dma_wait3A_122] : memref<50x80xi32, #tpu.memory_space<vmem>> -> memref<1x80xi32, #tpu.memory_space<vmem>>
          %dma_wait3A_124 = tpu.memref_squeeze %dma_wait3A_123 : memref<1x80xi32, #tpu.memory_space<vmem>> -> memref<80xi32, #tpu.memory_space<vmem>>
          %dma_wait3A_125 = arith.constant 0 : i32
          %dma_wait3A_126 = arith.constant 0 : i32
          %dma_wait3A_127 = tpu.memref_slice %arg6[%dma_wait3A_125, %dma_wait3A_126] : memref<10240x128xf32, #tpu.memory_space<vmem_shared>> -> memref<10240x128xf32, #tpu.memory_space<vmem_shared>>
          tpu.wait_indirect_dma semaphore(%run_scoped3A_115 : memref<!tpu.dma_semaphore, #tpu.memory_space<semaphore_mem>>) src(%arg10 : memref<80x128xf32, #tpu.memory_space<vmem>>) dst(%dma_wait3A_127 : memref<10240x128xf32, #tpu.memory_space<vmem_shared>>)
          tpu.yield
        }) : () -> ()
      }
      %scan3A_62 = arith.constant 24 : i32
      %dma_start3A_63 = arith.constant 49 : i32
      %dma_start3A_64 = arith.constant 0 : i32
      %dma_start3A_65 = tpu.memref_slice %arg7[%dma_start3A_63, %dma_start3A_64] : memref<50x80xi32, #tpu.memory_space<vmem>> -> memref<1x80xi32, #tpu.memory_space<vmem>>
      %dma_start3A_66 = tpu.memref_squeeze %dma_start3A_65 : memref<1x80xi32, #tpu.memory_space<vmem>> -> memref<80xi32, #tpu.memory_space<vmem>>
      %dma_start3A_67 = arith.constant 0 : i32
      %dma_start3A_68 = arith.constant 0 : i32
      %dma_start3A_69 = tpu.memref_slice %arg2[%dma_start3A_67, %dma_start3A_68] : memref<20000x128xf32, #tpu.memory_space<hbm>> -> memref<20000x128xf32, #tpu.memory_space<hbm>>
      tpu.enqueue_indirect_dma source(%dma_start3A_69 : memref<20000x128xf32, #tpu.memory_space<hbm>>) target(%arg10 : memref<80x128xf32, #tpu.memory_space<vmem>>) offsets(%dma_start3A_66 : memref<80xi32, #tpu.memory_space<vmem>>) semaphore(%arg12 : memref<!tpu.dma_semaphore, #tpu.memory_space<semaphore_mem>>)
      %dma_wait3A = arith.constant 0 : i32
      %dma_wait3A_70 = arith.constant 0 : i32
      %dma_wait3A_71 = tpu.memref_slice %arg2[%dma_wait3A, %dma_wait3A_70] : memref<20000x128xf32, #tpu.memory_space<hbm>> -> memref<80x128xf32, #tpu.memory_space<hbm>>
      %dma_wait3A_72 = arith.constant 0 : i32
      %dma_wait3A_73 = arith.constant 0 : i32
      %dma_wait3A_74 = tpu.memref_slice %arg2[%dma_wait3A_72, %dma_wait3A_73] : memref<20000x128xf32, #tpu.memory_space<hbm>> -> memref<80x128xf32, #tpu.memory_space<hbm>>
      tpu.wait_dma2 semaphore(%arg11 : memref<!tpu.dma_semaphore, #tpu.memory_space<semaphore_mem>>) src(%dma_wait3A_74 : memref<80x128xf32, #tpu.memory_space<hbm>>) dst(%arg9 : memref<80x128xf32, #tpu.memory_space<vmem>>)
      %run_scoped3A = arith.constant 48 : i32
      "tpu.region"() ({
        %run_scoped3A_82 = tpu.sem_alloc : memref<!tpu.dma_semaphore, #tpu.memory_space<semaphore_mem>>
        %dma_start3A_83 = arith.constant 0 : i32
        %dma_start3A_84 = tpu.memref_slice %arg8[%run_scoped3A, %dma_start3A_83] : memref<50x80xi32, #tpu.memory_space<vmem>> -> memref<1x80xi32, #tpu.memory_space<vmem>>
        %dma_start3A_85 = tpu.memref_squeeze %dma_start3A_84 : memref<1x80xi32, #tpu.memory_space<vmem>> -> memref<80xi32, #tpu.memory_space<vmem>>
        %dma_start3A_86 = arith.constant 0 : i32
        %dma_start3A_87 = arith.constant 0 : i32
        %dma_start3A_88 = tpu.memref_slice %arg6[%dma_start3A_86, %dma_start3A_87] : memref<10240x128xf32, #tpu.memory_space<vmem_shared>> -> memref<10240x128xf32, #tpu.memory_space<vmem_shared>>
        tpu.enqueue_indirect_dma source(%arg9 : memref<80x128xf32, #tpu.memory_space<vmem>>) target(%dma_start3A_88 : memref<10240x128xf32, #tpu.memory_space<vmem_shared>>) offsets(%dma_start3A_85 : memref<80xi32, #tpu.memory_space<vmem>>) semaphore(%run_scoped3A_82 : memref<!tpu.dma_semaphore, #tpu.memory_space<semaphore_mem>>) {add = true}
        %dma_wait3A_89 = arith.constant 0 : i32
        %dma_wait3A_90 = tpu.memref_slice %arg8[%run_scoped3A, %dma_wait3A_89] : memref<50x80xi32, #tpu.memory_space<vmem>> -> memref<1x80xi32, #tpu.memory_space<vmem>>
        %dma_wait3A_91 = tpu.memref_squeeze %dma_wait3A_90 : memref<1x80xi32, #tpu.memory_space<vmem>> -> memref<80xi32, #tpu.memory_space<vmem>>
        %dma_wait3A_92 = arith.constant 0 : i32
        %dma_wait3A_93 = arith.constant 0 : i32
        %dma_wait3A_94 = tpu.memref_slice %arg6[%dma_wait3A_92, %dma_wait3A_93] : memref<10240x128xf32, #tpu.memory_space<vmem_shared>> -> memref<10240x128xf32, #tpu.memory_space<vmem_shared>>
        tpu.wait_indirect_dma semaphore(%run_scoped3A_82 : memref<!tpu.dma_semaphore, #tpu.memory_space<semaphore_mem>>) src(%arg9 : memref<80x128xf32, #tpu.memory_space<vmem>>) dst(%dma_wait3A_94 : memref<10240x128xf32, #tpu.memory_space<vmem_shared>>)
        tpu.yield
      }) : () -> ()
      %dma_wait3A_75 = arith.constant 0 : i32
      %dma_wait3A_76 = arith.constant 0 : i32
      %dma_wait3A_77 = tpu.memref_slice %arg2[%dma_wait3A_75, %dma_wait3A_76] : memref<20000x128xf32, #tpu.memory_space<hbm>> -> memref<80x128xf32, #tpu.memory_space<hbm>>
      %dma_wait3A_78 = arith.constant 0 : i32
      %dma_wait3A_79 = arith.constant 0 : i32
      %dma_wait3A_80 = tpu.memref_slice %arg2[%dma_wait3A_78, %dma_wait3A_79] : memref<20000x128xf32, #tpu.memory_space<hbm>> -> memref<80x128xf32, #tpu.memory_space<hbm>>
      tpu.wait_dma2 semaphore(%arg12 : memref<!tpu.dma_semaphore, #tpu.memory_space<semaphore_mem>>) src(%dma_wait3A_80 : memref<80x128xf32, #tpu.memory_space<hbm>>) dst(%arg10 : memref<80x128xf32, #tpu.memory_space<vmem>>)
      %run_scoped3A_81 = arith.constant 49 : i32
      "tpu.region"() ({
        %run_scoped3A_82 = tpu.sem_alloc : memref<!tpu.dma_semaphore, #tpu.memory_space<semaphore_mem>>
        %dma_start3A_83 = arith.constant 0 : i32
        %dma_start3A_84 = tpu.memref_slice %arg8[%run_scoped3A_81, %dma_start3A_83] : memref<50x80xi32, #tpu.memory_space<vmem>> -> memref<1x80xi32, #tpu.memory_space<vmem>>
        %dma_start3A_85 = tpu.memref_squeeze %dma_start3A_84 : memref<1x80xi32, #tpu.memory_space<vmem>> -> memref<80xi32, #tpu.memory_space<vmem>>
        %dma_start3A_86 = arith.constant 0 : i32
        %dma_start3A_87 = arith.constant 0 : i32
        %dma_start3A_88 = tpu.memref_slice %arg6[%dma_start3A_86, %dma_start3A_87] : memref<10240x128xf32, #tpu.memory_space<vmem_shared>> -> memref<10240x128xf32, #tpu.memory_space<vmem_shared>>
        tpu.enqueue_indirect_dma source(%arg10 : memref<80x128xf32, #tpu.memory_space<vmem>>) target(%dma_start3A_88 : memref<10240x128xf32, #tpu.memory_space<vmem_shared>>) offsets(%dma_start3A_85 : memref<80xi32, #tpu.memory_space<vmem>>) semaphore(%run_scoped3A_82 : memref<!tpu.dma_semaphore, #tpu.memory_space<semaphore_mem>>) {add = true}
        %dma_wait3A_89 = arith.constant 0 : i32
        %dma_wait3A_90 = tpu.memref_slice %arg8[%run_scoped3A_81, %dma_wait3A_89] : memref<50x80xi32, #tpu.memory_space<vmem>> -> memref<1x80xi32, #tpu.memory_space<vmem>>
        %dma_wait3A_91 = tpu.memref_squeeze %dma_wait3A_90 : memref<1x80xi32, #tpu.memory_space<vmem>> -> memref<80xi32, #tpu.memory_space<vmem>>
        %dma_wait3A_92 = arith.constant 0 : i32
        %dma_wait3A_93 = arith.constant 0 : i32
        %dma_wait3A_94 = tpu.memref_slice %arg6[%dma_wait3A_92, %dma_wait3A_93] : memref<10240x128xf32, #tpu.memory_space<vmem_shared>> -> memref<10240x128xf32, #tpu.memory_space<vmem_shared>>
        tpu.wait_indirect_dma semaphore(%run_scoped3A_82 : memref<!tpu.dma_semaphore, #tpu.memory_space<semaphore_mem>>) src(%arg10 : memref<80x128xf32, #tpu.memory_space<vmem>>) dst(%dma_wait3A_94 : memref<10240x128xf32, #tpu.memory_space<vmem_shared>>)
        tpu.yield
      }) : () -> ()
    }
    %scan3A_43 = arith.constant 5 : i32
    %barrier3A_44 = arith.constant 0 : index
    tpu.barrier barrier_id(%barrier3A_44)
    %mul3A_45 = arith.constant 640 : i32
    %mul3A_46 = arith.muli %arg1, %mul3A_45 : i32
    %mul3A_47 = arith.constant 640 : i32
    %mul3A_48 = arith.muli %arg1, %mul3A_47 : i32
    %add3A_49 = arith.addi %mul3A_37, %mul3A_48 : i32
    "tpu.region"() ({
      %run_scoped3A = tpu.sem_alloc : memref<!tpu.dma_semaphore, #tpu.memory_space<semaphore_mem>>
      %dma_start3A = arith.constant 0 : i32
      %dma_start3A_50 = tpu.memref_slice %arg5[%add3A_49, %dma_start3A] : memref<20480x128xf32, #tpu.memory_space<hbm>> -> memref<640x128xf32, #tpu.memory_space<hbm>>
      %dma_start3A_51 = arith.constant 0 : i32
      %dma_start3A_52 = tpu.memref_slice %arg6[%mul3A_46, %dma_start3A_51] : memref<10240x128xf32, #tpu.memory_space<vmem_shared>> -> memref<640x128xf32, #tpu.memory_space<vmem_shared>>
      tpu.enqueue_dma source(%dma_start3A_52 : memref<640x128xf32, #tpu.memory_space<vmem_shared>>) target(%dma_start3A_50 : memref<640x128xf32, #tpu.memory_space<hbm>>) target_semaphore(%run_scoped3A : memref<!tpu.dma_semaphore, #tpu.memory_space<semaphore_mem>>)
      %dma_wait3A = arith.constant 0 : i32
      %dma_wait3A_53 = tpu.memref_slice %arg5[%add3A_49, %dma_wait3A] : memref<20480x128xf32, #tpu.memory_space<hbm>> -> memref<640x128xf32, #tpu.memory_space<hbm>>
      %dma_wait3A_54 = arith.constant 0 : i32
      %dma_wait3A_55 = tpu.memref_slice %arg6[%mul3A_46, %dma_wait3A_54] : memref<10240x128xf32, #tpu.memory_space<vmem_shared>> -> memref<640x128xf32, #tpu.memory_space<vmem_shared>>
      tpu.wait_dma2 semaphore(%run_scoped3A : memref<!tpu.dma_semaphore, #tpu.memory_space<semaphore_mem>>) src(%dma_wait3A_55 : memref<640x128xf32, #tpu.memory_space<vmem_shared>>) dst(%dma_wait3A_53 : memref<640x128xf32, #tpu.memory_space<hbm>>)
      tpu.yield
    }) : () -> ()
    return
  }
}

module attributes {stable_mosaic.version = 14 : i64} {
  func.func @body(%arg0: i32, %arg1: i32, %arg2: memref<1000x128xf32, #tpu.memory_space<vmem>>, %arg3: memref<128x128xf32, #tpu.memory_space<vmem>>, %arg4: memref<1x128xf32, #tpu.memory_space<vmem>>, %arg5: memref<1x1000x128xf32, #tpu.memory_space<vmem>>) attributes {dimension_semantics = [#tpu.dimension_semantics<arbitrary>, #tpu.dimension_semantics<arbitrary>], iteration_bounds = array<i64: 2, 10>, scalar_prefetch = 0 : i64, scratch_operands = 0 : i64, tpu.core_type = #tpu.core_type<tc>, window_params = [{transform_indices = @transform_0, window_bounds = array<i64: 1000, 128>}, {transform_indices = @transform_1, window_bounds = array<i64: 128, 128>}, {transform_indices = @transform_2, window_bounds = array<i64: 1, 128>}, {transform_indices = @transform_3, window_bounds = array<i64: 1, 1000, 128>}]} {
    %get3A = arith.constant 0 : index
    %get3A_0 = arith.constant 0 : index
    %get3A_1 = vector.load %arg2[%get3A, %get3A_0] : memref<1000x128xf32, #tpu.memory_space<vmem>>, vector<1000x128xf32>
    %get3A_2 = arith.constant 0 : index
    %get3A_3 = arith.constant 0 : index
    %get3A_4 = vector.load %arg3[%get3A_2, %get3A_3] : memref<128x128xf32, #tpu.memory_space<vmem>>, vector<128x128xf32>
    %dot_general3A = arith.constant dense<0.000000e+00> : vector<1000x128xf32>
    %dot_general3A_5 = tpu.matmul %get3A_1, %get3A_4, %dot_general3A {dimension_numbers = #tpu.dot_dimension_numbers<[1], [0], [0], [1], [0, 0, 1, 1], [], []>, precision = #tpu.contract_precision<fp32>, transpose_lhs_hint = false} : vector<1000x128xf32>, vector<128x128xf32>, vector<1000x128xf32> -> vector<1000x128xf32>
    %get3A_6 = arith.constant 0 : index
    %get3A_7 = arith.constant 0 : index
    %get3A_8 = vector.load %arg4[%get3A_6, %get3A_7] : memref<1x128xf32, #tpu.memory_space<vmem>>, vector<1x128xf32>
    %add3A = vector.broadcast %get3A_8 : vector<1x128xf32> to vector<1000x128xf32>
    %add3A_9 = arith.addf %dot_general3A_5, %add3A : vector<1000x128xf32>
    %swap3A = arith.constant 0 : index
    %swap3A_10 = arith.constant 0 : index
    %swap3A_11 = arith.constant 0 : index
    %swap3A_12 = vector.load %arg5[%swap3A, %swap3A_10, %swap3A_11] : memref<1x1000x128xf32, #tpu.memory_space<vmem>>, vector<1x1000x128xf32>
    %swap3A_13 = vector.shape_cast %swap3A_12 : vector<1x1000x128xf32> to vector<1000x128xf32>
    %swap3A_14 = vector.shape_cast %add3A_9 : vector<1000x128xf32> to vector<1x1000x128xf32>
    tpu.vector_store %arg5[%swap3A, %swap3A_10, %swap3A_11], %swap3A_14 {strides = array<i32>} : memref<1x1000x128xf32, #tpu.memory_space<vmem>>, vector<1x1000x128xf32>,
    return
  }
  func.func @transform_0(%arg0: i32, %arg1: i32) -> (i32, i32) {
    %c0_i32 = arith.constant 0 : i32
    %c0_i32_0 = arith.constant 0 : i32
    return %arg1, %c0_i32 : i32, i32
  }
  func.func @transform_1(%arg0: i32, %arg1: i32) -> (i32, i32) {
    %c0_i32 = arith.constant 0 : i32
    %c0_i32_0 = arith.constant 0 : i32
    return %c0_i32, %arg0 : i32, i32
  }
  func.func @transform_2(%arg0: i32, %arg1: i32) -> (i32, i32) {
    %c0_i32 = arith.constant 0 : i32
    %c0_i32_0 = arith.constant 0 : i32
    return %c0_i32, %arg0 : i32, i32
  }
  func.func @transform_3(%arg0: i32, %arg1: i32) -> (i32, i32, i32) {
    %c0_i32 = arith.constant 0 : i32
    %c0_i32_0 = arith.constant 0 : i32
    return %arg0, %arg1, %c0_i32 : i32, i32, i32
  }
}

module attributes {stable_mosaic.version = 14 : i64} {
  func.func @body(%arg0: i32, %arg1: i32, %arg2: memref<1x1000x128xf32, #tpu.memory_space<vmem>>, %arg3: memref<1x1000x128xf32, #tpu.memory_space<vmem>>, %arg4: memref<16x128xf32, #tpu.memory_space<vmem>>, %arg5: memref<1x128xf32, #tpu.memory_space<vmem>>, %arg6: memref<1000x128xf32, #tpu.memory_space<vmem>>) attributes {dimension_semantics = [#tpu.dimension_semantics<arbitrary>, #tpu.dimension_semantics<arbitrary>], iteration_bounds = array<i64: 2, 10>, scalar_prefetch = 0 : i64, scratch_operands = 0 : i64, tpu.core_type = #tpu.core_type<tc>, window_params = [{transform_indices = @transform_0, window_bounds = array<i64: 1, 1000, 128>}, {transform_indices = @transform_1, window_bounds = array<i64: 1, 1000, 128>}, {transform_indices = @transform_2, window_bounds = array<i64: 16, 128>}, {transform_indices = @transform_3, window_bounds = array<i64: 1, 128>}, {transform_indices = @transform_4, window_bounds = array<i64: 1000, 128>}]} {
    %get3A = arith.constant 0 : index
    %get3A_0 = arith.constant 0 : index
    %get3A_1 = arith.constant 0 : index
    %get3A_2 = vector.load %arg2[%get3A, %get3A_0, %get3A_1] : memref<1x1000x128xf32, #tpu.memory_space<vmem>>, vector<1x1000x16xf32>
    %get3A_3 = vector.shape_cast %get3A_2 : vector<1x1000x16xf32> to vector<1000x16xf32>
    %get3A_4 = arith.constant 0 : index
    %get3A_5 = arith.constant 0 : index
    %get3A_6 = arith.constant 0 : index
    %get3A_7 = vector.load %arg3[%get3A_4, %get3A_5, %get3A_6] : memref<1x1000x128xf32, #tpu.memory_space<vmem>>, vector<1x1000x16xf32>
    %get3A_8 = vector.shape_cast %get3A_7 : vector<1x1000x16xf32> to vector<1000x16xf32>
    %add3A = arith.addf %get3A_3, %get3A_8 : vector<1000x16xf32>
    %get3A_9 = arith.constant 0 : index
    %get3A_10 = arith.constant 0 : index
    %get3A_11 = arith.constant 16 : index
    %get3A_12 = vector.load %arg2[%get3A_9, %get3A_10, %get3A_11] : memref<1x1000x128xf32, #tpu.memory_space<vmem>>, vector<1x1000x1xf32>
    %get3A_13 = vector.shape_cast %get3A_12 : vector<1x1000x1xf32> to vector<1000x1xf32>
    %get3A_14 = arith.constant 0 : index
    %get3A_15 = arith.constant 0 : index
    %get3A_16 = arith.constant 16 : index
    %get3A_17 = vector.load %arg3[%get3A_14, %get3A_15, %get3A_16] : memref<1x1000x128xf32, #tpu.memory_space<vmem>>, vector<1x1000x1xf32>
    %get3A_18 = vector.shape_cast %get3A_17 : vector<1x1000x1xf32> to vector<1000x1xf32>
    %add3A_19 = arith.addf %get3A_13, %get3A_18 : vector<1000x1xf32>
    %get3A_20 = arith.constant 0 : index
    %get3A_21 = arith.constant 0 : index
    %get3A_22 = vector.load %arg4[%get3A_20, %get3A_21] : memref<16x128xf32, #tpu.memory_space<vmem>>, vector<16x128xf32>
    %dot_general3A = arith.constant dense<0.000000e+00> : vector<1000x128xf32>
    %dot_general3A_23 = tpu.matmul %add3A, %get3A_22, %dot_general3A {dimension_numbers = #tpu.dot_dimension_numbers<[1], [0], [0], [1], [0, 0, 1, 1], [], []>, precision = #tpu.contract_precision<fp32>, transpose_lhs_hint = false} : vector<1000x16xf32>, vector<16x128xf32>, vector<1000x128xf32> -> vector<1000x128xf32>
    %get3A_24 = arith.constant 0 : index
    %get3A_25 = arith.constant 0 : index
    %get3A_26 = vector.load %arg5[%get3A_24, %get3A_25] : memref<1x128xf32, #tpu.memory_space<vmem>>, vector<1x128xf32>
    %mul3A = vector.broadcast %add3A_19 : vector<1000x1xf32> to vector<1000x128xf32>
    %mul3A_27 = vector.broadcast %get3A_26 : vector<1x128xf32> to vector<1000x128xf32>
    %mul3A_28 = arith.mulf %mul3A, %mul3A_27 : vector<1000x128xf32>
    %add3A_29 = arith.addf %dot_general3A_23, %mul3A_28 : vector<1000x128xf32>
    %swap3A = arith.constant 0 : index
    %swap3A_30 = arith.constant 0 : index
    %swap3A_31 = vector.load %arg6[%swap3A, %swap3A_30] : memref<1000x128xf32, #tpu.memory_space<vmem>>, vector<1000x128xf32>
    tpu.vector_store %arg6[%swap3A, %swap3A_30], %add3A_29 {strides = array<i32>} : memref<1000x128xf32, #tpu.memory_space<vmem>>, vector<1000x128xf32>,
    return
  }
  func.func @transform_0(%arg0: i32, %arg1: i32) -> (i32, i32, i32) {
    %c0_i32 = arith.constant 0 : i32
    %c0_i32_0 = arith.constant 0 : i32
    %c0_i32_1 = arith.constant 0 : i32
    return %c0_i32, %arg1, %c0_i32_0 : i32, i32, i32
  }
  func.func @transform_1(%arg0: i32, %arg1: i32) -> (i32, i32, i32) {
    %c1_i32 = arith.constant 1 : i32
    %c0_i32 = arith.constant 0 : i32
    %c0_i32_0 = arith.constant 0 : i32
    return %c1_i32, %arg1, %c0_i32 : i32, i32, i32
  }
  func.func @transform_2(%arg0: i32, %arg1: i32) -> (i32, i32) {
    %c0_i32 = arith.constant 0 : i32
    %c0_i32_0 = arith.constant 0 : i32
    return %c0_i32, %arg0 : i32, i32
  }
  func.func @transform_3(%arg0: i32, %arg1: i32) -> (i32, i32) {
    %c0_i32 = arith.constant 0 : i32
    %c0_i32_0 = arith.constant 0 : i32
    return %c0_i32, %arg0 : i32, i32
  }
  func.func @transform_4(%arg0: i32, %arg1: i32) -> (i32, i32) {
    %c0_i32 = arith.constant 0 : i32
    return %arg1, %arg0 : i32, i32
  }
}

module attributes {stable_mosaic.version = 14 : i64} {
  func.func @body(%arg0: i32, %arg1: i32, %arg2: memref<1x1000x128xf32, #tpu.memory_space<vmem>>, %arg3: memref<1x1000x128xf32, #tpu.memory_space<vmem>>, %arg4: memref<1000x256xf32, #tpu.memory_space<vmem>>, %arg5: memref<1x1000x128xf32, #tpu.memory_space<vmem>>, %arg6: memref<256x128xf32, #tpu.memory_space<vmem>>, %arg7: memref<1x128xf32, #tpu.memory_space<vmem>>, %arg8: memref<1x1000x128xf32, #tpu.memory_space<vmem>>) attributes {dimension_semantics = [#tpu.dimension_semantics<arbitrary>, #tpu.dimension_semantics<arbitrary>], iteration_bounds = array<i64: 10, 2>, scalar_prefetch = 0 : i64, scratch_operands = 0 : i64, tpu.core_type = #tpu.core_type<tc>, window_params = [{transform_indices = @transform_0, window_bounds = array<i64: 1, 1000, 128>}, {transform_indices = @transform_1, window_bounds = array<i64: 1, 1000, 128>}, {transform_indices = @transform_2, window_bounds = array<i64: 1000, 256>}, {transform_indices = @transform_3, window_bounds = array<i64: 1, 1000, 128>}, {transform_indices = @transform_4, window_bounds = array<i64: 256, 128>}, {transform_indices = @transform_5, window_bounds = array<i64: 1, 128>}, {transform_indices = @transform_6, window_bounds = array<i64: 1, 1000, 128>}]} {
    %get3A = arith.constant 0 : index
    %get3A_0 = arith.constant 0 : index
    %get3A_1 = arith.constant 0 : index
    %get3A_2 = vector.load %arg2[%get3A, %get3A_0, %get3A_1] : memref<1x1000x128xf32, #tpu.memory_space<vmem>>, vector<1x1000x128xf32>
    %get3A_3 = vector.shape_cast %get3A_2 : vector<1x1000x128xf32> to vector<1000x128xf32>
    %get3A_4 = arith.constant 0 : index
    %get3A_5 = arith.constant 0 : index
    %get3A_6 = arith.constant 0 : index
    %get3A_7 = vector.load %arg3[%get3A_4, %get3A_5, %get3A_6] : memref<1x1000x128xf32, #tpu.memory_space<vmem>>, vector<1x1000x128xf32>
    %get3A_8 = vector.shape_cast %get3A_7 : vector<1x1000x128xf32> to vector<1000x128xf32>
    %concatenate3A = tpu.concatenate %get3A_3, %get3A_8 in 1 : vector<1000x128xf32>, vector<1000x128xf32> -> vector<1000x256xf32>
    %get3A_9 = arith.constant 0 : index
    %get3A_10 = arith.constant 0 : index
    %get3A_11 = vector.load %arg4[%get3A_9, %get3A_10] : memref<1000x256xf32, #tpu.memory_space<vmem>>, vector<1000x256xf32>
    %add3A = arith.addf %concatenate3A, %get3A_11 : vector<1000x256xf32>
    %get3A_12 = arith.constant 0 : index
    %get3A_13 = arith.constant 0 : index
    %get3A_14 = vector.load %arg6[%get3A_12, %get3A_13] : memref<256x128xf32, #tpu.memory_space<vmem>>, vector<256x128xf32>
    %dot_general3A = arith.constant dense<0.000000e+00> : vector<1000x128xf32>
    %dot_general3A_15 = tpu.matmul %add3A, %get3A_14, %dot_general3A {dimension_numbers = #tpu.dot_dimension_numbers<[1], [0], [0], [1], [0, 0, 1, 1], [], []>, precision = #tpu.contract_precision<fp32>, transpose_lhs_hint = false} : vector<1000x256xf32>, vector<256x128xf32>, vector<1000x128xf32> -> vector<1000x128xf32>
    %get3A_16 = arith.constant 0 : index
    %get3A_17 = arith.constant 0 : index
    %get3A_18 = vector.load %arg7[%get3A_16, %get3A_17] : memref<1x128xf32, #tpu.memory_space<vmem>>, vector<1x128xf32>
    %add3A_19 = vector.broadcast %get3A_18 : vector<1x128xf32> to vector<1000x128xf32>
    %add3A_20 = arith.addf %dot_general3A_15, %add3A_19 : vector<1000x128xf32>
    %max3A = arith.constant 0.000000e+00 : f32
    %max3A_21 = vector.broadcast %max3A : f32 to vector<1000x128xf32>
    %max3A_22 = arith.maximumf %add3A_20, %max3A_21 : vector<1000x128xf32>
    %get3A_23 = arith.constant 0 : index
    %get3A_24 = arith.constant 0 : index
    %get3A_25 = arith.constant 0 : index
    %get3A_26 = vector.load %arg5[%get3A_23, %get3A_24, %get3A_25] : memref<1x1000x128xf32, #tpu.memory_space<vmem>>, vector<1x1000x128xf32>
    %get3A_27 = vector.shape_cast %get3A_26 : vector<1x1000x128xf32> to vector<1000x128xf32>
    %add3A_28 = arith.addf %max3A_22, %get3A_27 : vector<1000x128xf32>
    %swap3A = arith.constant 0 : index
    %swap3A_29 = arith.constant 0 : index
    %swap3A_30 = arith.constant 0 : index
    %swap3A_31 = vector.load %arg8[%swap3A, %swap3A_29, %swap3A_30] : memref<1x1000x128xf32, #tpu.memory_space<vmem>>, vector<1x1000x128xf32>
    %swap3A_32 = vector.shape_cast %swap3A_31 : vector<1x1000x128xf32> to vector<1000x128xf32>
    %swap3A_33 = vector.shape_cast %add3A_28 : vector<1000x128xf32> to vector<1x1000x128xf32>
    tpu.vector_store %arg8[%swap3A, %swap3A_29, %swap3A_30], %swap3A_33 {strides = array<i32>} : memref<1x1000x128xf32, #tpu.memory_space<vmem>>, vector<1x1000x128xf32>,
    return
  }
  func.func @transform_0(%arg0: i32, %arg1: i32) -> (i32, i32, i32) {
    %c0_i32 = arith.constant 0 : i32
    %c0_i32_0 = arith.constant 0 : i32
    %c0_i32_1 = arith.constant 0 : i32
    return %c0_i32, %arg0, %c0_i32_0 : i32, i32, i32
  }
  func.func @transform_1(%arg0: i32, %arg1: i32) -> (i32, i32, i32) {
    %c1_i32 = arith.constant 1 : i32
    %c0_i32 = arith.constant 0 : i32
    %c0_i32_0 = arith.constant 0 : i32
    return %c1_i32, %arg0, %c0_i32 : i32, i32, i32
  }
  func.func @transform_2(%arg0: i32, %arg1: i32) -> (i32, i32) {
    %c0_i32 = arith.constant 0 : i32
    %c0_i32_0 = arith.constant 0 : i32
    return %arg0, %c0_i32 : i32, i32
  }
  func.func @transform_3(%arg0: i32, %arg1: i32) -> (i32, i32, i32) {
    %c0_i32 = arith.constant 0 : i32
    %c0_i32_0 = arith.constant 0 : i32
    return %arg1, %arg0, %c0_i32 : i32, i32, i32
  }
  func.func @transform_4(%arg0: i32, %arg1: i32) -> (i32, i32) {
    %c0_i32 = arith.constant 0 : i32
    %c0_i32_0 = arith.constant 0 : i32
    return %c0_i32, %arg1 : i32, i32
  }
  func.func @transform_5(%arg0: i32, %arg1: i32) -> (i32, i32) {
    %c0_i32 = arith.constant 0 : i32
    %c0_i32_0 = arith.constant 0 : i32
    return %c0_i32, %arg1 : i32, i32
  }
  func.func @transform_6(%arg0: i32, %arg1: i32) -> (i32, i32, i32) {
    %c0_i32 = arith.constant 0 : i32
    %c0_i32_0 = arith.constant 0 : i32
    return %arg1, %arg0, %c0_i32 : i32, i32, i32
  }
}

module attributes {stable_mosaic.version = 14 : i64} {
  func.func @body(%arg0: i32, %arg1: i32, %arg2: memref<1x1000x128xf32, #tpu.memory_space<vmem>>, %arg3: memref<1x1000x128xf32, #tpu.memory_space<vmem>>, %arg4: memref<1000x256xf32, #tpu.memory_space<vmem>>, %arg5: memref<1x1000x128xf32, #tpu.memory_space<vmem>>, %arg6: memref<256x128xf32, #tpu.memory_space<vmem>>, %arg7: memref<1x128xf32, #tpu.memory_space<vmem>>, %arg8: memref<1x128xf32, #tpu.memory_space<vmem>>, %arg9: memref<1x1xf32, #tpu.memory_space<vmem>>, %arg10: memref<1x1000x128xf32, #tpu.memory_space<vmem>>, %arg11: memref<1000x1xf32, #tpu.memory_space<vmem>>) attributes {dimension_semantics = [#tpu.dimension_semantics<arbitrary>, #tpu.dimension_semantics<arbitrary>], iteration_bounds = array<i64: 10, 2>, scalar_prefetch = 0 : i64, scratch_operands = 0 : i64, tpu.core_type = #tpu.core_type<tc>, window_params = [{transform_indices = @transform_0, window_bounds = array<i64: 1, 1000, 128>}, {transform_indices = @transform_1, window_bounds = array<i64: 1, 1000, 128>}, {transform_indices = @transform_2, window_bounds = array<i64: 1000, 256>}, {transform_indices = @transform_3, window_bounds = array<i64: 1, 1000, 128>}, {transform_indices = @transform_4, window_bounds = array<i64: 256, 128>}, {transform_indices = @transform_5, window_bounds = array<i64: 1, 128>}, {transform_indices = @transform_6, window_bounds = array<i64: 1, 128>}, {pipeline_mode = #tpu.pipeline_mode<synchronous>, transform_indices = @transform_7, window_bounds = array<i64: 1, 1>}, {transform_indices = @transform_8, window_bounds = array<i64: 1, 1000, 128>}, {transform_indices = @transform_9, window_bounds = array<i64: 1000, 1>}]} {
    %get3A = arith.constant 0 : index
    %get3A_0 = arith.constant 0 : index
    %get3A_1 = arith.constant 0 : index
    %get3A_2 = vector.load %arg2[%get3A, %get3A_0, %get3A_1] : memref<1x1000x128xf32, #tpu.memory_space<vmem>>, vector<1x1000x128xf32>
    %get3A_3 = vector.shape_cast %get3A_2 : vector<1x1000x128xf32> to vector<1000x128xf32>
    %get3A_4 = arith.constant 0 : index
    %get3A_5 = arith.constant 0 : index
    %get3A_6 = arith.constant 0 : index
    %get3A_7 = vector.load %arg3[%get3A_4, %get3A_5, %get3A_6] : memref<1x1000x128xf32, #tpu.memory_space<vmem>>, vector<1x1000x128xf32>
    %get3A_8 = vector.shape_cast %get3A_7 : vector<1x1000x128xf32> to vector<1000x128xf32>
    %concatenate3A = tpu.concatenate %get3A_3, %get3A_8 in 1 : vector<1000x128xf32>, vector<1000x128xf32> -> vector<1000x256xf32>
    %get3A_9 = arith.constant 0 : index
    %get3A_10 = arith.constant 0 : index
    %get3A_11 = vector.load %arg4[%get3A_9, %get3A_10] : memref<1000x256xf32, #tpu.memory_space<vmem>>, vector<1000x256xf32>
    %add3A = arith.addf %concatenate3A, %get3A_11 : vector<1000x256xf32>
    %get3A_12 = arith.constant 0 : index
    %get3A_13 = arith.constant 0 : index
    %get3A_14 = vector.load %arg6[%get3A_12, %get3A_13] : memref<256x128xf32, #tpu.memory_space<vmem>>, vector<256x128xf32>
    %dot_general3A = arith.constant dense<0.000000e+00> : vector<1000x128xf32>
    %dot_general3A_15 = tpu.matmul %add3A, %get3A_14, %dot_general3A {dimension_numbers = #tpu.dot_dimension_numbers<[1], [0], [0], [1], [0, 0, 1, 1], [], []>, precision = #tpu.contract_precision<fp32>, transpose_lhs_hint = false} : vector<1000x256xf32>, vector<256x128xf32>, vector<1000x128xf32> -> vector<1000x128xf32>
    %get3A_16 = arith.constant 0 : index
    %get3A_17 = arith.constant 0 : index
    %get3A_18 = vector.load %arg7[%get3A_16, %get3A_17] : memref<1x128xf32, #tpu.memory_space<vmem>>, vector<1x128xf32>
    %add3A_19 = vector.broadcast %get3A_18 : vector<1x128xf32> to vector<1000x128xf32>
    %add3A_20 = arith.addf %dot_general3A_15, %add3A_19 : vector<1000x128xf32>
    %max3A = arith.constant 0.000000e+00 : f32
    %max3A_21 = vector.broadcast %max3A : f32 to vector<1000x128xf32>
    %max3A_22 = arith.maximumf %add3A_20, %max3A_21 : vector<1000x128xf32>
    %get3A_23 = arith.constant 0 : index
    %get3A_24 = arith.constant 0 : index
    %get3A_25 = arith.constant 0 : index
    %get3A_26 = vector.load %arg5[%get3A_23, %get3A_24, %get3A_25] : memref<1x1000x128xf32, #tpu.memory_space<vmem>>, vector<1x1000x128xf32>
    %get3A_27 = vector.shape_cast %get3A_26 : vector<1x1000x128xf32> to vector<1000x128xf32>
    %add3A_28 = arith.addf %max3A_22, %get3A_27 : vector<1000x128xf32>
    %swap3A = arith.constant 0 : index
    %swap3A_29 = arith.constant 0 : index
    %swap3A_30 = arith.constant 0 : index
    %swap3A_31 = vector.load %arg10[%swap3A, %swap3A_29, %swap3A_30] : memref<1x1000x128xf32, #tpu.memory_space<vmem>>, vector<1x1000x128xf32>
    %swap3A_32 = vector.shape_cast %swap3A_31 : vector<1x1000x128xf32> to vector<1000x128xf32>
    %swap3A_33 = vector.shape_cast %add3A_28 : vector<1000x128xf32> to vector<1x1000x128xf32>
    tpu.vector_store %arg10[%swap3A, %swap3A_29, %swap3A_30], %swap3A_33 {strides = array<i32>} : memref<1x1000x128xf32, #tpu.memory_space<vmem>>, vector<1x1000x128xf32>,
    %get3A_34 = arith.constant 0 : index
    %get3A_35 = arith.constant 0 : index
    %get3A_36 = vector.load %arg8[%get3A_34, %get3A_35] : memref<1x128xf32, #tpu.memory_space<vmem>>, vector<1x128xf32>
    %mul3A = vector.broadcast %get3A_36 : vector<1x128xf32> to vector<1000x128xf32>
    %mul3A_37 = arith.mulf %add3A_28, %mul3A : vector<1000x128xf32>
    %reduce_sum3A = arith.constant dense<0.000000e+00> : vector<1000xf32>
    %reduce_sum3A_38 = vector.multi_reduction <add>, %mul3A_37, %reduce_sum3A [1] : vector<1000x128xf32> to vector<1000xf32>
    %broadcast_in_dim3A = vector.shape_cast %reduce_sum3A_38 : vector<1000xf32> to vector<1000x1xf32>
    %eq3A = arith.constant 0 : i32
    %eq3A_39 = arith.cmpi eq, %arg1, %eq3A : i32
    %convert_element_type3A = arith.extui %eq3A_39 : i1 to i32
    %cond3A = arith.constant 0 : i32
    %cond3A_40 = arith.cmpi ne, %convert_element_type3A, %cond3A : i32
    scf.if %cond3A_40 {
      %get3A_46 = arith.constant 0 : index
      %get3A_47 = arith.constant 0 : index
      %get3A_48 = vector.load %arg9[%get3A_46, %get3A_47] : memref<1x1xf32, #tpu.memory_space<vmem>>, vector<1x1xf32>
      %add3A_49 = vector.broadcast %get3A_48 : vector<1x1xf32> to vector<1000x1xf32>
      %add3A_50 = arith.addf %broadcast_in_dim3A, %add3A_49 : vector<1000x1xf32>
      %swap3A_51 = arith.constant 0 : index
      %swap3A_52 = arith.constant 0 : index
      %swap3A_53 = vector.load %arg11[%swap3A_51, %swap3A_52] : memref<1000x1xf32, #tpu.memory_space<vmem>>, vector<1000x1xf32>
      tpu.vector_store %arg11[%swap3A_51, %swap3A_52], %add3A_50 {strides = array<i32>} : memref<1000x1xf32, #tpu.memory_space<vmem>>, vector<1000x1xf32>,
    } else {
    }
    %eq3A_41 = arith.constant 1 : i32
    %eq3A_42 = arith.cmpi eq, %arg1, %eq3A_41 : i32
    %convert_element_type3A_43 = arith.extui %eq3A_42 : i1 to i32
    %cond3A_44 = arith.constant 0 : i32
    %cond3A_45 = arith.cmpi ne, %convert_element_type3A_43, %cond3A_44 : i32
    scf.if %cond3A_45 {
      %get3A_46 = arith.constant 0 : index
      %get3A_47 = arith.constant 0 : index
      %get3A_48 = vector.load %arg11[%get3A_46, %get3A_47] : memref<1000x1xf32, #tpu.memory_space<vmem>>, vector<1000x1xf32>
      %add3A_49 = arith.addf %get3A_48, %broadcast_in_dim3A : vector<1000x1xf32>
      %swap3A_50 = arith.constant 0 : index
      %swap3A_51 = arith.constant 0 : index
      %swap3A_52 = vector.load %arg11[%swap3A_50, %swap3A_51] : memref<1000x1xf32, #tpu.memory_space<vmem>>, vector<1000x1xf32>
      tpu.vector_store %arg11[%swap3A_50, %swap3A_51], %add3A_49 {strides = array<i32>} : memref<1000x1xf32, #tpu.memory_space<vmem>>, vector<1000x1xf32>,
    } else {
    }
    return
  }
  func.func @transform_0(%arg0: i32, %arg1: i32) -> (i32, i32, i32) {
    %c0_i32 = arith.constant 0 : i32
    %c0_i32_0 = arith.constant 0 : i32
    %c0_i32_1 = arith.constant 0 : i32
    return %c0_i32, %arg0, %c0_i32_0 : i32, i32, i32
  }
  func.func @transform_1(%arg0: i32, %arg1: i32) -> (i32, i32, i32) {
    %c1_i32 = arith.constant 1 : i32
    %c0_i32 = arith.constant 0 : i32
    %c0_i32_0 = arith.constant 0 : i32
    return %c1_i32, %arg0, %c0_i32 : i32, i32, i32
  }
  func.func @transform_2(%arg0: i32, %arg1: i32) -> (i32, i32) {
    %c0_i32 = arith.constant 0 : i32
    %c0_i32_0 = arith.constant 0 : i32
    return %arg0, %c0_i32 : i32, i32
  }
  func.func @transform_3(%arg0: i32, %arg1: i32) -> (i32, i32, i32) {
    %c0_i32 = arith.constant 0 : i32
    %c0_i32_0 = arith.constant 0 : i32
    return %arg1, %arg0, %c0_i32 : i32, i32, i32
  }
  func.func @transform_4(%arg0: i32, %arg1: i32) -> (i32, i32) {
    %c0_i32 = arith.constant 0 : i32
    %c0_i32_0 = arith.constant 0 : i32
    return %c0_i32, %arg1 : i32, i32
  }
  func.func @transform_5(%arg0: i32, %arg1: i32) -> (i32, i32) {
    %c0_i32 = arith.constant 0 : i32
    %c0_i32_0 = arith.constant 0 : i32
    return %c0_i32, %arg1 : i32, i32
  }
  func.func @transform_6(%arg0: i32, %arg1: i32) -> (i32, i32) {
    %c0_i32 = arith.constant 0 : i32
    %c0_i32_0 = arith.constant 0 : i32
    return %c0_i32, %arg1 : i32, i32
  }
  func.func @transform_7(%arg0: i32, %arg1: i32) -> (i32, i32) {
    %c0_i32 = arith.constant 0 : i32
    %c0_i32_0 = arith.constant 0 : i32
    %c0_i32_1 = arith.constant 0 : i32
    return %c0_i32, %c0_i32_0 : i32, i32
  }
  func.func @transform_8(%arg0: i32, %arg1: i32) -> (i32, i32, i32) {
    %c0_i32 = arith.constant 0 : i32
    %c0_i32_0 = arith.constant 0 : i32
    return %arg1, %arg0, %c0_i32 : i32, i32, i32
  }
  func.func @transform_9(%arg0: i32, %arg1: i32) -> (i32, i32) {
    %c0_i32 = arith.constant 0 : i32
    %c0_i32_0 = arith.constant 0 : i32
    return %arg0, %c0_i32 : i32, i32
  }
}

</mosaic_0001>

<sc_bundles>
// kernel: kernel.11.cloned.1.call-start
scs
__scs_entry_jumppad:
0x0: {  	(pc) =	sbr.rel $0x88, $3  }
0x1: {  	(tag) =	ssettag $0x0;
	lr =	simm.s32 $0x1  }
0x2: {  	[smem:$0x3F96] =	sst lr;
	_ =	strace $0xD0000000  }
0x3: {  	_ = 	snop  }
0x4: {  	_ = 	snop  }
0x5: {  	_ = 	snop  }
0x6: {  	_ = 	snop  }
0x7: {  	_ = 	snop  }
__scs_overlays_trampoline_lowered:
0x8: {  	[smem:$0x3FA5] =	sst s0  }
0x9: {  	[smem:$0x3FA6] =	sst s1  }
0xa: {  	[smem:$0x3FA7] =	sst s2  }
0xb: {  	[smem:$0x3FA8] =	sst s3  }
0xc: {  	[smem:$0x3FA9] =	sst s4  }
0xd: {  	[smem:$0x3FAA] =	sst s5  }
0xe: {  	[smem:$0x3FAB] =	sst s6  }
0xf: {  	[smem:$0x3FAC] =	sst s7  }
0x10: {  	[smem:$0x3FAD] =	sst s8  }
0x11: {  	[smem:$0x3FAE] =	sst s9;
	s0 =	simm.s32 @!p0 $0x0  }
0x12: {  	s1 =	sld [smem:$0x3F94];
	s0 =	simm.s32 @p0 $0x1  }
0x13: {  	[smem:$0x3FAF] =	sst s0;
	s0 =	simm.s32 @!p1 $0x0  }
0x14: {  	s2 =	sld [smem:$0x3F93];
	s0 =	simm.s32 @p1 $0x1  }
0x15: {  	[smem:$0x3FB0] =	sst s0;
	s0 =	simm.s32 @!p2 $0x0  }
0x16: {  	s3 =	sld [smem:$0x3FDB];
	s0 =	simm.s32 @p2 $0x1  }
0x17: {  	s4 =	simm.s32 $0x1BF5;
	[smem:$0x3FB2] =	sst s0  }
0x18: {  	s0 =	sld [smem:$0x3F95];
	_ =	swait.ge [sflag:s4], $0x0  }
0x19: {  	s7 =	sld [smem:$0x3F96]  }
0x1a: {  	s8 =	sadd.s32 $0xFFFFE003, lr  }
0x1b: {  	s9 =	sadd.s32 $0xFFFFFEF7, lr;
	s5 =	simm.s32 $0xFFFFFFFF;
	p2 =	slt.u32 s8, $0xFFFFF086  }
0x1c: {  	p1 =	slt.u32 s9, $0xF7A;
	s5 =	simm.s32 @!p2 $0x0  }
0x1d: {  	s5 =	simm.s32 @p1 $0x1;
	p0 =	seq.s32 s7, s2  }
0x1e: {  	s7 =	smul.u32 @!p0 $0xF7A, s2;
	p2 =	seq.s32 @!p0 s5, $0x0  }
0x1f: {  	s9 =	smul.u32 $0xF7A, s1;
	s8 =	simm.s32 @!p0 $0x1BF5;
	p2 =	por !p2, p0  }
0x20: {  	[sflag:s8] =	ssyncset.s32 @!p0 $0xFFFFF086;
	s6 =	sadd.s32 @!p0 s3, s7;
	s7 =	simm.s32 @!p0 $0x108  }
0x21: {  	s3 =	sadd.s32 s3, s9;
	s6 =	sadd.s32 @!p0 $0x88, s6;
	s7 =	simm.s32 @p2 $0x1082  }
0x22: {  	[simem:s7], [sflag:s8] =	dma.local @!p0 [hbm:s6], $0xF7A  }
0x23: {  	s9 =	sor.u32 $0xD0000000, s2;
	s6 =	simm.s32 $0x108;
	_ =	swait.ge @!p0 [sflag:s8], $0x0  }
0x24: {  	s3 =	sadd.s32 $0x88, s3;
	s6 =	simm.s32 @!p1 $0x1082;
	[sflag:s4] =	ssyncset.s32 $0xFFFFF086  }
0x25: {  	[simem:s6], [sflag:s4] =	dma.local [hbm:s3], $0xF7A  }
0x26: {  	[smem:$0x3F96] =	sst s1;
	(tag) =	ssettag s2;
	_ =	strace s9  }
0x27: {  	s1 =	sld [smem:$0x3FA6]  }
0x28: {  	s2 =	sld [smem:$0x3FA7]  }
0x29: {  	s4 =	sld [smem:$0x3FA9]  }
0x2a: {  	p0 =	seq.s32 s5, $0x0;
	s5 =	sld [smem:$0x3FAA]  }
0x2b: {  	s6 =	sld [smem:$0x3FAB]  }
0x2c: {  	s7 =	sld [smem:$0x3FAC]  }
0x2d: {  	s3 =	simm.s32 $0x108;
	s8 =	sld [smem:$0x3FAD]  }
0x2e: {  	s3 =	simm.s32 @!p0 $0x1082;
	s9 =	sld [smem:$0x3FAE]  }
0x2f: {  	lr =	sadd.s32 s0, s3;
	s0 =	sld [smem:$0x3FA5]  }
0x30: {  	s3 =	sld [smem:$0x3FA8]  }
0x31: {  	[smem:$0x3FB1] =	sst s10  }
0x32: {  	s10 =	sld [smem:$0x3FAF];
	_ =	sdelay $0x3  }
0x33: {  	p0 =	seq.s32 s10, $0x1;
	s10 =	sld [smem:$0x3FB1];
	_ =	sdelay $0x3  }
0x34: {  	[smem:$0x3FB1] =	sst s10  }
0x35: {  	s10 =	sld [smem:$0x3FB0];
	_ =	sdelay $0x3  }
0x36: {  	p1 =	seq.s32 s10, $0x1;
	s10 =	sld [smem:$0x3FB1];
	_ =	sdelay $0x3  }
0x37: {  	[smem:$0x3FB1] =	sst s10  }
0x38: {  	s10 =	sld [smem:$0x3FB2]  }
0x39: {  	_ = 	snop;
	(pc) =	sbr.ind lr, $3  }
0x3a: {  	_ = 	snop  }
0x3b: {  	_ = 	snop  }
0x3c: {  	p2 =	seq.s32 s10, $0x1;
	s10 =	sld [smem:$0x3FB1]  }
0x3d: {  	_ =	shalt  }
0x3e: {  	_ =	shalt  }
0x3f: {  	_ =	shalt  }
0x40: {  	_ =	shalt  }
0x41: {  	_ =	shalt  }
0x42: {  	_ =	shalt  }
0x43: {  	_ =	shalt  }
0x44: {  	_ =	shalt  }
0x45: {  	_ =	shalt  }
0x46: {  	_ =	shalt  }
0x47: {  	_ =	shalt  }
0x48: {  	_ =	shalt  }
0x49: {  	_ =	shalt  }
0x4a: {  	_ =	shalt  }
0x4b: {  	_ =	shalt  }
0x4c: {  	_ =	shalt  }
0x4d: {  	_ =	shalt  }
0x4e: {  	_ =	shalt  }
0x4f: {  	_ =	shalt  }
0x50: {  	_ =	shalt  }
0x51: {  	_ =	shalt  }
0x52: {  	_ =	shalt  }
0x53: {  	_ =	shalt  }
0x54: {  	_ =	shalt  }
0x55: {  	_ =	shalt  }
0x56: {  	_ =	shalt  }
0x57: {  	_ =	shalt  }
0x58: {  	_ =	shalt  }
0x59: {  	_ =	shalt  }
0x5a: {  	_ =	shalt  }
0x5b: {  	_ =	shalt  }
0x5c: {  	_ =	shalt  }
0x5d: {  	_ =	shalt  }
0x5e: {  	_ =	shalt  }
0x5f: {  	_ =	shalt  }
0x60: {  	_ =	shalt  }
0x61: {  	_ =	shalt  }
0x62: {  	_ =	shalt  }
0x63: {  	_ =	shalt  }
0x64: {  	_ =	shalt  }
0x65: {  	_ =	shalt  }
0x66: {  	_ =	shalt  }
0x67: {  	_ =	shalt  }
0x68: {  	_ =	shalt  }
0x69: {  	_ =	shalt  }
0x6a: {  	_ =	shalt  }
0x6b: {  	_ =	shalt  }
0x6c: {  	_ =	shalt  }
0x6d: {  	_ =	shalt  }
0x6e: {  	_ =	shalt  }
0x6f: {  	_ =	shalt  }
0x70: {  	_ =	shalt  }
0x71: {  	_ =	shalt  }
0x72: {  	_ =	shalt  }
0x73: {  	_ =	shalt  }
0x74: {  	_ =	shalt  }
0x75: {  	_ =	shalt  }
0x76: {  	_ =	shalt  }
0x77: {  	_ =	shalt  }
0x78: {  	_ =	shalt  }
0x79: {  	_ =	shalt  }
0x7a: {  	_ =	shalt  }
0x7b: {  	_ =	shalt  }
0x7c: {  	_ =	shalt  }
0x7d: {  	_ =	shalt  }
0x7e: {  	_ =	shalt  }
0x7f: {  	_ =	shalt  }
0x80: {  	_ =	shalt  }
0x81: {  	_ =	shalt  }
0x82: {  	_ =	shalt  }
0x83: {  	_ =	shalt  }
0x84: {  	_ =	shalt  }
0x85: {  	_ =	shalt  }
0x86: {  	_ =	shalt  }
0x87: {  	_ =	shalt  }
.Lfunc_end0:
.L_simem_size_0:
called_computation_lowered:
.L_overlay_start_0:
0x88: {  	s2 =	sld [smem:$0x3FD9]  }
0x89: {  	s3 =	sld [smem:$0x3FFE];
	_ =	sdelay $0x1  }
0x8a: {  	s1 =	srdreg.scid  }
0x8b: {  	s0 =	sand.u32 $0x1, s1  }
0x8c: {  	s16 =	sshll.u32 s0, $0xA;
	s2 =	sadd.s32 s3, s2  }
0x8d: {  	s2 =	sadd.s32 s2, s16  }
0x8e: {  	[smem:$0x3FBD] =	sst s2  }
0x8f: {  	_ = 	snop  }
0x90: {  	(tm) =	ssettm $0x1  }
0x91: {  	s17 =	sld [smem:$0x3FFB];
	_ =	sdelay $0x3  }
0x92: {  	_ =	strace s17  }
0x93: {  	s2 =	sld [smem:$0x3FFC];
	_ =	sdelay $0x3  }
0x94: {  	_ =	strace s2  }
0x95: {  	s2 =	sld [smem:$0x3FFD];
	_ =	sdelay $0x3  }
0x96: {  	_ =	strace s2  }
0x97: {  	_ =	strace $0x8FFFFFFF  }
0x98: {  	s18 =	sld [smem:$0x3FDB];
	_ =	sdelay $0x1  }
0x99: {  	s19 =	simm.s32 $_scs_section_size  }
0x9a: {  	s4 =	simm.s32 $_size__tile_overlayer_lowered;
	s5 =	simm.s32 $_tile_overlayer_lowered  }
0x9b: {  	s22 =	simm.s32 $0x1BFF;
	s21 =	sshll.u32 s5, $0x1;
	s2 =	sadd.s32 s19, s18  }
0x9c: {  	s6 =	simm.s32 $0x0;
	s20 =	sshll.u32 s4, $0x1;
	s4 =	sadd.s32 s21, s2  }
0x9d: {  	[timem:s6], [sflag:s22] =	dma.local [hbm:s4], s20  }
0x9e: {  	_ =	swait.ge [sflag:s22], s20  }
0x9f: {  	s3 =	ssub.s32 $0x0, s20;
	[sflag:s22] =	ssyncset.done $0x0  }
0xa0: {  	[sflag:s22] =	ssyncadd.s32 s3;
	_ =	sdelay $0x1  }
0xa1: {  	s23 =	simm.s32 $0x1B8B  }
0xa2: {  	_ =	swait.ge [sflag:s23], $0x1  }
0xa3: {  	[sflag:s23] =	ssyncset.done $0x0  }
0xa4: {  	s25 =	simm.s32 $0x1B8E;
	s24 =	sld [smem:$0x3FFE];
	[sflag:s23] =	ssyncadd.s32 $0xFFFFFFFF  }
0xa5: {  	s26 =	simm.s32 $execute0_lowered;
	[smem:$0x3FD2] =	sst s25  }
0xa6: {  	s4 =	sshll.u32 s26, $0x1;
	_ =	strace $0x80000046;
	[dreg:$0x1] =	wrdreg $0xFFFFFFFF  }
0xa7: {  	s28 =	simm.s32 $_size_execute0_lowered;
	s2 =	sadd.s32 s2, s4;
	[dreg:$0x0] =	wrdreg $0x0  }
0xa8: {  	s4 =	sshll.u32 s28, $0x1;
	[dreg:$0x2] =	wrdreg s2  }
0xa9: {  	[dreg:$0x3] =	wrdreg s4  }
0xaa: {  	[dreg:$0x4] =	wrdreg $0xC0  }
0xab: {  	_ =	task [dreg:s6], $0x5FFFF  }
0xac: {  	[dreg:$0x1] =	wrdreg $0xFFFFFFFF  }
0xad: {  	[dreg:$0x0] =	wrdreg $0x60  }
0xae: {  	[dreg:$0x2] =	wrdreg s24  }
0xaf: {  	[dreg:$0x3] =	wrdreg $0x0  }
0xb0: {  	[dreg:$0x4] =	wrdreg $0x9  }
0xb1: {  	_ =	task.clear_ibuf [dreg:s6], $0x5FFFF;
	_ =	strace $0x90000046  }
0xb2: {  	s29 =	simm.s32 $0x9;
	_ =	strace $0x80000048  }
0xb3: {  	_ =	swait.ge [sflag:s29], $0x1  }
0xb4: {  	[sflag:s29] =	ssyncadd.s32 $0xFFFFFFFF  }
0xb5: {  	_ =	strace $0x90000048  }
0xb6: {  	_ =	sfence  }
0xb7: {  	s30 =	sld [smem:$0x0];
	_ =	sdelay $0x2  }
0xb8: {  	s31 =	sshll.u32 s1, $0xD;
	s1 =	sshrl.u32 s1, $0x2  }
0xb9: {  	s3 =	sand.u32 $0x4000, s31;
	s1 =	sadd.s32 s1, s30  }
0xba: {  	s0 =	sor.u32 s3, s0;
	s1 =	sshll.u32 s1, $0x11  }
0xbb: {  	s0 =	sor.u32 s1, s0  }
0xbc: {  	s0 =	sadd.s32 $0x8F2B, s0  }
0xbd: {  	[sflag:s0] =	ssyncadd.remote.s32 $0x1  }
0xbe: {  	_ =	sfence.sel $0xFFFF  }
0xbf: {  	[dreg:$0x0] =	wrdreg $0xFFFFFFFF;
	(pc) =	sbr.abs _section_cstart, $3  }
0xc0: {  	[dreg:$0x1] =	wrdreg $0xFFFFFFFF  }
0xc1: {  	_ =	task.clear_ibuf [dreg:s6], $0x2FFFF;
	_ =	strace $0x9FFFFFFF  }
0xc2: {  	(tm) =	ssettm $0x7FFFFFFF  }
0xc3: {  	_ =	shalt  }
tec
execute0_lowered:
.L_overlay_start_1:
0x0: {  	(tag) =	ssettag $0x1  }
0x1: {  	s0 =	rddreg [dreg:$0x0]  }
0x2: {  	s2 =	rddreg [dreg:$0x1];
	s3 =	simm.s32 $0x0  }
0x3: {  	s21 =	stileid.u32;
	s1 =	srdreg.scid;
	s28 =	simm.s32 $0x3  }
0x4: {  	s30 =	simm.s32 $0x1D400;
	s31 =	simm.s32 $0x1;
	s4 =	smul.u32 $0x2800, s21  }
0x5: {  	s29 =	simm.s32 $0x0;
	[smem:$0x7FF] =	sst s3;
	s5 =	smul.u32 $0x50000, s21  }
0x6: {  	s1 =	sand.u32 $0x1, s1;
	s6 =	sadd.s32 $0x522000, s0;
	s26 =	smul.u32 $0x27100, s21  }
0x7: {  	s7 =	sshll.u32 s21, $0xC;
	_ =	strace $0x80000047;
	s8 =	smul.u32 $0x28000, s1  }
0x8: {  	s7 =	sadd.s32 s7, s0;
	s9 =	ssub.s32 $0x2, s1;
	s13 =	sshll.u32 s1, $0x4  }
0x9: {  	s5 =	sshrl.u32 s5, $0x2;
	s10 =	sshrl.u32 s9, $0x1;
	s17 =	sor.u32 s21, s13  }
0xa: {  	s8 =	sadd.s32 s4, s8;
	s4 =	sadd.s32 s5, s2;
	s18 =	smul.u32 $0x27100, s17  }
0xb: {  	s9 =	ssub.s32 s9, s10;
	s19 =	smul.u32 $0x138800, s17;
	s0 =	sadd.s32 s8, s0  }
0xc: {  	s20 =	sadd.s32 $0x1400, s4;
	s22 =	sadd.s32 $0x2800, s4;
	s23 =	sadd.s32 $0x3C00, s4  }
0xd: {  	s24 =	sadd.s32 $0x5000, s4;
	s25 =	sadd.s32 $0x6400, s4;
	[dreg:$0x3] =	wrdreg s20  }
0xe: {  	s10 =	sadd.s32 $0x7800, s4;
	s11 =	sadd.s32 $0x8C00, s4;
	[dreg:$0x4] =	wrdreg s22  }
0xf: {  	s12 =	sadd.s32 $0xA000, s4;
	s13 =	sadd.s32 $0xB400, s4;
	[dreg:$0x5] =	wrdreg s23  }
0x10: {  	s14 =	sadd.s32 $0xC800, s4;
	s15 =	sadd.s32 $0xDC00, s4;
	[dreg:$0x6] =	wrdreg s24  }
0x11: {  	s16 =	sadd.s32 $0xF000, s4;
	s17 =	sadd.s32 $0x10400, s4;
	[dreg:$0x7] =	wrdreg s25  }
0x12: {  	s20 =	sshll.u32 s1, $0x10;
	s1 =	smul.u32 $0x271000, s1;
	s19 =	sshrl.u32 s19, $0x3  }
0x13: {  	s18 =	sadd.s32 s6, s18;
	s23 =	sadd.s32 $0x20000, s0;
	s24 =	smax.u32 s9, $0x1  }
0x14: {  	s0 =	simm.s32 $0x28;
	s7 =	sadd.s32 s20, s7;
	s22 =	sadd.s32 s6, s19  }
0x15: {  	s19 =	sadd.s32 $0x11800, s4;
	s20 =	sadd.s32 $0x12C00, s4;
	s1 =	sadd.s32 s1, s6  }
0x16: {  	s21 =	sadd.s32 $0x502000, s7;
	s22 =	sadd.s32 $0x26E80, s22;
	s1 =	sadd.s32 s26, s1  }
0x17: {  	v0 =	vimm.f32 $0.0e+00;
	s26 =	simm.s32 $0x1C000;
	s25 =	sadd.s32 $0x500, s1;
	s1 =	simm.s32 $0x2  }
.LBB2_1:
0x18: {  	s5 =	simm.s32 $0x0;
	s6 =	simm.s32 $0x200  }
.LBB2_2:
0x19: {  	p0 =	sne.s32 s6, $0x4E00;
	[tilespmem:s5+$0x1C070] =	vst v0  }
0x1a: {  	[tilespmem:s5+$0x1C000] =	vst v0  }
0x1b: {  	[tilespmem:s5+$0x1C010] =	vst v0  }
.Ltmp0:
0x1c: {  	[tilespmem:s5+$0x1C020] =	vst v0;
	(pc) =	sbr.rel @p0 .LBB2_2-.Ltmp0, $4  }
0x1d: {  	[tilespmem:s5+$0x1C030] =	vst v0  }
0x1e: {  	[tilespmem:s5+$0x1C040] =	vst v0  }
0x1f: {  	[tilespmem:s5+$0x1C050] =	vst v0  }
0x20: {  	[tilespmem:s5+$0x1C060] =	vst v0;
	s5 =	sshra.s32 s6, $0x2;
	s6 =	sadd.s32 $0x200, s6  }
0x21: {  	[tilespmem:s5+$0x1C070] =	vst v0  }
0x22: {  	[tilespmem:s5+$0x1C000] =	vst v0  }
0x23: {  	[tilespmem:s5+$0x1C010] =	vst v0  }
0x24: {  	[tilespmem:s5+$0x1C020] =	vst v0  }
0x25: {  	[tilespmem:s5+$0x1C030] =	vst v0  }
0x26: {  	[tilespmem:s5+$0x1C040] =	vst v0  }
0x27: {  	[tilespmem:s5+$0x1C050] =	vst v0  }
0x28: {  	[tilespmem:s5+$0x1C060] =	vst v0  }
0x29: {  	[spmem:s4] =	stream.linear.scatter [tilespmem:s26], [sflag:$0x3], $0x1400, $0x38;
	[tilespmem:$0x1E800] =	vst v63  }
0x2a: {  	_ =	swait.ge [sflag:s28], $0x1400  }
0x2b: {  	[sflag:s28] =	ssyncset.done $0x0  }
0x2c: {  	s8 =	rddreg [dreg:$0x3];
	[sflag:s28] =	ssyncadd.s32 $0xFFFFEC00  }
0x2d: {  	[spmem:s8] =	stream.linear.scatter [tilespmem:s26], [sflag:$0x3], $0x1400, $0x38;
	[tilespmem:$0x1E800] =	vst v63  }
0x2e: {  	_ =	swait.ge [sflag:s28], $0x1400  }
0x2f: {  	[sflag:s28] =	ssyncset.done $0x0  }
0x30: {  	s9 =	rddreg [dreg:$0x4];
	[sflag:s28] =	ssyncadd.s32 $0xFFFFEC00  }
0x31: {  	[spmem:s9] =	stream.linear.scatter [tilespmem:s26], [sflag:$0x3], $0x1400, $0x38;
	[tilespmem:$0x1E800] =	vst v63  }
0x32: {  	_ =	swait.ge [sflag:s28], $0x1400  }
0x33: {  	[sflag:s28] =	ssyncset.done $0x0  }
0x34: {  	s6 =	rddreg [dreg:$0x5];
	[sflag:s28] =	ssyncadd.s32 $0xFFFFEC00  }
0x35: {  	[spmem:s6] =	stream.linear.scatter [tilespmem:s26], [sflag:$0x3], $0x1400, $0x38;
	[tilespmem:$0x1E800] =	vst v63  }
0x36: {  	_ =	swait.ge [sflag:s28], $0x1400  }
0x37: {  	[sflag:s28] =	ssyncset.done $0x0  }
0x38: {  	s7 =	rddreg [dreg:$0x6];
	[sflag:s28] =	ssyncadd.s32 $0xFFFFEC00  }
0x39: {  	[spmem:s7] =	stream.linear.scatter [tilespmem:s26], [sflag:$0x3], $0x1400, $0x38;
	[tilespmem:$0x1E800] =	vst v63  }
0x3a: {  	_ =	swait.ge [sflag:s28], $0x1400  }
0x3b: {  	[sflag:s28] =	ssyncset.done $0x0  }
0x3c: {  	s8 =	rddreg [dreg:$0x7];
	[sflag:s28] =	ssyncadd.s32 $0xFFFFEC00  }
0x3d: {  	[spmem:s8] =	stream.linear.scatter [tilespmem:s26], [sflag:$0x3], $0x1400, $0x38;
	[tilespmem:$0x1E800] =	vst v63  }
0x3e: {  	_ =	swait.ge [sflag:s28], $0x1400  }
0x3f: {  	[sflag:s28] =	ssyncset.done $0x0  }
0x40: {  	[sflag:s28] =	ssyncadd.s32 $0xFFFFEC00  }
0x41: {  	[spmem:s10] =	stream.linear.scatter [tilespmem:s26], [sflag:$0x3], $0x1400, $0x38;
	[tilespmem:$0x1E800] =	vst v63  }
0x42: {  	_ =	swait.ge [sflag:s28], $0x1400  }
0x43: {  	[sflag:s28] =	ssyncset.done $0x0  }
0x44: {  	[sflag:s28] =	ssyncadd.s32 $0xFFFFEC00  }
0x45: {  	[spmem:s11] =	stream.linear.scatter [tilespmem:s26], [sflag:$0x3], $0x1400, $0x38;
	[tilespmem:$0x1E800] =	vst v63  }
0x46: {  	_ =	swait.ge [sflag:s28], $0x1400  }
0x47: {  	[sflag:s28] =	ssyncset.done $0x0  }
0x48: {  	[sflag:s28] =	ssyncadd.s32 $0xFFFFEC00  }
0x49: {  	[spmem:s12] =	stream.linear.scatter [tilespmem:s26], [sflag:$0x3], $0x1400, $0x38;
	[tilespmem:$0x1E800] =	vst v63  }
0x4a: {  	_ =	swait.ge [sflag:s28], $0x1400  }
0x4b: {  	[sflag:s28] =	ssyncset.done $0x0  }
0x4c: {  	[sflag:s28] =	ssyncadd.s32 $0xFFFFEC00  }
0x4d: {  	[spmem:s13] =	stream.linear.scatter [tilespmem:s26], [sflag:$0x3], $0x1400, $0x38;
	[tilespmem:$0x1E800] =	vst v63  }
0x4e: {  	_ =	swait.ge [sflag:s28], $0x1400  }
0x4f: {  	[sflag:s28] =	ssyncset.done $0x0  }
0x50: {  	[sflag:s28] =	ssyncadd.s32 $0xFFFFEC00  }
0x51: {  	[spmem:s14] =	stream.linear.scatter [tilespmem:s26], [sflag:$0x3], $0x1400, $0x38;
	[tilespmem:$0x1E800] =	vst v63  }
0x52: {  	_ =	swait.ge [sflag:s28], $0x1400  }
0x53: {  	[sflag:s28] =	ssyncset.done $0x0  }
0x54: {  	[sflag:s28] =	ssyncadd.s32 $0xFFFFEC00  }
0x55: {  	[spmem:s15] =	stream.linear.scatter [tilespmem:s26], [sflag:$0x3], $0x1400, $0x38;
	[tilespmem:$0x1E800] =	vst v63  }
0x56: {  	_ =	swait.ge [sflag:s28], $0x1400  }
0x57: {  	[sflag:s28] =	ssyncset.done $0x0  }
0x58: {  	[sflag:s28] =	ssyncadd.s32 $0xFFFFEC00  }
0x59: {  	[spmem:s16] =	stream.linear.scatter [tilespmem:s26], [sflag:$0x3], $0x1400, $0x38;
	[tilespmem:$0x1E800] =	vst v63  }
0x5a: {  	_ =	swait.ge [sflag:s28], $0x1400  }
0x5b: {  	[sflag:s28] =	ssyncset.done $0x0  }
0x5c: {  	[sflag:s28] =	ssyncadd.s32 $0xFFFFEC00  }
0x5d: {  	[spmem:s17] =	stream.linear.scatter [tilespmem:s26], [sflag:$0x3], $0x1400, $0x38;
	[tilespmem:$0x1E800] =	vst v63  }
0x5e: {  	_ =	swait.ge [sflag:s28], $0x1400  }
0x5f: {  	[sflag:s28] =	ssyncset.done $0x0  }
0x60: {  	[sflag:s28] =	ssyncadd.s32 $0xFFFFEC00  }
0x61: {  	[spmem:s19] =	stream.linear.scatter [tilespmem:s26], [sflag:$0x3], $0x1400, $0x38;
	[tilespmem:$0x1E800] =	vst v63  }
0x62: {  	_ =	swait.ge [sflag:s28], $0x1400  }
0x63: {  	[sflag:s28] =	ssyncset.done $0x0  }
0x64: {  	[sflag:s28] =	ssyncadd.s32 $0xFFFFEC00  }
0x65: {  	[spmem:s20] =	stream.linear.scatter [tilespmem:s26], [sflag:$0x3], $0x1400, $0x38;
	[tilespmem:$0x1E800] =	vst v63  }
0x66: {  	_ =	swait.ge [sflag:s28], $0x1400  }
0x67: {  	[sflag:s28] =	ssyncset.done $0x0  }
0x68: {  	[sflag:s28] =	ssyncadd.s32 $0xFFFFEC00  }
0x69: {  	s9 =	simm.s32 $0x0;
	s6 =	simm.s32 $0x14000;
	[bflag:$0x0] =	sbarrier.arrive $0xFFFF  }
0x6a: {  	[tilespmem:s6], [sflag:$0x3] =	stream.linear.gather [hbm4b:s21+s9], $0x7D00, $0x38;
	[tilespmem:$0x1E800] =	vst v63  }
0x6b: {  	_ =	swait.ge [sflag:s28], $0x7D00  }
0x6c: {  	[sflag:s28] =	ssyncset.done $0x0  }
0x6d: {  	[sflag:s28] =	ssyncadd.s32 $0xFFFF8300  }
0x6e: {  	[tilespmem:s26], [sflag:$0x1] =	stream.linear.gather [hbm4b:s18+s9], $0x1400, $0x38;
	[tilespmem:$0x1E800] =	vst v63  }
0x6f: {  	s7 =	sadd.s32 $0xFFFFFD80, s25  }
0x70: {  	[tilespmem:s30], [sflag:$0x2] =	stream.linear.gather [hbm4b:s7+s3], $0x1400, $0x38;
	[tilespmem:$0x1E800] =	vst v63  }
0x71: {  	_ =	swait.ge [sflag:s31], $0x1400  }
0x72: {  	[sflag:s31] =	ssyncset.done $0x0  }
0x73: {  	s8 =	simm.s32 $0x14000;
	[sflag:s31] =	ssyncadd.s32 $0xFFFFEC00  }
0x74: {  	[spmem:s2] =	stream.indirect.scatter.add.f32 [tilespmem:s26], [sflag:$0x3], $0x80, s8, s0, $0xb8;
	[tilespmem:$0x1E800] =	vst v63  }
0x75: {  	_ =	swait.ge [sflag:s28], $0x1400  }
0x76: {  	[sflag:s28] =	ssyncset.done $0x0  }
0x77: {  	[sflag:s28] =	ssyncadd.s32 $0xFFFFEC00  }
0x78: {  	[tilespmem:s26], [sflag:$0x1] =	stream.linear.gather [hbm4b:s25+s3], $0x1400, $0x38;
	[tilespmem:$0x1E800] =	vst v63  }
0x79: {  	_ =	swait.ge [sflag:s1], $0x1400  }
0x7a: {  	[sflag:s1] =	ssyncset.done $0x0  }
0x7b: {  	s9 =	simm.s32 $0x14080;
	[sflag:s1] =	ssyncadd.s32 $0xFFFFEC00  }
0x7c: {  	[spmem:s2] =	stream.indirect.scatter.add.f32 [tilespmem:s30], [sflag:$0x3], $0x80, s9, s0, $0xb8;
	[tilespmem:$0x1E800] =	vst v63  }
0x7d: {  	s5 =	sadd.s32 $0x500, s25;
	_ =	swait.ge [sflag:s28], $0x1400  }
0x7e: {  	s6 =	simm.s32 $0x400;
	s7 =	simm.s32 $0x800;
	[sflag:s28] =	ssyncset.done $0x0  }
.LBB2_4:
0x7f: {  	p0 =	sne.s32 s7, $0x1EC00;
	s8 =	sadd.s32 $0xFFFFFD80, s5;
	[sflag:s28] =	ssyncadd.s32 $0xFFFFEC00  }
0x80: {  	[tilespmem:s30], [sflag:$0x2] =	stream.linear.gather [hbm4b:s8+s3], $0x1400, $0x38;
	[tilespmem:$0x1E800] =	vst v63  }
0x81: {  	s8 =	smov.u32 s7;
	s7 =	sadd.s32 $0x400, s7;
	_ =	swait.ge [sflag:s31], $0x1400  }
0x82: {  	s9 =	sshra.s32 s6, $0x2;
	s6 =	smov.u32 s8;
	[sflag:s31] =	ssyncset.done $0x0  }
0x83: {  	s8 =	sadd.s32 $0x14000, s9;
	[sflag:s31] =	ssyncadd.s32 $0xFFFFEC00  }
0x84: {  	[spmem:s2] =	stream.indirect.scatter.add.f32 [tilespmem:s26], [sflag:$0x3], $0x80, s8, s0, $0xb8;
	[tilespmem:$0x1E800] =	vst v63  }
0x85: {  	_ =	swait.ge [sflag:s28], $0x1400  }
0x86: {  	[sflag:s28] =	ssyncset.done $0x0  }
0x87: {  	[sflag:s28] =	ssyncadd.s32 $0xFFFFEC00  }
0x88: {  	[tilespmem:s26], [sflag:$0x1] =	stream.linear.gather [hbm4b:s5+s3], $0x1400, $0x38;
	[tilespmem:$0x1E800] =	vst v63  }
0x89: {  	_ =	swait.ge [sflag:s1], $0x1400  }
.Ltmp1:
0x8a: {  	[sflag:s1] =	ssyncset.done $0x0;
	(pc) =	sbr.rel @p0 .LBB2_4-.Ltmp1, $4  }
0x8b: {  	s8 =	sadd.s32 $0x14080, s9;
	[sflag:s1] =	ssyncadd.s32 $0xFFFFEC00  }
0x8c: {  	[spmem:s2] =	stream.indirect.scatter.add.f32 [tilespmem:s30], [sflag:$0x3], $0x80, s8, s0, $0xb8;
	[tilespmem:$0x1E800] =	vst v63  }
0x8d: {  	_ =	swait.ge [sflag:s28], $0x1400  }
0x8e: {  	s5 =	sadd.s32 $0x500, s5;
	[sflag:s28] =	ssyncset.done $0x0  }
0x8f: {  	s7 =	sadd.s32 $0xFFFFFD80, s5;
	[sflag:s28] =	ssyncadd.s32 $0xFFFFEC00  }
0x90: {  	[tilespmem:s30], [sflag:$0x2] =	stream.linear.gather [hbm4b:s7+s3], $0x1400, $0x38;
	[tilespmem:$0x1E800] =	vst v63  }
0x91: {  	_ =	swait.ge [sflag:s31], $0x1400  }
0x92: {  	s6 =	sshra.s32 s6, $0x2;
	[sflag:s31] =	ssyncset.done $0x0  }
0x93: {  	s8 =	sadd.s32 $0x14000, s6;
	[sflag:s31] =	ssyncadd.s32 $0xFFFFEC00  }
0x94: {  	[spmem:s2] =	stream.indirect.scatter.add.f32 [tilespmem:s26], [sflag:$0x3], $0x80, s8, s0, $0xb8;
	[tilespmem:$0x1E800] =	vst v63  }
0x95: {  	_ =	swait.ge [sflag:s28], $0x1400  }
0x96: {  	[sflag:s28] =	ssyncset.done $0x0  }
0x97: {  	[sflag:s28] =	ssyncadd.s32 $0xFFFFEC00  }
0x98: {  	[tilespmem:s26], [sflag:$0x1] =	stream.linear.gather [hbm4b:s5+s3], $0x1400, $0x38;
	[tilespmem:$0x1E800] =	vst v63  }
0x99: {  	_ =	swait.ge [sflag:s1], $0x1400  }
0x9a: {  	[sflag:s1] =	ssyncset.done $0x0  }
0x9b: {  	s9 =	sadd.s32 $0x14080, s6;
	[sflag:s1] =	ssyncadd.s32 $0xFFFFEC00  }
0x9c: {  	[spmem:s2] =	stream.indirect.scatter.add.f32 [tilespmem:s30], [sflag:$0x3], $0x80, s9, s0, $0xb8;
	[tilespmem:$0x1E800] =	vst v63  }
0x9d: {  	_ =	swait.ge [sflag:s28], $0x1400  }
0x9e: {  	[sflag:s28] =	ssyncset.done $0x0  }
0x9f: {  	[sflag:s28] =	ssyncadd.s32 $0xFFFFEC00  }
0xa0: {  	[tilespmem:s30], [sflag:$0x2] =	stream.linear.gather [hbm4b:s22+s3], $0x1400, $0x38;
	[tilespmem:$0x1E800] =	vst v63  }
0xa1: {  	_ =	swait.ge [sflag:s31], $0x1400  }
0xa2: {  	[sflag:s31] =	ssyncset.done $0x0  }
0xa3: {  	s6 =	simm.s32 $0x1BC00;
	[sflag:s31] =	ssyncadd.s32 $0xFFFFEC00  }
0xa4: {  	[spmem:s2] =	stream.indirect.scatter.add.f32 [tilespmem:s26], [sflag:$0x3], $0x80, s6, s0, $0xb8;
	[tilespmem:$0x1E800] =	vst v63  }
0xa5: {  	_ =	swait.ge [sflag:s28], $0x1400  }
0xa6: {  	[sflag:s28] =	ssyncset.done $0x0  }
0xa7: {  	[sflag:s28] =	ssyncadd.s32 $0xFFFFEC00  }
0xa8: {  	_ =	swait.ge [sflag:s1], $0x1400  }
0xa9: {  	[sflag:s1] =	ssyncset.done $0x0  }
0xaa: {  	s7 =	simm.s32 $0x1BC80;
	[sflag:s1] =	ssyncadd.s32 $0xFFFFEC00  }
0xab: {  	[spmem:s2] =	stream.indirect.scatter.add.f32 [tilespmem:s30], [sflag:$0x3], $0x80, s7, s0, $0xb8;
	[tilespmem:$0x1E800] =	vst v63  }
0xac: {  	s8 =	stileid.u32;
	_ =	swait.ge [sflag:s28], $0x1400  }
0xad: {  	s29 =	sadd.s32 $0x1, s29;
	s5 =	sshll.u32 s8, $0x6;
	[sflag:s28] =	ssyncset.done $0x0  }
0xae: {  	p0 =	sne.s32 s29, s24;
	s5 =	sor.u32 $0x1C03, s5;
	[sflag:s28] =	ssyncadd.s32 $0xFFFFEC00  }
.Ltmp2:
0xaf: {  	s9 =	sshrl.u32 s4, $0x3;
	[bflag:$0x0] =	sbarrier.arrive $0xFFFF;
	(pc) =	sbr.rel @p0 .LBB2_1-.Ltmp2, $4  }
0xb0: {  	[hbm:s23], [sflag:s5] =	dma.local [spmem:s9], $0x2800  }
0xb1: {  	_ =	swait.ge [sflag:s28], $0x2800  }
0xb2: {  	[sflag:s28] =	ssyncset.done $0x0  }
0xb3: {  	[sflag:s28] =	ssyncadd.s32 $0xFFFFD800  }
0xb4: {  	_ =	sfence.sel $0x180000  }
0xb5: {  	[bflag:$0x0] =	sbarrier.arrive $0xFFFF  }
0xb6: {  	_ =	strace $0x90000047  }
0xb7: {  	s0 =	stileid.u32;
	[bflag:$0x2] =	sbarrier.arrive $0xFFFF  }
0xb8: {  	p0 =	sne.s32 s0, $0x0;
	s0 =	rddreg [dreg:$0x2]  }
0xb9: {  	s0 =	sadd.s32 @!p0 $0x100000, s0  }
0xba: {  	[sflag:s0] =	ssyncadd.tile.s32 @!p0 $0x1;
	_ =	shalt  }
.Lfunc_end2:
_tile_overlayer_lowered:
.L_overlay_start_2:
0xbb: {  	(tag) =	ssettag $0x2  }
0xbc: {  	s0 =	rddreg [dreg:$0x0];
	s2 =	stileid.u32  }
0xbd: {  	s1 =	rddreg [dreg:$0x1];
	p0 =	sne.s32 s2, $0x0  }
0xbe: {  	s3 =	rddreg [dreg:$0x2];
	[bflag:$0x3] =	sbarrier.arrive $0xFFFF;
	s2 =	simm.s32 @!p0 $0x1C03  }
0xbf: {  	[timem:s3], [sflag:s2] =	dma.local @!p0 [hbm:s0], s1  }
0xc0: {  	s0 =	simm.s32 @!p0 $0x3  }
0xc1: {  	_ =	swait.ge @!p0 [sflag:s0], s1  }
0xc2: {  	s1 =	ssub.s32 @!p0 $0x0, s1;
	[sflag:s0] =	ssyncset.done @!p0 $0x0  }
0xc3: {  	[sflag:s0] =	ssyncadd.s32 @!p0 s1  }
0xc4: {  	[bflag:$0x3] =	sbarrier.arrive $0xFFFF  }
0xc5: {  	_ =	shalt  }

// kernel: kernel.14.cloned.1.call-start
scs
__scs_entry_jumppad:
0x0: {  	(pc) =	sbr.rel $0x88, $3  }
0x1: {  	(tag) =	ssettag $0x0;
	lr =	simm.s32 $0x1  }
0x2: {  	[smem:$0x3F96] =	sst lr;
	_ =	strace $0xD0000000  }
0x3: {  	_ = 	snop  }
0x4: {  	_ = 	snop  }
0x5: {  	_ = 	snop  }
0x6: {  	_ = 	snop  }
0x7: {  	_ = 	snop  }
__scs_overlays_trampoline_lowered:
0x8: {  	[smem:$0x3FA5] =	sst s0  }
0x9: {  	[smem:$0x3FA6] =	sst s1  }
0xa: {  	[smem:$0x3FA7] =	sst s2  }
0xb: {  	[smem:$0x3FA8] =	sst s3  }
0xc: {  	[smem:$0x3FA9] =	sst s4  }
0xd: {  	[smem:$0x3FAA] =	sst s5  }
0xe: {  	[smem:$0x3FAB] =	sst s6  }
0xf: {  	[smem:$0x3FAC] =	sst s7  }
0x10: {  	[smem:$0x3FAD] =	sst s8  }
0x11: {  	[smem:$0x3FAE] =	sst s9;
	s0 =	simm.s32 @!p0 $0x0  }
0x12: {  	s1 =	sld [smem:$0x3F94];
	s0 =	simm.s32 @p0 $0x1  }
0x13: {  	[smem:$0x3FAF] =	sst s0;
	s0 =	simm.s32 @!p1 $0x0  }
0x14: {  	s2 =	sld [smem:$0x3F93];
	s0 =	simm.s32 @p1 $0x1  }
0x15: {  	[smem:$0x3FB0] =	sst s0;
	s0 =	simm.s32 @!p2 $0x0  }
0x16: {  	s3 =	sld [smem:$0x3FDB];
	s0 =	simm.s32 @p2 $0x1  }
0x17: {  	s4 =	simm.s32 $0x1BF5;
	[smem:$0x3FB2] =	sst s0  }
0x18: {  	s0 =	sld [smem:$0x3F95];
	_ =	swait.ge [sflag:s4], $0x0  }
0x19: {  	s7 =	sld [smem:$0x3F96]  }
0x1a: {  	s8 =	sadd.s32 $0xFFFFE003, lr  }
0x1b: {  	s9 =	sadd.s32 $0xFFFFFEF7, lr;
	s5 =	simm.s32 $0xFFFFFFFF;
	p2 =	slt.u32 s8, $0xFFFFF086  }
0x1c: {  	p1 =	slt.u32 s9, $0xF7A;
	s5 =	simm.s32 @!p2 $0x0  }
0x1d: {  	s5 =	simm.s32 @p1 $0x1;
	p0 =	seq.s32 s7, s2  }
0x1e: {  	s7 =	smul.u32 @!p0 $0xF7A, s2;
	p2 =	seq.s32 @!p0 s5, $0x0  }
0x1f: {  	s9 =	smul.u32 $0xF7A, s1;
	s8 =	simm.s32 @!p0 $0x1BF5;
	p2 =	por !p2, p0  }
0x20: {  	[sflag:s8] =	ssyncset.s32 @!p0 $0xFFFFF086;
	s6 =	sadd.s32 @!p0 s3, s7;
	s7 =	simm.s32 @!p0 $0x108  }
0x21: {  	s3 =	sadd.s32 s3, s9;
	s6 =	sadd.s32 @!p0 $0x88, s6;
	s7 =	simm.s32 @p2 $0x1082  }
0x22: {  	[simem:s7], [sflag:s8] =	dma.local @!p0 [hbm:s6], $0xF7A  }
0x23: {  	s9 =	sor.u32 $0xD0000000, s2;
	s6 =	simm.s32 $0x108;
	_ =	swait.ge @!p0 [sflag:s8], $0x0  }
0x24: {  	s3 =	sadd.s32 $0x88, s3;
	s6 =	simm.s32 @!p1 $0x1082;
	[sflag:s4] =	ssyncset.s32 $0xFFFFF086  }
0x25: {  	[simem:s6], [sflag:s4] =	dma.local [hbm:s3], $0xF7A  }
0x26: {  	[smem:$0x3F96] =	sst s1;
	(tag) =	ssettag s2;
	_ =	strace s9  }
0x27: {  	s1 =	sld [smem:$0x3FA6]  }
0x28: {  	s2 =	sld [smem:$0x3FA7]  }
0x29: {  	s4 =	sld [smem:$0x3FA9]  }
0x2a: {  	p0 =	seq.s32 s5, $0x0;
	s5 =	sld [smem:$0x3FAA]  }
0x2b: {  	s6 =	sld [smem:$0x3FAB]  }
0x2c: {  	s7 =	sld [smem:$0x3FAC]  }
0x2d: {  	s3 =	simm.s32 $0x108;
	s8 =	sld [smem:$0x3FAD]  }
0x2e: {  	s3 =	simm.s32 @!p0 $0x1082;
	s9 =	sld [smem:$0x3FAE]  }
0x2f: {  	lr =	sadd.s32 s0, s3;
	s0 =	sld [smem:$0x3FA5]  }
0x30: {  	s3 =	sld [smem:$0x3FA8]  }
0x31: {  	[smem:$0x3FB1] =	sst s10  }
0x32: {  	s10 =	sld [smem:$0x3FAF];
	_ =	sdelay $0x3  }
0x33: {  	p0 =	seq.s32 s10, $0x1;
	s10 =	sld [smem:$0x3FB1];
	_ =	sdelay $0x3  }
0x34: {  	[smem:$0x3FB1] =	sst s10  }
0x35: {  	s10 =	sld [smem:$0x3FB0];
	_ =	sdelay $0x3  }
0x36: {  	p1 =	seq.s32 s10, $0x1;
	s10 =	sld [smem:$0x3FB1];
	_ =	sdelay $0x3  }
0x37: {  	[smem:$0x3FB1] =	sst s10  }
0x38: {  	s10 =	sld [smem:$0x3FB2]  }
0x39: {  	_ = 	snop;
	(pc) =	sbr.ind lr, $3  }
0x3a: {  	_ = 	snop  }
0x3b: {  	_ = 	snop  }
0x3c: {  	p2 =	seq.s32 s10, $0x1;
	s10 =	sld [smem:$0x3FB1]  }
0x3d: {  	_ =	shalt  }
0x3e: {  	_ =	shalt  }
0x3f: {  	_ =	shalt  }
0x40: {  	_ =	shalt  }
0x41: {  	_ =	shalt  }
0x42: {  	_ =	shalt  }
0x43: {  	_ =	shalt  }
0x44: {  	_ =	shalt  }
0x45: {  	_ =	shalt  }
0x46: {  	_ =	shalt  }
0x47: {  	_ =	shalt  }
0x48: {  	_ =	shalt  }
0x49: {  	_ =	shalt  }
0x4a: {  	_ =	shalt  }
0x4b: {  	_ =	shalt  }
0x4c: {  	_ =	shalt  }
0x4d: {  	_ =	shalt  }
0x4e: {  	_ =	shalt  }
0x4f: {  	_ =	shalt  }
0x50: {  	_ =	shalt  }
0x51: {  	_ =	shalt  }
0x52: {  	_ =	shalt  }
0x53: {  	_ =	shalt  }
0x54: {  	_ =	shalt  }
0x55: {  	_ =	shalt  }
0x56: {  	_ =	shalt  }
0x57: {  	_ =	shalt  }
0x58: {  	_ =	shalt  }
0x59: {  	_ =	shalt  }
0x5a: {  	_ =	shalt  }
0x5b: {  	_ =	shalt  }
0x5c: {  	_ =	shalt  }
0x5d: {  	_ =	shalt  }
0x5e: {  	_ =	shalt  }
0x5f: {  	_ =	shalt  }
0x60: {  	_ =	shalt  }
0x61: {  	_ =	shalt  }
0x62: {  	_ =	shalt  }
0x63: {  	_ =	shalt  }
0x64: {  	_ =	shalt  }
0x65: {  	_ =	shalt  }
0x66: {  	_ =	shalt  }
0x67: {  	_ =	shalt  }
0x68: {  	_ =	shalt  }
0x69: {  	_ =	shalt  }
0x6a: {  	_ =	shalt  }
0x6b: {  	_ =	shalt  }
0x6c: {  	_ =	shalt  }
0x6d: {  	_ =	shalt  }
0x6e: {  	_ =	shalt  }
0x6f: {  	_ =	shalt  }
0x70: {  	_ =	shalt  }
0x71: {  	_ =	shalt  }
0x72: {  	_ =	shalt  }
0x73: {  	_ =	shalt  }
0x74: {  	_ =	shalt  }
0x75: {  	_ =	shalt  }
0x76: {  	_ =	shalt  }
0x77: {  	_ =	shalt  }
0x78: {  	_ =	shalt  }
0x79: {  	_ =	shalt  }
0x7a: {  	_ =	shalt  }
0x7b: {  	_ =	shalt  }
0x7c: {  	_ =	shalt  }
0x7d: {  	_ =	shalt  }
0x7e: {  	_ =	shalt  }
0x7f: {  	_ =	shalt  }
0x80: {  	_ =	shalt  }
0x81: {  	_ =	shalt  }
0x82: {  	_ =	shalt  }
0x83: {  	_ =	shalt  }
0x84: {  	_ =	shalt  }
0x85: {  	_ =	shalt  }
0x86: {  	_ =	shalt  }
0x87: {  	_ =	shalt  }
.Lfunc_end0:
.L_simem_size_0:
called_computation.1_lowered:
.L_overlay_start_0:
0x88: {  	s2 =	sld [smem:$0x3FD9]  }
0x89: {  	s3 =	sld [smem:$0x3FFE];
	_ =	sdelay $0x1  }
0x8a: {  	s1 =	srdreg.scid  }
0x8b: {  	s0 =	sand.u32 $0x1, s1  }
0x8c: {  	s17 =	sshll.u32 s0, $0xA;
	s2 =	sadd.s32 s3, s2  }
0x8d: {  	s2 =	sadd.s32 s2, s17  }
0x8e: {  	[smem:$0x3FBD] =	sst s2  }
0x8f: {  	_ = 	snop  }
0x90: {  	(tm) =	ssettm $0x1  }
0x91: {  	s18 =	sld [smem:$0x3FFB];
	_ =	sdelay $0x3  }
0x92: {  	_ =	strace s18  }
0x93: {  	s2 =	sld [smem:$0x3FFC];
	_ =	sdelay $0x3  }
0x94: {  	_ =	strace s2  }
0x95: {  	s2 =	sld [smem:$0x3FFD];
	_ =	sdelay $0x3  }
0x96: {  	_ =	strace s2  }
0x97: {  	_ =	strace $0x8FFFFFFF  }
0x98: {  	s19 =	sld [smem:$0x3FDB];
	_ =	sdelay $0x1  }
0x99: {  	s20 =	simm.s32 $_scs_section_size  }
0x9a: {  	s4 =	simm.s32 $_size__tile_overlayer_lowered;
	s5 =	simm.s32 $_tile_overlayer_lowered  }
0x9b: {  	s6 =	simm.s32 $0x1BFF;
	s21 =	sshll.u32 s5, $0x1;
	s3 =	sadd.s32 s20, s19  }
0x9c: {  	s22 =	simm.s32 $0x0;
	s4 =	sshll.u32 s4, $0x1;
	s5 =	sadd.s32 s21, s3  }
0x9d: {  	[timem:s22], [sflag:s6] =	dma.local [hbm:s5], s4  }
0x9e: {  	_ =	swait.ge [sflag:s6], s4  }
0x9f: {  	s4 =	ssub.s32 $0x0, s4;
	[sflag:s6] =	ssyncset.done $0x0  }
0xa0: {  	[sflag:s6] =	ssyncadd.s32 s4;
	_ =	sdelay $0x1  }
0xa1: {  	s23 =	simm.s32 $0x1B8B  }
0xa2: {  	_ =	swait.ge [sflag:s23], $0x1  }
0xa3: {  	[sflag:s23] =	ssyncset.done $0x0  }
0xa4: {  	[sflag:s23] =	ssyncadd.s32 $0xFFFFFFFF  }
0xa5: {  	s4 =	sld [smem:$0x0]  }
0xa6: {  	s5 =	sand.u32 $0xFFFFFFFE, s1  }
0xa7: {  	p0 =	sne.s32 s1, s5  }
0xa8: {  	s5 =	sshll.u32 @p0 s5, $0xE  }
0xa9: {  	s5 =	sadd.s32 @p0 $0x11B8D, s5;
	s6 =	sshll.u32 @p0 s4, $0x11  }
0xaa: {  	s5 =	sor.u32 @p0 s6, s5  }
0xab: {  	[sflag:s5] =	ssyncadd.remote.s32 @p0 $0x1;
	_ =	sdelay $0x1  }
0xac: {  	s5 =	simm.s32 @p0 $0x1B8D  }
0xad: {  	_ =	swait.eq @p0 [sflag:s5], $0x1  }
0xae: {  	[sflag:s5] =	ssyncadd.s32 @p0 $0xFFFFFFFF  }
0xaf: {  	s6 =	sshll.u32 @!p0 s1, $0xE  }
0xb0: {  	s6 =	sor.u32 @!p0 $0x4000, s6;
	s5 =	simm.s32 @!p0 $0x1B8D  }
0xb1: {  	s4 =	sshll.u32 @!p0 s4, $0x11;
	s6 =	sadd.s32 @!p0 $0x11B8D, s6;
	_ =	swait.eq @!p0 [sflag:s5], $0x1  }
0xb2: {  	s4 =	sor.u32 @!p0 s4, s6;
	[sflag:s5] =	ssyncadd.s32 @!p0 $0xFFFFFFFF  }
0xb3: {  	s25 =	simm.s32 $0x1B8E;
	s24 =	sld [smem:$0x3FFE];
	[sflag:s4] =	ssyncadd.remote.s32 @!p0 $0x1  }
0xb4: {  	s26 =	simm.s32 $execute0_lowered;
	[smem:$0x3FD2] =	sst s25  }
0xb5: {  	s5 =	sshll.u32 s26, $0x1;
	_ =	strace $0x80000049;
	[dreg:$0x1] =	wrdreg $0xFFFFFFFF  }
0xb6: {  	s28 =	simm.s32 $_size_execute0_lowered;
	s3 =	sadd.s32 s3, s5;
	[dreg:$0x0] =	wrdreg $0x0  }
0xb7: {  	s5 =	sshll.u32 s28, $0x1;
	[dreg:$0x2] =	wrdreg s3  }
0xb8: {  	[dreg:$0x3] =	wrdreg s5  }
0xb9: {  	[dreg:$0x4] =	wrdreg $0xC0  }
0xba: {  	_ =	task [dreg:s22], $0x5FFFF  }
0xbb: {  	[dreg:$0x1] =	wrdreg $0xFFFFFFFF  }
0xbc: {  	[dreg:$0x0] =	wrdreg $0x60  }
0xbd: {  	[dreg:$0x2] =	wrdreg s24  }
0xbe: {  	[dreg:$0x3] =	wrdreg $0x0  }
0xbf: {  	[dreg:$0x4] =	wrdreg $0xA  }
0xc0: {  	_ =	task.clear_ibuf [dreg:s22], $0x5FFFF;
	_ =	strace $0x90000049  }
0xc1: {  	s29 =	simm.s32 $0xA;
	_ =	strace $0x8000004B  }
0xc2: {  	_ =	swait.ge [sflag:s29], $0x1  }
0xc3: {  	[sflag:s29] =	ssyncadd.s32 $0xFFFFFFFF  }
0xc4: {  	_ =	strace $0x9000004B  }
0xc5: {  	_ =	sfence  }
0xc6: {  	s30 =	sld [smem:$0x0];
	_ =	sdelay $0x2  }
0xc7: {  	s31 =	sshll.u32 s1, $0xD;
	s1 =	sshrl.u32 s1, $0x2  }
0xc8: {  	s4 =	sand.u32 $0x4000, s31;
	s1 =	sadd.s32 s1, s30  }
0xc9: {  	s0 =	sor.u32 s4, s0;
	s1 =	sshll.u32 s1, $0x11  }
0xca: {  	s0 =	sor.u32 s1, s0  }
0xcb: {  	s0 =	sadd.s32 $0x8F2B, s0  }
0xcc: {  	[sflag:s0] =	ssyncadd.remote.s32 $0x1  }
0xcd: {  	_ =	sfence.sel $0xFFFF  }
0xce: {  	[dreg:$0x0] =	wrdreg $0xFFFFFFFF;
	(pc) =	sbr.abs _section_cstart, $3  }
0xcf: {  	[dreg:$0x1] =	wrdreg $0xFFFFFFFF  }
0xd0: {  	_ =	task.clear_ibuf [dreg:s22], $0x2FFFF;
	_ =	strace $0x9FFFFFFF  }
0xd1: {  	(tm) =	ssettm $0x7FFFFFFF  }
tec
execute0_lowered:
.L_overlay_start_1:
0x0: {  	(tag) =	ssettag $0x1  }
0x1: {  	s0 =	rddreg [dreg:$0x0]  }
0x2: {  	s2 =	rddreg [dreg:$0x1]  }
0x3: {  	s1 =	srdreg.scid;
	s11 =	stileid.u32  }
0x4: {  	s3 =	simm.s32 $0x0;
	s19 =	simm.s32 $0x17800;
	s20 =	simm.s32 $0x3  }
0x5: {  	s21 =	simm.s32 $0x14000;
	s22 =	simm.s32 $0x15C00;
	s28 =	simm.s32 $0x15880  }
0x6: {  	s29 =	simm.s32 $0x17400;
	s30 =	simm.s32 $0x17480;
	s7 =	smul.u32 $0x2800, s11  }
0x7: {  	s31 =	simm.s32 $0x0;
	s1 =	sand.u32 $0x1, s1;
	s9 =	smul.u32 $0x50000, s11  }
0x8: {  	[smem:$0x7FF] =	sst s3;
	s4 =	sadd.s32 $0x81800, s0;
	s11 =	smul.u32 $0x8C00, s11  }
0x9: {  	s5 =	sadd.s32 $0xCFA00, s0;
	s6 =	sadd.s32 $0x70000, s0;
	s8 =	smul.u32 $0x28000, s1  }
0xa: {  	_ =	strace $0x8000004A;
	s23 =	ssub.s32 $0x2, s1;
	s1 =	smul.u32 $0x8C000, s1  }
0xb: {  	s9 =	sshrl.u32 s9, $0x2;
	s10 =	sshrl.u32 s23, $0x1;
	s7 =	sadd.s32 s7, s8  }
0xc: {  	s8 =	ssub.s32 s23, s10;
	s0 =	sadd.s32 s7, s0;
	s7 =	sadd.s32 s9, s2  }
0xd: {  	s16 =	sadd.s32 s1, s11;
	s23 =	simm.s32 $0x50;
	s9 =	sadd.s32 $0x2800, s7  }
0xe: {  	s18 =	smax.u32 s8, $0x1;
	s24 =	sadd.s32 $0x5000, s7;
	[dreg:$0x3] =	wrdreg s9  }
0xf: {  	s25 =	sadd.s32 $0x7800, s7;
	s26 =	sadd.s32 $0xA000, s7;
	[dreg:$0x4] =	wrdreg s24  }
0x10: {  	s13 =	sadd.s32 $0xC800, s7;
	s14 =	sadd.s32 $0xF000, s7;
	[dreg:$0x5] =	wrdreg s25  }
0x11: {  	s15 =	sadd.s32 $0x11800, s7;
	s17 =	sadd.s32 $0xF2A00, s0;
	[dreg:$0x6] =	wrdreg s26  }
0x12: {  	v0 =	vimm.f32 $0.0e+00;
	s24 =	simm.s32 $0x1A000;
	s25 =	simm.s32 $0x1;
	s26 =	simm.s32 $0x2  }
.LBB2_1:
0x13: {  	s0 =	simm.s32 $0x0;
	s1 =	simm.s32 $0x200  }
.LBB2_2:
0x14: {  	p0 =	sne.s32 s1, $0x9E00;
	[tilespmem:s0+$0x17870] =	vst v0  }
0x15: {  	[tilespmem:s0+$0x17800] =	vst v0  }
0x16: {  	[tilespmem:s0+$0x17810] =	vst v0  }
.Ltmp0:
0x17: {  	[tilespmem:s0+$0x17820] =	vst v0;
	(pc) =	sbr.rel @p0 .LBB2_2-.Ltmp0, $4  }
0x18: {  	[tilespmem:s0+$0x17830] =	vst v0  }
0x19: {  	[tilespmem:s0+$0x17840] =	vst v0  }
0x1a: {  	[tilespmem:s0+$0x17850] =	vst v0  }
0x1b: {  	[tilespmem:s0+$0x17860] =	vst v0;
	s0 =	sshra.s32 s1, $0x2;
	s1 =	sadd.s32 $0x200, s1  }
0x1c: {  	[tilespmem:s0+$0x17870] =	vst v0  }
0x1d: {  	[tilespmem:s0+$0x17800] =	vst v0  }
0x1e: {  	[tilespmem:s0+$0x17810] =	vst v0  }
0x1f: {  	[tilespmem:s0+$0x17820] =	vst v0  }
0x20: {  	[tilespmem:s0+$0x17830] =	vst v0  }
0x21: {  	[tilespmem:s0+$0x17840] =	vst v0  }
0x22: {  	[tilespmem:s0+$0x17850] =	vst v0  }
0x23: {  	[tilespmem:s0+$0x17860] =	vst v0  }
0x24: {  	[spmem:s7] =	stream.linear.scatter [tilespmem:s19], [sflag:$0x3], $0x2800, $0x38;
	[tilespmem:$0x1C800] =	vst v63  }
0x25: {  	_ =	swait.ge [sflag:s20], $0x2800  }
0x26: {  	[sflag:s20] =	ssyncset.done $0x0  }
0x27: {  	s8 =	rddreg [dreg:$0x3];
	[sflag:s20] =	ssyncadd.s32 $0xFFFFD800  }
0x28: {  	[spmem:s8] =	stream.linear.scatter [tilespmem:s19], [sflag:$0x3], $0x2800, $0x38;
	[tilespmem:$0x1C800] =	vst v63  }
0x29: {  	_ =	swait.ge [sflag:s20], $0x2800  }
0x2a: {  	[sflag:s20] =	ssyncset.done $0x0  }
0x2b: {  	s9 =	rddreg [dreg:$0x4];
	[sflag:s20] =	ssyncadd.s32 $0xFFFFD800  }
0x2c: {  	[spmem:s9] =	stream.linear.scatter [tilespmem:s19], [sflag:$0x3], $0x2800, $0x38;
	[tilespmem:$0x1C800] =	vst v63  }
0x2d: {  	_ =	swait.ge [sflag:s20], $0x2800  }
0x2e: {  	[sflag:s20] =	ssyncset.done $0x0  }
0x2f: {  	s10 =	rddreg [dreg:$0x5];
	[sflag:s20] =	ssyncadd.s32 $0xFFFFD800  }
0x30: {  	[spmem:s10] =	stream.linear.scatter [tilespmem:s19], [sflag:$0x3], $0x2800, $0x38;
	[tilespmem:$0x1C800] =	vst v63  }
0x31: {  	_ =	swait.ge [sflag:s20], $0x2800  }
0x32: {  	[sflag:s20] =	ssyncset.done $0x0  }
0x33: {  	s12 =	rddreg [dreg:$0x6];
	[sflag:s20] =	ssyncadd.s32 $0xFFFFD800  }
0x34: {  	[spmem:s12] =	stream.linear.scatter [tilespmem:s19], [sflag:$0x3], $0x2800, $0x38;
	[tilespmem:$0x1C800] =	vst v63  }
0x35: {  	_ =	swait.ge [sflag:s20], $0x2800  }
0x36: {  	[sflag:s20] =	ssyncset.done $0x0  }
0x37: {  	[sflag:s20] =	ssyncadd.s32 $0xFFFFD800  }
0x38: {  	[spmem:s13] =	stream.linear.scatter [tilespmem:s19], [sflag:$0x3], $0x2800, $0x38;
	[tilespmem:$0x1C800] =	vst v63  }
0x39: {  	_ =	swait.ge [sflag:s20], $0x2800  }
0x3a: {  	[sflag:s20] =	ssyncset.done $0x0  }
0x3b: {  	[sflag:s20] =	ssyncadd.s32 $0xFFFFD800  }
0x3c: {  	[spmem:s14] =	stream.linear.scatter [tilespmem:s19], [sflag:$0x3], $0x2800, $0x38;
	[tilespmem:$0x1C800] =	vst v63  }
0x3d: {  	_ =	swait.ge [sflag:s20], $0x2800  }
0x3e: {  	[sflag:s20] =	ssyncset.done $0x0  }
0x3f: {  	[sflag:s20] =	ssyncadd.s32 $0xFFFFD800  }
0x40: {  	[spmem:s15] =	stream.linear.scatter [tilespmem:s19], [sflag:$0x3], $0x2800, $0x38;
	[tilespmem:$0x1C800] =	vst v63  }
0x41: {  	_ =	swait.ge [sflag:s20], $0x2800  }
0x42: {  	[sflag:s20] =	ssyncset.done $0x0  }
0x43: {  	[sflag:s20] =	ssyncadd.s32 $0xFFFFD800  }
0x44: {  	s0 =	simm.s32 $0x0;
	[bflag:$0x0] =	sbarrier.arrive $0xFFFF  }
.LBB2_4:
0x45: {  	s1 =	smul.u32 $0x1C00, s0;
	_ =	sdelay $0x1  }
0x46: {  	s8 =	sadd.s32 s16, s1  }
0x47: {  	s8 =	sshrl.u32 s8, $0x3  }
0x48: {  	s8 =	sadd.s32 s5, s8  }
0x49: {  	[tilespmem:s21], [sflag:$0x3] =	stream.linear.gather [hbm4b:s8+s31], $0x1900, $0x38;
	[tilespmem:$0x1C800] =	vst v63  }
0x4a: {  	s1 =	sadd.s32 s11, s1;
	_ =	swait.ge [sflag:s20], $0x1900  }
0x4b: {  	s1 =	sshrl.u32 s1, $0x3;
	[sflag:s20] =	ssyncset.done $0x0  }
0x4c: {  	s1 =	sadd.s32 s6, s1;
	[sflag:s20] =	ssyncadd.s32 $0xFFFFE700  }
0x4d: {  	[tilespmem:s22], [sflag:$0x3] =	stream.linear.gather [hbm4b:s1+s31], $0x1900, $0x38;
	[tilespmem:$0x1C800] =	vst v63  }
0x4e: {  	_ =	swait.ge [sflag:s20], $0x1900  }
0x4f: {  	[sflag:s20] =	ssyncset.done $0x0  }
0x50: {  	[sflag:s20] =	ssyncadd.s32 $0xFFFFE700  }
0x51: {  	[tilespmem:s19], [sflag:$0x1] =	stream.indirect.gather [hbm4b:s4+s23], $0x80, s21, s23, $0xb8;
	[tilespmem:$0x1C800] =	vst v63  }
0x52: {  	s8 =	simm.s32 $0x14080  }
0x53: {  	[tilespmem:s24], [sflag:$0x2] =	stream.indirect.gather [hbm4b:s4+s23], $0x80, s8, s23, $0xb8;
	[tilespmem:$0x1C800] =	vst v63  }
0x54: {  	_ =	swait.ge [sflag:s25], $0x2800  }
0x55: {  	[sflag:s25] =	ssyncset.done $0x0  }
0x56: {  	s9 =	simm.s32 $0x15C00;
	[sflag:s25] =	ssyncadd.s32 $0xFFFFD800  }
0x57: {  	[spmem:s2] =	stream.indirect.scatter.add.f32 [tilespmem:s19], [sflag:$0x3], $0x80, s9, s23, $0xb8;
	[tilespmem:$0x1C800] =	vst v63  }
0x58: {  	_ =	swait.ge [sflag:s20], $0x2800  }
0x59: {  	[sflag:s20] =	ssyncset.done $0x0  }
0x5a: {  	s10 =	simm.s32 $0x14100;
	[sflag:s20] =	ssyncadd.s32 $0xFFFFD800  }
0x5b: {  	[tilespmem:s19], [sflag:$0x1] =	stream.indirect.gather [hbm4b:s4+s23], $0x80, s10, s23, $0xb8;
	[tilespmem:$0x1C800] =	vst v63  }
0x5c: {  	_ =	swait.ge [sflag:s26], $0x2800  }
0x5d: {  	[sflag:s26] =	ssyncset.done $0x0  }
0x5e: {  	s12 =	simm.s32 $0x15C80;
	[sflag:s26] =	ssyncadd.s32 $0xFFFFD800  }
0x5f: {  	[spmem:s2] =	stream.indirect.scatter.add.f32 [tilespmem:s24], [sflag:$0x3], $0x80, s12, s23, $0xb8;
	[tilespmem:$0x1C800] =	vst v63  }
0x60: {  	_ =	swait.ge [sflag:s20], $0x2800  }
0x61: {  	s1 =	simm.s32 $0x100;
	s8 =	simm.s32 $0x800;
	[sflag:s20] =	ssyncset.done $0x0  }
.LBB2_5:
0x62: {  	s9 =	sadd.s32 $0x14080, s1  }
0x63: {  	[sflag:s20] =	ssyncadd.s32 $0xFFFFD800;
	s10 =	smov.u32 s8;
	s12 =	sadd.s32 $0x400, s8  }
0x64: {  	[tilespmem:s24], [sflag:$0x2] =	stream.indirect.gather [hbm4b:s4+s23], $0x80, s9, s23, $0xb8;
	[tilespmem:$0x1C800] =	vst v63  }
0x65: {  	p0 =	sne.s32 s8, $0x5C00;
	_ =	swait.ge [sflag:s25], $0x2800  }
0x66: {  	[sflag:s25] =	ssyncset.done $0x0  }
0x67: {  	s8 =	sadd.s32 $0x15C00, s1;
	[sflag:s25] =	ssyncadd.s32 $0xFFFFD800  }
0x68: {  	[spmem:s2] =	stream.indirect.scatter.add.f32 [tilespmem:s19], [sflag:$0x3], $0x80, s8, s23, $0xb8;
	[tilespmem:$0x1C800] =	vst v63  }
0x69: {  	_ =	swait.ge [sflag:s20], $0x2800  }
0x6a: {  	[sflag:s20] =	ssyncset.done $0x0  }
0x6b: {  	s8 =	sadd.s32 $0x14100, s1;
	[sflag:s20] =	ssyncadd.s32 $0xFFFFD800  }
0x6c: {  	[tilespmem:s19], [sflag:$0x1] =	stream.indirect.gather [hbm4b:s4+s23], $0x80, s8, s23, $0xb8;
	[tilespmem:$0x1C800] =	vst v63  }
0x6d: {  	_ =	swait.ge [sflag:s26], $0x2800  }
.Ltmp1:
0x6e: {  	[sflag:s26] =	ssyncset.done $0x0;
	(pc) =	sbr.rel @p0 .LBB2_5-.Ltmp1, $4  }
0x6f: {  	s1 =	sadd.s32 $0x15C80, s1;
	[sflag:s26] =	ssyncadd.s32 $0xFFFFD800  }
0x70: {  	[spmem:s2] =	stream.indirect.scatter.add.f32 [tilespmem:s24], [sflag:$0x3], $0x80, s1, s23, $0xb8;
	[tilespmem:$0x1C800] =	vst v63  }
0x71: {  	_ =	swait.ge [sflag:s20], $0x2800  }
0x72: {  	s8 =	smov.u32 s12;
	s1 =	sshra.s32 s10, $0x2;
	[sflag:s20] =	ssyncset.done $0x0  }
0x73: {  	s8 =	sadd.s32 $0x14080, s1;
	[sflag:s20] =	ssyncadd.s32 $0xFFFFD800  }
0x74: {  	[tilespmem:s24], [sflag:$0x2] =	stream.indirect.gather [hbm4b:s4+s23], $0x80, s8, s23, $0xb8;
	[tilespmem:$0x1C800] =	vst v63  }
0x75: {  	_ =	swait.ge [sflag:s25], $0x2800  }
0x76: {  	[sflag:s25] =	ssyncset.done $0x0  }
0x77: {  	s9 =	sadd.s32 $0x15C00, s1;
	[sflag:s25] =	ssyncadd.s32 $0xFFFFD800  }
0x78: {  	[spmem:s2] =	stream.indirect.scatter.add.f32 [tilespmem:s19], [sflag:$0x3], $0x80, s9, s23, $0xb8;
	[tilespmem:$0x1C800] =	vst v63  }
0x79: {  	_ =	swait.ge [sflag:s20], $0x2800  }
0x7a: {  	[sflag:s20] =	ssyncset.done $0x0  }
0x7b: {  	s10 =	sadd.s32 $0x14100, s1;
	[sflag:s20] =	ssyncadd.s32 $0xFFFFD800  }
0x7c: {  	[tilespmem:s19], [sflag:$0x1] =	stream.indirect.gather [hbm4b:s4+s23], $0x80, s10, s23, $0xb8;
	[tilespmem:$0x1C800] =	vst v63  }
0x7d: {  	_ =	swait.ge [sflag:s26], $0x2800  }
0x7e: {  	[sflag:s26] =	ssyncset.done $0x0  }
0x7f: {  	s12 =	sadd.s32 $0x15C80, s1;
	[sflag:s26] =	ssyncadd.s32 $0xFFFFD800  }
0x80: {  	[spmem:s2] =	stream.indirect.scatter.add.f32 [tilespmem:s24], [sflag:$0x3], $0x80, s12, s23, $0xb8;
	[tilespmem:$0x1C800] =	vst v63  }
0x81: {  	_ =	swait.ge [sflag:s20], $0x2800  }
0x82: {  	[sflag:s20] =	ssyncset.done $0x0  }
0x83: {  	[sflag:s20] =	ssyncadd.s32 $0xFFFFD800  }
0x84: {  	[tilespmem:s24], [sflag:$0x2] =	stream.indirect.gather [hbm4b:s4+s23], $0x80, s28, s23, $0xb8;
	[tilespmem:$0x1C800] =	vst v63  }
0x85: {  	_ =	swait.ge [sflag:s25], $0x2800  }
0x86: {  	[sflag:s25] =	ssyncset.done $0x0  }
0x87: {  	[sflag:s25] =	ssyncadd.s32 $0xFFFFD800  }
0x88: {  	[spmem:s2] =	stream.indirect.scatter.add.f32 [tilespmem:s19], [sflag:$0x3], $0x80, s29, s23, $0xb8;
	[tilespmem:$0x1C800] =	vst v63  }
0x89: {  	_ =	swait.ge [sflag:s20], $0x2800  }
0x8a: {  	[sflag:s20] =	ssyncset.done $0x0  }
0x8b: {  	[sflag:s20] =	ssyncadd.s32 $0xFFFFD800  }
0x8c: {  	s0 =	sadd.s32 $0x1, s0;
	_ =	swait.ge [sflag:s26], $0x2800  }
0x8d: {  	p0 =	sne.s32 s0, $0x5;
	[sflag:s26] =	ssyncset.done $0x0  }
.Ltmp2:
0x8e: {  	[sflag:s26] =	ssyncadd.s32 $0xFFFFD800;
	(pc) =	sbr.rel @p0 .LBB2_4-.Ltmp2, $4  }
0x8f: {  	[spmem:s2] =	stream.indirect.scatter.add.f32 [tilespmem:s24], [sflag:$0x3], $0x80, s30, s23, $0xb8;
	[tilespmem:$0x1C800] =	vst v63  }
0x90: {  	_ =	swait.ge [sflag:s20], $0x2800  }
0x91: {  	[sflag:s20] =	ssyncset.done $0x0  }
0x92: {  	[sflag:s20] =	ssyncadd.s32 $0xFFFFD800  }
0x93: {  	s0 =	stileid.u32;
	s3 =	sadd.s32 $0x1, s3  }
0x94: {  	[bflag:$0x0] =	sbarrier.arrive $0xFFFF;
	s0 =	sshll.u32 s0, $0x6;
	p0 =	sne.s32 s3, s18  }
.Ltmp3:
0x95: {  	s1 =	sshrl.u32 s7, $0x3;
	s0 =	sor.u32 $0x1C03, s0;
	(pc) =	sbr.rel @p0 .LBB2_1-.Ltmp3, $4  }
0x96: {  	[hbm:s17], [sflag:s0] =	dma.local [spmem:s1], $0x2800  }
0x97: {  	_ =	swait.ge [sflag:s20], $0x2800  }
0x98: {  	[sflag:s20] =	ssyncset.done $0x0  }
0x99: {  	[sflag:s20] =	ssyncadd.s32 $0xFFFFD800  }
0x9a: {  	_ =	sfence.sel $0x180000  }
0x9b: {  	[bflag:$0x0] =	sbarrier.arrive $0xFFFF  }
0x9c: {  	_ =	strace $0x9000004A  }
0x9d: {  	s0 =	stileid.u32;
	[bflag:$0x2] =	sbarrier.arrive $0xFFFF  }
0x9e: {  	p0 =	sne.s32 s0, $0x0;
	s0 =	rddreg [dreg:$0x2]  }
0x9f: {  	s0 =	sadd.s32 @!p0 $0x100000, s0  }
0xa0: {  	[sflag:s0] =	ssyncadd.tile.s32 @!p0 $0x1;
	_ =	shalt  }
.Lfunc_end2:
_tile_overlayer_lowered:
.L_overlay_start_2:
0xa1: {  	(tag) =	ssettag $0x2  }
0xa2: {  	s0 =	rddreg [dreg:$0x0];
	s2 =	stileid.u32  }
0xa3: {  	s1 =	rddreg [dreg:$0x1];
	p0 =	sne.s32 s2, $0x0  }
0xa4: {  	s3 =	rddreg [dreg:$0x2];
	[bflag:$0x3] =	sbarrier.arrive $0xFFFF;
	s2 =	simm.s32 @!p0 $0x1C03  }
0xa5: {  	[timem:s3], [sflag:s2] =	dma.local @!p0 [hbm:s0], s1  }
0xa6: {  	s0 =	simm.s32 @!p0 $0x3  }
0xa7: {  	_ =	swait.ge @!p0 [sflag:s0], s1  }
0xa8: {  	s1 =	ssub.s32 @!p0 $0x0, s1;
	[sflag:s0] =	ssyncset.done @!p0 $0x0  }
0xa9: {  	[sflag:s0] =	ssyncadd.s32 @!p0 s1  }
0xaa: {  	[bflag:$0x3] =	sbarrier.arrive $0xFFFF  }
0xab: {  	_ =	shalt  }

// kernel: kernel.17.cloned.1.call-start
scs
__scs_entry_jumppad:
0x0: {  	(pc) =	sbr.rel $0x88, $3  }
0x1: {  	(tag) =	ssettag $0x0;
	lr =	simm.s32 $0x1  }
0x2: {  	[smem:$0x3F96] =	sst lr;
	_ =	strace $0xD0000000  }
0x3: {  	_ = 	snop  }
0x4: {  	_ = 	snop  }
0x5: {  	_ = 	snop  }
0x6: {  	_ = 	snop  }
0x7: {  	_ = 	snop  }
__scs_overlays_trampoline_lowered:
0x8: {  	[smem:$0x3FA5] =	sst s0  }
0x9: {  	[smem:$0x3FA6] =	sst s1  }
0xa: {  	[smem:$0x3FA7] =	sst s2  }
0xb: {  	[smem:$0x3FA8] =	sst s3  }
0xc: {  	[smem:$0x3FA9] =	sst s4  }
0xd: {  	[smem:$0x3FAA] =	sst s5  }
0xe: {  	[smem:$0x3FAB] =	sst s6  }
0xf: {  	[smem:$0x3FAC] =	sst s7  }
0x10: {  	[smem:$0x3FAD] =	sst s8  }
0x11: {  	[smem:$0x3FAE] =	sst s9;
	s0 =	simm.s32 @!p0 $0x0  }
0x12: {  	s1 =	sld [smem:$0x3F94];
	s0 =	simm.s32 @p0 $0x1  }
0x13: {  	[smem:$0x3FAF] =	sst s0;
	s0 =	simm.s32 @!p1 $0x0  }
0x14: {  	s2 =	sld [smem:$0x3F93];
	s0 =	simm.s32 @p1 $0x1  }
0x15: {  	[smem:$0x3FB0] =	sst s0;
	s0 =	simm.s32 @!p2 $0x0  }
0x16: {  	s3 =	sld [smem:$0x3FDB];
	s0 =	simm.s32 @p2 $0x1  }
0x17: {  	s4 =	simm.s32 $0x1BF5;
	[smem:$0x3FB2] =	sst s0  }
0x18: {  	s0 =	sld [smem:$0x3F95];
	_ =	swait.ge [sflag:s4], $0x0  }
0x19: {  	s7 =	sld [smem:$0x3F96]  }
0x1a: {  	s8 =	sadd.s32 $0xFFFFE003, lr  }
0x1b: {  	s9 =	sadd.s32 $0xFFFFFEF7, lr;
	s5 =	simm.s32 $0xFFFFFFFF;
	p2 =	slt.u32 s8, $0xFFFFF086  }
0x1c: {  	p1 =	slt.u32 s9, $0xF7A;
	s5 =	simm.s32 @!p2 $0x0  }
0x1d: {  	s5 =	simm.s32 @p1 $0x1;
	p0 =	seq.s32 s7, s2  }
0x1e: {  	s7 =	smul.u32 @!p0 $0xF7A, s2;
	p2 =	seq.s32 @!p0 s5, $0x0  }
0x1f: {  	s9 =	smul.u32 $0xF7A, s1;
	s8 =	simm.s32 @!p0 $0x1BF5;
	p2 =	por !p2, p0  }
0x20: {  	[sflag:s8] =	ssyncset.s32 @!p0 $0xFFFFF086;
	s6 =	sadd.s32 @!p0 s3, s7;
	s7 =	simm.s32 @!p0 $0x108  }
0x21: {  	s3 =	sadd.s32 s3, s9;
	s6 =	sadd.s32 @!p0 $0x88, s6;
	s7 =	simm.s32 @p2 $0x1082  }
0x22: {  	[simem:s7], [sflag:s8] =	dma.local @!p0 [hbm:s6], $0xF7A  }
0x23: {  	s9 =	sor.u32 $0xD0000000, s2;
	s6 =	simm.s32 $0x108;
	_ =	swait.ge @!p0 [sflag:s8], $0x0  }
0x24: {  	s3 =	sadd.s32 $0x88, s3;
	s6 =	simm.s32 @!p1 $0x1082;
	[sflag:s4] =	ssyncset.s32 $0xFFFFF086  }
0x25: {  	[simem:s6], [sflag:s4] =	dma.local [hbm:s3], $0xF7A  }
0x26: {  	[smem:$0x3F96] =	sst s1;
	(tag) =	ssettag s2;
	_ =	strace s9  }
0x27: {  	s1 =	sld [smem:$0x3FA6]  }
0x28: {  	s2 =	sld [smem:$0x3FA7]  }
0x29: {  	s4 =	sld [smem:$0x3FA9]  }
0x2a: {  	p0 =	seq.s32 s5, $0x0;
	s5 =	sld [smem:$0x3FAA]  }
0x2b: {  	s6 =	sld [smem:$0x3FAB]  }
0x2c: {  	s7 =	sld [smem:$0x3FAC]  }
0x2d: {  	s3 =	simm.s32 $0x108;
	s8 =	sld [smem:$0x3FAD]  }
0x2e: {  	s3 =	simm.s32 @!p0 $0x1082;
	s9 =	sld [smem:$0x3FAE]  }
0x2f: {  	lr =	sadd.s32 s0, s3;
	s0 =	sld [smem:$0x3FA5]  }
0x30: {  	s3 =	sld [smem:$0x3FA8]  }
0x31: {  	[smem:$0x3FB1] =	sst s10  }
0x32: {  	s10 =	sld [smem:$0x3FAF];
	_ =	sdelay $0x3  }
0x33: {  	p0 =	seq.s32 s10, $0x1;
	s10 =	sld [smem:$0x3FB1];
	_ =	sdelay $0x3  }
0x34: {  	[smem:$0x3FB1] =	sst s10  }
0x35: {  	s10 =	sld [smem:$0x3FB0];
	_ =	sdelay $0x3  }
0x36: {  	p1 =	seq.s32 s10, $0x1;
	s10 =	sld [smem:$0x3FB1];
	_ =	sdelay $0x3  }
0x37: {  	[smem:$0x3FB1] =	sst s10  }
0x38: {  	s10 =	sld [smem:$0x3FB2]  }
0x39: {  	_ = 	snop;
	(pc) =	sbr.ind lr, $3  }
0x3a: {  	_ = 	snop  }
0x3b: {  	_ = 	snop  }
0x3c: {  	p2 =	seq.s32 s10, $0x1;
	s10 =	sld [smem:$0x3FB1]  }
0x3d: {  	_ =	shalt  }
0x3e: {  	_ =	shalt  }
0x3f: {  	_ =	shalt  }
0x40: {  	_ =	shalt  }
0x41: {  	_ =	shalt  }
0x42: {  	_ =	shalt  }
0x43: {  	_ =	shalt  }
0x44: {  	_ =	shalt  }
0x45: {  	_ =	shalt  }
0x46: {  	_ =	shalt  }
0x47: {  	_ =	shalt  }
0x48: {  	_ =	shalt  }
0x49: {  	_ =	shalt  }
0x4a: {  	_ =	shalt  }
0x4b: {  	_ =	shalt  }
0x4c: {  	_ =	shalt  }
0x4d: {  	_ =	shalt  }
0x4e: {  	_ =	shalt  }
0x4f: {  	_ =	shalt  }
0x50: {  	_ =	shalt  }
0x51: {  	_ =	shalt  }
0x52: {  	_ =	shalt  }
0x53: {  	_ =	shalt  }
0x54: {  	_ =	shalt  }
0x55: {  	_ =	shalt  }
0x56: {  	_ =	shalt  }
0x57: {  	_ =	shalt  }
0x58: {  	_ =	shalt  }
0x59: {  	_ =	shalt  }
0x5a: {  	_ =	shalt  }
0x5b: {  	_ =	shalt  }
0x5c: {  	_ =	shalt  }
0x5d: {  	_ =	shalt  }
0x5e: {  	_ =	shalt  }
0x5f: {  	_ =	shalt  }
0x60: {  	_ =	shalt  }
0x61: {  	_ =	shalt  }
0x62: {  	_ =	shalt  }
0x63: {  	_ =	shalt  }
0x64: {  	_ =	shalt  }
0x65: {  	_ =	shalt  }
0x66: {  	_ =	shalt  }
0x67: {  	_ =	shalt  }
0x68: {  	_ =	shalt  }
0x69: {  	_ =	shalt  }
0x6a: {  	_ =	shalt  }
0x6b: {  	_ =	shalt  }
0x6c: {  	_ =	shalt  }
0x6d: {  	_ =	shalt  }
0x6e: {  	_ =	shalt  }
0x6f: {  	_ =	shalt  }
0x70: {  	_ =	shalt  }
0x71: {  	_ =	shalt  }
0x72: {  	_ =	shalt  }
0x73: {  	_ =	shalt  }
0x74: {  	_ =	shalt  }
0x75: {  	_ =	shalt  }
0x76: {  	_ =	shalt  }
0x77: {  	_ =	shalt  }
0x78: {  	_ =	shalt  }
0x79: {  	_ =	shalt  }
0x7a: {  	_ =	shalt  }
0x7b: {  	_ =	shalt  }
0x7c: {  	_ =	shalt  }
0x7d: {  	_ =	shalt  }
0x7e: {  	_ =	shalt  }
0x7f: {  	_ =	shalt  }
0x80: {  	_ =	shalt  }
0x81: {  	_ =	shalt  }
0x82: {  	_ =	shalt  }
0x83: {  	_ =	shalt  }
0x84: {  	_ =	shalt  }
0x85: {  	_ =	shalt  }
0x86: {  	_ =	shalt  }
0x87: {  	_ =	shalt  }
.Lfunc_end0:
.L_simem_size_0:
called_computation.2_lowered:
.L_overlay_start_0:
0x88: {  	s2 =	sld [smem:$0x3FD9]  }
0x89: {  	s3 =	sld [smem:$0x3FFE];
	_ =	sdelay $0x1  }
0x8a: {  	s1 =	srdreg.scid  }
0x8b: {  	s0 =	sand.u32 $0x1, s1  }
0x8c: {  	s16 =	sshll.u32 s0, $0xA;
	s2 =	sadd.s32 s3, s2  }
0x8d: {  	s2 =	sadd.s32 s2, s16  }
0x8e: {  	[smem:$0x3FBD] =	sst s2  }
0x8f: {  	_ = 	snop  }
0x90: {  	(tm) =	ssettm $0x1  }
0x91: {  	s17 =	sld [smem:$0x3FFB];
	_ =	sdelay $0x3  }
0x92: {  	_ =	strace s17  }
0x93: {  	s2 =	sld [smem:$0x3FFC];
	_ =	sdelay $0x3  }
0x94: {  	_ =	strace s2  }
0x95: {  	s2 =	sld [smem:$0x3FFD];
	_ =	sdelay $0x3  }
0x96: {  	_ =	strace s2  }
0x97: {  	_ =	strace $0x8FFFFFFF  }
0x98: {  	s18 =	sld [smem:$0x3FDB];
	_ =	sdelay $0x1  }
0x99: {  	s19 =	simm.s32 $_scs_section_size  }
0x9a: {  	s4 =	simm.s32 $_size__tile_overlayer_lowered;
	s5 =	simm.s32 $_tile_overlayer_lowered  }
0x9b: {  	s22 =	simm.s32 $0x1BFF;
	s21 =	sshll.u32 s5, $0x1;
	s2 =	sadd.s32 s19, s18  }
0x9c: {  	s6 =	simm.s32 $0x0;
	s20 =	sshll.u32 s4, $0x1;
	s4 =	sadd.s32 s21, s2  }
0x9d: {  	[timem:s6], [sflag:s22] =	dma.local [hbm:s4], s20  }
0x9e: {  	_ =	swait.ge [sflag:s22], s20  }
0x9f: {  	s3 =	ssub.s32 $0x0, s20;
	[sflag:s22] =	ssyncset.done $0x0  }
0xa0: {  	[sflag:s22] =	ssyncadd.s32 s3;
	_ =	sdelay $0x1  }
0xa1: {  	s23 =	simm.s32 $0x1B8B  }
0xa2: {  	_ =	swait.ge [sflag:s23], $0x1  }
0xa3: {  	[sflag:s23] =	ssyncset.done $0x0  }
0xa4: {  	s25 =	simm.s32 $0x1B8E;
	s24 =	sld [smem:$0x3FFE];
	[sflag:s23] =	ssyncadd.s32 $0xFFFFFFFF  }
0xa5: {  	s26 =	simm.s32 $execute0_lowered;
	[smem:$0x3FD2] =	sst s25  }
0xa6: {  	s4 =	sshll.u32 s26, $0x1;
	_ =	strace $0x8000004C;
	[dreg:$0x1] =	wrdreg $0xFFFFFFFF  }
0xa7: {  	s28 =	simm.s32 $_size_execute0_lowered;
	s2 =	sadd.s32 s2, s4;
	[dreg:$0x0] =	wrdreg $0x0  }
0xa8: {  	s4 =	sshll.u32 s28, $0x1;
	[dreg:$0x2] =	wrdreg s2  }
0xa9: {  	[dreg:$0x3] =	wrdreg s4  }
0xaa: {  	[dreg:$0x4] =	wrdreg $0xC0  }
0xab: {  	_ =	task [dreg:s6], $0x5FFFF  }
0xac: {  	[dreg:$0x1] =	wrdreg $0xFFFFFFFF  }
0xad: {  	[dreg:$0x0] =	wrdreg $0x60  }
0xae: {  	[dreg:$0x2] =	wrdreg s24  }
0xaf: {  	[dreg:$0x3] =	wrdreg $0x0  }
0xb0: {  	[dreg:$0x4] =	wrdreg $0x9  }
0xb1: {  	_ =	task.clear_ibuf [dreg:s6], $0x5FFFF;
	_ =	strace $0x9000004C  }
0xb2: {  	s29 =	simm.s32 $0x9;
	_ =	strace $0x8000004E  }
0xb3: {  	_ =	swait.ge [sflag:s29], $0x1  }
0xb4: {  	[sflag:s29] =	ssyncadd.s32 $0xFFFFFFFF  }
0xb5: {  	_ =	strace $0x9000004E  }
0xb6: {  	_ =	sfence  }
0xb7: {  	s30 =	sld [smem:$0x0];
	_ =	sdelay $0x2  }
0xb8: {  	s31 =	sshll.u32 s1, $0xD;
	s1 =	sshrl.u32 s1, $0x2  }
0xb9: {  	s3 =	sand.u32 $0x4000, s31;
	s1 =	sadd.s32 s1, s30  }
0xba: {  	s0 =	sor.u32 s3, s0;
	s1 =	sshll.u32 s1, $0x11  }
0xbb: {  	s0 =	sor.u32 s1, s0  }
0xbc: {  	s0 =	sadd.s32 $0x8F2B, s0  }
0xbd: {  	[sflag:s0] =	ssyncadd.remote.s32 $0x1  }
0xbe: {  	_ =	sfence.sel $0xFFFF  }
0xbf: {  	[dreg:$0x0] =	wrdreg $0xFFFFFFFF;
	(pc) =	sbr.abs _section_cstart, $3  }
0xc0: {  	[dreg:$0x1] =	wrdreg $0xFFFFFFFF  }
0xc1: {  	_ =	task.clear_ibuf [dreg:s6], $0x2FFFF;
	_ =	strace $0x9FFFFFFF  }
0xc2: {  	(tm) =	ssettm $0x7FFFFFFF  }
0xc3: {  	_ =	shalt  }
tec
execute0_lowered:
.L_overlay_start_1:
0x0: {  	(tag) =	ssettag $0x1  }
0x1: {  	s0 =	rddreg [dreg:$0x0]  }
0x2: {  	s2 =	rddreg [dreg:$0x1]  }
0x3: {  	s1 =	srdreg.scid;
	s11 =	stileid.u32  }
0x4: {  	s3 =	simm.s32 $0x0;
	s19 =	simm.s32 $0x17800;
	s20 =	simm.s32 $0x3  }
0x5: {  	s21 =	simm.s32 $0x14000;
	s22 =	simm.s32 $0x15C00;
	s28 =	simm.s32 $0x15880  }
0x6: {  	s29 =	simm.s32 $0x17400;
	s30 =	simm.s32 $0x17480;
	s7 =	smul.u32 $0x2800, s11  }
0x7: {  	s31 =	simm.s32 $0x0;
	s1 =	sand.u32 $0x1, s1;
	s9 =	smul.u32 $0x50000, s11  }
0x8: {  	[smem:$0x7FF] =	sst s3;
	s4 =	sadd.s32 $0x81800, s0;
	s11 =	smul.u32 $0x8C00, s11  }
0x9: {  	s5 =	sadd.s32 $0xCFA00, s0;
	s6 =	sadd.s32 $0x70000, s0;
	s8 =	smul.u32 $0x28000, s1  }
0xa: {  	_ =	strace $0x8000004D;
	s23 =	ssub.s32 $0x2, s1;
	s1 =	smul.u32 $0x8C000, s1  }
0xb: {  	s9 =	sshrl.u32 s9, $0x2;
	s10 =	sshrl.u32 s23, $0x1;
	s7 =	sadd.s32 s7, s8  }
0xc: {  	s8 =	ssub.s32 s23, s10;
	s0 =	sadd.s32 s7, s0;
	s7 =	sadd.s32 s9, s2  }
0xd: {  	s16 =	sadd.s32 s1, s11;
	s23 =	simm.s32 $0x50;
	s9 =	sadd.s32 $0x2800, s7  }
0xe: {  	s18 =	smax.u32 s8, $0x1;
	s24 =	sadd.s32 $0x5000, s7;
	[dreg:$0x3] =	wrdreg s9  }
0xf: {  	s25 =	sadd.s32 $0x7800, s7;
	s26 =	sadd.s32 $0xA000, s7;
	[dreg:$0x4] =	wrdreg s24  }
0x10: {  	s13 =	sadd.s32 $0xC800, s7;
	s14 =	sadd.s32 $0xF000, s7;
	[dreg:$0x5] =	wrdreg s25  }
0x11: {  	s15 =	sadd.s32 $0x11800, s7;
	s17 =	sadd.s32 $0xF2A00, s0;
	[dreg:$0x6] =	wrdreg s26  }
0x12: {  	v0 =	vimm.f32 $0.0e+00;
	s24 =	simm.s32 $0x1A000;
	s25 =	simm.s32 $0x1;
	s26 =	simm.s32 $0x2  }
.LBB2_1:
0x13: {  	s0 =	simm.s32 $0x0;
	s1 =	simm.s32 $0x200  }
.LBB2_2:
0x14: {  	p0 =	sne.s32 s1, $0x9E00;
	[tilespmem:s0+$0x17870] =	vst v0  }
0x15: {  	[tilespmem:s0+$0x17800] =	vst v0  }
0x16: {  	[tilespmem:s0+$0x17810] =	vst v0  }
.Ltmp0:
0x17: {  	[tilespmem:s0+$0x17820] =	vst v0;
	(pc) =	sbr.rel @p0 .LBB2_2-.Ltmp0, $4  }
0x18: {  	[tilespmem:s0+$0x17830] =	vst v0  }
0x19: {  	[tilespmem:s0+$0x17840] =	vst v0  }
0x1a: {  	[tilespmem:s0+$0x17850] =	vst v0  }
0x1b: {  	[tilespmem:s0+$0x17860] =	vst v0;
	s0 =	sshra.s32 s1, $0x2;
	s1 =	sadd.s32 $0x200, s1  }
0x1c: {  	[tilespmem:s0+$0x17870] =	vst v0  }
0x1d: {  	[tilespmem:s0+$0x17800] =	vst v0  }
0x1e: {  	[tilespmem:s0+$0x17810] =	vst v0  }
0x1f: {  	[tilespmem:s0+$0x17820] =	vst v0  }
0x20: {  	[tilespmem:s0+$0x17830] =	vst v0  }
0x21: {  	[tilespmem:s0+$0x17840] =	vst v0  }
0x22: {  	[tilespmem:s0+$0x17850] =	vst v0  }
0x23: {  	[tilespmem:s0+$0x17860] =	vst v0  }
0x24: {  	[spmem:s7] =	stream.linear.scatter [tilespmem:s19], [sflag:$0x3], $0x2800, $0x38;
	[tilespmem:$0x1C800] =	vst v63  }
0x25: {  	_ =	swait.ge [sflag:s20], $0x2800  }
0x26: {  	[sflag:s20] =	ssyncset.done $0x0  }
0x27: {  	s8 =	rddreg [dreg:$0x3];
	[sflag:s20] =	ssyncadd.s32 $0xFFFFD800  }
0x28: {  	[spmem:s8] =	stream.linear.scatter [tilespmem:s19], [sflag:$0x3], $0x2800, $0x38;
	[tilespmem:$0x1C800] =	vst v63  }
0x29: {  	_ =	swait.ge [sflag:s20], $0x2800  }
0x2a: {  	[sflag:s20] =	ssyncset.done $0x0  }
0x2b: {  	s9 =	rddreg [dreg:$0x4];
	[sflag:s20] =	ssyncadd.s32 $0xFFFFD800  }
0x2c: {  	[spmem:s9] =	stream.linear.scatter [tilespmem:s19], [sflag:$0x3], $0x2800, $0x38;
	[tilespmem:$0x1C800] =	vst v63  }
0x2d: {  	_ =	swait.ge [sflag:s20], $0x2800  }
0x2e: {  	[sflag:s20] =	ssyncset.done $0x0  }
0x2f: {  	s10 =	rddreg [dreg:$0x5];
	[sflag:s20] =	ssyncadd.s32 $0xFFFFD800  }
0x30: {  	[spmem:s10] =	stream.linear.scatter [tilespmem:s19], [sflag:$0x3], $0x2800, $0x38;
	[tilespmem:$0x1C800] =	vst v63  }
0x31: {  	_ =	swait.ge [sflag:s20], $0x2800  }
0x32: {  	[sflag:s20] =	ssyncset.done $0x0  }
0x33: {  	s12 =	rddreg [dreg:$0x6];
	[sflag:s20] =	ssyncadd.s32 $0xFFFFD800  }
0x34: {  	[spmem:s12] =	stream.linear.scatter [tilespmem:s19], [sflag:$0x3], $0x2800, $0x38;
	[tilespmem:$0x1C800] =	vst v63  }
0x35: {  	_ =	swait.ge [sflag:s20], $0x2800  }
0x36: {  	[sflag:s20] =	ssyncset.done $0x0  }
0x37: {  	[sflag:s20] =	ssyncadd.s32 $0xFFFFD800  }
0x38: {  	[spmem:s13] =	stream.linear.scatter [tilespmem:s19], [sflag:$0x3], $0x2800, $0x38;
	[tilespmem:$0x1C800] =	vst v63  }
0x39: {  	_ =	swait.ge [sflag:s20], $0x2800  }
0x3a: {  	[sflag:s20] =	ssyncset.done $0x0  }
0x3b: {  	[sflag:s20] =	ssyncadd.s32 $0xFFFFD800  }
0x3c: {  	[spmem:s14] =	stream.linear.scatter [tilespmem:s19], [sflag:$0x3], $0x2800, $0x38;
	[tilespmem:$0x1C800] =	vst v63  }
0x3d: {  	_ =	swait.ge [sflag:s20], $0x2800  }
0x3e: {  	[sflag:s20] =	ssyncset.done $0x0  }
0x3f: {  	[sflag:s20] =	ssyncadd.s32 $0xFFFFD800  }
0x40: {  	[spmem:s15] =	stream.linear.scatter [tilespmem:s19], [sflag:$0x3], $0x2800, $0x38;
	[tilespmem:$0x1C800] =	vst v63  }
0x41: {  	_ =	swait.ge [sflag:s20], $0x2800  }
0x42: {  	[sflag:s20] =	ssyncset.done $0x0  }
0x43: {  	[sflag:s20] =	ssyncadd.s32 $0xFFFFD800  }
0x44: {  	s0 =	simm.s32 $0x0;
	[bflag:$0x0] =	sbarrier.arrive $0xFFFF  }
.LBB2_4:
0x45: {  	s1 =	smul.u32 $0x1C00, s0;
	_ =	sdelay $0x1  }
0x46: {  	s8 =	sadd.s32 s16, s1  }
0x47: {  	s8 =	sshrl.u32 s8, $0x3  }
0x48: {  	s8 =	sadd.s32 s5, s8  }
0x49: {  	[tilespmem:s21], [sflag:$0x3] =	stream.linear.gather [hbm4b:s8+s31], $0x1900, $0x38;
	[tilespmem:$0x1C800] =	vst v63  }
0x4a: {  	s1 =	sadd.s32 s11, s1;
	_ =	swait.ge [sflag:s20], $0x1900  }
0x4b: {  	s1 =	sshrl.u32 s1, $0x3;
	[sflag:s20] =	ssyncset.done $0x0  }
0x4c: {  	s1 =	sadd.s32 s6, s1;
	[sflag:s20] =	ssyncadd.s32 $0xFFFFE700  }
0x4d: {  	[tilespmem:s22], [sflag:$0x3] =	stream.linear.gather [hbm4b:s1+s31], $0x1900, $0x38;
	[tilespmem:$0x1C800] =	vst v63  }
0x4e: {  	_ =	swait.ge [sflag:s20], $0x1900  }
0x4f: {  	[sflag:s20] =	ssyncset.done $0x0  }
0x50: {  	[sflag:s20] =	ssyncadd.s32 $0xFFFFE700  }
0x51: {  	[tilespmem:s19], [sflag:$0x1] =	stream.indirect.gather [hbm4b:s4+s23], $0x80, s21, s23, $0xb8;
	[tilespmem:$0x1C800] =	vst v63  }
0x52: {  	s8 =	simm.s32 $0x14080  }
0x53: {  	[tilespmem:s24], [sflag:$0x2] =	stream.indirect.gather [hbm4b:s4+s23], $0x80, s8, s23, $0xb8;
	[tilespmem:$0x1C800] =	vst v63  }
0x54: {  	_ =	swait.ge [sflag:s25], $0x2800  }
0x55: {  	[sflag:s25] =	ssyncset.done $0x0  }
0x56: {  	s9 =	simm.s32 $0x15C00;
	[sflag:s25] =	ssyncadd.s32 $0xFFFFD800  }
0x57: {  	[spmem:s2] =	stream.indirect.scatter.add.f32 [tilespmem:s19], [sflag:$0x3], $0x80, s9, s23, $0xb8;
	[tilespmem:$0x1C800] =	vst v63  }
0x58: {  	_ =	swait.ge [sflag:s20], $0x2800  }
0x59: {  	[sflag:s20] =	ssyncset.done $0x0  }
0x5a: {  	s10 =	simm.s32 $0x14100;
	[sflag:s20] =	ssyncadd.s32 $0xFFFFD800  }
0x5b: {  	[tilespmem:s19], [sflag:$0x1] =	stream.indirect.gather [hbm4b:s4+s23], $0x80, s10, s23, $0xb8;
	[tilespmem:$0x1C800] =	vst v63  }
0x5c: {  	_ =	swait.ge [sflag:s26], $0x2800  }
0x5d: {  	[sflag:s26] =	ssyncset.done $0x0  }
0x5e: {  	s12 =	simm.s32 $0x15C80;
	[sflag:s26] =	ssyncadd.s32 $0xFFFFD800  }
0x5f: {  	[spmem:s2] =	stream.indirect.scatter.add.f32 [tilespmem:s24], [sflag:$0x3], $0x80, s12, s23, $0xb8;
	[tilespmem:$0x1C800] =	vst v63  }
0x60: {  	_ =	swait.ge [sflag:s20], $0x2800  }
0x61: {  	s1 =	simm.s32 $0x100;
	s8 =	simm.s32 $0x800;
	[sflag:s20] =	ssyncset.done $0x0  }
.LBB2_5:
0x62: {  	s9 =	sadd.s32 $0x14080, s1  }
0x63: {  	[sflag:s20] =	ssyncadd.s32 $0xFFFFD800;
	s10 =	smov.u32 s8;
	s12 =	sadd.s32 $0x400, s8  }
0x64: {  	[tilespmem:s24], [sflag:$0x2] =	stream.indirect.gather [hbm4b:s4+s23], $0x80, s9, s23, $0xb8;
	[tilespmem:$0x1C800] =	vst v63  }
0x65: {  	p0 =	sne.s32 s8, $0x5C00;
	_ =	swait.ge [sflag:s25], $0x2800  }
0x66: {  	[sflag:s25] =	ssyncset.done $0x0  }
0x67: {  	s8 =	sadd.s32 $0x15C00, s1;
	[sflag:s25] =	ssyncadd.s32 $0xFFFFD800  }
0x68: {  	[spmem:s2] =	stream.indirect.scatter.add.f32 [tilespmem:s19], [sflag:$0x3], $0x80, s8, s23, $0xb8;
	[tilespmem:$0x1C800] =	vst v63  }
0x69: {  	_ =	swait.ge [sflag:s20], $0x2800  }
0x6a: {  	[sflag:s20] =	ssyncset.done $0x0  }
0x6b: {  	s8 =	sadd.s32 $0x14100, s1;
	[sflag:s20] =	ssyncadd.s32 $0xFFFFD800  }
0x6c: {  	[tilespmem:s19], [sflag:$0x1] =	stream.indirect.gather [hbm4b:s4+s23], $0x80, s8, s23, $0xb8;
	[tilespmem:$0x1C800] =	vst v63  }
0x6d: {  	_ =	swait.ge [sflag:s26], $0x2800  }
.Ltmp1:
0x6e: {  	[sflag:s26] =	ssyncset.done $0x0;
	(pc) =	sbr.rel @p0 .LBB2_5-.Ltmp1, $4  }
0x6f: {  	s1 =	sadd.s32 $0x15C80, s1;
	[sflag:s26] =	ssyncadd.s32 $0xFFFFD800  }
0x70: {  	[spmem:s2] =	stream.indirect.scatter.add.f32 [tilespmem:s24], [sflag:$0x3], $0x80, s1, s23, $0xb8;
	[tilespmem:$0x1C800] =	vst v63  }
0x71: {  	_ =	swait.ge [sflag:s20], $0x2800  }
0x72: {  	s8 =	smov.u32 s12;
	s1 =	sshra.s32 s10, $0x2;
	[sflag:s20] =	ssyncset.done $0x0  }
0x73: {  	s8 =	sadd.s32 $0x14080, s1;
	[sflag:s20] =	ssyncadd.s32 $0xFFFFD800  }
0x74: {  	[tilespmem:s24], [sflag:$0x2] =	stream.indirect.gather [hbm4b:s4+s23], $0x80, s8, s23, $0xb8;
	[tilespmem:$0x1C800] =	vst v63  }
0x75: {  	_ =	swait.ge [sflag:s25], $0x2800  }
0x76: {  	[sflag:s25] =	ssyncset.done $0x0  }
0x77: {  	s9 =	sadd.s32 $0x15C00, s1;
	[sflag:s25] =	ssyncadd.s32 $0xFFFFD800  }
0x78: {  	[spmem:s2] =	stream.indirect.scatter.add.f32 [tilespmem:s19], [sflag:$0x3], $0x80, s9, s23, $0xb8;
	[tilespmem:$0x1C800] =	vst v63  }
0x79: {  	_ =	swait.ge [sflag:s20], $0x2800  }
0x7a: {  	[sflag:s20] =	ssyncset.done $0x0  }
0x7b: {  	s10 =	sadd.s32 $0x14100, s1;
	[sflag:s20] =	ssyncadd.s32 $0xFFFFD800  }
0x7c: {  	[tilespmem:s19], [sflag:$0x1] =	stream.indirect.gather [hbm4b:s4+s23], $0x80, s10, s23, $0xb8;
	[tilespmem:$0x1C800] =	vst v63  }
0x7d: {  	_ =	swait.ge [sflag:s26], $0x2800  }
0x7e: {  	[sflag:s26] =	ssyncset.done $0x0  }
0x7f: {  	s12 =	sadd.s32 $0x15C80, s1;
	[sflag:s26] =	ssyncadd.s32 $0xFFFFD800  }
0x80: {  	[spmem:s2] =	stream.indirect.scatter.add.f32 [tilespmem:s24], [sflag:$0x3], $0x80, s12, s23, $0xb8;
	[tilespmem:$0x1C800] =	vst v63  }
0x81: {  	_ =	swait.ge [sflag:s20], $0x2800  }
0x82: {  	[sflag:s20] =	ssyncset.done $0x0  }
0x83: {  	[sflag:s20] =	ssyncadd.s32 $0xFFFFD800  }
0x84: {  	[tilespmem:s24], [sflag:$0x2] =	stream.indirect.gather [hbm4b:s4+s23], $0x80, s28, s23, $0xb8;
	[tilespmem:$0x1C800] =	vst v63  }
0x85: {  	_ =	swait.ge [sflag:s25], $0x2800  }
0x86: {  	[sflag:s25] =	ssyncset.done $0x0  }
0x87: {  	[sflag:s25] =	ssyncadd.s32 $0xFFFFD800  }
0x88: {  	[spmem:s2] =	stream.indirect.scatter.add.f32 [tilespmem:s19], [sflag:$0x3], $0x80, s29, s23, $0xb8;
	[tilespmem:$0x1C800] =	vst v63  }
0x89: {  	_ =	swait.ge [sflag:s20], $0x2800  }
0x8a: {  	[sflag:s20] =	ssyncset.done $0x0  }
0x8b: {  	[sflag:s20] =	ssyncadd.s32 $0xFFFFD800  }
0x8c: {  	s0 =	sadd.s32 $0x1, s0;
	_ =	swait.ge [sflag:s26], $0x2800  }
0x8d: {  	p0 =	sne.s32 s0, $0x5;
	[sflag:s26] =	ssyncset.done $0x0  }
.Ltmp2:
0x8e: {  	[sflag:s26] =	ssyncadd.s32 $0xFFFFD800;
	(pc) =	sbr.rel @p0 .LBB2_4-.Ltmp2, $4  }
0x8f: {  	[spmem:s2] =	stream.indirect.scatter.add.f32 [tilespmem:s24], [sflag:$0x3], $0x80, s30, s23, $0xb8;
	[tilespmem:$0x1C800] =	vst v63  }
0x90: {  	_ =	swait.ge [sflag:s20], $0x2800  }
0x91: {  	[sflag:s20] =	ssyncset.done $0x0  }
0x92: {  	[sflag:s20] =	ssyncadd.s32 $0xFFFFD800  }
0x93: {  	s0 =	stileid.u32;
	s3 =	sadd.s32 $0x1, s3  }
0x94: {  	[bflag:$0x0] =	sbarrier.arrive $0xFFFF;
	s0 =	sshll.u32 s0, $0x6;
	p0 =	sne.s32 s3, s18  }
.Ltmp3:
0x95: {  	s1 =	sshrl.u32 s7, $0x3;
	s0 =	sor.u32 $0x1C03, s0;
	(pc) =	sbr.rel @p0 .LBB2_1-.Ltmp3, $4  }
0x96: {  	[hbm:s17], [sflag:s0] =	dma.local [spmem:s1], $0x2800  }
0x97: {  	_ =	swait.ge [sflag:s20], $0x2800  }
0x98: {  	[sflag:s20] =	ssyncset.done $0x0  }
0x99: {  	[sflag:s20] =	ssyncadd.s32 $0xFFFFD800  }
0x9a: {  	_ =	sfence.sel $0x180000  }
0x9b: {  	[bflag:$0x0] =	sbarrier.arrive $0xFFFF  }
0x9c: {  	_ =	strace $0x9000004D  }
0x9d: {  	s0 =	stileid.u32;
	[bflag:$0x2] =	sbarrier.arrive $0xFFFF  }
0x9e: {  	p0 =	sne.s32 s0, $0x0;
	s0 =	rddreg [dreg:$0x2]  }
0x9f: {  	s0 =	sadd.s32 @!p0 $0x100000, s0  }
0xa0: {  	[sflag:s0] =	ssyncadd.tile.s32 @!p0 $0x1;
	_ =	shalt  }
.Lfunc_end2:
_tile_overlayer_lowered:
.L_overlay_start_2:
0xa1: {  	(tag) =	ssettag $0x2  }
0xa2: {  	s0 =	rddreg [dreg:$0x0];
	s2 =	stileid.u32  }
0xa3: {  	s1 =	rddreg [dreg:$0x1];
	p0 =	sne.s32 s2, $0x0  }
0xa4: {  	s3 =	rddreg [dreg:$0x2];
	[bflag:$0x3] =	sbarrier.arrive $0xFFFF;
	s2 =	simm.s32 @!p0 $0x1C03  }
0xa5: {  	[timem:s3], [sflag:s2] =	dma.local @!p0 [hbm:s0], s1  }
0xa6: {  	s0 =	simm.s32 @!p0 $0x3  }
0xa7: {  	_ =	swait.ge @!p0 [sflag:s0], s1  }
0xa8: {  	s1 =	ssub.s32 @!p0 $0x0, s1;
	[sflag:s0] =	ssyncset.done @!p0 $0x0  }
0xa9: {  	[sflag:s0] =	ssyncadd.s32 @!p0 s1  }
0xaa: {  	[bflag:$0x3] =	sbarrier.arrive $0xFFFF  }
0xab: {  	_ =	shalt  }

// kernel: kernel.20.cloned.1.call-start
scs
__scs_entry_jumppad:
0x0: {  	(pc) =	sbr.rel $0x88, $3  }
0x1: {  	(tag) =	ssettag $0x0;
	lr =	simm.s32 $0x1  }
0x2: {  	[smem:$0x3F96] =	sst lr;
	_ =	strace $0xD0000000  }
0x3: {  	_ = 	snop  }
0x4: {  	_ = 	snop  }
0x5: {  	_ = 	snop  }
0x6: {  	_ = 	snop  }
0x7: {  	_ = 	snop  }
__scs_overlays_trampoline_lowered:
0x8: {  	[smem:$0x3FA5] =	sst s0  }
0x9: {  	[smem:$0x3FA6] =	sst s1  }
0xa: {  	[smem:$0x3FA7] =	sst s2  }
0xb: {  	[smem:$0x3FA8] =	sst s3  }
0xc: {  	[smem:$0x3FA9] =	sst s4  }
0xd: {  	[smem:$0x3FAA] =	sst s5  }
0xe: {  	[smem:$0x3FAB] =	sst s6  }
0xf: {  	[smem:$0x3FAC] =	sst s7  }
0x10: {  	[smem:$0x3FAD] =	sst s8  }
0x11: {  	[smem:$0x3FAE] =	sst s9;
	s0 =	simm.s32 @!p0 $0x0  }
0x12: {  	s1 =	sld [smem:$0x3F94];
	s0 =	simm.s32 @p0 $0x1  }
0x13: {  	[smem:$0x3FAF] =	sst s0;
	s0 =	simm.s32 @!p1 $0x0  }
0x14: {  	s2 =	sld [smem:$0x3F93];
	s0 =	simm.s32 @p1 $0x1  }
0x15: {  	[smem:$0x3FB0] =	sst s0;
	s0 =	simm.s32 @!p2 $0x0  }
0x16: {  	s3 =	sld [smem:$0x3FDB];
	s0 =	simm.s32 @p2 $0x1  }
0x17: {  	s4 =	simm.s32 $0x1BF5;
	[smem:$0x3FB2] =	sst s0  }
0x18: {  	s0 =	sld [smem:$0x3F95];
	_ =	swait.ge [sflag:s4], $0x0  }
0x19: {  	s7 =	sld [smem:$0x3F96]  }
0x1a: {  	s8 =	sadd.s32 $0xFFFFE003, lr  }
0x1b: {  	s9 =	sadd.s32 $0xFFFFFEF7, lr;
	s5 =	simm.s32 $0xFFFFFFFF;
	p2 =	slt.u32 s8, $0xFFFFF086  }
0x1c: {  	p1 =	slt.u32 s9, $0xF7A;
	s5 =	simm.s32 @!p2 $0x0  }
0x1d: {  	s5 =	simm.s32 @p1 $0x1;
	p0 =	seq.s32 s7, s2  }
0x1e: {  	s7 =	smul.u32 @!p0 $0xF7A, s2;
	p2 =	seq.s32 @!p0 s5, $0x0  }
0x1f: {  	s9 =	smul.u32 $0xF7A, s1;
	s8 =	simm.s32 @!p0 $0x1BF5;
	p2 =	por !p2, p0  }
0x20: {  	[sflag:s8] =	ssyncset.s32 @!p0 $0xFFFFF086;
	s6 =	sadd.s32 @!p0 s3, s7;
	s7 =	simm.s32 @!p0 $0x108  }
0x21: {  	s3 =	sadd.s32 s3, s9;
	s6 =	sadd.s32 @!p0 $0x88, s6;
	s7 =	simm.s32 @p2 $0x1082  }
0x22: {  	[simem:s7], [sflag:s8] =	dma.local @!p0 [hbm:s6], $0xF7A  }
0x23: {  	s9 =	sor.u32 $0xD0000000, s2;
	s6 =	simm.s32 $0x108;
	_ =	swait.ge @!p0 [sflag:s8], $0x0  }
0x24: {  	s3 =	sadd.s32 $0x88, s3;
	s6 =	simm.s32 @!p1 $0x1082;
	[sflag:s4] =	ssyncset.s32 $0xFFFFF086  }
0x25: {  	[simem:s6], [sflag:s4] =	dma.local [hbm:s3], $0xF7A  }
0x26: {  	[smem:$0x3F96] =	sst s1;
	(tag) =	ssettag s2;
	_ =	strace s9  }
0x27: {  	s1 =	sld [smem:$0x3FA6]  }
0x28: {  	s2 =	sld [smem:$0x3FA7]  }
0x29: {  	s4 =	sld [smem:$0x3FA9]  }
0x2a: {  	p0 =	seq.s32 s5, $0x0;
	s5 =	sld [smem:$0x3FAA]  }
0x2b: {  	s6 =	sld [smem:$0x3FAB]  }
0x2c: {  	s7 =	sld [smem:$0x3FAC]  }
0x2d: {  	s3 =	simm.s32 $0x108;
	s8 =	sld [smem:$0x3FAD]  }
0x2e: {  	s3 =	simm.s32 @!p0 $0x1082;
	s9 =	sld [smem:$0x3FAE]  }
0x2f: {  	lr =	sadd.s32 s0, s3;
	s0 =	sld [smem:$0x3FA5]  }
0x30: {  	s3 =	sld [smem:$0x3FA8]  }
0x31: {  	[smem:$0x3FB1] =	sst s10  }
0x32: {  	s10 =	sld [smem:$0x3FAF];
	_ =	sdelay $0x3  }
0x33: {  	p0 =	seq.s32 s10, $0x1;
	s10 =	sld [smem:$0x3FB1];
	_ =	sdelay $0x3  }
0x34: {  	[smem:$0x3FB1] =	sst s10  }
0x35: {  	s10 =	sld [smem:$0x3FB0];
	_ =	sdelay $0x3  }
0x36: {  	p1 =	seq.s32 s10, $0x1;
	s10 =	sld [smem:$0x3FB1];
	_ =	sdelay $0x3  }
0x37: {  	[smem:$0x3FB1] =	sst s10  }
0x38: {  	s10 =	sld [smem:$0x3FB2]  }
0x39: {  	_ = 	snop;
	(pc) =	sbr.ind lr, $3  }
0x3a: {  	_ = 	snop  }
0x3b: {  	_ = 	snop  }
0x3c: {  	p2 =	seq.s32 s10, $0x1;
	s10 =	sld [smem:$0x3FB1]  }
0x3d: {  	_ =	shalt  }
0x3e: {  	_ =	shalt  }
0x3f: {  	_ =	shalt  }
0x40: {  	_ =	shalt  }
0x41: {  	_ =	shalt  }
0x42: {  	_ =	shalt  }
0x43: {  	_ =	shalt  }
0x44: {  	_ =	shalt  }
0x45: {  	_ =	shalt  }
0x46: {  	_ =	shalt  }
0x47: {  	_ =	shalt  }
0x48: {  	_ =	shalt  }
0x49: {  	_ =	shalt  }
0x4a: {  	_ =	shalt  }
0x4b: {  	_ =	shalt  }
0x4c: {  	_ =	shalt  }
0x4d: {  	_ =	shalt  }
0x4e: {  	_ =	shalt  }
0x4f: {  	_ =	shalt  }
0x50: {  	_ =	shalt  }
0x51: {  	_ =	shalt  }
0x52: {  	_ =	shalt  }
0x53: {  	_ =	shalt  }
0x54: {  	_ =	shalt  }
0x55: {  	_ =	shalt  }
0x56: {  	_ =	shalt  }
0x57: {  	_ =	shalt  }
0x58: {  	_ =	shalt  }
0x59: {  	_ =	shalt  }
0x5a: {  	_ =	shalt  }
0x5b: {  	_ =	shalt  }
0x5c: {  	_ =	shalt  }
0x5d: {  	_ =	shalt  }
0x5e: {  	_ =	shalt  }
0x5f: {  	_ =	shalt  }
0x60: {  	_ =	shalt  }
0x61: {  	_ =	shalt  }
0x62: {  	_ =	shalt  }
0x63: {  	_ =	shalt  }
0x64: {  	_ =	shalt  }
0x65: {  	_ =	shalt  }
0x66: {  	_ =	shalt  }
0x67: {  	_ =	shalt  }
0x68: {  	_ =	shalt  }
0x69: {  	_ =	shalt  }
0x6a: {  	_ =	shalt  }
0x6b: {  	_ =	shalt  }
0x6c: {  	_ =	shalt  }
0x6d: {  	_ =	shalt  }
0x6e: {  	_ =	shalt  }
0x6f: {  	_ =	shalt  }
0x70: {  	_ =	shalt  }
0x71: {  	_ =	shalt  }
0x72: {  	_ =	shalt  }
0x73: {  	_ =	shalt  }
0x74: {  	_ =	shalt  }
0x75: {  	_ =	shalt  }
0x76: {  	_ =	shalt  }
0x77: {  	_ =	shalt  }
0x78: {  	_ =	shalt  }
0x79: {  	_ =	shalt  }
0x7a: {  	_ =	shalt  }
0x7b: {  	_ =	shalt  }
0x7c: {  	_ =	shalt  }
0x7d: {  	_ =	shalt  }
0x7e: {  	_ =	shalt  }
0x7f: {  	_ =	shalt  }
0x80: {  	_ =	shalt  }
0x81: {  	_ =	shalt  }
0x82: {  	_ =	shalt  }
0x83: {  	_ =	shalt  }
0x84: {  	_ =	shalt  }
0x85: {  	_ =	shalt  }
0x86: {  	_ =	shalt  }
0x87: {  	_ =	shalt  }
.Lfunc_end0:
.L_simem_size_0:
called_computation.3_lowered:
.L_overlay_start_0:
0x88: {  	s2 =	sld [smem:$0x3FD9]  }
0x89: {  	s3 =	sld [smem:$0x3FFE];
	_ =	sdelay $0x1  }
0x8a: {  	s1 =	srdreg.scid  }
0x8b: {  	s0 =	sand.u32 $0x1, s1  }
0x8c: {  	s16 =	sshll.u32 s0, $0xA;
	s2 =	sadd.s32 s3, s2  }
0x8d: {  	s2 =	sadd.s32 s2, s16  }
0x8e: {  	[smem:$0x3FBD] =	sst s2  }
0x8f: {  	_ = 	snop  }
0x90: {  	(tm) =	ssettm $0x1  }
0x91: {  	s17 =	sld [smem:$0x3FFB];
	_ =	sdelay $0x3  }
0x92: {  	_ =	strace s17  }
0x93: {  	s2 =	sld [smem:$0x3FFC];
	_ =	sdelay $0x3  }
0x94: {  	_ =	strace s2  }
0x95: {  	s2 =	sld [smem:$0x3FFD];
	_ =	sdelay $0x3  }
0x96: {  	_ =	strace s2  }
0x97: {  	_ =	strace $0x8FFFFFFF  }
0x98: {  	s18 =	sld [smem:$0x3FDB];
	_ =	sdelay $0x1  }
0x99: {  	s19 =	simm.s32 $_scs_section_size  }
0x9a: {  	s4 =	simm.s32 $_size__tile_overlayer_lowered;
	s5 =	simm.s32 $_tile_overlayer_lowered  }
0x9b: {  	s22 =	simm.s32 $0x1BFF;
	s21 =	sshll.u32 s5, $0x1;
	s2 =	sadd.s32 s19, s18  }
0x9c: {  	s6 =	simm.s32 $0x0;
	s20 =	sshll.u32 s4, $0x1;
	s4 =	sadd.s32 s21, s2  }
0x9d: {  	[timem:s6], [sflag:s22] =	dma.local [hbm:s4], s20  }
0x9e: {  	_ =	swait.ge [sflag:s22], s20  }
0x9f: {  	s3 =	ssub.s32 $0x0, s20;
	[sflag:s22] =	ssyncset.done $0x0  }
0xa0: {  	[sflag:s22] =	ssyncadd.s32 s3;
	_ =	sdelay $0x1  }
0xa1: {  	s23 =	simm.s32 $0x1B8B  }
0xa2: {  	_ =	swait.ge [sflag:s23], $0x1  }
0xa3: {  	[sflag:s23] =	ssyncset.done $0x0  }
0xa4: {  	s25 =	simm.s32 $0x1B8E;
	s24 =	sld [smem:$0x3FFE];
	[sflag:s23] =	ssyncadd.s32 $0xFFFFFFFF  }
0xa5: {  	s26 =	simm.s32 $execute0_lowered;
	[smem:$0x3FD2] =	sst s25  }
0xa6: {  	s4 =	sshll.u32 s26, $0x1;
	_ =	strace $0x8000004F;
	[dreg:$0x1] =	wrdreg $0xFFFFFFFF  }
0xa7: {  	s28 =	simm.s32 $_size_execute0_lowered;
	s2 =	sadd.s32 s2, s4;
	[dreg:$0x0] =	wrdreg $0x0  }
0xa8: {  	s4 =	sshll.u32 s28, $0x1;
	[dreg:$0x2] =	wrdreg s2  }
0xa9: {  	[dreg:$0x3] =	wrdreg s4  }
0xaa: {  	[dreg:$0x4] =	wrdreg $0xC0  }
0xab: {  	_ =	task [dreg:s6], $0x5FFFF  }
0xac: {  	[dreg:$0x1] =	wrdreg $0xFFFFFFFF  }
0xad: {  	[dreg:$0x0] =	wrdreg $0x60  }
0xae: {  	[dreg:$0x2] =	wrdreg s24  }
0xaf: {  	[dreg:$0x3] =	wrdreg $0x0  }
0xb0: {  	[dreg:$0x4] =	wrdreg $0x9  }
0xb1: {  	_ =	task.clear_ibuf [dreg:s6], $0x5FFFF;
	_ =	strace $0x9000004F  }
0xb2: {  	s29 =	simm.s32 $0x9;
	_ =	strace $0x80000051  }
0xb3: {  	_ =	swait.ge [sflag:s29], $0x1  }
0xb4: {  	[sflag:s29] =	ssyncadd.s32 $0xFFFFFFFF  }
0xb5: {  	_ =	strace $0x90000051  }
0xb6: {  	_ =	sfence  }
0xb7: {  	s30 =	sld [smem:$0x0];
	_ =	sdelay $0x2  }
0xb8: {  	s31 =	sshll.u32 s1, $0xD;
	s1 =	sshrl.u32 s1, $0x2  }
0xb9: {  	s3 =	sand.u32 $0x4000, s31;
	s1 =	sadd.s32 s1, s30  }
0xba: {  	s0 =	sor.u32 s3, s0;
	s1 =	sshll.u32 s1, $0x11  }
0xbb: {  	s0 =	sor.u32 s1, s0  }
0xbc: {  	s0 =	sadd.s32 $0x8F2B, s0  }
0xbd: {  	[sflag:s0] =	ssyncadd.remote.s32 $0x1  }
0xbe: {  	_ =	sfence.sel $0xFFFF  }
0xbf: {  	[dreg:$0x0] =	wrdreg $0xFFFFFFFF;
	(pc) =	sbr.abs _section_cstart, $3  }
0xc0: {  	[dreg:$0x1] =	wrdreg $0xFFFFFFFF  }
0xc1: {  	_ =	task.clear_ibuf [dreg:s6], $0x2FFFF;
	_ =	strace $0x9FFFFFFF  }
0xc2: {  	(tm) =	ssettm $0x7FFFFFFF  }
0xc3: {  	_ =	shalt  }
tec
execute0_lowered:
.L_overlay_start_1:
0x0: {  	(tag) =	ssettag $0x1  }
0x1: {  	s0 =	rddreg [dreg:$0x0]  }
0x2: {  	s2 =	rddreg [dreg:$0x1]  }
0x3: {  	s1 =	srdreg.scid;
	s11 =	stileid.u32  }
0x4: {  	s3 =	simm.s32 $0x0;
	s19 =	simm.s32 $0x17800;
	s20 =	simm.s32 $0x3  }
0x5: {  	s21 =	simm.s32 $0x14000;
	s22 =	simm.s32 $0x15C00;
	s28 =	simm.s32 $0x15880  }
0x6: {  	s29 =	simm.s32 $0x17400;
	s30 =	simm.s32 $0x17480;
	s7 =	smul.u32 $0x2800, s11  }
0x7: {  	s31 =	simm.s32 $0x0;
	s1 =	sand.u32 $0x1, s1;
	s9 =	smul.u32 $0x50000, s11  }
0x8: {  	[smem:$0x7FF] =	sst s3;
	s4 =	sadd.s32 $0x81800, s0;
	s11 =	smul.u32 $0x8C00, s11  }
0x9: {  	s5 =	sadd.s32 $0xCFA00, s0;
	s6 =	sadd.s32 $0x70000, s0;
	s8 =	smul.u32 $0x28000, s1  }
0xa: {  	_ =	strace $0x80000050;
	s23 =	ssub.s32 $0x2, s1;
	s1 =	smul.u32 $0x8C000, s1  }
0xb: {  	s9 =	sshrl.u32 s9, $0x2;
	s10 =	sshrl.u32 s23, $0x1;
	s7 =	sadd.s32 s7, s8  }
0xc: {  	s8 =	ssub.s32 s23, s10;
	s0 =	sadd.s32 s7, s0;
	s7 =	sadd.s32 s9, s2  }
0xd: {  	s16 =	sadd.s32 s1, s11;
	s23 =	simm.s32 $0x50;
	s9 =	sadd.s32 $0x2800, s7  }
0xe: {  	s18 =	smax.u32 s8, $0x1;
	s24 =	sadd.s32 $0x5000, s7;
	[dreg:$0x3] =	wrdreg s9  }
0xf: {  	s25 =	sadd.s32 $0x7800, s7;
	s26 =	sadd.s32 $0xA000, s7;
	[dreg:$0x4] =	wrdreg s24  }
0x10: {  	s13 =	sadd.s32 $0xC800, s7;
	s14 =	sadd.s32 $0xF000, s7;
	[dreg:$0x5] =	wrdreg s25  }
0x11: {  	s15 =	sadd.s32 $0x11800, s7;
	s17 =	sadd.s32 $0xF2A00, s0;
	[dreg:$0x6] =	wrdreg s26  }
0x12: {  	v0 =	vimm.f32 $0.0e+00;
	s24 =	simm.s32 $0x1A000;
	s25 =	simm.s32 $0x1;
	s26 =	simm.s32 $0x2  }
.LBB2_1:
0x13: {  	s0 =	simm.s32 $0x0;
	s1 =	simm.s32 $0x200  }
.LBB2_2:
0x14: {  	p0 =	sne.s32 s1, $0x9E00;
	[tilespmem:s0+$0x17870] =	vst v0  }
0x15: {  	[tilespmem:s0+$0x17800] =	vst v0  }
0x16: {  	[tilespmem:s0+$0x17810] =	vst v0  }
.Ltmp0:
0x17: {  	[tilespmem:s0+$0x17820] =	vst v0;
	(pc) =	sbr.rel @p0 .LBB2_2-.Ltmp0, $4  }
0x18: {  	[tilespmem:s0+$0x17830] =	vst v0  }
0x19: {  	[tilespmem:s0+$0x17840] =	vst v0  }
0x1a: {  	[tilespmem:s0+$0x17850] =	vst v0  }
0x1b: {  	[tilespmem:s0+$0x17860] =	vst v0;
	s0 =	sshra.s32 s1, $0x2;
	s1 =	sadd.s32 $0x200, s1  }
0x1c: {  	[tilespmem:s0+$0x17870] =	vst v0  }
0x1d: {  	[tilespmem:s0+$0x17800] =	vst v0  }
0x1e: {  	[tilespmem:s0+$0x17810] =	vst v0  }
0x1f: {  	[tilespmem:s0+$0x17820] =	vst v0  }
0x20: {  	[tilespmem:s0+$0x17830] =	vst v0  }
0x21: {  	[tilespmem:s0+$0x17840] =	vst v0  }
0x22: {  	[tilespmem:s0+$0x17850] =	vst v0  }
0x23: {  	[tilespmem:s0+$0x17860] =	vst v0  }
0x24: {  	[spmem:s7] =	stream.linear.scatter [tilespmem:s19], [sflag:$0x3], $0x2800, $0x38;
	[tilespmem:$0x1C800] =	vst v63  }
0x25: {  	_ =	swait.ge [sflag:s20], $0x2800  }
0x26: {  	[sflag:s20] =	ssyncset.done $0x0  }
0x27: {  	s8 =	rddreg [dreg:$0x3];
	[sflag:s20] =	ssyncadd.s32 $0xFFFFD800  }
0x28: {  	[spmem:s8] =	stream.linear.scatter [tilespmem:s19], [sflag:$0x3], $0x2800, $0x38;
	[tilespmem:$0x1C800] =	vst v63  }
0x29: {  	_ =	swait.ge [sflag:s20], $0x2800  }
0x2a: {  	[sflag:s20] =	ssyncset.done $0x0  }
0x2b: {  	s9 =	rddreg [dreg:$0x4];
	[sflag:s20] =	ssyncadd.s32 $0xFFFFD800  }
0x2c: {  	[spmem:s9] =	stream.linear.scatter [tilespmem:s19], [sflag:$0x3], $0x2800, $0x38;
	[tilespmem:$0x1C800] =	vst v63  }
0x2d: {  	_ =	swait.ge [sflag:s20], $0x2800  }
0x2e: {  	[sflag:s20] =	ssyncset.done $0x0  }
0x2f: {  	s10 =	rddreg [dreg:$0x5];
	[sflag:s20] =	ssyncadd.s32 $0xFFFFD800  }
0x30: {  	[spmem:s10] =	stream.linear.scatter [tilespmem:s19], [sflag:$0x3], $0x2800, $0x38;
	[tilespmem:$0x1C800] =	vst v63  }
0x31: {  	_ =	swait.ge [sflag:s20], $0x2800  }
0x32: {  	[sflag:s20] =	ssyncset.done $0x0  }
0x33: {  	s12 =	rddreg [dreg:$0x6];
	[sflag:s20] =	ssyncadd.s32 $0xFFFFD800  }
0x34: {  	[spmem:s12] =	stream.linear.scatter [tilespmem:s19], [sflag:$0x3], $0x2800, $0x38;
	[tilespmem:$0x1C800] =	vst v63  }
0x35: {  	_ =	swait.ge [sflag:s20], $0x2800  }
0x36: {  	[sflag:s20] =	ssyncset.done $0x0  }
0x37: {  	[sflag:s20] =	ssyncadd.s32 $0xFFFFD800  }
0x38: {  	[spmem:s13] =	stream.linear.scatter [tilespmem:s19], [sflag:$0x3], $0x2800, $0x38;
	[tilespmem:$0x1C800] =	vst v63  }
0x39: {  	_ =	swait.ge [sflag:s20], $0x2800  }
0x3a: {  	[sflag:s20] =	ssyncset.done $0x0  }
0x3b: {  	[sflag:s20] =	ssyncadd.s32 $0xFFFFD800  }
0x3c: {  	[spmem:s14] =	stream.linear.scatter [tilespmem:s19], [sflag:$0x3], $0x2800, $0x38;
	[tilespmem:$0x1C800] =	vst v63  }
0x3d: {  	_ =	swait.ge [sflag:s20], $0x2800  }
0x3e: {  	[sflag:s20] =	ssyncset.done $0x0  }
0x3f: {  	[sflag:s20] =	ssyncadd.s32 $0xFFFFD800  }
0x40: {  	[spmem:s15] =	stream.linear.scatter [tilespmem:s19], [sflag:$0x3], $0x2800, $0x38;
	[tilespmem:$0x1C800] =	vst v63  }
0x41: {  	_ =	swait.ge [sflag:s20], $0x2800  }
0x42: {  	[sflag:s20] =	ssyncset.done $0x0  }
0x43: {  	[sflag:s20] =	ssyncadd.s32 $0xFFFFD800  }
0x44: {  	s0 =	simm.s32 $0x0;
	[bflag:$0x0] =	sbarrier.arrive $0xFFFF  }
.LBB2_4:
0x45: {  	s1 =	smul.u32 $0x1C00, s0;
	_ =	sdelay $0x1  }
0x46: {  	s8 =	sadd.s32 s16, s1  }
0x47: {  	s8 =	sshrl.u32 s8, $0x3  }
0x48: {  	s8 =	sadd.s32 s5, s8  }
0x49: {  	[tilespmem:s21], [sflag:$0x3] =	stream.linear.gather [hbm4b:s8+s31], $0x1900, $0x38;
	[tilespmem:$0x1C800] =	vst v63  }
0x4a: {  	s1 =	sadd.s32 s11, s1;
	_ =	swait.ge [sflag:s20], $0x1900  }
0x4b: {  	s1 =	sshrl.u32 s1, $0x3;
	[sflag:s20] =	ssyncset.done $0x0  }
0x4c: {  	s1 =	sadd.s32 s6, s1;
	[sflag:s20] =	ssyncadd.s32 $0xFFFFE700  }
0x4d: {  	[tilespmem:s22], [sflag:$0x3] =	stream.linear.gather [hbm4b:s1+s31], $0x1900, $0x38;
	[tilespmem:$0x1C800] =	vst v63  }
0x4e: {  	_ =	swait.ge [sflag:s20], $0x1900  }
0x4f: {  	[sflag:s20] =	ssyncset.done $0x0  }
0x50: {  	[sflag:s20] =	ssyncadd.s32 $0xFFFFE700  }
0x51: {  	[tilespmem:s19], [sflag:$0x1] =	stream.indirect.gather [hbm4b:s4+s23], $0x80, s21, s23, $0xb8;
	[tilespmem:$0x1C800] =	vst v63  }
0x52: {  	s8 =	simm.s32 $0x14080  }
0x53: {  	[tilespmem:s24], [sflag:$0x2] =	stream.indirect.gather [hbm4b:s4+s23], $0x80, s8, s23, $0xb8;
	[tilespmem:$0x1C800] =	vst v63  }
0x54: {  	_ =	swait.ge [sflag:s25], $0x2800  }
0x55: {  	[sflag:s25] =	ssyncset.done $0x0  }
0x56: {  	s9 =	simm.s32 $0x15C00;
	[sflag:s25] =	ssyncadd.s32 $0xFFFFD800  }
0x57: {  	[spmem:s2] =	stream.indirect.scatter.add.f32 [tilespmem:s19], [sflag:$0x3], $0x80, s9, s23, $0xb8;
	[tilespmem:$0x1C800] =	vst v63  }
0x58: {  	_ =	swait.ge [sflag:s20], $0x2800  }
0x59: {  	[sflag:s20] =	ssyncset.done $0x0  }
0x5a: {  	s10 =	simm.s32 $0x14100;
	[sflag:s20] =	ssyncadd.s32 $0xFFFFD800  }
0x5b: {  	[tilespmem:s19], [sflag:$0x1] =	stream.indirect.gather [hbm4b:s4+s23], $0x80, s10, s23, $0xb8;
	[tilespmem:$0x1C800] =	vst v63  }
0x5c: {  	_ =	swait.ge [sflag:s26], $0x2800  }
0x5d: {  	[sflag:s26] =	ssyncset.done $0x0  }
0x5e: {  	s12 =	simm.s32 $0x15C80;
	[sflag:s26] =	ssyncadd.s32 $0xFFFFD800  }
0x5f: {  	[spmem:s2] =	stream.indirect.scatter.add.f32 [tilespmem:s24], [sflag:$0x3], $0x80, s12, s23, $0xb8;
	[tilespmem:$0x1C800] =	vst v63  }
0x60: {  	_ =	swait.ge [sflag:s20], $0x2800  }
0x61: {  	s1 =	simm.s32 $0x100;
	s8 =	simm.s32 $0x800;
	[sflag:s20] =	ssyncset.done $0x0  }
.LBB2_5:
0x62: {  	s9 =	sadd.s32 $0x14080, s1  }
0x63: {  	[sflag:s20] =	ssyncadd.s32 $0xFFFFD800;
	s10 =	smov.u32 s8;
	s12 =	sadd.s32 $0x400, s8  }
0x64: {  	[tilespmem:s24], [sflag:$0x2] =	stream.indirect.gather [hbm4b:s4+s23], $0x80, s9, s23, $0xb8;
	[tilespmem:$0x1C800] =	vst v63  }
0x65: {  	p0 =	sne.s32 s8, $0x5C00;
	_ =	swait.ge [sflag:s25], $0x2800  }
0x66: {  	[sflag:s25] =	ssyncset.done $0x0  }
0x67: {  	s8 =	sadd.s32 $0x15C00, s1;
	[sflag:s25] =	ssyncadd.s32 $0xFFFFD800  }
0x68: {  	[spmem:s2] =	stream.indirect.scatter.add.f32 [tilespmem:s19], [sflag:$0x3], $0x80, s8, s23, $0xb8;
	[tilespmem:$0x1C800] =	vst v63  }
0x69: {  	_ =	swait.ge [sflag:s20], $0x2800  }
0x6a: {  	[sflag:s20] =	ssyncset.done $0x0  }
0x6b: {  	s8 =	sadd.s32 $0x14100, s1;
	[sflag:s20] =	ssyncadd.s32 $0xFFFFD800  }
0x6c: {  	[tilespmem:s19], [sflag:$0x1] =	stream.indirect.gather [hbm4b:s4+s23], $0x80, s8, s23, $0xb8;
	[tilespmem:$0x1C800] =	vst v63  }
0x6d: {  	_ =	swait.ge [sflag:s26], $0x2800  }
.Ltmp1:
0x6e: {  	[sflag:s26] =	ssyncset.done $0x0;
	(pc) =	sbr.rel @p0 .LBB2_5-.Ltmp1, $4  }
0x6f: {  	s1 =	sadd.s32 $0x15C80, s1;
	[sflag:s26] =	ssyncadd.s32 $0xFFFFD800  }
0x70: {  	[spmem:s2] =	stream.indirect.scatter.add.f32 [tilespmem:s24], [sflag:$0x3], $0x80, s1, s23, $0xb8;
	[tilespmem:$0x1C800] =	vst v63  }
0x71: {  	_ =	swait.ge [sflag:s20], $0x2800  }
0x72: {  	s8 =	smov.u32 s12;
	s1 =	sshra.s32 s10, $0x2;
	[sflag:s20] =	ssyncset.done $0x0  }
0x73: {  	s8 =	sadd.s32 $0x14080, s1;
	[sflag:s20] =	ssyncadd.s32 $0xFFFFD800  }
0x74: {  	[tilespmem:s24], [sflag:$0x2] =	stream.indirect.gather [hbm4b:s4+s23], $0x80, s8, s23, $0xb8;
	[tilespmem:$0x1C800] =	vst v63  }
0x75: {  	_ =	swait.ge [sflag:s25], $0x2800  }
0x76: {  	[sflag:s25] =	ssyncset.done $0x0  }
0x77: {  	s9 =	sadd.s32 $0x15C00, s1;
	[sflag:s25] =	ssyncadd.s32 $0xFFFFD800  }
0x78: {  	[spmem:s2] =	stream.indirect.scatter.add.f32 [tilespmem:s19], [sflag:$0x3], $0x80, s9, s23, $0xb8;
	[tilespmem:$0x1C800] =	vst v63  }
0x79: {  	_ =	swait.ge [sflag:s20], $0x2800  }
0x7a: {  	[sflag:s20] =	ssyncset.done $0x0  }
0x7b: {  	s10 =	sadd.s32 $0x14100, s1;
	[sflag:s20] =	ssyncadd.s32 $0xFFFFD800  }
0x7c: {  	[tilespmem:s19], [sflag:$0x1] =	stream.indirect.gather [hbm4b:s4+s23], $0x80, s10, s23, $0xb8;
	[tilespmem:$0x1C800] =	vst v63  }
0x7d: {  	_ =	swait.ge [sflag:s26], $0x2800  }
0x7e: {  	[sflag:s26] =	ssyncset.done $0x0  }
0x7f: {  	s12 =	sadd.s32 $0x15C80, s1;
	[sflag:s26] =	ssyncadd.s32 $0xFFFFD800  }
0x80: {  	[spmem:s2] =	stream.indirect.scatter.add.f32 [tilespmem:s24], [sflag:$0x3], $0x80, s12, s23, $0xb8;
	[tilespmem:$0x1C800] =	vst v63  }
0x81: {  	_ =	swait.ge [sflag:s20], $0x2800  }
0x82: {  	[sflag:s20] =	ssyncset.done $0x0  }
0x83: {  	[sflag:s20] =	ssyncadd.s32 $0xFFFFD800  }
0x84: {  	[tilespmem:s24], [sflag:$0x2] =	stream.indirect.gather [hbm4b:s4+s23], $0x80, s28, s23, $0xb8;
	[tilespmem:$0x1C800] =	vst v63  }
0x85: {  	_ =	swait.ge [sflag:s25], $0x2800  }
0x86: {  	[sflag:s25] =	ssyncset.done $0x0  }
0x87: {  	[sflag:s25] =	ssyncadd.s32 $0xFFFFD800  }
0x88: {  	[spmem:s2] =	stream.indirect.scatter.add.f32 [tilespmem:s19], [sflag:$0x3], $0x80, s29, s23, $0xb8;
	[tilespmem:$0x1C800] =	vst v63  }
0x89: {  	_ =	swait.ge [sflag:s20], $0x2800  }
0x8a: {  	[sflag:s20] =	ssyncset.done $0x0  }
0x8b: {  	[sflag:s20] =	ssyncadd.s32 $0xFFFFD800  }
0x8c: {  	s0 =	sadd.s32 $0x1, s0;
	_ =	swait.ge [sflag:s26], $0x2800  }
0x8d: {  	p0 =	sne.s32 s0, $0x5;
	[sflag:s26] =	ssyncset.done $0x0  }
.Ltmp2:
0x8e: {  	[sflag:s26] =	ssyncadd.s32 $0xFFFFD800;
	(pc) =	sbr.rel @p0 .LBB2_4-.Ltmp2, $4  }
0x8f: {  	[spmem:s2] =	stream.indirect.scatter.add.f32 [tilespmem:s24], [sflag:$0x3], $0x80, s30, s23, $0xb8;
	[tilespmem:$0x1C800] =	vst v63  }
0x90: {  	_ =	swait.ge [sflag:s20], $0x2800  }
0x91: {  	[sflag:s20] =	ssyncset.done $0x0  }
0x92: {  	[sflag:s20] =	ssyncadd.s32 $0xFFFFD800  }
0x93: {  	s0 =	stileid.u32;
	s3 =	sadd.s32 $0x1, s3  }
0x94: {  	[bflag:$0x0] =	sbarrier.arrive $0xFFFF;
	s0 =	sshll.u32 s0, $0x6;
	p0 =	sne.s32 s3, s18  }
.Ltmp3:
0x95: {  	s1 =	sshrl.u32 s7, $0x3;
	s0 =	sor.u32 $0x1C03, s0;
	(pc) =	sbr.rel @p0 .LBB2_1-.Ltmp3, $4  }
0x96: {  	[hbm:s17], [sflag:s0] =	dma.local [spmem:s1], $0x2800  }
0x97: {  	_ =	swait.ge [sflag:s20], $0x2800  }
0x98: {  	[sflag:s20] =	ssyncset.done $0x0  }
0x99: {  	[sflag:s20] =	ssyncadd.s32 $0xFFFFD800  }
0x9a: {  	_ =	sfence.sel $0x180000  }
0x9b: {  	[bflag:$0x0] =	sbarrier.arrive $0xFFFF  }
0x9c: {  	_ =	strace $0x90000050  }
0x9d: {  	s0 =	stileid.u32;
	[bflag:$0x2] =	sbarrier.arrive $0xFFFF  }
0x9e: {  	p0 =	sne.s32 s0, $0x0;
	s0 =	rddreg [dreg:$0x2]  }
0x9f: {  	s0 =	sadd.s32 @!p0 $0x100000, s0  }
0xa0: {  	[sflag:s0] =	ssyncadd.tile.s32 @!p0 $0x1;
	_ =	shalt  }
.Lfunc_end2:
_tile_overlayer_lowered:
.L_overlay_start_2:
0xa1: {  	(tag) =	ssettag $0x2  }
0xa2: {  	s0 =	rddreg [dreg:$0x0];
	s2 =	stileid.u32  }
0xa3: {  	s1 =	rddreg [dreg:$0x1];
	p0 =	sne.s32 s2, $0x0  }
0xa4: {  	s3 =	rddreg [dreg:$0x2];
	[bflag:$0x3] =	sbarrier.arrive $0xFFFF;
	s2 =	simm.s32 @!p0 $0x1C03  }
0xa5: {  	[timem:s3], [sflag:s2] =	dma.local @!p0 [hbm:s0], s1  }
0xa6: {  	s0 =	simm.s32 @!p0 $0x3  }
0xa7: {  	_ =	swait.ge @!p0 [sflag:s0], s1  }
0xa8: {  	s1 =	ssub.s32 @!p0 $0x0, s1;
	[sflag:s0] =	ssyncset.done @!p0 $0x0  }
0xa9: {  	[sflag:s0] =	ssyncadd.s32 @!p0 s1  }
0xaa: {  	[bflag:$0x3] =	sbarrier.arrive $0xFFFF  }
0xab: {  	_ =	shalt  }

</sc_bundles>
